<compile_context>
chip_gen: v7x
topology: tpu7x:2x2x1
jax: 0.10.2.dev20260603
libtpu: 0.0.44.dev20260713+nightly
codegen_flags: <defaults>
</compile_context>

<pallas_src>
import functools

import jax
import jax.numpy as jnp
from jax import lax
from jax.experimental import pallas as pl
from jax.experimental.pallas import tpu as pltpu
from jax.experimental.pallas import tpu_sc as plsc

PAST = 24
FUTURE = 12
HEADS = 4
D1 = 26


def _make_gat_edge_sc(N, E, W, CH, OUTC):
    NT = 16
    CHUNK = 64
    N2 = N // 2
    rpt = N2 // NT
    ept = E // NT
    nchunks = ept // CHUNK
    assert rpt * NT == N2 and nchunks * CHUNK == ept and nchunks % 2 == 0
    mesh = plsc.VectorSubcoreMesh(core_axis_name="c", subcore_axis_name="s")

    @functools.partial(
        pl.kernel,
        mesh=mesh,
        out_type=jax.ShapeDtypeStruct((N, W), jnp.float32),
        compiler_params=pltpu.CompilerParams(
            needs_layout_passes=False, use_tc_tiling_on_sc=False),
        scratch_types=[
            pltpu.VMEM_SHARED((N2, W), jnp.float32),
            pltpu.VMEM((2 * CHUNK,), jnp.int32),
            pltpu.VMEM((2 * CHUNK,), jnp.int32),
            pltpu.VMEM((CHUNK,), jnp.int32),
            pltpu.VMEM((CHUNK,), jnp.int32),
            pltpu.VMEM((CHUNK,), jnp.int32),
            pltpu.VMEM((CHUNK,), jnp.int32),
            pltpu.VMEM((CHUNK,), jnp.int32),
            pltpu.VMEM((CHUNK,), jnp.int32),
            pltpu.VMEM((CHUNK,), jnp.float32),
            pltpu.VMEM((CHUNK,), jnp.float32),
            pltpu.VMEM((CHUNK, W), jnp.float32),
            pltpu.VMEM((CHUNK, W), jnp.float32),
            pltpu.VMEM((CHUNK, 16), jnp.float32),
            pltpu.VMEM((CHUNK, 16), jnp.float32),
            pltpu.VMEM((CHUNK, W), jnp.float32),
            pltpu.VMEM((CHUNK, W), jnp.float32),
            pltpu.SemaphoreType.DMA, pltpu.SemaphoreType.DMA,
            pltpu.SemaphoreType.DMA, pltpu.SemaphoreType.DMA,
            pltpu.SemaphoreType.DMA, pltpu.SemaphoreType.DMA,
        ],
    )
    def gat_edge(ht, at, si, epk, acc,
                 slab, idxb0, idxb1, sidx0, sidx1, didx0, didx1, gdix0, gdix1,
                 ownb0, ownb1, srows0, srows1, drows0, drows1, obuf0, obuf1,
                 semi0, semi1, semg0, semg1, semsc0, semsc1):
        gdix = (gdix0, gdix1)
        idxb = (idxb0, idxb1)
        sidx = (sidx0, sidx1)
        didx = (didx0, didx1)
        ownb = (ownb0, ownb1)
        srows = (srows0, srows1)
        drows = (drows0, drows1)
        obuf = (obuf0, obuf1)
        semi = (semi0, semi1)
        semg = (semg0, semg1)
        semsc = (semsc0, semsc1)
        c = lax.axis_index("c")
        s = lax.axis_index("s")
        r0 = s * rpt
        cN2 = c * N2
        pltpu.sync_copy(si.at[pl.ds(cN2 + r0, rpt)], slab.at[pl.ds(r0, rpt)])

        for b in range(2):
            def zrow(r, carry, _ob=obuf[b]):
                for vb in range(W // 16):
                    _ob[r, pl.ds(vb * 16, 16)] = jnp.zeros((16,), jnp.float32)
                return carry
            lax.fori_loop(0, CHUNK, zrow, 0)
        plsc.subcore_barrier()

        g0 = s * nchunks

        def start_idx(i, b):
            pltpu.async_copy(
                epk.at[pl.ds((g0 + i) * (2 * CHUNK), 2 * CHUNK)], idxb[b], semi[b])

        def wait_idx(b):
            pltpu.make_async_copy(
                epk.at[pl.ds(0, 2 * CHUNK)], idxb[b], semi[b]).wait()

        def extract(b):
            for g in range(CHUNK // 16):
                sidx[b][pl.ds(g * 16, 16)] = idxb[b][pl.ds(g * 16, 16)]
            for g in range(CHUNK // 16):
                dg = idxb[b][pl.ds(CHUNK + g * 16, 16)]
                gdix[b][pl.ds(g * 16, 16)] = dg
                dv = dg - cN2
                own = (dv >= 0) & (dv < N2)
                ownb[b][pl.ds(g * 16, 16)] = jnp.where(own, 1.0, 0.0)
                didx[b][pl.ds(g * 16, 16)] = jnp.clip(dv, 0, N2 - 1)

        def start_gather(b):
            pltpu.async_copy(ht.at[sidx[b]], srows[b], semg[b])
            pltpu.async_copy(at.at[gdix[b]], drows[b], semg[b])

        def wait_gather(b):
            pltpu.make_async_copy(ht.at[sidx[b]], srows[b], semg[b]).wait()
            pltpu.make_async_copy(at.at[gdix[b]], drows[b], semg[b]).wait()

        def wait_scat(b):
            pltpu.make_async_copy(obuf[b], slab.at[didx[b]], semsc[b]).wait()

        def compute(b):
            def group(g, cc):
                ids = lax.iota(jnp.int32, 16) + g * 16
                ownv = ownb[b][pl.ds(g * 16, 16)]
                ps = []
                for h in range(HEADS):
                    colh = jnp.zeros((16,), jnp.int32) + (CH + h)
                    asrc = plsc.load_gather(srows[b], [ids, colh])
                    cold = jnp.zeros((16,), jnp.int32) + h
                    adst = plsc.load_gather(drows[b], [ids, cold])
                    e = asrc + adst
                    e = jnp.where(e >= 0.0, e, 0.2 * e)
                    p = jnp.exp(e) * ownv
                    ps.append(p)
                    plsc.store_scatter(obuf[b], [ids, colh], p)
                for j in range(CH):
                    colj = jnp.zeros((16,), jnp.int32) + j
                    v = plsc.load_gather(srows[b], [ids, colj])
                    plsc.store_scatter(obuf[b], [ids, colj], v * ps[j // OUTC])
                return cc
            lax.fori_loop(0, CHUNK // 16, group, 0)

        start_idx(0, 0)
        wait_idx(0)
        extract(0)
        start_gather(0)
        start_idx(1, 1)
        start_idx(2, 0)

        def body(i2, carry):
            for b in range(2):
                i = i2 * 2 + b
                nb = 1 - b

                @pl.when(i + 1 < nchunks)
                def _prep():
                    wait_idx(nb)

                    @pl.when(i >= 1)
                    def _():
                        wait_scat(nb)
                    extract(nb)
                    start_gather(nb)

                    @pl.when(i + 3 < nchunks)
                    def _():
                        start_idx(i + 3, nb)

                wait_gather(b)
                compute(b)
                pltpu.async_copy(obuf[b], slab.at[didx[b]], semsc[b], add=True)
            return carry
        lax.fori_loop(0, nchunks // 2, body, 0)
        wait_scat(0)
        wait_scat(1)

        plsc.subcore_barrier()
        pltpu.sync_copy(slab.at[pl.ds(r0, rpt)], acc.at[pl.ds(cN2 + r0, rpt)])

    return gat_edge


def _mm_kernel(a_ref, b_ref, o_ref):
    o_ref[...] = jnp.dot(a_ref[...], b_ref[...], preferred_element_type=jnp.float32)


def _pallas_matmul(a, b, bm=512):
    M, K = a.shape
    _, N = b.shape
    assert M % bm == 0
    return pl.pallas_call(
        _mm_kernel,
        grid=(M // bm,),
        in_specs=[
            pl.BlockSpec((bm, K), lambda i: (i, 0)),
            pl.BlockSpec((K, N), lambda i: (0, 0)),
        ],
        out_specs=pl.BlockSpec((bm, N), lambda i: (i, 0)),
        out_shape=jax.ShapeDtypeStruct((M, N), jnp.float32),
    )(a, b)


def _leaky(x):
    return jnp.where(x >= 0, x, 0.2 * x)


def _gat_sc(x, edge_index, W, a_s, a_d, b, outc):
    N = x.shape[0]
    E = edge_index.shape[1]
    ch = HEADS * outc
    chh = ch // 2
    Wt = W.reshape(W.shape[0], HEADS, outc)
    As = jnp.einsum('khc,hc->kh', Wt, a_s)
    Ad = jnp.einsum('khc,hc->kh', Wt, a_d)
    hh = _pallas_matmul(x, jnp.concatenate([W, As, Ad], axis=1))
    h = hh[:, :ch]
    als = hh[:, ch:ch + HEADS]
    ald = hh[:, ch + HEADS:ch + 2 * HEADS]
    self_ex = jnp.exp(_leaky(als + ald))

    Wrow = -(-(ch + 2 * HEADS) // 16) * 16
    hpad = jnp.zeros((N, Wrow - ch - 2 * HEADS), jnp.float32)
    ht = jnp.concatenate([hh, hpad], axis=1) if Wrow > hh.shape[1] else hh
    at = jnp.concatenate([ald, jnp.zeros((N, 12), jnp.float32)], axis=1)
    se_rep = jnp.repeat(self_ex, outc, axis=1)
    si = jnp.concatenate([h * se_rep, self_ex, self_ex, hpad], axis=1)

    epk = jnp.concatenate([
        edge_index[0].astype(jnp.int32).reshape(-1, 64),
        edge_index[1].astype(jnp.int32).reshape(-1, 64),
    ], axis=1).reshape(-1)
    acc = _make_gat_edge_sc(N, E, Wrow, ch, outc)(ht, at, si, epk)

    num = acc[:, :ch]
    den_rep = jnp.repeat(acc[:, ch:ch + HEADS], outc, axis=1) + 1e-16
    out = (num / den_rep).reshape(N, HEADS, outc).mean(axis=1) + b
    return out


def kernel(x_sg1, x_sg2, edge_index_sg1, edge_index_sg2, emb0, emb1,
           W1, a1_src, a1_dst, b1, W2, a2_src, a2_dst, b2, Wq, A):
    B = x_sg1.shape[0] // PAST
    i0a = x_sg1[:, 0].astype(jnp.int32)
    i1a = x_sg1[:, 1].astype(jnp.int32)
    x = jnp.concatenate([emb0[i0a], emb1[i1a], x_sg1[:, -3:]], axis=-1)

    x1 = _gat_sc(x, edge_index_sg1, W1, a1_src, a1_dst, b1, D1)

    i0b = x_sg2[:, 0].astype(jnp.int32)
    i1b = x_sg2[:, 1].astype(jnp.int32)
    x2_26 = jnp.concatenate([emb0[i0b], emb1[i1b], x_sg2[:, 2:4]], axis=-1)

    g1 = _pallas_matmul(x1, Wq).reshape(B, PAST, -1)
    g2 = _pallas_matmul(x2_26, Wq).reshape(B, FUTURE, -1)
    n1 = (g1 * g1).sum(-1)
    n2 = (g2 * g2).sum(-1)
    cr = jnp.einsum('bfk,bpk->bfp', g2, g1)
    logits = -(n2[:, :, None] + n1[:, None, :] - 2.0 * cr)
    A_tmp = A[:PAST, PAST:].T
    logits = jnp.where(A_tmp[None] == 0, -jnp.inf, logits)
    m = logits.max(axis=-1, keepdims=True)
    ea = jnp.exp(logits - m)
    alpha = ea / ea.sum(axis=-1, keepdims=True)
    y_past = x_sg1[:, 4].reshape(B, PAST)
    tmp = jnp.einsum('bfp,bp->bf', alpha, y_past)

    x2b = jnp.concatenate([x2_26, tmp.reshape(-1, 1)], axis=-1)
    out = _gat_sc(x2b, edge_index_sg2, W2, a2_src, a2_dst, b2, 1)
    return out.reshape(-1, FUTURE)

# --- scband reference (transcript-rebuilt; emitter-appended) ---
"""Pipeline reference for scband-gat-44487271252524 (READ-ONLY COPY).

The authoritative reference and input builder live on the scoring server;
editing this copy changes nothing except your own understanding.
"""

import jax, jax.numpy as jnp
import numpy as np

PAST = 24
FUTURE = 12
B = 1024
HEADS = 4
D_IN = 27
D1 = 26
HID = 32

def setup_inputs(seed: int = 0):
    key = jax.random.key(seed)
    ks = jax.random.split(key, 20)
    n1 = B * PAST
    n2 = B * FUTURE
    c0a = jax.random.randint(ks[0], (n1, 1), 0, 100).astype(jnp.float32)
    c1a = jax.random.randint(ks[1], (n1, 1), 0, 50).astype(jnp.float32)
    fa = jax.random.normal(ks[2], (n1, 3), dtype=jnp.float32)
    x_sg1 = jnp.concatenate([c0a, c1a, fa], axis=1)
    c0b = jax.random.randint(ks[3], (n2, 1), 0, 100).astype(jnp.float32)
    c1b = jax.random.randint(ks[4], (n2, 1), 0, 50).astype(jnp.float32)
    fb = jax.random.normal(ks[5], (n2, 3), dtype=jnp.float32)
    x_sg2 = jnp.concatenate([c0b, c1b, fb], axis=1)
    edge_index_sg1 = jax.random.randint(ks[6], (2, n1 * 16), 0, n1)
    edge_index_sg2 = jax.random.randint(ks[7], (2, n2 * 16), 0, n2)
    emb0 = jax.random.normal(ks[8], (100, 16), dtype=jnp.float32)
    emb1 = jax.random.normal(ks[9], (50, 8), dtype=jnp.float32)
    W1 = jax.random.normal(ks[10], (D_IN, HEADS * D1), dtype=jnp.float32) / np.sqrt(D_IN)
    a1_src = jax.random.normal(ks[11], (HEADS, D1), dtype=jnp.float32) * 0.1
    a1_dst = jax.random.normal(ks[12], (HEADS, D1), dtype=jnp.float32) * 0.1
    b1 = jnp.zeros((D1,), dtype=jnp.float32)
    W2 = jax.random.normal(ks[13], (D_IN, HEADS), dtype=jnp.float32) / np.sqrt(D_IN)
    a2_src = jax.random.normal(ks[14], (HEADS, 1), dtype=jnp.float32) * 0.1
    a2_dst = jax.random.normal(ks[15], (HEADS, 1), dtype=jnp.float32) * 0.1
    b2 = jnp.zeros((1,), dtype=jnp.float32)
    Wq = jax.random.normal(ks[16], (D1, HID), dtype=jnp.float32) * 0.1
    A = jnp.ones((PAST + FUTURE, PAST + FUTURE), dtype=jnp.float32)
    return {'x_sg1': x_sg1, 'x_sg2': x_sg2, 'edge_index_sg1': edge_index_sg1, 'edge_index_sg2': edge_index_sg2, 'emb0': emb0, 'emb1': emb1, 'W1': W1, 'a1_src': a1_src, 'a1_dst': a1_dst, 'b1': b1, 'W2': W2, 'a2_src': a2_src, 'a2_dst': a2_dst, 'b2': b2, 'Wq': Wq, 'A': A}

def _gat_conv(x, edge_index, W, a_s, a_d, b, heads, out_ch):
    # PyG GATConv with concat=False (head-mean), add_self_loops=True, eval mode (no dropout)
    N = x.shape[0]
    loops = jnp.arange(N)
    src = jnp.concatenate([edge_index[0], loops])
    dst = jnp.concatenate([edge_index[1], loops])
    h = (x @ W).reshape(N, heads, out_ch)
    alpha_s = (h * a_s[None, :, :]).sum(-1)
    alpha_d = (h * a_d[None, :, :]).sum(-1)
    e = jax.nn.leaky_relu(alpha_s[src] + alpha_d[dst], negative_slope=0.2)
    m = jax.ops.segment_max(e, dst, num_segments=N)
    ex = jnp.exp(e - m[dst])
    s = jax.ops.segment_sum(ex, dst, num_segments=N)
    attn = ex / (s[dst] + 1e-16)
    out = jax.ops.segment_sum(h[src] * attn[:, :, None], dst, num_segments=N)
    return out.mean(axis=1) + b

def _pre(x, emb0, emb1):
    # pre_processing: embed first len(emb) integer-coded columns, concat last 3 float columns
    i0 = jax.lax.stop_gradient(x[:, 0]).astype(jnp.int32)
    i1 = jax.lax.stop_gradient(x[:, 1]).astype(jnp.int32)
    return jnp.concatenate([emb0[i0], emb1[i1], x[:, -3:]], axis=-1)

def reference(x_sg1, x_sg2, edge_index_sg1, edge_index_sg2, emb0, emb1, W1, a1_src, a1_dst, b1, W2, a2_src, a2_dst, b2, Wq, A):
    x = _pre(x_sg1, emb0, emb1)
    x2 = _pre(x_sg2, emb0, emb1).reshape(-1, FUTURE, D_IN)
    x1 = _gat_conv(x, edge_index_sg1, W1, a1_src, a1_dst, b1, HEADS, D1).reshape(-1, PAST, D1)
    diff = x1[:, None, :, :] - x2[:, :, :-1][:, :, None, :]
    M = Wq @ Wq.T
    M = M + M.T
    w = -0.5 * (diff @ M) @ jnp.swapaxes(diff, -2, -1)
    alpha = jnp.diagonal(w, axis1=-2, axis2=-1)
    A_tmp = A[:PAST, PAST:].T
    alpha = jnp.where(A_tmp[None, :, :] == 0, -jnp.inf, alpha)
    alpha = jax.nn.softmax(alpha, axis=-1)
    y_past = x.reshape(-1, PAST, D_IN)[:, :, -1][:, :, None]
    tmp = alpha @ y_past
    x2b = jnp.concatenate([x2[:, :, :-1], tmp], axis=-1)
    out = _gat_conv(x2b.reshape(-1, D_IN), edge_index_sg2, W2, a2_src, a2_dst, b2, HEADS, 1).reshape(-1, FUTURE)
    return out

if __name__ == "__main__":
    import jax
    _d = setup_inputs()
    print(jax.jit(kernel)(*tuple(_d.values())))

</pallas_src>

<mosaic_0001>
#map = affine_map<(d0, d1) -> (0, 0)>
#map1 = affine_map<(d0, d1) -> (0)>
module attributes {stable_mosaic.version = 14 : i64} {
  func.func @gat_edge(%arg0: i32, %arg1: i32, %arg2: memref<24576x112xf32, #tpu.memory_space<hbm>>, %arg3: memref<24576x16xf32, #tpu.memory_space<hbm>>, %arg4: memref<24576x112xf32, #tpu.memory_space<hbm>>, %arg5: memref<786432xi32, #tpu.memory_space<hbm>>, %arg6: memref<24576x112xf32, #tpu.memory_space<hbm>>, %arg7: memref<12288x112xf32, #tpu.memory_space<vmem_shared>>, %arg8: memref<128xi32, #tpu.memory_space<vmem>>, %arg9: memref<128xi32, #tpu.memory_space<vmem>>, %arg10: memref<64xi32, #tpu.memory_space<vmem>>, %arg11: memref<64xi32, #tpu.memory_space<vmem>>, %arg12: memref<64xi32, #tpu.memory_space<vmem>>, %arg13: memref<64xi32, #tpu.memory_space<vmem>>, %arg14: memref<64xi32, #tpu.memory_space<vmem>>, %arg15: memref<64xi32, #tpu.memory_space<vmem>>, %arg16: memref<64xf32, #tpu.memory_space<vmem>>, %arg17: memref<64xf32, #tpu.memory_space<vmem>>, %arg18: memref<64x112xf32, #tpu.memory_space<vmem>>, %arg19: memref<64x112xf32, #tpu.memory_space<vmem>>, %arg20: memref<64x16xf32, #tpu.memory_space<vmem>>, %arg21: memref<64x16xf32, #tpu.memory_space<vmem>>, %arg22: memref<64x112xf32, #tpu.memory_space<vmem>>, %arg23: memref<64x112xf32, #tpu.memory_space<vmem>>, %arg24: memref<!tpu.dma_semaphore, #tpu.memory_space<semaphore_mem>>, %arg25: memref<!tpu.dma_semaphore, #tpu.memory_space<semaphore_mem>>, %arg26: memref<!tpu.dma_semaphore, #tpu.memory_space<semaphore_mem>>, %arg27: memref<!tpu.dma_semaphore, #tpu.memory_space<semaphore_mem>>, %arg28: memref<!tpu.dma_semaphore, #tpu.memory_space<semaphore_mem>>, %arg29: memref<!tpu.dma_semaphore, #tpu.memory_space<semaphore_mem>>) attributes {dimension_semantics = [#tpu.dimension_semantics<core_parallel>, #tpu.dimension_semantics<subcore_parallel>], iteration_bounds = array<i64: 2, 16>, scalar_prefetch = 0 : i64, scratch_operands = 23 : i64, tpu.core_type = #tpu.core_type<sc_vector_subcore>, window_params = [{transform_indices = #map}, {transform_indices = #map}, {transform_indices = #map}, {transform_indices = #map1}, {transform_indices = #map}]} {
    %mul3A = arith.constant 768 : i32
    %mul3A_0 = arith.muli %arg1, %mul3A : i32
    %mul3A_1 = arith.constant 12288 : i32
    %mul3A_2 = arith.muli %arg0, %mul3A_1 : i32
    %add3A = arith.addi %mul3A_2, %mul3A_0 : i32
    "tpu.region"() ({
      %run_scoped3A = tpu.sem_alloc : memref<!tpu.dma_semaphore, #tpu.memory_space<semaphore_mem>>
      %dma_start3A_173 = arith.constant 0 : i32
      %dma_start3A_174 = tpu.memref_slice %arg7[%mul3A_0, %dma_start3A_173] : memref<12288x112xf32, #tpu.memory_space<vmem_shared>> -> memref<768x112xf32, #tpu.memory_space<vmem_shared>>
      %dma_start3A_175 = arith.constant 0 : i32
      %dma_start3A_176 = tpu.memref_slice %arg4[%add3A, %dma_start3A_175] : memref<24576x112xf32, #tpu.memory_space<hbm>> -> memref<768x112xf32, #tpu.memory_space<hbm>>
      tpu.enqueue_dma source(%dma_start3A_176 : memref<768x112xf32, #tpu.memory_space<hbm>>) target(%dma_start3A_174 : memref<768x112xf32, #tpu.memory_space<vmem_shared>>) target_semaphore(%run_scoped3A : memref<!tpu.dma_semaphore, #tpu.memory_space<semaphore_mem>>)
      %dma_wait3A_177 = arith.constant 0 : i32
      %dma_wait3A_178 = tpu.memref_slice %arg7[%mul3A_0, %dma_wait3A_177] : memref<12288x112xf32, #tpu.memory_space<vmem_shared>> -> memref<768x112xf32, #tpu.memory_space<vmem_shared>>
      %dma_wait3A_179 = arith.constant 0 : i32
      %dma_wait3A_180 = tpu.memref_slice %arg4[%add3A, %dma_wait3A_179] : memref<24576x112xf32, #tpu.memory_space<hbm>> -> memref<768x112xf32, #tpu.memory_space<hbm>>
      tpu.wait_dma2 semaphore(%run_scoped3A : memref<!tpu.dma_semaphore, #tpu.memory_space<semaphore_mem>>) src(%dma_wait3A_180 : memref<768x112xf32, #tpu.memory_space<hbm>>) dst(%dma_wait3A_178 : memref<768x112xf32, #tpu.memory_space<vmem_shared>>)
      tpu.yield
    }) : () -> ()
    %scan3A = arith.constant 0 : i32
    %scan3A_3 = arith.constant 0 : i32
    %scan3A_4 = arith.constant 64 : i32
    %scan3A_5 = arith.addi %scan3A_3, %scan3A_4 : i32
    %scan3A_6 = arith.constant 1 : i32
    scf.for %scan3A_173 = %scan3A_3 to %scan3A_5 step %scan3A_6  : i32 {
      %broadcast_in_dim3A_174 = arith.constant 0.000000e+00 : f32
      %broadcast_in_dim3A_175 = vector.broadcast %broadcast_in_dim3A_174 : f32 to vector<16xf32>
      %swap3A_176 = arith.index_cast %scan3A_173 : i32 to index
      %swap3A_177 = arith.constant 0 : index
      %swap3A_178 = tpu.vector_load %arg22[%swap3A_176, %swap3A_177] {strides = array<i32>} : memref<64x112xf32, #tpu.memory_space<vmem>>, vector<16xf32>,
      tpu.vector_store %arg22[%swap3A_176, %swap3A_177], %broadcast_in_dim3A_175 {strides = array<i32>} : memref<64x112xf32, #tpu.memory_space<vmem>>, vector<16xf32>,
      %broadcast_in_dim3A_179 = arith.constant 0.000000e+00 : f32
      %broadcast_in_dim3A_180 = vector.broadcast %broadcast_in_dim3A_179 : f32 to vector<16xf32>
      %swap3A_181 = arith.index_cast %scan3A_173 : i32 to index
      %swap3A_182 = arith.constant 16 : index
      %swap3A_183 = tpu.vector_load %arg22[%swap3A_181, %swap3A_182] {strides = array<i32>} : memref<64x112xf32, #tpu.memory_space<vmem>>, vector<16xf32>,
      tpu.vector_store %arg22[%swap3A_181, %swap3A_182], %broadcast_in_dim3A_180 {strides = array<i32>} : memref<64x112xf32, #tpu.memory_space<vmem>>, vector<16xf32>,
      %broadcast_in_dim3A_184 = arith.constant 0.000000e+00 : f32
      %broadcast_in_dim3A_185 = vector.broadcast %broadcast_in_dim3A_184 : f32 to vector<16xf32>
      %swap3A_186 = arith.index_cast %scan3A_173 : i32 to index
      %swap3A_187 = arith.constant 32 : index
      %swap3A_188 = tpu.vector_load %arg22[%swap3A_186, %swap3A_187] {strides = array<i32>} : memref<64x112xf32, #tpu.memory_space<vmem>>, vector<16xf32>,
      tpu.vector_store %arg22[%swap3A_186, %swap3A_187], %broadcast_in_dim3A_185 {strides = array<i32>} : memref<64x112xf32, #tpu.memory_space<vmem>>, vector<16xf32>,
      %broadcast_in_dim3A_189 = arith.constant 0.000000e+00 : f32
      %broadcast_in_dim3A_190 = vector.broadcast %broadcast_in_dim3A_189 : f32 to vector<16xf32>
      %swap3A_191 = arith.index_cast %scan3A_173 : i32 to index
      %swap3A_192 = arith.constant 48 : index
      %swap3A_193 = tpu.vector_load %arg22[%swap3A_191, %swap3A_192] {strides = array<i32>} : memref<64x112xf32, #tpu.memory_space<vmem>>, vector<16xf32>,
      tpu.vector_store %arg22[%swap3A_191, %swap3A_192], %broadcast_in_dim3A_190 {strides = array<i32>} : memref<64x112xf32, #tpu.memory_space<vmem>>, vector<16xf32>,
      %broadcast_in_dim3A_194 = arith.constant 0.000000e+00 : f32
      %broadcast_in_dim3A_195 = vector.broadcast %broadcast_in_dim3A_194 : f32 to vector<16xf32>
      %swap3A_196 = arith.index_cast %scan3A_173 : i32 to index
      %swap3A_197 = arith.constant 64 : index
      %swap3A_198 = tpu.vector_load %arg22[%swap3A_196, %swap3A_197] {strides = array<i32>} : memref<64x112xf32, #tpu.memory_space<vmem>>, vector<16xf32>,
      tpu.vector_store %arg22[%swap3A_196, %swap3A_197], %broadcast_in_dim3A_195 {strides = array<i32>} : memref<64x112xf32, #tpu.memory_space<vmem>>, vector<16xf32>,
      %broadcast_in_dim3A_199 = arith.constant 0.000000e+00 : f32
      %broadcast_in_dim3A_200 = vector.broadcast %broadcast_in_dim3A_199 : f32 to vector<16xf32>
      %swap3A_201 = arith.index_cast %scan3A_173 : i32 to index
      %swap3A_202 = arith.constant 80 : index
      %swap3A_203 = tpu.vector_load %arg22[%swap3A_201, %swap3A_202] {strides = array<i32>} : memref<64x112xf32, #tpu.memory_space<vmem>>, vector<16xf32>,
      tpu.vector_store %arg22[%swap3A_201, %swap3A_202], %broadcast_in_dim3A_200 {strides = array<i32>} : memref<64x112xf32, #tpu.memory_space<vmem>>, vector<16xf32>,
      %broadcast_in_dim3A_204 = arith.constant 0.000000e+00 : f32
      %broadcast_in_dim3A_205 = vector.broadcast %broadcast_in_dim3A_204 : f32 to vector<16xf32>
      %swap3A_206 = arith.index_cast %scan3A_173 : i32 to index
      %swap3A_207 = arith.constant 96 : index
      %swap3A_208 = tpu.vector_load %arg22[%swap3A_206, %swap3A_207] {strides = array<i32>} : memref<64x112xf32, #tpu.memory_space<vmem>>, vector<16xf32>,
      tpu.vector_store %arg22[%swap3A_206, %swap3A_207], %broadcast_in_dim3A_205 {strides = array<i32>} : memref<64x112xf32, #tpu.memory_space<vmem>>, vector<16xf32>,
    }
    %scan3A_7 = arith.constant 64 : i32
    %scan3A_8 = arith.constant 0 : i32
    %scan3A_9 = arith.constant 0 : i32
    %scan3A_10 = arith.constant 64 : i32
    %scan3A_11 = arith.addi %scan3A_9, %scan3A_10 : i32
    %scan3A_12 = arith.constant 1 : i32
    scf.for %scan3A_173 = %scan3A_9 to %scan3A_11 step %scan3A_12  : i32 {
      %broadcast_in_dim3A_174 = arith.constant 0.000000e+00 : f32
      %broadcast_in_dim3A_175 = vector.broadcast %broadcast_in_dim3A_174 : f32 to vector<16xf32>
      %swap3A_176 = arith.index_cast %scan3A_173 : i32 to index
      %swap3A_177 = arith.constant 0 : index
      %swap3A_178 = tpu.vector_load %arg23[%swap3A_176, %swap3A_177] {strides = array<i32>} : memref<64x112xf32, #tpu.memory_space<vmem>>, vector<16xf32>,
      tpu.vector_store %arg23[%swap3A_176, %swap3A_177], %broadcast_in_dim3A_175 {strides = array<i32>} : memref<64x112xf32, #tpu.memory_space<vmem>>, vector<16xf32>,
      %broadcast_in_dim3A_179 = arith.constant 0.000000e+00 : f32
      %broadcast_in_dim3A_180 = vector.broadcast %broadcast_in_dim3A_179 : f32 to vector<16xf32>
      %swap3A_181 = arith.index_cast %scan3A_173 : i32 to index
      %swap3A_182 = arith.constant 16 : index
      %swap3A_183 = tpu.vector_load %arg23[%swap3A_181, %swap3A_182] {strides = array<i32>} : memref<64x112xf32, #tpu.memory_space<vmem>>, vector<16xf32>,
      tpu.vector_store %arg23[%swap3A_181, %swap3A_182], %broadcast_in_dim3A_180 {strides = array<i32>} : memref<64x112xf32, #tpu.memory_space<vmem>>, vector<16xf32>,
      %broadcast_in_dim3A_184 = arith.constant 0.000000e+00 : f32
      %broadcast_in_dim3A_185 = vector.broadcast %broadcast_in_dim3A_184 : f32 to vector<16xf32>
      %swap3A_186 = arith.index_cast %scan3A_173 : i32 to index
      %swap3A_187 = arith.constant 32 : index
      %swap3A_188 = tpu.vector_load %arg23[%swap3A_186, %swap3A_187] {strides = array<i32>} : memref<64x112xf32, #tpu.memory_space<vmem>>, vector<16xf32>,
      tpu.vector_store %arg23[%swap3A_186, %swap3A_187], %broadcast_in_dim3A_185 {strides = array<i32>} : memref<64x112xf32, #tpu.memory_space<vmem>>, vector<16xf32>,
      %broadcast_in_dim3A_189 = arith.constant 0.000000e+00 : f32
      %broadcast_in_dim3A_190 = vector.broadcast %broadcast_in_dim3A_189 : f32 to vector<16xf32>
      %swap3A_191 = arith.index_cast %scan3A_173 : i32 to index
      %swap3A_192 = arith.constant 48 : index
      %swap3A_193 = tpu.vector_load %arg23[%swap3A_191, %swap3A_192] {strides = array<i32>} : memref<64x112xf32, #tpu.memory_space<vmem>>, vector<16xf32>,
      tpu.vector_store %arg23[%swap3A_191, %swap3A_192], %broadcast_in_dim3A_190 {strides = array<i32>} : memref<64x112xf32, #tpu.memory_space<vmem>>, vector<16xf32>,
      %broadcast_in_dim3A_194 = arith.constant 0.000000e+00 : f32
      %broadcast_in_dim3A_195 = vector.broadcast %broadcast_in_dim3A_194 : f32 to vector<16xf32>
      %swap3A_196 = arith.index_cast %scan3A_173 : i32 to index
      %swap3A_197 = arith.constant 64 : index
      %swap3A_198 = tpu.vector_load %arg23[%swap3A_196, %swap3A_197] {strides = array<i32>} : memref<64x112xf32, #tpu.memory_space<vmem>>, vector<16xf32>,
      tpu.vector_store %arg23[%swap3A_196, %swap3A_197], %broadcast_in_dim3A_195 {strides = array<i32>} : memref<64x112xf32, #tpu.memory_space<vmem>>, vector<16xf32>,
      %broadcast_in_dim3A_199 = arith.constant 0.000000e+00 : f32
      %broadcast_in_dim3A_200 = vector.broadcast %broadcast_in_dim3A_199 : f32 to vector<16xf32>
      %swap3A_201 = arith.index_cast %scan3A_173 : i32 to index
      %swap3A_202 = arith.constant 80 : index
      %swap3A_203 = tpu.vector_load %arg23[%swap3A_201, %swap3A_202] {strides = array<i32>} : memref<64x112xf32, #tpu.memory_space<vmem>>, vector<16xf32>,
      tpu.vector_store %arg23[%swap3A_201, %swap3A_202], %broadcast_in_dim3A_200 {strides = array<i32>} : memref<64x112xf32, #tpu.memory_space<vmem>>, vector<16xf32>,
      %broadcast_in_dim3A_204 = arith.constant 0.000000e+00 : f32
      %broadcast_in_dim3A_205 = vector.broadcast %broadcast_in_dim3A_204 : f32 to vector<16xf32>
      %swap3A_206 = arith.index_cast %scan3A_173 : i32 to index
      %swap3A_207 = arith.constant 96 : index
      %swap3A_208 = tpu.vector_load %arg23[%swap3A_206, %swap3A_207] {strides = array<i32>} : memref<64x112xf32, #tpu.memory_space<vmem>>, vector<16xf32>,
      tpu.vector_store %arg23[%swap3A_206, %swap3A_207], %broadcast_in_dim3A_205 {strides = array<i32>} : memref<64x112xf32, #tpu.memory_space<vmem>>, vector<16xf32>,
    }
    %scan3A_13 = arith.constant 64 : i32
    %barrier3A = arith.constant 0 : index
    tpu.barrier barrier_id(%barrier3A)
    %mul3A_14 = arith.constant 384 : i32
    %mul3A_15 = arith.muli %arg1, %mul3A_14 : i32
    %add3A_16 = arith.constant 0 : i32
    %add3A_17 = arith.addi %mul3A_15, %add3A_16 : i32
    %mul3A_18 = arith.constant 128 : i32
    %mul3A_19 = arith.muli %add3A_17, %mul3A_18 : i32
    %dma_start3A = tpu.memref_slice %arg5[%mul3A_19] : memref<786432xi32, #tpu.memory_space<hbm>> -> memref<128xi32, #tpu.memory_space<hbm>>
    %dma_start3A_20 = tpu.memref_slice %arg5[%mul3A_19] : memref<786432xi32, #tpu.memory_space<hbm>> -> memref<128xi32, #tpu.memory_space<hbm>>
    tpu.enqueue_dma source(%dma_start3A_20 : memref<128xi32, #tpu.memory_space<hbm>>) target(%arg8 : memref<128xi32, #tpu.memory_space<vmem>>) target_semaphore(%arg24 : memref<!tpu.dma_semaphore, #tpu.memory_space<semaphore_mem>>)
    %dma_wait3A = arith.constant 0 : i32
    %dma_wait3A_21 = tpu.memref_slice %arg5[%dma_wait3A] : memref<786432xi32, #tpu.memory_space<hbm>> -> memref<128xi32, #tpu.memory_space<hbm>>
    %dma_wait3A_22 = arith.constant 0 : i32
    %dma_wait3A_23 = tpu.memref_slice %arg5[%dma_wait3A_22] : memref<786432xi32, #tpu.memory_space<hbm>> -> memref<128xi32, #tpu.memory_space<hbm>>
    tpu.wait_dma2 semaphore(%arg24 : memref<!tpu.dma_semaphore, #tpu.memory_space<semaphore_mem>>) src(%dma_wait3A_23 : memref<128xi32, #tpu.memory_space<hbm>>) dst(%arg8 : memref<128xi32, #tpu.memory_space<vmem>>)
    %get3A = arith.constant 0 : index
    %get3A_24 = tpu.vector_load %arg8[%get3A] {strides = array<i32>} : memref<128xi32, #tpu.memory_space<vmem>>, vector<16xi32>,
    %swap3A = arith.constant 0 : index
    %swap3A_25 = tpu.vector_load %arg10[%swap3A] {strides = array<i32>} : memref<64xi32, #tpu.memory_space<vmem>>, vector<16xi32>,
    tpu.vector_store %arg10[%swap3A], %get3A_24 {strides = array<i32>} : memref<64xi32, #tpu.memory_space<vmem>>, vector<16xi32>,
    %get3A_26 = arith.constant 16 : index
    %get3A_27 = tpu.vector_load %arg8[%get3A_26] {strides = array<i32>} : memref<128xi32, #tpu.memory_space<vmem>>, vector<16xi32>,
    %swap3A_28 = arith.constant 16 : index
    %swap3A_29 = tpu.vector_load %arg10[%swap3A_28] {strides = array<i32>} : memref<64xi32, #tpu.memory_space<vmem>>, vector<16xi32>,
    tpu.vector_store %arg10[%swap3A_28], %get3A_27 {strides = array<i32>} : memref<64xi32, #tpu.memory_space<vmem>>, vector<16xi32>,
    %get3A_30 = arith.constant 32 : index
    %get3A_31 = tpu.vector_load %arg8[%get3A_30] {strides = array<i32>} : memref<128xi32, #tpu.memory_space<vmem>>, vector<16xi32>,
    %swap3A_32 = arith.constant 32 : index
    %swap3A_33 = tpu.vector_load %arg10[%swap3A_32] {strides = array<i32>} : memref<64xi32, #tpu.memory_space<vmem>>, vector<16xi32>,
    tpu.vector_store %arg10[%swap3A_32], %get3A_31 {strides = array<i32>} : memref<64xi32, #tpu.memory_space<vmem>>, vector<16xi32>,
    %get3A_34 = arith.constant 48 : index
    %get3A_35 = tpu.vector_load %arg8[%get3A_34] {strides = array<i32>} : memref<128xi32, #tpu.memory_space<vmem>>, vector<16xi32>,
    %swap3A_36 = arith.constant 48 : index
    %swap3A_37 = tpu.vector_load %arg10[%swap3A_36] {strides = array<i32>} : memref<64xi32, #tpu.memory_space<vmem>>, vector<16xi32>,
    tpu.vector_store %arg10[%swap3A_36], %get3A_35 {strides = array<i32>} : memref<64xi32, #tpu.memory_space<vmem>>, vector<16xi32>,
    %get3A_38 = arith.constant 64 : index
    %get3A_39 = tpu.vector_load %arg8[%get3A_38] {strides = array<i32>} : memref<128xi32, #tpu.memory_space<vmem>>, vector<16xi32>,
    %swap3A_40 = arith.constant 0 : index
    %swap3A_41 = tpu.vector_load %arg14[%swap3A_40] {strides = array<i32>} : memref<64xi32, #tpu.memory_space<vmem>>, vector<16xi32>,
    tpu.vector_store %arg14[%swap3A_40], %get3A_39 {strides = array<i32>} : memref<64xi32, #tpu.memory_space<vmem>>, vector<16xi32>,
    %sub3A = vector.broadcast %mul3A_2 : i32 to vector<16xi32>
    %sub3A_42 = arith.subi %get3A_39, %sub3A : vector<16xi32>
    %ge3A = arith.constant 0 : i32
    %ge3A_43 = vector.broadcast %ge3A : i32 to vector<16xi32>
    %ge3A_44 = arith.cmpi sge, %sub3A_42, %ge3A_43 : vector<16xi32>
    %lt3A = arith.constant 12288 : i32
    %lt3A_45 = vector.broadcast %lt3A : i32 to vector<16xi32>
    %lt3A_46 = arith.cmpi slt, %sub3A_42, %lt3A_45 : vector<16xi32>
    %and3A = arith.andi %ge3A_44, %lt3A_46 : vector<16xi1>
    %jit3A = arith.constant 1.000000e+00 : f32
    %jit3A_47 = arith.constant 0.000000e+00 : f32
    %broadcast_in_dim3A = vector.broadcast %jit3A : f32 to vector<16xf32>
    %broadcast_in_dim3A_48 = vector.broadcast %jit3A_47 : f32 to vector<16xf32>
    %select_n3A = arith.select %and3A, %broadcast_in_dim3A, %broadcast_in_dim3A_48 : vector<16xi1>, vector<16xf32>
    %swap3A_49 = arith.constant 0 : index
    %swap3A_50 = tpu.vector_load %arg16[%swap3A_49] {strides = array<i32>} : memref<64xf32, #tpu.memory_space<vmem>>, vector<16xf32>,
    tpu.vector_store %arg16[%swap3A_49], %select_n3A {strides = array<i32>} : memref<64xf32, #tpu.memory_space<vmem>>, vector<16xf32>,
    %jit3A_51 = arith.constant 0 : i32
    %jit3A_52 = arith.constant 12287 : i32
    %max3A = vector.broadcast %jit3A_51 : i32 to vector<16xi32>
    %max3A_53 = arith.maxsi %max3A, %sub3A_42 : vector<16xi32>
    %min3A = vector.broadcast %jit3A_52 : i32 to vector<16xi32>
    %min3A_54 = arith.minsi %min3A, %max3A_53 : vector<16xi32>
    %swap3A_55 = arith.constant 0 : index
    %swap3A_56 = tpu.vector_load %arg12[%swap3A_55] {strides = array<i32>} : memref<64xi32, #tpu.memory_space<vmem>>, vector<16xi32>,
    tpu.vector_store %arg12[%swap3A_55], %min3A_54 {strides = array<i32>} : memref<64xi32, #tpu.memory_space<vmem>>, vector<16xi32>,
    %get3A_57 = arith.constant 80 : index
    %get3A_58 = tpu.vector_load %arg8[%get3A_57] {strides = array<i32>} : memref<128xi32, #tpu.memory_space<vmem>>, vector<16xi32>,
    %swap3A_59 = arith.constant 16 : index
    %swap3A_60 = tpu.vector_load %arg14[%swap3A_59] {strides = array<i32>} : memref<64xi32, #tpu.memory_space<vmem>>, vector<16xi32>,
    tpu.vector_store %arg14[%swap3A_59], %get3A_58 {strides = array<i32>} : memref<64xi32, #tpu.memory_space<vmem>>, vector<16xi32>,
    %sub3A_61 = vector.broadcast %mul3A_2 : i32 to vector<16xi32>
    %sub3A_62 = arith.subi %get3A_58, %sub3A_61 : vector<16xi32>
    %ge3A_63 = arith.constant 0 : i32
    %ge3A_64 = vector.broadcast %ge3A_63 : i32 to vector<16xi32>
    %ge3A_65 = arith.cmpi sge, %sub3A_62, %ge3A_64 : vector<16xi32>
    %lt3A_66 = arith.constant 12288 : i32
    %lt3A_67 = vector.broadcast %lt3A_66 : i32 to vector<16xi32>
    %lt3A_68 = arith.cmpi slt, %sub3A_62, %lt3A_67 : vector<16xi32>
    %and3A_69 = arith.andi %ge3A_65, %lt3A_68 : vector<16xi1>
    %jit3A_70 = arith.constant 1.000000e+00 : f32
    %jit3A_71 = arith.constant 0.000000e+00 : f32
    %broadcast_in_dim3A_72 = vector.broadcast %jit3A_70 : f32 to vector<16xf32>
    %broadcast_in_dim3A_73 = vector.broadcast %jit3A_71 : f32 to vector<16xf32>
    %select_n3A_74 = arith.select %and3A_69, %broadcast_in_dim3A_72, %broadcast_in_dim3A_73 : vector<16xi1>, vector<16xf32>
    %swap3A_75 = arith.constant 16 : index
    %swap3A_76 = tpu.vector_load %arg16[%swap3A_75] {strides = array<i32>} : memref<64xf32, #tpu.memory_space<vmem>>, vector<16xf32>,
    tpu.vector_store %arg16[%swap3A_75], %select_n3A_74 {strides = array<i32>} : memref<64xf32, #tpu.memory_space<vmem>>, vector<16xf32>,
    %jit3A_77 = arith.constant 0 : i32
    %jit3A_78 = arith.constant 12287 : i32
    %max3A_79 = vector.broadcast %jit3A_77 : i32 to vector<16xi32>
    %max3A_80 = arith.maxsi %max3A_79, %sub3A_62 : vector<16xi32>
    %min3A_81 = vector.broadcast %jit3A_78 : i32 to vector<16xi32>
    %min3A_82 = arith.minsi %min3A_81, %max3A_80 : vector<16xi32>
    %swap3A_83 = arith.constant 16 : index
    %swap3A_84 = tpu.vector_load %arg12[%swap3A_83] {strides = array<i32>} : memref<64xi32, #tpu.memory_space<vmem>>, vector<16xi32>,
    tpu.vector_store %arg12[%swap3A_83], %min3A_82 {strides = array<i32>} : memref<64xi32, #tpu.memory_space<vmem>>, vector<16xi32>,
    %get3A_85 = arith.constant 96 : index
    %get3A_86 = tpu.vector_load %arg8[%get3A_85] {strides = array<i32>} : memref<128xi32, #tpu.memory_space<vmem>>, vector<16xi32>,
    %swap3A_87 = arith.constant 32 : index
    %swap3A_88 = tpu.vector_load %arg14[%swap3A_87] {strides = array<i32>} : memref<64xi32, #tpu.memory_space<vmem>>, vector<16xi32>,
    tpu.vector_store %arg14[%swap3A_87], %get3A_86 {strides = array<i32>} : memref<64xi32, #tpu.memory_space<vmem>>, vector<16xi32>,
    %sub3A_89 = vector.broadcast %mul3A_2 : i32 to vector<16xi32>
    %sub3A_90 = arith.subi %get3A_86, %sub3A_89 : vector<16xi32>
    %ge3A_91 = arith.constant 0 : i32
    %ge3A_92 = vector.broadcast %ge3A_91 : i32 to vector<16xi32>
    %ge3A_93 = arith.cmpi sge, %sub3A_90, %ge3A_92 : vector<16xi32>
    %lt3A_94 = arith.constant 12288 : i32
    %lt3A_95 = vector.broadcast %lt3A_94 : i32 to vector<16xi32>
    %lt3A_96 = arith.cmpi slt, %sub3A_90, %lt3A_95 : vector<16xi32>
    %and3A_97 = arith.andi %ge3A_93, %lt3A_96 : vector<16xi1>
    %jit3A_98 = arith.constant 1.000000e+00 : f32
    %jit3A_99 = arith.constant 0.000000e+00 : f32
    %broadcast_in_dim3A_100 = vector.broadcast %jit3A_98 : f32 to vector<16xf32>
    %broadcast_in_dim3A_101 = vector.broadcast %jit3A_99 : f32 to vector<16xf32>
    %select_n3A_102 = arith.select %and3A_97, %broadcast_in_dim3A_100, %broadcast_in_dim3A_101 : vector<16xi1>, vector<16xf32>
    %swap3A_103 = arith.constant 32 : index
    %swap3A_104 = tpu.vector_load %arg16[%swap3A_103] {strides = array<i32>} : memref<64xf32, #tpu.memory_space<vmem>>, vector<16xf32>,
    tpu.vector_store %arg16[%swap3A_103], %select_n3A_102 {strides = array<i32>} : memref<64xf32, #tpu.memory_space<vmem>>, vector<16xf32>,
    %jit3A_105 = arith.constant 0 : i32
    %jit3A_106 = arith.constant 12287 : i32
    %max3A_107 = vector.broadcast %jit3A_105 : i32 to vector<16xi32>
    %max3A_108 = arith.maxsi %max3A_107, %sub3A_90 : vector<16xi32>
    %min3A_109 = vector.broadcast %jit3A_106 : i32 to vector<16xi32>
    %min3A_110 = arith.minsi %min3A_109, %max3A_108 : vector<16xi32>
    %swap3A_111 = arith.constant 32 : index
    %swap3A_112 = tpu.vector_load %arg12[%swap3A_111] {strides = array<i32>} : memref<64xi32, #tpu.memory_space<vmem>>, vector<16xi32>,
    tpu.vector_store %arg12[%swap3A_111], %min3A_110 {strides = array<i32>} : memref<64xi32, #tpu.memory_space<vmem>>, vector<16xi32>,
    %get3A_113 = arith.constant 112 : index
    %get3A_114 = tpu.vector_load %arg8[%get3A_113] {strides = array<i32>} : memref<128xi32, #tpu.memory_space<vmem>>, vector<16xi32>,
    %swap3A_115 = arith.constant 48 : index
    %swap3A_116 = tpu.vector_load %arg14[%swap3A_115] {strides = array<i32>} : memref<64xi32, #tpu.memory_space<vmem>>, vector<16xi32>,
    tpu.vector_store %arg14[%swap3A_115], %get3A_114 {strides = array<i32>} : memref<64xi32, #tpu.memory_space<vmem>>, vector<16xi32>,
    %sub3A_117 = vector.broadcast %mul3A_2 : i32 to vector<16xi32>
    %sub3A_118 = arith.subi %get3A_114, %sub3A_117 : vector<16xi32>
    %ge3A_119 = arith.constant 0 : i32
    %ge3A_120 = vector.broadcast %ge3A_119 : i32 to vector<16xi32>
    %ge3A_121 = arith.cmpi sge, %sub3A_118, %ge3A_120 : vector<16xi32>
    %lt3A_122 = arith.constant 12288 : i32
    %lt3A_123 = vector.broadcast %lt3A_122 : i32 to vector<16xi32>
    %lt3A_124 = arith.cmpi slt, %sub3A_118, %lt3A_123 : vector<16xi32>
    %and3A_125 = arith.andi %ge3A_121, %lt3A_124 : vector<16xi1>
    %jit3A_126 = arith.constant 1.000000e+00 : f32
    %jit3A_127 = arith.constant 0.000000e+00 : f32
    %broadcast_in_dim3A_128 = vector.broadcast %jit3A_126 : f32 to vector<16xf32>
    %broadcast_in_dim3A_129 = vector.broadcast %jit3A_127 : f32 to vector<16xf32>
    %select_n3A_130 = arith.select %and3A_125, %broadcast_in_dim3A_128, %broadcast_in_dim3A_129 : vector<16xi1>, vector<16xf32>
    %swap3A_131 = arith.constant 48 : index
    %swap3A_132 = tpu.vector_load %arg16[%swap3A_131] {strides = array<i32>} : memref<64xf32, #tpu.memory_space<vmem>>, vector<16xf32>,
    tpu.vector_store %arg16[%swap3A_131], %select_n3A_130 {strides = array<i32>} : memref<64xf32, #tpu.memory_space<vmem>>, vector<16xf32>,
    %jit3A_133 = arith.constant 0 : i32
    %jit3A_134 = arith.constant 12287 : i32
    %max3A_135 = vector.broadcast %jit3A_133 : i32 to vector<16xi32>
    %max3A_136 = arith.maxsi %max3A_135, %sub3A_118 : vector<16xi32>
    %min3A_137 = vector.broadcast %jit3A_134 : i32 to vector<16xi32>
    %min3A_138 = arith.minsi %min3A_137, %max3A_136 : vector<16xi32>
    %swap3A_139 = arith.constant 48 : index
    %swap3A_140 = tpu.vector_load %arg12[%swap3A_139] {strides = array<i32>} : memref<64xi32, #tpu.memory_space<vmem>>, vector<16xi32>,
    tpu.vector_store %arg12[%swap3A_139], %min3A_138 {strides = array<i32>} : memref<64xi32, #tpu.memory_space<vmem>>, vector<16xi32>,
    %dma_start3A_141 = arith.constant 0 : i32
    %dma_start3A_142 = arith.constant 0 : i32
    %dma_start3A_143 = tpu.memref_slice %arg2[%dma_start3A_141, %dma_start3A_142] : memref<24576x112xf32, #tpu.memory_space<hbm>> -> memref<24576x112xf32, #tpu.memory_space<hbm>>
    tpu.enqueue_indirect_dma source(%dma_start3A_143 : memref<24576x112xf32, #tpu.memory_space<hbm>>) target(%arg18 : memref<64x112xf32, #tpu.memory_space<vmem>>) offsets(%arg10 : memref<64xi32, #tpu.memory_space<vmem>>) semaphore(%arg26 : memref<!tpu.dma_semaphore, #tpu.memory_space<semaphore_mem>>)
    %dma_start3A_144 = arith.constant 0 : i32
    %dma_start3A_145 = arith.constant 0 : i32
    %dma_start3A_146 = tpu.memref_slice %arg3[%dma_start3A_144, %dma_start3A_145] : memref<24576x16xf32, #tpu.memory_space<hbm>> -> memref<24576x16xf32, #tpu.memory_space<hbm>>
    tpu.enqueue_indirect_dma source(%dma_start3A_146 : memref<24576x16xf32, #tpu.memory_space<hbm>>) target(%arg20 : memref<64x16xf32, #tpu.memory_space<vmem>>) offsets(%arg14 : memref<64xi32, #tpu.memory_space<vmem>>) semaphore(%arg26 : memref<!tpu.dma_semaphore, #tpu.memory_space<semaphore_mem>>)
    %add3A_147 = arith.constant 1 : i32
    %add3A_148 = arith.addi %mul3A_15, %add3A_147 : i32
    %mul3A_149 = arith.constant 128 : i32
    %mul3A_150 = arith.muli %add3A_148, %mul3A_149 : i32
    %dma_start3A_151 = tpu.memref_slice %arg5[%mul3A_150] : memref<786432xi32, #tpu.memory_space<hbm>> -> memref<128xi32, #tpu.memory_space<hbm>>
    %dma_start3A_152 = tpu.memref_slice %arg5[%mul3A_150] : memref<786432xi32, #tpu.memory_space<hbm>> -> memref<128xi32, #tpu.memory_space<hbm>>
    tpu.enqueue_dma source(%dma_start3A_152 : memref<128xi32, #tpu.memory_space<hbm>>) target(%arg9 : memref<128xi32, #tpu.memory_space<vmem>>) target_semaphore(%arg25 : memref<!tpu.dma_semaphore, #tpu.memory_space<semaphore_mem>>)
    %add3A_153 = arith.constant 2 : i32
    %add3A_154 = arith.addi %mul3A_15, %add3A_153 : i32
    %mul3A_155 = arith.constant 128 : i32
    %mul3A_156 = arith.muli %add3A_154, %mul3A_155 : i32
    %dma_start3A_157 = tpu.memref_slice %arg5[%mul3A_156] : memref<786432xi32, #tpu.memory_space<hbm>> -> memref<128xi32, #tpu.memory_space<hbm>>
    %dma_start3A_158 = tpu.memref_slice %arg5[%mul3A_156] : memref<786432xi32, #tpu.memory_space<hbm>> -> memref<128xi32, #tpu.memory_space<hbm>>
    tpu.enqueue_dma source(%dma_start3A_158 : memref<128xi32, #tpu.memory_space<hbm>>) target(%arg8 : memref<128xi32, #tpu.memory_space<vmem>>) target_semaphore(%arg24 : memref<!tpu.dma_semaphore, #tpu.memory_space<semaphore_mem>>)
    %scan3A_159 = arith.constant 0 : i32
    %scan3A_160 = arith.constant 0 : i32
    %scan3A_161 = arith.constant 192 : i32
    %scan3A_162 = arith.addi %scan3A_160, %scan3A_161 : i32
    %scan3A_163 = arith.constant 1 : i32
    scf.for %scan3A_173 = %scan3A_160 to %scan3A_162 step %scan3A_163  : i32 {
      %mul3A_174 = arith.constant 2 : i32
      %mul3A_175 = arith.muli %scan3A_173, %mul3A_174 : i32
      %add3A_176 = arith.constant 0 : i32
      %add3A_177 = arith.addi %mul3A_175, %add3A_176 : i32
      %add3A_178 = arith.constant 1 : i32
      %add3A_179 = arith.addi %add3A_177, %add3A_178 : i32
      %lt3A_180 = arith.constant 384 : i32
      %lt3A_181 = arith.cmpi slt, %add3A_179, %lt3A_180 : i32
      %convert_element_type3A = arith.extui %lt3A_181 : i1 to i32
      %cond3A = arith.constant 0 : i32
      %cond3A_182 = arith.cmpi ne, %convert_element_type3A, %cond3A : i32
      scf.if %cond3A_182 {
        %dma_wait3A_224 = arith.constant 0 : i32
        %dma_wait3A_225 = tpu.memref_slice %arg5[%dma_wait3A_224] : memref<786432xi32, #tpu.memory_space<hbm>> -> memref<128xi32, #tpu.memory_space<hbm>>
        %dma_wait3A_226 = arith.constant 0 : i32
        %dma_wait3A_227 = tpu.memref_slice %arg5[%dma_wait3A_226] : memref<786432xi32, #tpu.memory_space<hbm>> -> memref<128xi32, #tpu.memory_space<hbm>>
        tpu.wait_dma2 semaphore(%arg25 : memref<!tpu.dma_semaphore, #tpu.memory_space<semaphore_mem>>) src(%dma_wait3A_227 : memref<128xi32, #tpu.memory_space<hbm>>) dst(%arg9 : memref<128xi32, #tpu.memory_space<vmem>>)
        %ge3A_228 = arith.constant 1 : i32
        %ge3A_229 = arith.cmpi sge, %add3A_177, %ge3A_228 : i32
        %convert_element_type3A_230 = arith.extui %ge3A_229 : i1 to i32
        %cond3A_231 = arith.constant 0 : i32
        %cond3A_232 = arith.cmpi ne, %convert_element_type3A_230, %cond3A_231 : i32
        scf.if %cond3A_232 {
          %dma_wait3A_374 = arith.constant 0 : i32
          %dma_wait3A_375 = arith.constant 0 : i32
          %dma_wait3A_376 = tpu.memref_slice %arg7[%dma_wait3A_374, %dma_wait3A_375] : memref<12288x112xf32, #tpu.memory_space<vmem_shared>> -> memref<12288x112xf32, #tpu.memory_space<vmem_shared>>
          tpu.wait_indirect_dma semaphore(%arg29 : memref<!tpu.dma_semaphore, #tpu.memory_space<semaphore_mem>>) src(%arg23 : memref<64x112xf32, #tpu.memory_space<vmem>>) dst(%dma_wait3A_376 : memref<12288x112xf32, #tpu.memory_space<vmem_shared>>)
        } else {
        }
        %get3A_233 = arith.constant 0 : index
        %get3A_234 = tpu.vector_load %arg9[%get3A_233] {strides = array<i32>} : memref<128xi32, #tpu.memory_space<vmem>>, vector<16xi32>,
        %swap3A_235 = arith.constant 0 : index
        %swap3A_236 = tpu.vector_load %arg11[%swap3A_235] {strides = array<i32>} : memref<64xi32, #tpu.memory_space<vmem>>, vector<16xi32>,
        tpu.vector_store %arg11[%swap3A_235], %get3A_234 {strides = array<i32>} : memref<64xi32, #tpu.memory_space<vmem>>, vector<16xi32>,
        %get3A_237 = arith.constant 16 : index
        %get3A_238 = tpu.vector_load %arg9[%get3A_237] {strides = array<i32>} : memref<128xi32, #tpu.memory_space<vmem>>, vector<16xi32>,
        %swap3A_239 = arith.constant 16 : index
        %swap3A_240 = tpu.vector_load %arg11[%swap3A_239] {strides = array<i32>} : memref<64xi32, #tpu.memory_space<vmem>>, vector<16xi32>,
        tpu.vector_store %arg11[%swap3A_239], %get3A_238 {strides = array<i32>} : memref<64xi32, #tpu.memory_space<vmem>>, vector<16xi32>,
        %get3A_241 = arith.constant 32 : index
        %get3A_242 = tpu.vector_load %arg9[%get3A_241] {strides = array<i32>} : memref<128xi32, #tpu.memory_space<vmem>>, vector<16xi32>,
        %swap3A_243 = arith.constant 32 : index
        %swap3A_244 = tpu.vector_load %arg11[%swap3A_243] {strides = array<i32>} : memref<64xi32, #tpu.memory_space<vmem>>, vector<16xi32>,
        tpu.vector_store %arg11[%swap3A_243], %get3A_242 {strides = array<i32>} : memref<64xi32, #tpu.memory_space<vmem>>, vector<16xi32>,
        %get3A_245 = arith.constant 48 : index
        %get3A_246 = tpu.vector_load %arg9[%get3A_245] {strides = array<i32>} : memref<128xi32, #tpu.memory_space<vmem>>, vector<16xi32>,
        %swap3A_247 = arith.constant 48 : index
        %swap3A_248 = tpu.vector_load %arg11[%swap3A_247] {strides = array<i32>} : memref<64xi32, #tpu.memory_space<vmem>>, vector<16xi32>,
        tpu.vector_store %arg11[%swap3A_247], %get3A_246 {strides = array<i32>} : memref<64xi32, #tpu.memory_space<vmem>>, vector<16xi32>,
        %get3A_249 = arith.constant 64 : index
        %get3A_250 = tpu.vector_load %arg9[%get3A_249] {strides = array<i32>} : memref<128xi32, #tpu.memory_space<vmem>>, vector<16xi32>,
        %swap3A_251 = arith.constant 0 : index
        %swap3A_252 = tpu.vector_load %arg15[%swap3A_251] {strides = array<i32>} : memref<64xi32, #tpu.memory_space<vmem>>, vector<16xi32>,
        tpu.vector_store %arg15[%swap3A_251], %get3A_250 {strides = array<i32>} : memref<64xi32, #tpu.memory_space<vmem>>, vector<16xi32>,
        %sub3A_253 = vector.broadcast %mul3A_2 : i32 to vector<16xi32>
        %sub3A_254 = arith.subi %get3A_250, %sub3A_253 : vector<16xi32>
        %ge3A_255 = arith.constant 0 : i32
        %ge3A_256 = vector.broadcast %ge3A_255 : i32 to vector<16xi32>
        %ge3A_257 = arith.cmpi sge, %sub3A_254, %ge3A_256 : vector<16xi32>
        %lt3A_258 = arith.constant 12288 : i32
        %lt3A_259 = vector.broadcast %lt3A_258 : i32 to vector<16xi32>
        %lt3A_260 = arith.cmpi slt, %sub3A_254, %lt3A_259 : vector<16xi32>
        %and3A_261 = arith.andi %ge3A_257, %lt3A_260 : vector<16xi1>
        %jit3A_262 = arith.constant 1.000000e+00 : f32
        %jit3A_263 = arith.constant 0.000000e+00 : f32
        %broadcast_in_dim3A_264 = vector.broadcast %jit3A_262 : f32 to vector<16xf32>
        %broadcast_in_dim3A_265 = vector.broadcast %jit3A_263 : f32 to vector<16xf32>
        %select_n3A_266 = arith.select %and3A_261, %broadcast_in_dim3A_264, %broadcast_in_dim3A_265 : vector<16xi1>, vector<16xf32>
        %swap3A_267 = arith.constant 0 : index
        %swap3A_268 = tpu.vector_load %arg17[%swap3A_267] {strides = array<i32>} : memref<64xf32, #tpu.memory_space<vmem>>, vector<16xf32>,
        tpu.vector_store %arg17[%swap3A_267], %select_n3A_266 {strides = array<i32>} : memref<64xf32, #tpu.memory_space<vmem>>, vector<16xf32>,
        %jit3A_269 = arith.constant 0 : i32
        %jit3A_270 = arith.constant 12287 : i32
        %max3A_271 = vector.broadcast %jit3A_269 : i32 to vector<16xi32>
        %max3A_272 = arith.maxsi %max3A_271, %sub3A_254 : vector<16xi32>
        %min3A_273 = vector.broadcast %jit3A_270 : i32 to vector<16xi32>
        %min3A_274 = arith.minsi %min3A_273, %max3A_272 : vector<16xi32>
        %swap3A_275 = arith.constant 0 : index
        %swap3A_276 = tpu.vector_load %arg13[%swap3A_275] {strides = array<i32>} : memref<64xi32, #tpu.memory_space<vmem>>, vector<16xi32>,
        tpu.vector_store %arg13[%swap3A_275], %min3A_274 {strides = array<i32>} : memref<64xi32, #tpu.memory_space<vmem>>, vector<16xi32>,
        %get3A_277 = arith.constant 80 : index
        %get3A_278 = tpu.vector_load %arg9[%get3A_277] {strides = array<i32>} : memref<128xi32, #tpu.memory_space<vmem>>, vector<16xi32>,
        %swap3A_279 = arith.constant 16 : index
        %swap3A_280 = tpu.vector_load %arg15[%swap3A_279] {strides = array<i32>} : memref<64xi32, #tpu.memory_space<vmem>>, vector<16xi32>,
        tpu.vector_store %arg15[%swap3A_279], %get3A_278 {strides = array<i32>} : memref<64xi32, #tpu.memory_space<vmem>>, vector<16xi32>,
        %sub3A_281 = vector.broadcast %mul3A_2 : i32 to vector<16xi32>
        %sub3A_282 = arith.subi %get3A_278, %sub3A_281 : vector<16xi32>
        %ge3A_283 = arith.constant 0 : i32
        %ge3A_284 = vector.broadcast %ge3A_283 : i32 to vector<16xi32>
        %ge3A_285 = arith.cmpi sge, %sub3A_282, %ge3A_284 : vector<16xi32>
        %lt3A_286 = arith.constant 12288 : i32
        %lt3A_287 = vector.broadcast %lt3A_286 : i32 to vector<16xi32>
        %lt3A_288 = arith.cmpi slt, %sub3A_282, %lt3A_287 : vector<16xi32>
        %and3A_289 = arith.andi %ge3A_285, %lt3A_288 : vector<16xi1>
        %jit3A_290 = arith.constant 1.000000e+00 : f32
        %jit3A_291 = arith.constant 0.000000e+00 : f32
        %broadcast_in_dim3A_292 = vector.broadcast %jit3A_290 : f32 to vector<16xf32>
        %broadcast_in_dim3A_293 = vector.broadcast %jit3A_291 : f32 to vector<16xf32>
        %select_n3A_294 = arith.select %and3A_289, %broadcast_in_dim3A_292, %broadcast_in_dim3A_293 : vector<16xi1>, vector<16xf32>
        %swap3A_295 = arith.constant 16 : index
        %swap3A_296 = tpu.vector_load %arg17[%swap3A_295] {strides = array<i32>} : memref<64xf32, #tpu.memory_space<vmem>>, vector<16xf32>,
        tpu.vector_store %arg17[%swap3A_295], %select_n3A_294 {strides = array<i32>} : memref<64xf32, #tpu.memory_space<vmem>>, vector<16xf32>,
        %jit3A_297 = arith.constant 0 : i32
        %jit3A_298 = arith.constant 12287 : i32
        %max3A_299 = vector.broadcast %jit3A_297 : i32 to vector<16xi32>
        %max3A_300 = arith.maxsi %max3A_299, %sub3A_282 : vector<16xi32>
        %min3A_301 = vector.broadcast %jit3A_298 : i32 to vector<16xi32>
        %min3A_302 = arith.minsi %min3A_301, %max3A_300 : vector<16xi32>
        %swap3A_303 = arith.constant 16 : index
        %swap3A_304 = tpu.vector_load %arg13[%swap3A_303] {strides = array<i32>} : memref<64xi32, #tpu.memory_space<vmem>>, vector<16xi32>,
        tpu.vector_store %arg13[%swap3A_303], %min3A_302 {strides = array<i32>} : memref<64xi32, #tpu.memory_space<vmem>>, vector<16xi32>,
        %get3A_305 = arith.constant 96 : index
        %get3A_306 = tpu.vector_load %arg9[%get3A_305] {strides = array<i32>} : memref<128xi32, #tpu.memory_space<vmem>>, vector<16xi32>,
        %swap3A_307 = arith.constant 32 : index
        %swap3A_308 = tpu.vector_load %arg15[%swap3A_307] {strides = array<i32>} : memref<64xi32, #tpu.memory_space<vmem>>, vector<16xi32>,
        tpu.vector_store %arg15[%swap3A_307], %get3A_306 {strides = array<i32>} : memref<64xi32, #tpu.memory_space<vmem>>, vector<16xi32>,
        %sub3A_309 = vector.broadcast %mul3A_2 : i32 to vector<16xi32>
        %sub3A_310 = arith.subi %get3A_306, %sub3A_309 : vector<16xi32>
        %ge3A_311 = arith.constant 0 : i32
        %ge3A_312 = vector.broadcast %ge3A_311 : i32 to vector<16xi32>
        %ge3A_313 = arith.cmpi sge, %sub3A_310, %ge3A_312 : vector<16xi32>
        %lt3A_314 = arith.constant 12288 : i32
        %lt3A_315 = vector.broadcast %lt3A_314 : i32 to vector<16xi32>
        %lt3A_316 = arith.cmpi slt, %sub3A_310, %lt3A_315 : vector<16xi32>
        %and3A_317 = arith.andi %ge3A_313, %lt3A_316 : vector<16xi1>
        %jit3A_318 = arith.constant 1.000000e+00 : f32
        %jit3A_319 = arith.constant 0.000000e+00 : f32
        %broadcast_in_dim3A_320 = vector.broadcast %jit3A_318 : f32 to vector<16xf32>
        %broadcast_in_dim3A_321 = vector.broadcast %jit3A_319 : f32 to vector<16xf32>
        %select_n3A_322 = arith.select %and3A_317, %broadcast_in_dim3A_320, %broadcast_in_dim3A_321 : vector<16xi1>, vector<16xf32>
        %swap3A_323 = arith.constant 32 : index
        %swap3A_324 = tpu.vector_load %arg17[%swap3A_323] {strides = array<i32>} : memref<64xf32, #tpu.memory_space<vmem>>, vector<16xf32>,
        tpu.vector_store %arg17[%swap3A_323], %select_n3A_322 {strides = array<i32>} : memref<64xf32, #tpu.memory_space<vmem>>, vector<16xf32>,
        %jit3A_325 = arith.constant 0 : i32
        %jit3A_326 = arith.constant 12287 : i32
        %max3A_327 = vector.broadcast %jit3A_325 : i32 to vector<16xi32>
        %max3A_328 = arith.maxsi %max3A_327, %sub3A_310 : vector<16xi32>
        %min3A_329 = vector.broadcast %jit3A_326 : i32 to vector<16xi32>
        %min3A_330 = arith.minsi %min3A_329, %max3A_328 : vector<16xi32>
        %swap3A_331 = arith.constant 32 : index
        %swap3A_332 = tpu.vector_load %arg13[%swap3A_331] {strides = array<i32>} : memref<64xi32, #tpu.memory_space<vmem>>, vector<16xi32>,
        tpu.vector_store %arg13[%swap3A_331], %min3A_330 {strides = array<i32>} : memref<64xi32, #tpu.memory_space<vmem>>, vector<16xi32>,
        %get3A_333 = arith.constant 112 : index
        %get3A_334 = tpu.vector_load %arg9[%get3A_333] {strides = array<i32>} : memref<128xi32, #tpu.memory_space<vmem>>, vector<16xi32>,
        %swap3A_335 = arith.constant 48 : index
        %swap3A_336 = tpu.vector_load %arg15[%swap3A_335] {strides = array<i32>} : memref<64xi32, #tpu.memory_space<vmem>>, vector<16xi32>,
        tpu.vector_store %arg15[%swap3A_335], %get3A_334 {strides = array<i32>} : memref<64xi32, #tpu.memory_space<vmem>>, vector<16xi32>,
        %sub3A_337 = vector.broadcast %mul3A_2 : i32 to vector<16xi32>
        %sub3A_338 = arith.subi %get3A_334, %sub3A_337 : vector<16xi32>
        %ge3A_339 = arith.constant 0 : i32
        %ge3A_340 = vector.broadcast %ge3A_339 : i32 to vector<16xi32>
        %ge3A_341 = arith.cmpi sge, %sub3A_338, %ge3A_340 : vector<16xi32>
        %lt3A_342 = arith.constant 12288 : i32
        %lt3A_343 = vector.broadcast %lt3A_342 : i32 to vector<16xi32>
        %lt3A_344 = arith.cmpi slt, %sub3A_338, %lt3A_343 : vector<16xi32>
        %and3A_345 = arith.andi %ge3A_341, %lt3A_344 : vector<16xi1>
        %jit3A_346 = arith.constant 1.000000e+00 : f32
        %jit3A_347 = arith.constant 0.000000e+00 : f32
        %broadcast_in_dim3A_348 = vector.broadcast %jit3A_346 : f32 to vector<16xf32>
        %broadcast_in_dim3A_349 = vector.broadcast %jit3A_347 : f32 to vector<16xf32>
        %select_n3A_350 = arith.select %and3A_345, %broadcast_in_dim3A_348, %broadcast_in_dim3A_349 : vector<16xi1>, vector<16xf32>
        %swap3A_351 = arith.constant 48 : index
        %swap3A_352 = tpu.vector_load %arg17[%swap3A_351] {strides = array<i32>} : memref<64xf32, #tpu.memory_space<vmem>>, vector<16xf32>,
        tpu.vector_store %arg17[%swap3A_351], %select_n3A_350 {strides = array<i32>} : memref<64xf32, #tpu.memory_space<vmem>>, vector<16xf32>,
        %jit3A_353 = arith.constant 0 : i32
        %jit3A_354 = arith.constant 12287 : i32
        %max3A_355 = vector.broadcast %jit3A_353 : i32 to vector<16xi32>
        %max3A_356 = arith.maxsi %max3A_355, %sub3A_338 : vector<16xi32>
        %min3A_357 = vector.broadcast %jit3A_354 : i32 to vector<16xi32>
        %min3A_358 = arith.minsi %min3A_357, %max3A_356 : vector<16xi32>
        %swap3A_359 = arith.constant 48 : index
        %swap3A_360 = tpu.vector_load %arg13[%swap3A_359] {strides = array<i32>} : memref<64xi32, #tpu.memory_space<vmem>>, vector<16xi32>,
        tpu.vector_store %arg13[%swap3A_359], %min3A_358 {strides = array<i32>} : memref<64xi32, #tpu.memory_space<vmem>>, vector<16xi32>,
        %dma_start3A_361 = arith.constant 0 : i32
        %dma_start3A_362 = arith.constant 0 : i32
        %dma_start3A_363 = tpu.memref_slice %arg2[%dma_start3A_361, %dma_start3A_362] : memref<24576x112xf32, #tpu.memory_space<hbm>> -> memref<24576x112xf32, #tpu.memory_space<hbm>>
        tpu.enqueue_indirect_dma source(%dma_start3A_363 : memref<24576x112xf32, #tpu.memory_space<hbm>>) target(%arg19 : memref<64x112xf32, #tpu.memory_space<vmem>>) offsets(%arg11 : memref<64xi32, #tpu.memory_space<vmem>>) semaphore(%arg27 : memref<!tpu.dma_semaphore, #tpu.memory_space<semaphore_mem>>)
        %dma_start3A_364 = arith.constant 0 : i32
        %dma_start3A_365 = arith.constant 0 : i32
        %dma_start3A_366 = tpu.memref_slice %arg3[%dma_start3A_364, %dma_start3A_365] : memref<24576x16xf32, #tpu.memory_space<hbm>> -> memref<24576x16xf32, #tpu.memory_space<hbm>>
        tpu.enqueue_indirect_dma source(%dma_start3A_366 : memref<24576x16xf32, #tpu.memory_space<hbm>>) target(%arg21 : memref<64x16xf32, #tpu.memory_space<vmem>>) offsets(%arg15 : memref<64xi32, #tpu.memory_space<vmem>>) semaphore(%arg27 : memref<!tpu.dma_semaphore, #tpu.memory_space<semaphore_mem>>)
        %add3A_367 = arith.constant 3 : i32
        %add3A_368 = arith.addi %add3A_177, %add3A_367 : i32
        %lt3A_369 = arith.constant 384 : i32
        %lt3A_370 = arith.cmpi slt, %add3A_368, %lt3A_369 : i32
        %convert_element_type3A_371 = arith.extui %lt3A_370 : i1 to i32
        %cond3A_372 = arith.constant 0 : i32
        %cond3A_373 = arith.cmpi ne, %convert_element_type3A_371, %cond3A_372 : i32
        scf.if %cond3A_373 {
          %add3A_374 = arith.constant 3 : i32
          %add3A_375 = arith.addi %add3A_177, %add3A_374 : i32
          %add3A_376 = arith.addi %mul3A_15, %add3A_375 : i32
          %mul3A_377 = arith.constant 128 : i32
          %mul3A_378 = arith.muli %add3A_376, %mul3A_377 : i32
          %dma_start3A_379 = tpu.memref_slice %arg5[%mul3A_378] : memref<786432xi32, #tpu.memory_space<hbm>> -> memref<128xi32, #tpu.memory_space<hbm>>
          %dma_start3A_380 = tpu.memref_slice %arg5[%mul3A_378] : memref<786432xi32, #tpu.memory_space<hbm>> -> memref<128xi32, #tpu.memory_space<hbm>>
          tpu.enqueue_dma source(%dma_start3A_380 : memref<128xi32, #tpu.memory_space<hbm>>) target(%arg9 : memref<128xi32, #tpu.memory_space<vmem>>) target_semaphore(%arg25 : memref<!tpu.dma_semaphore, #tpu.memory_space<semaphore_mem>>)
        } else {
        }
      } else {
      }
      %dma_wait3A_183 = arith.constant 0 : i32
      %dma_wait3A_184 = arith.constant 0 : i32
      %dma_wait3A_185 = tpu.memref_slice %arg2[%dma_wait3A_183, %dma_wait3A_184] : memref<24576x112xf32, #tpu.memory_space<hbm>> -> memref<24576x112xf32, #tpu.memory_space<hbm>>
      tpu.wait_indirect_dma semaphore(%arg26 : memref<!tpu.dma_semaphore, #tpu.memory_space<semaphore_mem>>) src(%dma_wait3A_185 : memref<24576x112xf32, #tpu.memory_space<hbm>>) dst(%arg18 : memref<64x112xf32, #tpu.memory_space<vmem>>)
      %dma_wait3A_186 = arith.constant 0 : i32
      %dma_wait3A_187 = arith.constant 0 : i32
      %dma_wait3A_188 = tpu.memref_slice %arg3[%dma_wait3A_186, %dma_wait3A_187] : memref<24576x16xf32, #tpu.memory_space<hbm>> -> memref<24576x16xf32, #tpu.memory_space<hbm>>
      tpu.wait_indirect_dma semaphore(%arg26 : memref<!tpu.dma_semaphore, #tpu.memory_space<semaphore_mem>>) src(%dma_wait3A_188 : memref<24576x16xf32, #tpu.memory_space<hbm>>) dst(%arg20 : memref<64x16xf32, #tpu.memory_space<vmem>>)
      %scan3A_189 = arith.constant 0 : i32
      %scan3A_190 = arith.constant 0 : i32
      %scan3A_191 = arith.constant 4 : i32
      %scan3A_192 = arith.addi %scan3A_190, %scan3A_191 : i32
      %scan3A_193 = arith.constant 1 : i32
      scf.for %scan3A_224 = %scan3A_190 to %scan3A_192 step %scan3A_193  : i32 {
        %iota3A = tpu.iota {dimensions = array<i32: 0>} : vector<16xi32>
        %mul3A_225 = arith.constant 16 : i32
        %mul3A_226 = arith.muli %scan3A_224, %mul3A_225 : i32
        %add3A_227 = vector.broadcast %mul3A_226 : i32 to vector<16xi32>
        %add3A_228 = arith.addi %iota3A, %add3A_227 : vector<16xi32>
        %mul3A_229 = arith.constant 16 : i32
        %mul3A_230 = arith.muli %scan3A_224, %mul3A_229 : i32
        %get3A_231 = arith.index_cast %mul3A_230 : i32 to index
        %get3A_232 = tpu.vector_load %arg16[%get3A_231] {strides = array<i32>} : memref<64xf32, #tpu.memory_space<vmem>>, vector<16xf32>,
        %broadcast_in_dim3A_233 = arith.constant 0 : i32
        %broadcast_in_dim3A_234 = vector.broadcast %broadcast_in_dim3A_233 : i32 to vector<16xi32>
        %add3A_235 = arith.constant 104 : i32
        %add3A_236 = vector.broadcast %add3A_235 : i32 to vector<16xi32>
        %add3A_237 = arith.addi %broadcast_in_dim3A_234, %add3A_236 : vector<16xi32>
        %gather3A = tpu.vector_load_idx %arg18[%add3A_228, %add3A_237] : memref<64x112xf32, #tpu.memory_space<vmem>>[vector<16xi32>, vector<16xi32>], vector<16xf32>,
        %broadcast_in_dim3A_238 = arith.constant 0 : i32
        %broadcast_in_dim3A_239 = vector.broadcast %broadcast_in_dim3A_238 : i32 to vector<16xi32>
        %add3A_240 = arith.constant 0 : i32
        %add3A_241 = vector.broadcast %add3A_240 : i32 to vector<16xi32>
        %add3A_242 = arith.addi %broadcast_in_dim3A_239, %add3A_241 : vector<16xi32>
        %gather3A_243 = tpu.vector_load_idx %arg20[%add3A_228, %add3A_242] : memref<64x16xf32, #tpu.memory_space<vmem>>[vector<16xi32>, vector<16xi32>], vector<16xf32>,
        %add3A_244 = arith.addf %gather3A, %gather3A_243 : vector<16xf32>
        %ge3A_245 = arith.constant 0.000000e+00 : f32
        %ge3A_246 = vector.broadcast %ge3A_245 : f32 to vector<16xf32>
        %ge3A_247 = arith.cmpf oge, %add3A_244, %ge3A_246 : vector<16xf32>
        %mul3A_248 = arith.constant 2.000000e-01 : f32
        %mul3A_249 = vector.broadcast %mul3A_248 : f32 to vector<16xf32>
        %mul3A_250 = arith.mulf %mul3A_249, %add3A_244 : vector<16xf32>
        %select_n3A_251 = arith.select %ge3A_247, %add3A_244, %mul3A_250 : vector<16xi1>, vector<16xf32>
        %exp3A = math.exp %select_n3A_251 : vector<16xf32>
        %mul3A_252 = arith.mulf %exp3A, %get3A_232 : vector<16xf32>
        tpu.vector_store_idx %arg22[%add3A_228, %add3A_237], %mul3A_252 : memref<64x112xf32, #tpu.memory_space<vmem>>[vector<16xi32>, vector<16xi32>], vector<16xf32>,
        %broadcast_in_dim3A_253 = arith.constant 0 : i32
        %broadcast_in_dim3A_254 = vector.broadcast %broadcast_in_dim3A_253 : i32 to vector<16xi32>
        %add3A_255 = arith.constant 105 : i32
        %add3A_256 = vector.broadcast %add3A_255 : i32 to vector<16xi32>
        %add3A_257 = arith.addi %broadcast_in_dim3A_254, %add3A_256 : vector<16xi32>
        %gather3A_258 = tpu.vector_load_idx %arg18[%add3A_228, %add3A_257] : memref<64x112xf32, #tpu.memory_space<vmem>>[vector<16xi32>, vector<16xi32>], vector<16xf32>,
        %broadcast_in_dim3A_259 = arith.constant 0 : i32
        %broadcast_in_dim3A_260 = vector.broadcast %broadcast_in_dim3A_259 : i32 to vector<16xi32>
        %add3A_261 = arith.constant 1 : i32
        %add3A_262 = vector.broadcast %add3A_261 : i32 to vector<16xi32>
        %add3A_263 = arith.addi %broadcast_in_dim3A_260, %add3A_262 : vector<16xi32>
        %gather3A_264 = tpu.vector_load_idx %arg20[%add3A_228, %add3A_263] : memref<64x16xf32, #tpu.memory_space<vmem>>[vector<16xi32>, vector<16xi32>], vector<16xf32>,
        %add3A_265 = arith.addf %gather3A_258, %gather3A_264 : vector<16xf32>
        %ge3A_266 = arith.constant 0.000000e+00 : f32
        %ge3A_267 = vector.broadcast %ge3A_266 : f32 to vector<16xf32>
        %ge3A_268 = arith.cmpf oge, %add3A_265, %ge3A_267 : vector<16xf32>
        %mul3A_269 = arith.constant 2.000000e-01 : f32
        %mul3A_270 = vector.broadcast %mul3A_269 : f32 to vector<16xf32>
        %mul3A_271 = arith.mulf %mul3A_270, %add3A_265 : vector<16xf32>
        %select_n3A_272 = arith.select %ge3A_268, %add3A_265, %mul3A_271 : vector<16xi1>, vector<16xf32>
        %exp3A_273 = math.exp %select_n3A_272 : vector<16xf32>
        %mul3A_274 = arith.mulf %exp3A_273, %get3A_232 : vector<16xf32>
        tpu.vector_store_idx %arg22[%add3A_228, %add3A_257], %mul3A_274 : memref<64x112xf32, #tpu.memory_space<vmem>>[vector<16xi32>, vector<16xi32>], vector<16xf32>,
        %broadcast_in_dim3A_275 = arith.constant 0 : i32
        %broadcast_in_dim3A_276 = vector.broadcast %broadcast_in_dim3A_275 : i32 to vector<16xi32>
        %add3A_277 = arith.constant 106 : i32
        %add3A_278 = vector.broadcast %add3A_277 : i32 to vector<16xi32>
        %add3A_279 = arith.addi %broadcast_in_dim3A_276, %add3A_278 : vector<16xi32>
        %gather3A_280 = tpu.vector_load_idx %arg18[%add3A_228, %add3A_279] : memref<64x112xf32, #tpu.memory_space<vmem>>[vector<16xi32>, vector<16xi32>], vector<16xf32>,
        %broadcast_in_dim3A_281 = arith.constant 0 : i32
        %broadcast_in_dim3A_282 = vector.broadcast %broadcast_in_dim3A_281 : i32 to vector<16xi32>
        %add3A_283 = arith.constant 2 : i32
        %add3A_284 = vector.broadcast %add3A_283 : i32 to vector<16xi32>
        %add3A_285 = arith.addi %broadcast_in_dim3A_282, %add3A_284 : vector<16xi32>
        %gather3A_286 = tpu.vector_load_idx %arg20[%add3A_228, %add3A_285] : memref<64x16xf32, #tpu.memory_space<vmem>>[vector<16xi32>, vector<16xi32>], vector<16xf32>,
        %add3A_287 = arith.addf %gather3A_280, %gather3A_286 : vector<16xf32>
        %ge3A_288 = arith.constant 0.000000e+00 : f32
        %ge3A_289 = vector.broadcast %ge3A_288 : f32 to vector<16xf32>
        %ge3A_290 = arith.cmpf oge, %add3A_287, %ge3A_289 : vector<16xf32>
        %mul3A_291 = arith.constant 2.000000e-01 : f32
        %mul3A_292 = vector.broadcast %mul3A_291 : f32 to vector<16xf32>
        %mul3A_293 = arith.mulf %mul3A_292, %add3A_287 : vector<16xf32>
        %select_n3A_294 = arith.select %ge3A_290, %add3A_287, %mul3A_293 : vector<16xi1>, vector<16xf32>
        %exp3A_295 = math.exp %select_n3A_294 : vector<16xf32>
        %mul3A_296 = arith.mulf %exp3A_295, %get3A_232 : vector<16xf32>
        tpu.vector_store_idx %arg22[%add3A_228, %add3A_279], %mul3A_296 : memref<64x112xf32, #tpu.memory_space<vmem>>[vector<16xi32>, vector<16xi32>], vector<16xf32>,
        %broadcast_in_dim3A_297 = arith.constant 0 : i32
        %broadcast_in_dim3A_298 = vector.broadcast %broadcast_in_dim3A_297 : i32 to vector<16xi32>
        %add3A_299 = arith.constant 107 : i32
        %add3A_300 = vector.broadcast %add3A_299 : i32 to vector<16xi32>
        %add3A_301 = arith.addi %broadcast_in_dim3A_298, %add3A_300 : vector<16xi32>
        %gather3A_302 = tpu.vector_load_idx %arg18[%add3A_228, %add3A_301] : memref<64x112xf32, #tpu.memory_space<vmem>>[vector<16xi32>, vector<16xi32>], vector<16xf32>,
        %broadcast_in_dim3A_303 = arith.constant 0 : i32
        %broadcast_in_dim3A_304 = vector.broadcast %broadcast_in_dim3A_303 : i32 to vector<16xi32>
        %add3A_305 = arith.constant 3 : i32
        %add3A_306 = vector.broadcast %add3A_305 : i32 to vector<16xi32>
        %add3A_307 = arith.addi %broadcast_in_dim3A_304, %add3A_306 : vector<16xi32>
        %gather3A_308 = tpu.vector_load_idx %arg20[%add3A_228, %add3A_307] : memref<64x16xf32, #tpu.memory_space<vmem>>[vector<16xi32>, vector<16xi32>], vector<16xf32>,
        %add3A_309 = arith.addf %gather3A_302, %gather3A_308 : vector<16xf32>
        %ge3A_310 = arith.constant 0.000000e+00 : f32
        %ge3A_311 = vector.broadcast %ge3A_310 : f32 to vector<16xf32>
        %ge3A_312 = arith.cmpf oge, %add3A_309, %ge3A_311 : vector<16xf32>
        %mul3A_313 = arith.constant 2.000000e-01 : f32
        %mul3A_314 = vector.broadcast %mul3A_313 : f32 to vector<16xf32>
        %mul3A_315 = arith.mulf %mul3A_314, %add3A_309 : vector<16xf32>
        %select_n3A_316 = arith.select %ge3A_312, %add3A_309, %mul3A_315 : vector<16xi1>, vector<16xf32>
        %exp3A_317 = math.exp %select_n3A_316 : vector<16xf32>
        %mul3A_318 = arith.mulf %exp3A_317, %get3A_232 : vector<16xf32>
        tpu.vector_store_idx %arg22[%add3A_228, %add3A_301], %mul3A_318 : memref<64x112xf32, #tpu.memory_space<vmem>>[vector<16xi32>, vector<16xi32>], vector<16xf32>,
        %broadcast_in_dim3A_319 = arith.constant 0 : i32
        %broadcast_in_dim3A_320 = vector.broadcast %broadcast_in_dim3A_319 : i32 to vector<16xi32>
        %add3A_321 = arith.constant 0 : i32
        %add3A_322 = vector.broadcast %add3A_321 : i32 to vector<16xi32>
        %add3A_323 = arith.addi %broadcast_in_dim3A_320, %add3A_322 : vector<16xi32>
        %gather3A_324 = tpu.vector_load_idx %arg18[%add3A_228, %add3A_323] : memref<64x112xf32, #tpu.memory_space<vmem>>[vector<16xi32>, vector<16xi32>], vector<16xf32>,
        %mul3A_325 = arith.mulf %gather3A_324, %mul3A_252 : vector<16xf32>
        tpu.vector_store_idx %arg22[%add3A_228, %add3A_323], %mul3A_325 : memref<64x112xf32, #tpu.memory_space<vmem>>[vector<16xi32>, vector<16xi32>], vector<16xf32>,
        %broadcast_in_dim3A_326 = arith.constant 0 : i32
        %broadcast_in_dim3A_327 = vector.broadcast %broadcast_in_dim3A_326 : i32 to vector<16xi32>
        %add3A_328 = arith.constant 1 : i32
        %add3A_329 = vector.broadcast %add3A_328 : i32 to vector<16xi32>
        %add3A_330 = arith.addi %broadcast_in_dim3A_327, %add3A_329 : vector<16xi32>
        %gather3A_331 = tpu.vector_load_idx %arg18[%add3A_228, %add3A_330] : memref<64x112xf32, #tpu.memory_space<vmem>>[vector<16xi32>, vector<16xi32>], vector<16xf32>,
        %mul3A_332 = arith.mulf %gather3A_331, %mul3A_252 : vector<16xf32>
        tpu.vector_store_idx %arg22[%add3A_228, %add3A_330], %mul3A_332 : memref<64x112xf32, #tpu.memory_space<vmem>>[vector<16xi32>, vector<16xi32>], vector<16xf32>,
        %broadcast_in_dim3A_333 = arith.constant 0 : i32
        %broadcast_in_dim3A_334 = vector.broadcast %broadcast_in_dim3A_333 : i32 to vector<16xi32>
        %add3A_335 = arith.constant 2 : i32
        %add3A_336 = vector.broadcast %add3A_335 : i32 to vector<16xi32>
        %add3A_337 = arith.addi %broadcast_in_dim3A_334, %add3A_336 : vector<16xi32>
        %gather3A_338 = tpu.vector_load_idx %arg18[%add3A_228, %add3A_337] : memref<64x112xf32, #tpu.memory_space<vmem>>[vector<16xi32>, vector<16xi32>], vector<16xf32>,
        %mul3A_339 = arith.mulf %gather3A_338, %mul3A_252 : vector<16xf32>
        tpu.vector_store_idx %arg22[%add3A_228, %add3A_337], %mul3A_339 : memref<64x112xf32, #tpu.memory_space<vmem>>[vector<16xi32>, vector<16xi32>], vector<16xf32>,
        %broadcast_in_dim3A_340 = arith.constant 0 : i32
        %broadcast_in_dim3A_341 = vector.broadcast %broadcast_in_dim3A_340 : i32 to vector<16xi32>
        %add3A_342 = arith.constant 3 : i32
        %add3A_343 = vector.broadcast %add3A_342 : i32 to vector<16xi32>
        %add3A_344 = arith.addi %broadcast_in_dim3A_341, %add3A_343 : vector<16xi32>
        %gather3A_345 = tpu.vector_load_idx %arg18[%add3A_228, %add3A_344] : memref<64x112xf32, #tpu.memory_space<vmem>>[vector<16xi32>, vector<16xi32>], vector<16xf32>,
        %mul3A_346 = arith.mulf %gather3A_345, %mul3A_252 : vector<16xf32>
        tpu.vector_store_idx %arg22[%add3A_228, %add3A_344], %mul3A_346 : memref<64x112xf32, #tpu.memory_space<vmem>>[vector<16xi32>, vector<16xi32>], vector<16xf32>,
        %broadcast_in_dim3A_347 = arith.constant 0 : i32
        %broadcast_in_dim3A_348 = vector.broadcast %broadcast_in_dim3A_347 : i32 to vector<16xi32>
        %add3A_349 = arith.constant 4 : i32
        %add3A_350 = vector.broadcast %add3A_349 : i32 to vector<16xi32>
        %add3A_351 = arith.addi %broadcast_in_dim3A_348, %add3A_350 : vector<16xi32>
        %gather3A_352 = tpu.vector_load_idx %arg18[%add3A_228, %add3A_351] : memref<64x112xf32, #tpu.memory_space<vmem>>[vector<16xi32>, vector<16xi32>], vector<16xf32>,
        %mul3A_353 = arith.mulf %gather3A_352, %mul3A_252 : vector<16xf32>
        tpu.vector_store_idx %arg22[%add3A_228, %add3A_351], %mul3A_353 : memref<64x112xf32, #tpu.memory_space<vmem>>[vector<16xi32>, vector<16xi32>], vector<16xf32>,
        %broadcast_in_dim3A_354 = arith.constant 0 : i32
        %broadcast_in_dim3A_355 = vector.broadcast %broadcast_in_dim3A_354 : i32 to vector<16xi32>
        %add3A_356 = arith.constant 5 : i32
        %add3A_357 = vector.broadcast %add3A_356 : i32 to vector<16xi32>
        %add3A_358 = arith.addi %broadcast_in_dim3A_355, %add3A_357 : vector<16xi32>
        %gather3A_359 = tpu.vector_load_idx %arg18[%add3A_228, %add3A_358] : memref<64x112xf32, #tpu.memory_space<vmem>>[vector<16xi32>, vector<16xi32>], vector<16xf32>,
        %mul3A_360 = arith.mulf %gather3A_359, %mul3A_252 : vector<16xf32>
        tpu.vector_store_idx %arg22[%add3A_228, %add3A_358], %mul3A_360 : memref<64x112xf32, #tpu.memory_space<vmem>>[vector<16xi32>, vector<16xi32>], vector<16xf32>,
        %broadcast_in_dim3A_361 = arith.constant 0 : i32
        %broadcast_in_dim3A_362 = vector.broadcast %broadcast_in_dim3A_361 : i32 to vector<16xi32>
        %add3A_363 = arith.constant 6 : i32
        %add3A_364 = vector.broadcast %add3A_363 : i32 to vector<16xi32>
        %add3A_365 = arith.addi %broadcast_in_dim3A_362, %add3A_364 : vector<16xi32>
        %gather3A_366 = tpu.vector_load_idx %arg18[%add3A_228, %add3A_365] : memref<64x112xf32, #tpu.memory_space<vmem>>[vector<16xi32>, vector<16xi32>], vector<16xf32>,
        %mul3A_367 = arith.mulf %gather3A_366, %mul3A_252 : vector<16xf32>
        tpu.vector_store_idx %arg22[%add3A_228, %add3A_365], %mul3A_367 : memref<64x112xf32, #tpu.memory_space<vmem>>[vector<16xi32>, vector<16xi32>], vector<16xf32>,
        %broadcast_in_dim3A_368 = arith.constant 0 : i32
        %broadcast_in_dim3A_369 = vector.broadcast %broadcast_in_dim3A_368 : i32 to vector<16xi32>
        %add3A_370 = arith.constant 7 : i32
        %add3A_371 = vector.broadcast %add3A_370 : i32 to vector<16xi32>
        %add3A_372 = arith.addi %broadcast_in_dim3A_369, %add3A_371 : vector<16xi32>
        %gather3A_373 = tpu.vector_load_idx %arg18[%add3A_228, %add3A_372] : memref<64x112xf32, #tpu.memory_space<vmem>>[vector<16xi32>, vector<16xi32>], vector<16xf32>,
        %mul3A_374 = arith.mulf %gather3A_373, %mul3A_252 : vector<16xf32>
        tpu.vector_store_idx %arg22[%add3A_228, %add3A_372], %mul3A_374 : memref<64x112xf32, #tpu.memory_space<vmem>>[vector<16xi32>, vector<16xi32>], vector<16xf32>,
        %broadcast_in_dim3A_375 = arith.constant 0 : i32
        %broadcast_in_dim3A_376 = vector.broadcast %broadcast_in_dim3A_375 : i32 to vector<16xi32>
        %add3A_377 = arith.constant 8 : i32
        %add3A_378 = vector.broadcast %add3A_377 : i32 to vector<16xi32>
        %add3A_379 = arith.addi %broadcast_in_dim3A_376, %add3A_378 : vector<16xi32>
        %gather3A_380 = tpu.vector_load_idx %arg18[%add3A_228, %add3A_379] : memref<64x112xf32, #tpu.memory_space<vmem>>[vector<16xi32>, vector<16xi32>], vector<16xf32>,
        %mul3A_381 = arith.mulf %gather3A_380, %mul3A_252 : vector<16xf32>
        tpu.vector_store_idx %arg22[%add3A_228, %add3A_379], %mul3A_381 : memref<64x112xf32, #tpu.memory_space<vmem>>[vector<16xi32>, vector<16xi32>], vector<16xf32>,
        %broadcast_in_dim3A_382 = arith.constant 0 : i32
        %broadcast_in_dim3A_383 = vector.broadcast %broadcast_in_dim3A_382 : i32 to vector<16xi32>
        %add3A_384 = arith.constant 9 : i32
        %add3A_385 = vector.broadcast %add3A_384 : i32 to vector<16xi32>
        %add3A_386 = arith.addi %broadcast_in_dim3A_383, %add3A_385 : vector<16xi32>
        %gather3A_387 = tpu.vector_load_idx %arg18[%add3A_228, %add3A_386] : memref<64x112xf32, #tpu.memory_space<vmem>>[vector<16xi32>, vector<16xi32>], vector<16xf32>,
        %mul3A_388 = arith.mulf %gather3A_387, %mul3A_252 : vector<16xf32>
        tpu.vector_store_idx %arg22[%add3A_228, %add3A_386], %mul3A_388 : memref<64x112xf32, #tpu.memory_space<vmem>>[vector<16xi32>, vector<16xi32>], vector<16xf32>,
        %broadcast_in_dim3A_389 = arith.constant 0 : i32
        %broadcast_in_dim3A_390 = vector.broadcast %broadcast_in_dim3A_389 : i32 to vector<16xi32>
        %add3A_391 = arith.constant 10 : i32
        %add3A_392 = vector.broadcast %add3A_391 : i32 to vector<16xi32>
        %add3A_393 = arith.addi %broadcast_in_dim3A_390, %add3A_392 : vector<16xi32>
        %gather3A_394 = tpu.vector_load_idx %arg18[%add3A_228, %add3A_393] : memref<64x112xf32, #tpu.memory_space<vmem>>[vector<16xi32>, vector<16xi32>], vector<16xf32>,
        %mul3A_395 = arith.mulf %gather3A_394, %mul3A_252 : vector<16xf32>
        tpu.vector_store_idx %arg22[%add3A_228, %add3A_393], %mul3A_395 : memref<64x112xf32, #tpu.memory_space<vmem>>[vector<16xi32>, vector<16xi32>], vector<16xf32>,
        %broadcast_in_dim3A_396 = arith.constant 0 : i32
        %broadcast_in_dim3A_397 = vector.broadcast %broadcast_in_dim3A_396 : i32 to vector<16xi32>
        %add3A_398 = arith.constant 11 : i32
        %add3A_399 = vector.broadcast %add3A_398 : i32 to vector<16xi32>
        %add3A_400 = arith.addi %broadcast_in_dim3A_397, %add3A_399 : vector<16xi32>
        %gather3A_401 = tpu.vector_load_idx %arg18[%add3A_228, %add3A_400] : memref<64x112xf32, #tpu.memory_space<vmem>>[vector<16xi32>, vector<16xi32>], vector<16xf32>,
        %mul3A_402 = arith.mulf %gather3A_401, %mul3A_252 : vector<16xf32>
        tpu.vector_store_idx %arg22[%add3A_228, %add3A_400], %mul3A_402 : memref<64x112xf32, #tpu.memory_space<vmem>>[vector<16xi32>, vector<16xi32>], vector<16xf32>,
        %broadcast_in_dim3A_403 = arith.constant 0 : i32
        %broadcast_in_dim3A_404 = vector.broadcast %broadcast_in_dim3A_403 : i32 to vector<16xi32>
        %add3A_405 = arith.constant 12 : i32
        %add3A_406 = vector.broadcast %add3A_405 : i32 to vector<16xi32>
        %add3A_407 = arith.addi %broadcast_in_dim3A_404, %add3A_406 : vector<16xi32>
        %gather3A_408 = tpu.vector_load_idx %arg18[%add3A_228, %add3A_407] : memref<64x112xf32, #tpu.memory_space<vmem>>[vector<16xi32>, vector<16xi32>], vector<16xf32>,
        %mul3A_409 = arith.mulf %gather3A_408, %mul3A_252 : vector<16xf32>
        tpu.vector_store_idx %arg22[%add3A_228, %add3A_407], %mul3A_409 : memref<64x112xf32, #tpu.memory_space<vmem>>[vector<16xi32>, vector<16xi32>], vector<16xf32>,
        %broadcast_in_dim3A_410 = arith.constant 0 : i32
        %broadcast_in_dim3A_411 = vector.broadcast %broadcast_in_dim3A_410 : i32 to vector<16xi32>
        %add3A_412 = arith.constant 13 : i32
        %add3A_413 = vector.broadcast %add3A_412 : i32 to vector<16xi32>
        %add3A_414 = arith.addi %broadcast_in_dim3A_411, %add3A_413 : vector<16xi32>
        %gather3A_415 = tpu.vector_load_idx %arg18[%add3A_228, %add3A_414] : memref<64x112xf32, #tpu.memory_space<vmem>>[vector<16xi32>, vector<16xi32>], vector<16xf32>,
        %mul3A_416 = arith.mulf %gather3A_415, %mul3A_252 : vector<16xf32>
        tpu.vector_store_idx %arg22[%add3A_228, %add3A_414], %mul3A_416 : memref<64x112xf32, #tpu.memory_space<vmem>>[vector<16xi32>, vector<16xi32>], vector<16xf32>,
        %broadcast_in_dim3A_417 = arith.constant 0 : i32
        %broadcast_in_dim3A_418 = vector.broadcast %broadcast_in_dim3A_417 : i32 to vector<16xi32>
        %add3A_419 = arith.constant 14 : i32
        %add3A_420 = vector.broadcast %add3A_419 : i32 to vector<16xi32>
        %add3A_421 = arith.addi %broadcast_in_dim3A_418, %add3A_420 : vector<16xi32>
        %gather3A_422 = tpu.vector_load_idx %arg18[%add3A_228, %add3A_421] : memref<64x112xf32, #tpu.memory_space<vmem>>[vector<16xi32>, vector<16xi32>], vector<16xf32>,
        %mul3A_423 = arith.mulf %gather3A_422, %mul3A_252 : vector<16xf32>
        tpu.vector_store_idx %arg22[%add3A_228, %add3A_421], %mul3A_423 : memref<64x112xf32, #tpu.memory_space<vmem>>[vector<16xi32>, vector<16xi32>], vector<16xf32>,
        %broadcast_in_dim3A_424 = arith.constant 0 : i32
        %broadcast_in_dim3A_425 = vector.broadcast %broadcast_in_dim3A_424 : i32 to vector<16xi32>
        %add3A_426 = arith.constant 15 : i32
        %add3A_427 = vector.broadcast %add3A_426 : i32 to vector<16xi32>
        %add3A_428 = arith.addi %broadcast_in_dim3A_425, %add3A_427 : vector<16xi32>
        %gather3A_429 = tpu.vector_load_idx %arg18[%add3A_228, %add3A_428] : memref<64x112xf32, #tpu.memory_space<vmem>>[vector<16xi32>, vector<16xi32>], vector<16xf32>,
        %mul3A_430 = arith.mulf %gather3A_429, %mul3A_252 : vector<16xf32>
        tpu.vector_store_idx %arg22[%add3A_228, %add3A_428], %mul3A_430 : memref<64x112xf32, #tpu.memory_space<vmem>>[vector<16xi32>, vector<16xi32>], vector<16xf32>,
        %broadcast_in_dim3A_431 = arith.constant 0 : i32
        %broadcast_in_dim3A_432 = vector.broadcast %broadcast_in_dim3A_431 : i32 to vector<16xi32>
        %add3A_433 = arith.constant 16 : i32
        %add3A_434 = vector.broadcast %add3A_433 : i32 to vector<16xi32>
        %add3A_435 = arith.addi %broadcast_in_dim3A_432, %add3A_434 : vector<16xi32>
        %gather3A_436 = tpu.vector_load_idx %arg18[%add3A_228, %add3A_435] : memref<64x112xf32, #tpu.memory_space<vmem>>[vector<16xi32>, vector<16xi32>], vector<16xf32>,
        %mul3A_437 = arith.mulf %gather3A_436, %mul3A_252 : vector<16xf32>
        tpu.vector_store_idx %arg22[%add3A_228, %add3A_435], %mul3A_437 : memref<64x112xf32, #tpu.memory_space<vmem>>[vector<16xi32>, vector<16xi32>], vector<16xf32>,
        %broadcast_in_dim3A_438 = arith.constant 0 : i32
        %broadcast_in_dim3A_439 = vector.broadcast %broadcast_in_dim3A_438 : i32 to vector<16xi32>
        %add3A_440 = arith.constant 17 : i32
        %add3A_441 = vector.broadcast %add3A_440 : i32 to vector<16xi32>
        %add3A_442 = arith.addi %broadcast_in_dim3A_439, %add3A_441 : vector<16xi32>
        %gather3A_443 = tpu.vector_load_idx %arg18[%add3A_228, %add3A_442] : memref<64x112xf32, #tpu.memory_space<vmem>>[vector<16xi32>, vector<16xi32>], vector<16xf32>,
        %mul3A_444 = arith.mulf %gather3A_443, %mul3A_252 : vector<16xf32>
        tpu.vector_store_idx %arg22[%add3A_228, %add3A_442], %mul3A_444 : memref<64x112xf32, #tpu.memory_space<vmem>>[vector<16xi32>, vector<16xi32>], vector<16xf32>,
        %broadcast_in_dim3A_445 = arith.constant 0 : i32
        %broadcast_in_dim3A_446 = vector.broadcast %broadcast_in_dim3A_445 : i32 to vector<16xi32>
        %add3A_447 = arith.constant 18 : i32
        %add3A_448 = vector.broadcast %add3A_447 : i32 to vector<16xi32>
        %add3A_449 = arith.addi %broadcast_in_dim3A_446, %add3A_448 : vector<16xi32>
        %gather3A_450 = tpu.vector_load_idx %arg18[%add3A_228, %add3A_449] : memref<64x112xf32, #tpu.memory_space<vmem>>[vector<16xi32>, vector<16xi32>], vector<16xf32>,
        %mul3A_451 = arith.mulf %gather3A_450, %mul3A_252 : vector<16xf32>
        tpu.vector_store_idx %arg22[%add3A_228, %add3A_449], %mul3A_451 : memref<64x112xf32, #tpu.memory_space<vmem>>[vector<16xi32>, vector<16xi32>], vector<16xf32>,
        %broadcast_in_dim3A_452 = arith.constant 0 : i32
        %broadcast_in_dim3A_453 = vector.broadcast %broadcast_in_dim3A_452 : i32 to vector<16xi32>
        %add3A_454 = arith.constant 19 : i32
        %add3A_455 = vector.broadcast %add3A_454 : i32 to vector<16xi32>
        %add3A_456 = arith.addi %broadcast_in_dim3A_453, %add3A_455 : vector<16xi32>
        %gather3A_457 = tpu.vector_load_idx %arg18[%add3A_228, %add3A_456] : memref<64x112xf32, #tpu.memory_space<vmem>>[vector<16xi32>, vector<16xi32>], vector<16xf32>,
        %mul3A_458 = arith.mulf %gather3A_457, %mul3A_252 : vector<16xf32>
        tpu.vector_store_idx %arg22[%add3A_228, %add3A_456], %mul3A_458 : memref<64x112xf32, #tpu.memory_space<vmem>>[vector<16xi32>, vector<16xi32>], vector<16xf32>,
        %broadcast_in_dim3A_459 = arith.constant 0 : i32
        %broadcast_in_dim3A_460 = vector.broadcast %broadcast_in_dim3A_459 : i32 to vector<16xi32>
        %add3A_461 = arith.constant 20 : i32
        %add3A_462 = vector.broadcast %add3A_461 : i32 to vector<16xi32>
        %add3A_463 = arith.addi %broadcast_in_dim3A_460, %add3A_462 : vector<16xi32>
        %gather3A_464 = tpu.vector_load_idx %arg18[%add3A_228, %add3A_463] : memref<64x112xf32, #tpu.memory_space<vmem>>[vector<16xi32>, vector<16xi32>], vector<16xf32>,
        %mul3A_465 = arith.mulf %gather3A_464, %mul3A_252 : vector<16xf32>
        tpu.vector_store_idx %arg22[%add3A_228, %add3A_463], %mul3A_465 : memref<64x112xf32, #tpu.memory_space<vmem>>[vector<16xi32>, vector<16xi32>], vector<16xf32>,
        %broadcast_in_dim3A_466 = arith.constant 0 : i32
        %broadcast_in_dim3A_467 = vector.broadcast %broadcast_in_dim3A_466 : i32 to vector<16xi32>
        %add3A_468 = arith.constant 21 : i32
        %add3A_469 = vector.broadcast %add3A_468 : i32 to vector<16xi32>
        %add3A_470 = arith.addi %broadcast_in_dim3A_467, %add3A_469 : vector<16xi32>
        %gather3A_471 = tpu.vector_load_idx %arg18[%add3A_228, %add3A_470] : memref<64x112xf32, #tpu.memory_space<vmem>>[vector<16xi32>, vector<16xi32>], vector<16xf32>,
        %mul3A_472 = arith.mulf %gather3A_471, %mul3A_252 : vector<16xf32>
        tpu.vector_store_idx %arg22[%add3A_228, %add3A_470], %mul3A_472 : memref<64x112xf32, #tpu.memory_space<vmem>>[vector<16xi32>, vector<16xi32>], vector<16xf32>,
        %broadcast_in_dim3A_473 = arith.constant 0 : i32
        %broadcast_in_dim3A_474 = vector.broadcast %broadcast_in_dim3A_473 : i32 to vector<16xi32>
        %add3A_475 = arith.constant 22 : i32
        %add3A_476 = vector.broadcast %add3A_475 : i32 to vector<16xi32>
        %add3A_477 = arith.addi %broadcast_in_dim3A_474, %add3A_476 : vector<16xi32>
        %gather3A_478 = tpu.vector_load_idx %arg18[%add3A_228, %add3A_477] : memref<64x112xf32, #tpu.memory_space<vmem>>[vector<16xi32>, vector<16xi32>], vector<16xf32>,
        %mul3A_479 = arith.mulf %gather3A_478, %mul3A_252 : vector<16xf32>
        tpu.vector_store_idx %arg22[%add3A_228, %add3A_477], %mul3A_479 : memref<64x112xf32, #tpu.memory_space<vmem>>[vector<16xi32>, vector<16xi32>], vector<16xf32>,
        %broadcast_in_dim3A_480 = arith.constant 0 : i32
        %broadcast_in_dim3A_481 = vector.broadcast %broadcast_in_dim3A_480 : i32 to vector<16xi32>
        %add3A_482 = arith.constant 23 : i32
        %add3A_483 = vector.broadcast %add3A_482 : i32 to vector<16xi32>
        %add3A_484 = arith.addi %broadcast_in_dim3A_481, %add3A_483 : vector<16xi32>
        %gather3A_485 = tpu.vector_load_idx %arg18[%add3A_228, %add3A_484] : memref<64x112xf32, #tpu.memory_space<vmem>>[vector<16xi32>, vector<16xi32>], vector<16xf32>,
        %mul3A_486 = arith.mulf %gather3A_485, %mul3A_252 : vector<16xf32>
        tpu.vector_store_idx %arg22[%add3A_228, %add3A_484], %mul3A_486 : memref<64x112xf32, #tpu.memory_space<vmem>>[vector<16xi32>, vector<16xi32>], vector<16xf32>,
        %broadcast_in_dim3A_487 = arith.constant 0 : i32
        %broadcast_in_dim3A_488 = vector.broadcast %broadcast_in_dim3A_487 : i32 to vector<16xi32>
        %add3A_489 = arith.constant 24 : i32
        %add3A_490 = vector.broadcast %add3A_489 : i32 to vector<16xi32>
        %add3A_491 = arith.addi %broadcast_in_dim3A_488, %add3A_490 : vector<16xi32>
        %gather3A_492 = tpu.vector_load_idx %arg18[%add3A_228, %add3A_491] : memref<64x112xf32, #tpu.memory_space<vmem>>[vector<16xi32>, vector<16xi32>], vector<16xf32>,
        %mul3A_493 = arith.mulf %gather3A_492, %mul3A_252 : vector<16xf32>
        tpu.vector_store_idx %arg22[%add3A_228, %add3A_491], %mul3A_493 : memref<64x112xf32, #tpu.memory_space<vmem>>[vector<16xi32>, vector<16xi32>], vector<16xf32>,
        %broadcast_in_dim3A_494 = arith.constant 0 : i32
        %broadcast_in_dim3A_495 = vector.broadcast %broadcast_in_dim3A_494 : i32 to vector<16xi32>
        %add3A_496 = arith.constant 25 : i32
        %add3A_497 = vector.broadcast %add3A_496 : i32 to vector<16xi32>
        %add3A_498 = arith.addi %broadcast_in_dim3A_495, %add3A_497 : vector<16xi32>
        %gather3A_499 = tpu.vector_load_idx %arg18[%add3A_228, %add3A_498] : memref<64x112xf32, #tpu.memory_space<vmem>>[vector<16xi32>, vector<16xi32>], vector<16xf32>,
        %mul3A_500 = arith.mulf %gather3A_499, %mul3A_252 : vector<16xf32>
        tpu.vector_store_idx %arg22[%add3A_228, %add3A_498], %mul3A_500 : memref<64x112xf32, #tpu.memory_space<vmem>>[vector<16xi32>, vector<16xi32>], vector<16xf32>,
        %broadcast_in_dim3A_501 = arith.constant 0 : i32
        %broadcast_in_dim3A_502 = vector.broadcast %broadcast_in_dim3A_501 : i32 to vector<16xi32>
        %add3A_503 = arith.constant 26 : i32
        %add3A_504 = vector.broadcast %add3A_503 : i32 to vector<16xi32>
        %add3A_505 = arith.addi %broadcast_in_dim3A_502, %add3A_504 : vector<16xi32>
        %gather3A_506 = tpu.vector_load_idx %arg18[%add3A_228, %add3A_505] : memref<64x112xf32, #tpu.memory_space<vmem>>[vector<16xi32>, vector<16xi32>], vector<16xf32>,
        %mul3A_507 = arith.mulf %gather3A_506, %mul3A_274 : vector<16xf32>
        tpu.vector_store_idx %arg22[%add3A_228, %add3A_505], %mul3A_507 : memref<64x112xf32, #tpu.memory_space<vmem>>[vector<16xi32>, vector<16xi32>], vector<16xf32>,
        %broadcast_in_dim3A_508 = arith.constant 0 : i32
        %broadcast_in_dim3A_509 = vector.broadcast %broadcast_in_dim3A_508 : i32 to vector<16xi32>
        %add3A_510 = arith.constant 27 : i32
        %add3A_511 = vector.broadcast %add3A_510 : i32 to vector<16xi32>
        %add3A_512 = arith.addi %broadcast_in_dim3A_509, %add3A_511 : vector<16xi32>
        %gather3A_513 = tpu.vector_load_idx %arg18[%add3A_228, %add3A_512] : memref<64x112xf32, #tpu.memory_space<vmem>>[vector<16xi32>, vector<16xi32>], vector<16xf32>,
        %mul3A_514 = arith.mulf %gather3A_513, %mul3A_274 : vector<16xf32>
        tpu.vector_store_idx %arg22[%add3A_228, %add3A_512], %mul3A_514 : memref<64x112xf32, #tpu.memory_space<vmem>>[vector<16xi32>, vector<16xi32>], vector<16xf32>,
        %broadcast_in_dim3A_515 = arith.constant 0 : i32
        %broadcast_in_dim3A_516 = vector.broadcast %broadcast_in_dim3A_515 : i32 to vector<16xi32>
        %add3A_517 = arith.constant 28 : i32
        %add3A_518 = vector.broadcast %add3A_517 : i32 to vector<16xi32>
        %add3A_519 = arith.addi %broadcast_in_dim3A_516, %add3A_518 : vector<16xi32>
        %gather3A_520 = tpu.vector_load_idx %arg18[%add3A_228, %add3A_519] : memref<64x112xf32, #tpu.memory_space<vmem>>[vector<16xi32>, vector<16xi32>], vector<16xf32>,
        %mul3A_521 = arith.mulf %gather3A_520, %mul3A_274 : vector<16xf32>
        tpu.vector_store_idx %arg22[%add3A_228, %add3A_519], %mul3A_521 : memref<64x112xf32, #tpu.memory_space<vmem>>[vector<16xi32>, vector<16xi32>], vector<16xf32>,
        %broadcast_in_dim3A_522 = arith.constant 0 : i32
        %broadcast_in_dim3A_523 = vector.broadcast %broadcast_in_dim3A_522 : i32 to vector<16xi32>
        %add3A_524 = arith.constant 29 : i32
        %add3A_525 = vector.broadcast %add3A_524 : i32 to vector<16xi32>
        %add3A_526 = arith.addi %broadcast_in_dim3A_523, %add3A_525 : vector<16xi32>
        %gather3A_527 = tpu.vector_load_idx %arg18[%add3A_228, %add3A_526] : memref<64x112xf32, #tpu.memory_space<vmem>>[vector<16xi32>, vector<16xi32>], vector<16xf32>,
        %mul3A_528 = arith.mulf %gather3A_527, %mul3A_274 : vector<16xf32>
        tpu.vector_store_idx %arg22[%add3A_228, %add3A_526], %mul3A_528 : memref<64x112xf32, #tpu.memory_space<vmem>>[vector<16xi32>, vector<16xi32>], vector<16xf32>,
        %broadcast_in_dim3A_529 = arith.constant 0 : i32
        %broadcast_in_dim3A_530 = vector.broadcast %broadcast_in_dim3A_529 : i32 to vector<16xi32>
        %add3A_531 = arith.constant 30 : i32
        %add3A_532 = vector.broadcast %add3A_531 : i32 to vector<16xi32>
        %add3A_533 = arith.addi %broadcast_in_dim3A_530, %add3A_532 : vector<16xi32>
        %gather3A_534 = tpu.vector_load_idx %arg18[%add3A_228, %add3A_533] : memref<64x112xf32, #tpu.memory_space<vmem>>[vector<16xi32>, vector<16xi32>], vector<16xf32>,
        %mul3A_535 = arith.mulf %gather3A_534, %mul3A_274 : vector<16xf32>
        tpu.vector_store_idx %arg22[%add3A_228, %add3A_533], %mul3A_535 : memref<64x112xf32, #tpu.memory_space<vmem>>[vector<16xi32>, vector<16xi32>], vector<16xf32>,
        %broadcast_in_dim3A_536 = arith.constant 0 : i32
        %broadcast_in_dim3A_537 = vector.broadcast %broadcast_in_dim3A_536 : i32 to vector<16xi32>
        %add3A_538 = arith.constant 31 : i32
        %add3A_539 = vector.broadcast %add3A_538 : i32 to vector<16xi32>
        %add3A_540 = arith.addi %broadcast_in_dim3A_537, %add3A_539 : vector<16xi32>
        %gather3A_541 = tpu.vector_load_idx %arg18[%add3A_228, %add3A_540] : memref<64x112xf32, #tpu.memory_space<vmem>>[vector<16xi32>, vector<16xi32>], vector<16xf32>,
        %mul3A_542 = arith.mulf %gather3A_541, %mul3A_274 : vector<16xf32>
        tpu.vector_store_idx %arg22[%add3A_228, %add3A_540], %mul3A_542 : memref<64x112xf32, #tpu.memory_space<vmem>>[vector<16xi32>, vector<16xi32>], vector<16xf32>,
        %broadcast_in_dim3A_543 = arith.constant 0 : i32
        %broadcast_in_dim3A_544 = vector.broadcast %broadcast_in_dim3A_543 : i32 to vector<16xi32>
        %add3A_545 = arith.constant 32 : i32
        %add3A_546 = vector.broadcast %add3A_545 : i32 to vector<16xi32>
        %add3A_547 = arith.addi %broadcast_in_dim3A_544, %add3A_546 : vector<16xi32>
        %gather3A_548 = tpu.vector_load_idx %arg18[%add3A_228, %add3A_547] : memref<64x112xf32, #tpu.memory_space<vmem>>[vector<16xi32>, vector<16xi32>], vector<16xf32>,
        %mul3A_549 = arith.mulf %gather3A_548, %mul3A_274 : vector<16xf32>
        tpu.vector_store_idx %arg22[%add3A_228, %add3A_547], %mul3A_549 : memref<64x112xf32, #tpu.memory_space<vmem>>[vector<16xi32>, vector<16xi32>], vector<16xf32>,
        %broadcast_in_dim3A_550 = arith.constant 0 : i32
        %broadcast_in_dim3A_551 = vector.broadcast %broadcast_in_dim3A_550 : i32 to vector<16xi32>
        %add3A_552 = arith.constant 33 : i32
        %add3A_553 = vector.broadcast %add3A_552 : i32 to vector<16xi32>
        %add3A_554 = arith.addi %broadcast_in_dim3A_551, %add3A_553 : vector<16xi32>
        %gather3A_555 = tpu.vector_load_idx %arg18[%add3A_228, %add3A_554] : memref<64x112xf32, #tpu.memory_space<vmem>>[vector<16xi32>, vector<16xi32>], vector<16xf32>,
        %mul3A_556 = arith.mulf %gather3A_555, %mul3A_274 : vector<16xf32>
        tpu.vector_store_idx %arg22[%add3A_228, %add3A_554], %mul3A_556 : memref<64x112xf32, #tpu.memory_space<vmem>>[vector<16xi32>, vector<16xi32>], vector<16xf32>,
        %broadcast_in_dim3A_557 = arith.constant 0 : i32
        %broadcast_in_dim3A_558 = vector.broadcast %broadcast_in_dim3A_557 : i32 to vector<16xi32>
        %add3A_559 = arith.constant 34 : i32
        %add3A_560 = vector.broadcast %add3A_559 : i32 to vector<16xi32>
        %add3A_561 = arith.addi %broadcast_in_dim3A_558, %add3A_560 : vector<16xi32>
        %gather3A_562 = tpu.vector_load_idx %arg18[%add3A_228, %add3A_561] : memref<64x112xf32, #tpu.memory_space<vmem>>[vector<16xi32>, vector<16xi32>], vector<16xf32>,
        %mul3A_563 = arith.mulf %gather3A_562, %mul3A_274 : vector<16xf32>
        tpu.vector_store_idx %arg22[%add3A_228, %add3A_561], %mul3A_563 : memref<64x112xf32, #tpu.memory_space<vmem>>[vector<16xi32>, vector<16xi32>], vector<16xf32>,
        %broadcast_in_dim3A_564 = arith.constant 0 : i32
        %broadcast_in_dim3A_565 = vector.broadcast %broadcast_in_dim3A_564 : i32 to vector<16xi32>
        %add3A_566 = arith.constant 35 : i32
        %add3A_567 = vector.broadcast %add3A_566 : i32 to vector<16xi32>
        %add3A_568 = arith.addi %broadcast_in_dim3A_565, %add3A_567 : vector<16xi32>
        %gather3A_569 = tpu.vector_load_idx %arg18[%add3A_228, %add3A_568] : memref<64x112xf32, #tpu.memory_space<vmem>>[vector<16xi32>, vector<16xi32>], vector<16xf32>,
        %mul3A_570 = arith.mulf %gather3A_569, %mul3A_274 : vector<16xf32>
        tpu.vector_store_idx %arg22[%add3A_228, %add3A_568], %mul3A_570 : memref<64x112xf32, #tpu.memory_space<vmem>>[vector<16xi32>, vector<16xi32>], vector<16xf32>,
        %broadcast_in_dim3A_571 = arith.constant 0 : i32
        %broadcast_in_dim3A_572 = vector.broadcast %broadcast_in_dim3A_571 : i32 to vector<16xi32>
        %add3A_573 = arith.constant 36 : i32
        %add3A_574 = vector.broadcast %add3A_573 : i32 to vector<16xi32>
        %add3A_575 = arith.addi %broadcast_in_dim3A_572, %add3A_574 : vector<16xi32>
        %gather3A_576 = tpu.vector_load_idx %arg18[%add3A_228, %add3A_575] : memref<64x112xf32, #tpu.memory_space<vmem>>[vector<16xi32>, vector<16xi32>], vector<16xf32>,
        %mul3A_577 = arith.mulf %gather3A_576, %mul3A_274 : vector<16xf32>
        tpu.vector_store_idx %arg22[%add3A_228, %add3A_575], %mul3A_577 : memref<64x112xf32, #tpu.memory_space<vmem>>[vector<16xi32>, vector<16xi32>], vector<16xf32>,
        %broadcast_in_dim3A_578 = arith.constant 0 : i32
        %broadcast_in_dim3A_579 = vector.broadcast %broadcast_in_dim3A_578 : i32 to vector<16xi32>
        %add3A_580 = arith.constant 37 : i32
        %add3A_581 = vector.broadcast %add3A_580 : i32 to vector<16xi32>
        %add3A_582 = arith.addi %broadcast_in_dim3A_579, %add3A_581 : vector<16xi32>
        %gather3A_583 = tpu.vector_load_idx %arg18[%add3A_228, %add3A_582] : memref<64x112xf32, #tpu.memory_space<vmem>>[vector<16xi32>, vector<16xi32>], vector<16xf32>,
        %mul3A_584 = arith.mulf %gather3A_583, %mul3A_274 : vector<16xf32>
        tpu.vector_store_idx %arg22[%add3A_228, %add3A_582], %mul3A_584 : memref<64x112xf32, #tpu.memory_space<vmem>>[vector<16xi32>, vector<16xi32>], vector<16xf32>,
        %broadcast_in_dim3A_585 = arith.constant 0 : i32
        %broadcast_in_dim3A_586 = vector.broadcast %broadcast_in_dim3A_585 : i32 to vector<16xi32>
        %add3A_587 = arith.constant 38 : i32
        %add3A_588 = vector.broadcast %add3A_587 : i32 to vector<16xi32>
        %add3A_589 = arith.addi %broadcast_in_dim3A_586, %add3A_588 : vector<16xi32>
        %gather3A_590 = tpu.vector_load_idx %arg18[%add3A_228, %add3A_589] : memref<64x112xf32, #tpu.memory_space<vmem>>[vector<16xi32>, vector<16xi32>], vector<16xf32>,
        %mul3A_591 = arith.mulf %gather3A_590, %mul3A_274 : vector<16xf32>
        tpu.vector_store_idx %arg22[%add3A_228, %add3A_589], %mul3A_591 : memref<64x112xf32, #tpu.memory_space<vmem>>[vector<16xi32>, vector<16xi32>], vector<16xf32>,
        %broadcast_in_dim3A_592 = arith.constant 0 : i32
        %broadcast_in_dim3A_593 = vector.broadcast %broadcast_in_dim3A_592 : i32 to vector<16xi32>
        %add3A_594 = arith.constant 39 : i32
        %add3A_595 = vector.broadcast %add3A_594 : i32 to vector<16xi32>
        %add3A_596 = arith.addi %broadcast_in_dim3A_593, %add3A_595 : vector<16xi32>
        %gather3A_597 = tpu.vector_load_idx %arg18[%add3A_228, %add3A_596] : memref<64x112xf32, #tpu.memory_space<vmem>>[vector<16xi32>, vector<16xi32>], vector<16xf32>,
        %mul3A_598 = arith.mulf %gather3A_597, %mul3A_274 : vector<16xf32>
        tpu.vector_store_idx %arg22[%add3A_228, %add3A_596], %mul3A_598 : memref<64x112xf32, #tpu.memory_space<vmem>>[vector<16xi32>, vector<16xi32>], vector<16xf32>,
        %broadcast_in_dim3A_599 = arith.constant 0 : i32
        %broadcast_in_dim3A_600 = vector.broadcast %broadcast_in_dim3A_599 : i32 to vector<16xi32>
        %add3A_601 = arith.constant 40 : i32
        %add3A_602 = vector.broadcast %add3A_601 : i32 to vector<16xi32>
        %add3A_603 = arith.addi %broadcast_in_dim3A_600, %add3A_602 : vector<16xi32>
        %gather3A_604 = tpu.vector_load_idx %arg18[%add3A_228, %add3A_603] : memref<64x112xf32, #tpu.memory_space<vmem>>[vector<16xi32>, vector<16xi32>], vector<16xf32>,
        %mul3A_605 = arith.mulf %gather3A_604, %mul3A_274 : vector<16xf32>
        tpu.vector_store_idx %arg22[%add3A_228, %add3A_603], %mul3A_605 : memref<64x112xf32, #tpu.memory_space<vmem>>[vector<16xi32>, vector<16xi32>], vector<16xf32>,
        %broadcast_in_dim3A_606 = arith.constant 0 : i32
        %broadcast_in_dim3A_607 = vector.broadcast %broadcast_in_dim3A_606 : i32 to vector<16xi32>
        %add3A_608 = arith.constant 41 : i32
        %add3A_609 = vector.broadcast %add3A_608 : i32 to vector<16xi32>
        %add3A_610 = arith.addi %broadcast_in_dim3A_607, %add3A_609 : vector<16xi32>
        %gather3A_611 = tpu.vector_load_idx %arg18[%add3A_228, %add3A_610] : memref<64x112xf32, #tpu.memory_space<vmem>>[vector<16xi32>, vector<16xi32>], vector<16xf32>,
        %mul3A_612 = arith.mulf %gather3A_611, %mul3A_274 : vector<16xf32>
        tpu.vector_store_idx %arg22[%add3A_228, %add3A_610], %mul3A_612 : memref<64x112xf32, #tpu.memory_space<vmem>>[vector<16xi32>, vector<16xi32>], vector<16xf32>,
        %broadcast_in_dim3A_613 = arith.constant 0 : i32
        %broadcast_in_dim3A_614 = vector.broadcast %broadcast_in_dim3A_613 : i32 to vector<16xi32>
        %add3A_615 = arith.constant 42 : i32
        %add3A_616 = vector.broadcast %add3A_615 : i32 to vector<16xi32>
        %add3A_617 = arith.addi %broadcast_in_dim3A_614, %add3A_616 : vector<16xi32>
        %gather3A_618 = tpu.vector_load_idx %arg18[%add3A_228, %add3A_617] : memref<64x112xf32, #tpu.memory_space<vmem>>[vector<16xi32>, vector<16xi32>], vector<16xf32>,
        %mul3A_619 = arith.mulf %gather3A_618, %mul3A_274 : vector<16xf32>
        tpu.vector_store_idx %arg22[%add3A_228, %add3A_617], %mul3A_619 : memref<64x112xf32, #tpu.memory_space<vmem>>[vector<16xi32>, vector<16xi32>], vector<16xf32>,
        %broadcast_in_dim3A_620 = arith.constant 0 : i32
        %broadcast_in_dim3A_621 = vector.broadcast %broadcast_in_dim3A_620 : i32 to vector<16xi32>
        %add3A_622 = arith.constant 43 : i32
        %add3A_623 = vector.broadcast %add3A_622 : i32 to vector<16xi32>
        %add3A_624 = arith.addi %broadcast_in_dim3A_621, %add3A_623 : vector<16xi32>
        %gather3A_625 = tpu.vector_load_idx %arg18[%add3A_228, %add3A_624] : memref<64x112xf32, #tpu.memory_space<vmem>>[vector<16xi32>, vector<16xi32>], vector<16xf32>,
        %mul3A_626 = arith.mulf %gather3A_625, %mul3A_274 : vector<16xf32>
        tpu.vector_store_idx %arg22[%add3A_228, %add3A_624], %mul3A_626 : memref<64x112xf32, #tpu.memory_space<vmem>>[vector<16xi32>, vector<16xi32>], vector<16xf32>,
        %broadcast_in_dim3A_627 = arith.constant 0 : i32
        %broadcast_in_dim3A_628 = vector.broadcast %broadcast_in_dim3A_627 : i32 to vector<16xi32>
        %add3A_629 = arith.constant 44 : i32
        %add3A_630 = vector.broadcast %add3A_629 : i32 to vector<16xi32>
        %add3A_631 = arith.addi %broadcast_in_dim3A_628, %add3A_630 : vector<16xi32>
        %gather3A_632 = tpu.vector_load_idx %arg18[%add3A_228, %add3A_631] : memref<64x112xf32, #tpu.memory_space<vmem>>[vector<16xi32>, vector<16xi32>], vector<16xf32>,
        %mul3A_633 = arith.mulf %gather3A_632, %mul3A_274 : vector<16xf32>
        tpu.vector_store_idx %arg22[%add3A_228, %add3A_631], %mul3A_633 : memref<64x112xf32, #tpu.memory_space<vmem>>[vector<16xi32>, vector<16xi32>], vector<16xf32>,
        %broadcast_in_dim3A_634 = arith.constant 0 : i32
        %broadcast_in_dim3A_635 = vector.broadcast %broadcast_in_dim3A_634 : i32 to vector<16xi32>
        %add3A_636 = arith.constant 45 : i32
        %add3A_637 = vector.broadcast %add3A_636 : i32 to vector<16xi32>
        %add3A_638 = arith.addi %broadcast_in_dim3A_635, %add3A_637 : vector<16xi32>
        %gather3A_639 = tpu.vector_load_idx %arg18[%add3A_228, %add3A_638] : memref<64x112xf32, #tpu.memory_space<vmem>>[vector<16xi32>, vector<16xi32>], vector<16xf32>,
        %mul3A_640 = arith.mulf %gather3A_639, %mul3A_274 : vector<16xf32>
        tpu.vector_store_idx %arg22[%add3A_228, %add3A_638], %mul3A_640 : memref<64x112xf32, #tpu.memory_space<vmem>>[vector<16xi32>, vector<16xi32>], vector<16xf32>,
        %broadcast_in_dim3A_641 = arith.constant 0 : i32
        %broadcast_in_dim3A_642 = vector.broadcast %broadcast_in_dim3A_641 : i32 to vector<16xi32>
        %add3A_643 = arith.constant 46 : i32
        %add3A_644 = vector.broadcast %add3A_643 : i32 to vector<16xi32>
        %add3A_645 = arith.addi %broadcast_in_dim3A_642, %add3A_644 : vector<16xi32>
        %gather3A_646 = tpu.vector_load_idx %arg18[%add3A_228, %add3A_645] : memref<64x112xf32, #tpu.memory_space<vmem>>[vector<16xi32>, vector<16xi32>], vector<16xf32>,
        %mul3A_647 = arith.mulf %gather3A_646, %mul3A_274 : vector<16xf32>
        tpu.vector_store_idx %arg22[%add3A_228, %add3A_645], %mul3A_647 : memref<64x112xf32, #tpu.memory_space<vmem>>[vector<16xi32>, vector<16xi32>], vector<16xf32>,
        %broadcast_in_dim3A_648 = arith.constant 0 : i32
        %broadcast_in_dim3A_649 = vector.broadcast %broadcast_in_dim3A_648 : i32 to vector<16xi32>
        %add3A_650 = arith.constant 47 : i32
        %add3A_651 = vector.broadcast %add3A_650 : i32 to vector<16xi32>
        %add3A_652 = arith.addi %broadcast_in_dim3A_649, %add3A_651 : vector<16xi32>
        %gather3A_653 = tpu.vector_load_idx %arg18[%add3A_228, %add3A_652] : memref<64x112xf32, #tpu.memory_space<vmem>>[vector<16xi32>, vector<16xi32>], vector<16xf32>,
        %mul3A_654 = arith.mulf %gather3A_653, %mul3A_274 : vector<16xf32>
        tpu.vector_store_idx %arg22[%add3A_228, %add3A_652], %mul3A_654 : memref<64x112xf32, #tpu.memory_space<vmem>>[vector<16xi32>, vector<16xi32>], vector<16xf32>,
        %broadcast_in_dim3A_655 = arith.constant 0 : i32
        %broadcast_in_dim3A_656 = vector.broadcast %broadcast_in_dim3A_655 : i32 to vector<16xi32>
        %add3A_657 = arith.constant 48 : i32
        %add3A_658 = vector.broadcast %add3A_657 : i32 to vector<16xi32>
        %add3A_659 = arith.addi %broadcast_in_dim3A_656, %add3A_658 : vector<16xi32>
        %gather3A_660 = tpu.vector_load_idx %arg18[%add3A_228, %add3A_659] : memref<64x112xf32, #tpu.memory_space<vmem>>[vector<16xi32>, vector<16xi32>], vector<16xf32>,
        %mul3A_661 = arith.mulf %gather3A_660, %mul3A_274 : vector<16xf32>
        tpu.vector_store_idx %arg22[%add3A_228, %add3A_659], %mul3A_661 : memref<64x112xf32, #tpu.memory_space<vmem>>[vector<16xi32>, vector<16xi32>], vector<16xf32>,
        %broadcast_in_dim3A_662 = arith.constant 0 : i32
        %broadcast_in_dim3A_663 = vector.broadcast %broadcast_in_dim3A_662 : i32 to vector<16xi32>
        %add3A_664 = arith.constant 49 : i32
        %add3A_665 = vector.broadcast %add3A_664 : i32 to vector<16xi32>
        %add3A_666 = arith.addi %broadcast_in_dim3A_663, %add3A_665 : vector<16xi32>
        %gather3A_667 = tpu.vector_load_idx %arg18[%add3A_228, %add3A_666] : memref<64x112xf32, #tpu.memory_space<vmem>>[vector<16xi32>, vector<16xi32>], vector<16xf32>,
        %mul3A_668 = arith.mulf %gather3A_667, %mul3A_274 : vector<16xf32>
        tpu.vector_store_idx %arg22[%add3A_228, %add3A_666], %mul3A_668 : memref<64x112xf32, #tpu.memory_space<vmem>>[vector<16xi32>, vector<16xi32>], vector<16xf32>,
        %broadcast_in_dim3A_669 = arith.constant 0 : i32
        %broadcast_in_dim3A_670 = vector.broadcast %broadcast_in_dim3A_669 : i32 to vector<16xi32>
        %add3A_671 = arith.constant 50 : i32
        %add3A_672 = vector.broadcast %add3A_671 : i32 to vector<16xi32>
        %add3A_673 = arith.addi %broadcast_in_dim3A_670, %add3A_672 : vector<16xi32>
        %gather3A_674 = tpu.vector_load_idx %arg18[%add3A_228, %add3A_673] : memref<64x112xf32, #tpu.memory_space<vmem>>[vector<16xi32>, vector<16xi32>], vector<16xf32>,
        %mul3A_675 = arith.mulf %gather3A_674, %mul3A_274 : vector<16xf32>
        tpu.vector_store_idx %arg22[%add3A_228, %add3A_673], %mul3A_675 : memref<64x112xf32, #tpu.memory_space<vmem>>[vector<16xi32>, vector<16xi32>], vector<16xf32>,
        %broadcast_in_dim3A_676 = arith.constant 0 : i32
        %broadcast_in_dim3A_677 = vector.broadcast %broadcast_in_dim3A_676 : i32 to vector<16xi32>
        %add3A_678 = arith.constant 51 : i32
        %add3A_679 = vector.broadcast %add3A_678 : i32 to vector<16xi32>
        %add3A_680 = arith.addi %broadcast_in_dim3A_677, %add3A_679 : vector<16xi32>
        %gather3A_681 = tpu.vector_load_idx %arg18[%add3A_228, %add3A_680] : memref<64x112xf32, #tpu.memory_space<vmem>>[vector<16xi32>, vector<16xi32>], vector<16xf32>,
        %mul3A_682 = arith.mulf %gather3A_681, %mul3A_274 : vector<16xf32>
        tpu.vector_store_idx %arg22[%add3A_228, %add3A_680], %mul3A_682 : memref<64x112xf32, #tpu.memory_space<vmem>>[vector<16xi32>, vector<16xi32>], vector<16xf32>,
        %broadcast_in_dim3A_683 = arith.constant 0 : i32
        %broadcast_in_dim3A_684 = vector.broadcast %broadcast_in_dim3A_683 : i32 to vector<16xi32>
        %add3A_685 = arith.constant 52 : i32
        %add3A_686 = vector.broadcast %add3A_685 : i32 to vector<16xi32>
        %add3A_687 = arith.addi %broadcast_in_dim3A_684, %add3A_686 : vector<16xi32>
        %gather3A_688 = tpu.vector_load_idx %arg18[%add3A_228, %add3A_687] : memref<64x112xf32, #tpu.memory_space<vmem>>[vector<16xi32>, vector<16xi32>], vector<16xf32>,
        %mul3A_689 = arith.mulf %gather3A_688, %mul3A_296 : vector<16xf32>
        tpu.vector_store_idx %arg22[%add3A_228, %add3A_687], %mul3A_689 : memref<64x112xf32, #tpu.memory_space<vmem>>[vector<16xi32>, vector<16xi32>], vector<16xf32>,
        %broadcast_in_dim3A_690 = arith.constant 0 : i32
        %broadcast_in_dim3A_691 = vector.broadcast %broadcast_in_dim3A_690 : i32 to vector<16xi32>
        %add3A_692 = arith.constant 53 : i32
        %add3A_693 = vector.broadcast %add3A_692 : i32 to vector<16xi32>
        %add3A_694 = arith.addi %broadcast_in_dim3A_691, %add3A_693 : vector<16xi32>
        %gather3A_695 = tpu.vector_load_idx %arg18[%add3A_228, %add3A_694] : memref<64x112xf32, #tpu.memory_space<vmem>>[vector<16xi32>, vector<16xi32>], vector<16xf32>,
        %mul3A_696 = arith.mulf %gather3A_695, %mul3A_296 : vector<16xf32>
        tpu.vector_store_idx %arg22[%add3A_228, %add3A_694], %mul3A_696 : memref<64x112xf32, #tpu.memory_space<vmem>>[vector<16xi32>, vector<16xi32>], vector<16xf32>,
        %broadcast_in_dim3A_697 = arith.constant 0 : i32
        %broadcast_in_dim3A_698 = vector.broadcast %broadcast_in_dim3A_697 : i32 to vector<16xi32>
        %add3A_699 = arith.constant 54 : i32
        %add3A_700 = vector.broadcast %add3A_699 : i32 to vector<16xi32>
        %add3A_701 = arith.addi %broadcast_in_dim3A_698, %add3A_700 : vector<16xi32>
        %gather3A_702 = tpu.vector_load_idx %arg18[%add3A_228, %add3A_701] : memref<64x112xf32, #tpu.memory_space<vmem>>[vector<16xi32>, vector<16xi32>], vector<16xf32>,
        %mul3A_703 = arith.mulf %gather3A_702, %mul3A_296 : vector<16xf32>
        tpu.vector_store_idx %arg22[%add3A_228, %add3A_701], %mul3A_703 : memref<64x112xf32, #tpu.memory_space<vmem>>[vector<16xi32>, vector<16xi32>], vector<16xf32>,
        %broadcast_in_dim3A_704 = arith.constant 0 : i32
        %broadcast_in_dim3A_705 = vector.broadcast %broadcast_in_dim3A_704 : i32 to vector<16xi32>
        %add3A_706 = arith.constant 55 : i32
        %add3A_707 = vector.broadcast %add3A_706 : i32 to vector<16xi32>
        %add3A_708 = arith.addi %broadcast_in_dim3A_705, %add3A_707 : vector<16xi32>
        %gather3A_709 = tpu.vector_load_idx %arg18[%add3A_228, %add3A_708] : memref<64x112xf32, #tpu.memory_space<vmem>>[vector<16xi32>, vector<16xi32>], vector<16xf32>,
        %mul3A_710 = arith.mulf %gather3A_709, %mul3A_296 : vector<16xf32>
        tpu.vector_store_idx %arg22[%add3A_228, %add3A_708], %mul3A_710 : memref<64x112xf32, #tpu.memory_space<vmem>>[vector<16xi32>, vector<16xi32>], vector<16xf32>,
        %broadcast_in_dim3A_711 = arith.constant 0 : i32
        %broadcast_in_dim3A_712 = vector.broadcast %broadcast_in_dim3A_711 : i32 to vector<16xi32>
        %add3A_713 = arith.constant 56 : i32
        %add3A_714 = vector.broadcast %add3A_713 : i32 to vector<16xi32>
        %add3A_715 = arith.addi %broadcast_in_dim3A_712, %add3A_714 : vector<16xi32>
        %gather3A_716 = tpu.vector_load_idx %arg18[%add3A_228, %add3A_715] : memref<64x112xf32, #tpu.memory_space<vmem>>[vector<16xi32>, vector<16xi32>], vector<16xf32>,
        %mul3A_717 = arith.mulf %gather3A_716, %mul3A_296 : vector<16xf32>
        tpu.vector_store_idx %arg22[%add3A_228, %add3A_715], %mul3A_717 : memref<64x112xf32, #tpu.memory_space<vmem>>[vector<16xi32>, vector<16xi32>], vector<16xf32>,
        %broadcast_in_dim3A_718 = arith.constant 0 : i32
        %broadcast_in_dim3A_719 = vector.broadcast %broadcast_in_dim3A_718 : i32 to vector<16xi32>
        %add3A_720 = arith.constant 57 : i32
        %add3A_721 = vector.broadcast %add3A_720 : i32 to vector<16xi32>
        %add3A_722 = arith.addi %broadcast_in_dim3A_719, %add3A_721 : vector<16xi32>
        %gather3A_723 = tpu.vector_load_idx %arg18[%add3A_228, %add3A_722] : memref<64x112xf32, #tpu.memory_space<vmem>>[vector<16xi32>, vector<16xi32>], vector<16xf32>,
        %mul3A_724 = arith.mulf %gather3A_723, %mul3A_296 : vector<16xf32>
        tpu.vector_store_idx %arg22[%add3A_228, %add3A_722], %mul3A_724 : memref<64x112xf32, #tpu.memory_space<vmem>>[vector<16xi32>, vector<16xi32>], vector<16xf32>,
        %broadcast_in_dim3A_725 = arith.constant 0 : i32
        %broadcast_in_dim3A_726 = vector.broadcast %broadcast_in_dim3A_725 : i32 to vector<16xi32>
        %add3A_727 = arith.constant 58 : i32
        %add3A_728 = vector.broadcast %add3A_727 : i32 to vector<16xi32>
        %add3A_729 = arith.addi %broadcast_in_dim3A_726, %add3A_728 : vector<16xi32>
        %gather3A_730 = tpu.vector_load_idx %arg18[%add3A_228, %add3A_729] : memref<64x112xf32, #tpu.memory_space<vmem>>[vector<16xi32>, vector<16xi32>], vector<16xf32>,
        %mul3A_731 = arith.mulf %gather3A_730, %mul3A_296 : vector<16xf32>
        tpu.vector_store_idx %arg22[%add3A_228, %add3A_729], %mul3A_731 : memref<64x112xf32, #tpu.memory_space<vmem>>[vector<16xi32>, vector<16xi32>], vector<16xf32>,
        %broadcast_in_dim3A_732 = arith.constant 0 : i32
        %broadcast_in_dim3A_733 = vector.broadcast %broadcast_in_dim3A_732 : i32 to vector<16xi32>
        %add3A_734 = arith.constant 59 : i32
        %add3A_735 = vector.broadcast %add3A_734 : i32 to vector<16xi32>
        %add3A_736 = arith.addi %broadcast_in_dim3A_733, %add3A_735 : vector<16xi32>
        %gather3A_737 = tpu.vector_load_idx %arg18[%add3A_228, %add3A_736] : memref<64x112xf32, #tpu.memory_space<vmem>>[vector<16xi32>, vector<16xi32>], vector<16xf32>,
        %mul3A_738 = arith.mulf %gather3A_737, %mul3A_296 : vector<16xf32>
        tpu.vector_store_idx %arg22[%add3A_228, %add3A_736], %mul3A_738 : memref<64x112xf32, #tpu.memory_space<vmem>>[vector<16xi32>, vector<16xi32>], vector<16xf32>,
        %broadcast_in_dim3A_739 = arith.constant 0 : i32
        %broadcast_in_dim3A_740 = vector.broadcast %broadcast_in_dim3A_739 : i32 to vector<16xi32>
        %add3A_741 = arith.constant 60 : i32
        %add3A_742 = vector.broadcast %add3A_741 : i32 to vector<16xi32>
        %add3A_743 = arith.addi %broadcast_in_dim3A_740, %add3A_742 : vector<16xi32>
        %gather3A_744 = tpu.vector_load_idx %arg18[%add3A_228, %add3A_743] : memref<64x112xf32, #tpu.memory_space<vmem>>[vector<16xi32>, vector<16xi32>], vector<16xf32>,
        %mul3A_745 = arith.mulf %gather3A_744, %mul3A_296 : vector<16xf32>
        tpu.vector_store_idx %arg22[%add3A_228, %add3A_743], %mul3A_745 : memref<64x112xf32, #tpu.memory_space<vmem>>[vector<16xi32>, vector<16xi32>], vector<16xf32>,
        %broadcast_in_dim3A_746 = arith.constant 0 : i32
        %broadcast_in_dim3A_747 = vector.broadcast %broadcast_in_dim3A_746 : i32 to vector<16xi32>
        %add3A_748 = arith.constant 61 : i32
        %add3A_749 = vector.broadcast %add3A_748 : i32 to vector<16xi32>
        %add3A_750 = arith.addi %broadcast_in_dim3A_747, %add3A_749 : vector<16xi32>
        %gather3A_751 = tpu.vector_load_idx %arg18[%add3A_228, %add3A_750] : memref<64x112xf32, #tpu.memory_space<vmem>>[vector<16xi32>, vector<16xi32>], vector<16xf32>,
        %mul3A_752 = arith.mulf %gather3A_751, %mul3A_296 : vector<16xf32>
        tpu.vector_store_idx %arg22[%add3A_228, %add3A_750], %mul3A_752 : memref<64x112xf32, #tpu.memory_space<vmem>>[vector<16xi32>, vector<16xi32>], vector<16xf32>,
        %broadcast_in_dim3A_753 = arith.constant 0 : i32
        %broadcast_in_dim3A_754 = vector.broadcast %broadcast_in_dim3A_753 : i32 to vector<16xi32>
        %add3A_755 = arith.constant 62 : i32
        %add3A_756 = vector.broadcast %add3A_755 : i32 to vector<16xi32>
        %add3A_757 = arith.addi %broadcast_in_dim3A_754, %add3A_756 : vector<16xi32>
        %gather3A_758 = tpu.vector_load_idx %arg18[%add3A_228, %add3A_757] : memref<64x112xf32, #tpu.memory_space<vmem>>[vector<16xi32>, vector<16xi32>], vector<16xf32>,
        %mul3A_759 = arith.mulf %gather3A_758, %mul3A_296 : vector<16xf32>
        tpu.vector_store_idx %arg22[%add3A_228, %add3A_757], %mul3A_759 : memref<64x112xf32, #tpu.memory_space<vmem>>[vector<16xi32>, vector<16xi32>], vector<16xf32>,
        %broadcast_in_dim3A_760 = arith.constant 0 : i32
        %broadcast_in_dim3A_761 = vector.broadcast %broadcast_in_dim3A_760 : i32 to vector<16xi32>
        %add3A_762 = arith.constant 63 : i32
        %add3A_763 = vector.broadcast %add3A_762 : i32 to vector<16xi32>
        %add3A_764 = arith.addi %broadcast_in_dim3A_761, %add3A_763 : vector<16xi32>
        %gather3A_765 = tpu.vector_load_idx %arg18[%add3A_228, %add3A_764] : memref<64x112xf32, #tpu.memory_space<vmem>>[vector<16xi32>, vector<16xi32>], vector<16xf32>,
        %mul3A_766 = arith.mulf %gather3A_765, %mul3A_296 : vector<16xf32>
        tpu.vector_store_idx %arg22[%add3A_228, %add3A_764], %mul3A_766 : memref<64x112xf32, #tpu.memory_space<vmem>>[vector<16xi32>, vector<16xi32>], vector<16xf32>,
        %broadcast_in_dim3A_767 = arith.constant 0 : i32
        %broadcast_in_dim3A_768 = vector.broadcast %broadcast_in_dim3A_767 : i32 to vector<16xi32>
        %add3A_769 = arith.constant 64 : i32
        %add3A_770 = vector.broadcast %add3A_769 : i32 to vector<16xi32>
        %add3A_771 = arith.addi %broadcast_in_dim3A_768, %add3A_770 : vector<16xi32>
        %gather3A_772 = tpu.vector_load_idx %arg18[%add3A_228, %add3A_771] : memref<64x112xf32, #tpu.memory_space<vmem>>[vector<16xi32>, vector<16xi32>], vector<16xf32>,
        %mul3A_773 = arith.mulf %gather3A_772, %mul3A_296 : vector<16xf32>
        tpu.vector_store_idx %arg22[%add3A_228, %add3A_771], %mul3A_773 : memref<64x112xf32, #tpu.memory_space<vmem>>[vector<16xi32>, vector<16xi32>], vector<16xf32>,
        %broadcast_in_dim3A_774 = arith.constant 0 : i32
        %broadcast_in_dim3A_775 = vector.broadcast %broadcast_in_dim3A_774 : i32 to vector<16xi32>
        %add3A_776 = arith.constant 65 : i32
        %add3A_777 = vector.broadcast %add3A_776 : i32 to vector<16xi32>
        %add3A_778 = arith.addi %broadcast_in_dim3A_775, %add3A_777 : vector<16xi32>
        %gather3A_779 = tpu.vector_load_idx %arg18[%add3A_228, %add3A_778] : memref<64x112xf32, #tpu.memory_space<vmem>>[vector<16xi32>, vector<16xi32>], vector<16xf32>,
        %mul3A_780 = arith.mulf %gather3A_779, %mul3A_296 : vector<16xf32>
        tpu.vector_store_idx %arg22[%add3A_228, %add3A_778], %mul3A_780 : memref<64x112xf32, #tpu.memory_space<vmem>>[vector<16xi32>, vector<16xi32>], vector<16xf32>,
        %broadcast_in_dim3A_781 = arith.constant 0 : i32
        %broadcast_in_dim3A_782 = vector.broadcast %broadcast_in_dim3A_781 : i32 to vector<16xi32>
        %add3A_783 = arith.constant 66 : i32
        %add3A_784 = vector.broadcast %add3A_783 : i32 to vector<16xi32>
        %add3A_785 = arith.addi %broadcast_in_dim3A_782, %add3A_784 : vector<16xi32>
        %gather3A_786 = tpu.vector_load_idx %arg18[%add3A_228, %add3A_785] : memref<64x112xf32, #tpu.memory_space<vmem>>[vector<16xi32>, vector<16xi32>], vector<16xf32>,
        %mul3A_787 = arith.mulf %gather3A_786, %mul3A_296 : vector<16xf32>
        tpu.vector_store_idx %arg22[%add3A_228, %add3A_785], %mul3A_787 : memref<64x112xf32, #tpu.memory_space<vmem>>[vector<16xi32>, vector<16xi32>], vector<16xf32>,
        %broadcast_in_dim3A_788 = arith.constant 0 : i32
        %broadcast_in_dim3A_789 = vector.broadcast %broadcast_in_dim3A_788 : i32 to vector<16xi32>
        %add3A_790 = arith.constant 67 : i32
        %add3A_791 = vector.broadcast %add3A_790 : i32 to vector<16xi32>
        %add3A_792 = arith.addi %broadcast_in_dim3A_789, %add3A_791 : vector<16xi32>
        %gather3A_793 = tpu.vector_load_idx %arg18[%add3A_228, %add3A_792] : memref<64x112xf32, #tpu.memory_space<vmem>>[vector<16xi32>, vector<16xi32>], vector<16xf32>,
        %mul3A_794 = arith.mulf %gather3A_793, %mul3A_296 : vector<16xf32>
        tpu.vector_store_idx %arg22[%add3A_228, %add3A_792], %mul3A_794 : memref<64x112xf32, #tpu.memory_space<vmem>>[vector<16xi32>, vector<16xi32>], vector<16xf32>,
        %broadcast_in_dim3A_795 = arith.constant 0 : i32
        %broadcast_in_dim3A_796 = vector.broadcast %broadcast_in_dim3A_795 : i32 to vector<16xi32>
        %add3A_797 = arith.constant 68 : i32
        %add3A_798 = vector.broadcast %add3A_797 : i32 to vector<16xi32>
        %add3A_799 = arith.addi %broadcast_in_dim3A_796, %add3A_798 : vector<16xi32>
        %gather3A_800 = tpu.vector_load_idx %arg18[%add3A_228, %add3A_799] : memref<64x112xf32, #tpu.memory_space<vmem>>[vector<16xi32>, vector<16xi32>], vector<16xf32>,
        %mul3A_801 = arith.mulf %gather3A_800, %mul3A_296 : vector<16xf32>
        tpu.vector_store_idx %arg22[%add3A_228, %add3A_799], %mul3A_801 : memref<64x112xf32, #tpu.memory_space<vmem>>[vector<16xi32>, vector<16xi32>], vector<16xf32>,
        %broadcast_in_dim3A_802 = arith.constant 0 : i32
        %broadcast_in_dim3A_803 = vector.broadcast %broadcast_in_dim3A_802 : i32 to vector<16xi32>
        %add3A_804 = arith.constant 69 : i32
        %add3A_805 = vector.broadcast %add3A_804 : i32 to vector<16xi32>
        %add3A_806 = arith.addi %broadcast_in_dim3A_803, %add3A_805 : vector<16xi32>
        %gather3A_807 = tpu.vector_load_idx %arg18[%add3A_228, %add3A_806] : memref<64x112xf32, #tpu.memory_space<vmem>>[vector<16xi32>, vector<16xi32>], vector<16xf32>,
        %mul3A_808 = arith.mulf %gather3A_807, %mul3A_296 : vector<16xf32>
        tpu.vector_store_idx %arg22[%add3A_228, %add3A_806], %mul3A_808 : memref<64x112xf32, #tpu.memory_space<vmem>>[vector<16xi32>, vector<16xi32>], vector<16xf32>,
        %broadcast_in_dim3A_809 = arith.constant 0 : i32
        %broadcast_in_dim3A_810 = vector.broadcast %broadcast_in_dim3A_809 : i32 to vector<16xi32>
        %add3A_811 = arith.constant 70 : i32
        %add3A_812 = vector.broadcast %add3A_811 : i32 to vector<16xi32>
        %add3A_813 = arith.addi %broadcast_in_dim3A_810, %add3A_812 : vector<16xi32>
        %gather3A_814 = tpu.vector_load_idx %arg18[%add3A_228, %add3A_813] : memref<64x112xf32, #tpu.memory_space<vmem>>[vector<16xi32>, vector<16xi32>], vector<16xf32>,
        %mul3A_815 = arith.mulf %gather3A_814, %mul3A_296 : vector<16xf32>
        tpu.vector_store_idx %arg22[%add3A_228, %add3A_813], %mul3A_815 : memref<64x112xf32, #tpu.memory_space<vmem>>[vector<16xi32>, vector<16xi32>], vector<16xf32>,
        %broadcast_in_dim3A_816 = arith.constant 0 : i32
        %broadcast_in_dim3A_817 = vector.broadcast %broadcast_in_dim3A_816 : i32 to vector<16xi32>
        %add3A_818 = arith.constant 71 : i32
        %add3A_819 = vector.broadcast %add3A_818 : i32 to vector<16xi32>
        %add3A_820 = arith.addi %broadcast_in_dim3A_817, %add3A_819 : vector<16xi32>
        %gather3A_821 = tpu.vector_load_idx %arg18[%add3A_228, %add3A_820] : memref<64x112xf32, #tpu.memory_space<vmem>>[vector<16xi32>, vector<16xi32>], vector<16xf32>,
        %mul3A_822 = arith.mulf %gather3A_821, %mul3A_296 : vector<16xf32>
        tpu.vector_store_idx %arg22[%add3A_228, %add3A_820], %mul3A_822 : memref<64x112xf32, #tpu.memory_space<vmem>>[vector<16xi32>, vector<16xi32>], vector<16xf32>,
        %broadcast_in_dim3A_823 = arith.constant 0 : i32
        %broadcast_in_dim3A_824 = vector.broadcast %broadcast_in_dim3A_823 : i32 to vector<16xi32>
        %add3A_825 = arith.constant 72 : i32
        %add3A_826 = vector.broadcast %add3A_825 : i32 to vector<16xi32>
        %add3A_827 = arith.addi %broadcast_in_dim3A_824, %add3A_826 : vector<16xi32>
        %gather3A_828 = tpu.vector_load_idx %arg18[%add3A_228, %add3A_827] : memref<64x112xf32, #tpu.memory_space<vmem>>[vector<16xi32>, vector<16xi32>], vector<16xf32>,
        %mul3A_829 = arith.mulf %gather3A_828, %mul3A_296 : vector<16xf32>
        tpu.vector_store_idx %arg22[%add3A_228, %add3A_827], %mul3A_829 : memref<64x112xf32, #tpu.memory_space<vmem>>[vector<16xi32>, vector<16xi32>], vector<16xf32>,
        %broadcast_in_dim3A_830 = arith.constant 0 : i32
        %broadcast_in_dim3A_831 = vector.broadcast %broadcast_in_dim3A_830 : i32 to vector<16xi32>
        %add3A_832 = arith.constant 73 : i32
        %add3A_833 = vector.broadcast %add3A_832 : i32 to vector<16xi32>
        %add3A_834 = arith.addi %broadcast_in_dim3A_831, %add3A_833 : vector<16xi32>
        %gather3A_835 = tpu.vector_load_idx %arg18[%add3A_228, %add3A_834] : memref<64x112xf32, #tpu.memory_space<vmem>>[vector<16xi32>, vector<16xi32>], vector<16xf32>,
        %mul3A_836 = arith.mulf %gather3A_835, %mul3A_296 : vector<16xf32>
        tpu.vector_store_idx %arg22[%add3A_228, %add3A_834], %mul3A_836 : memref<64x112xf32, #tpu.memory_space<vmem>>[vector<16xi32>, vector<16xi32>], vector<16xf32>,
        %broadcast_in_dim3A_837 = arith.constant 0 : i32
        %broadcast_in_dim3A_838 = vector.broadcast %broadcast_in_dim3A_837 : i32 to vector<16xi32>
        %add3A_839 = arith.constant 74 : i32
        %add3A_840 = vector.broadcast %add3A_839 : i32 to vector<16xi32>
        %add3A_841 = arith.addi %broadcast_in_dim3A_838, %add3A_840 : vector<16xi32>
        %gather3A_842 = tpu.vector_load_idx %arg18[%add3A_228, %add3A_841] : memref<64x112xf32, #tpu.memory_space<vmem>>[vector<16xi32>, vector<16xi32>], vector<16xf32>,
        %mul3A_843 = arith.mulf %gather3A_842, %mul3A_296 : vector<16xf32>
        tpu.vector_store_idx %arg22[%add3A_228, %add3A_841], %mul3A_843 : memref<64x112xf32, #tpu.memory_space<vmem>>[vector<16xi32>, vector<16xi32>], vector<16xf32>,
        %broadcast_in_dim3A_844 = arith.constant 0 : i32
        %broadcast_in_dim3A_845 = vector.broadcast %broadcast_in_dim3A_844 : i32 to vector<16xi32>
        %add3A_846 = arith.constant 75 : i32
        %add3A_847 = vector.broadcast %add3A_846 : i32 to vector<16xi32>
        %add3A_848 = arith.addi %broadcast_in_dim3A_845, %add3A_847 : vector<16xi32>
        %gather3A_849 = tpu.vector_load_idx %arg18[%add3A_228, %add3A_848] : memref<64x112xf32, #tpu.memory_space<vmem>>[vector<16xi32>, vector<16xi32>], vector<16xf32>,
        %mul3A_850 = arith.mulf %gather3A_849, %mul3A_296 : vector<16xf32>
        tpu.vector_store_idx %arg22[%add3A_228, %add3A_848], %mul3A_850 : memref<64x112xf32, #tpu.memory_space<vmem>>[vector<16xi32>, vector<16xi32>], vector<16xf32>,
        %broadcast_in_dim3A_851 = arith.constant 0 : i32
        %broadcast_in_dim3A_852 = vector.broadcast %broadcast_in_dim3A_851 : i32 to vector<16xi32>
        %add3A_853 = arith.constant 76 : i32
        %add3A_854 = vector.broadcast %add3A_853 : i32 to vector<16xi32>
        %add3A_855 = arith.addi %broadcast_in_dim3A_852, %add3A_854 : vector<16xi32>
        %gather3A_856 = tpu.vector_load_idx %arg18[%add3A_228, %add3A_855] : memref<64x112xf32, #tpu.memory_space<vmem>>[vector<16xi32>, vector<16xi32>], vector<16xf32>,
        %mul3A_857 = arith.mulf %gather3A_856, %mul3A_296 : vector<16xf32>
        tpu.vector_store_idx %arg22[%add3A_228, %add3A_855], %mul3A_857 : memref<64x112xf32, #tpu.memory_space<vmem>>[vector<16xi32>, vector<16xi32>], vector<16xf32>,
        %broadcast_in_dim3A_858 = arith.constant 0 : i32
        %broadcast_in_dim3A_859 = vector.broadcast %broadcast_in_dim3A_858 : i32 to vector<16xi32>
        %add3A_860 = arith.constant 77 : i32
        %add3A_861 = vector.broadcast %add3A_860 : i32 to vector<16xi32>
        %add3A_862 = arith.addi %broadcast_in_dim3A_859, %add3A_861 : vector<16xi32>
        %gather3A_863 = tpu.vector_load_idx %arg18[%add3A_228, %add3A_862] : memref<64x112xf32, #tpu.memory_space<vmem>>[vector<16xi32>, vector<16xi32>], vector<16xf32>,
        %mul3A_864 = arith.mulf %gather3A_863, %mul3A_296 : vector<16xf32>
        tpu.vector_store_idx %arg22[%add3A_228, %add3A_862], %mul3A_864 : memref<64x112xf32, #tpu.memory_space<vmem>>[vector<16xi32>, vector<16xi32>], vector<16xf32>,
        %broadcast_in_dim3A_865 = arith.constant 0 : i32
        %broadcast_in_dim3A_866 = vector.broadcast %broadcast_in_dim3A_865 : i32 to vector<16xi32>
        %add3A_867 = arith.constant 78 : i32
        %add3A_868 = vector.broadcast %add3A_867 : i32 to vector<16xi32>
        %add3A_869 = arith.addi %broadcast_in_dim3A_866, %add3A_868 : vector<16xi32>
        %gather3A_870 = tpu.vector_load_idx %arg18[%add3A_228, %add3A_869] : memref<64x112xf32, #tpu.memory_space<vmem>>[vector<16xi32>, vector<16xi32>], vector<16xf32>,
        %mul3A_871 = arith.mulf %gather3A_870, %mul3A_318 : vector<16xf32>
        tpu.vector_store_idx %arg22[%add3A_228, %add3A_869], %mul3A_871 : memref<64x112xf32, #tpu.memory_space<vmem>>[vector<16xi32>, vector<16xi32>], vector<16xf32>,
        %broadcast_in_dim3A_872 = arith.constant 0 : i32
        %broadcast_in_dim3A_873 = vector.broadcast %broadcast_in_dim3A_872 : i32 to vector<16xi32>
        %add3A_874 = arith.constant 79 : i32
        %add3A_875 = vector.broadcast %add3A_874 : i32 to vector<16xi32>
        %add3A_876 = arith.addi %broadcast_in_dim3A_873, %add3A_875 : vector<16xi32>
        %gather3A_877 = tpu.vector_load_idx %arg18[%add3A_228, %add3A_876] : memref<64x112xf32, #tpu.memory_space<vmem>>[vector<16xi32>, vector<16xi32>], vector<16xf32>,
        %mul3A_878 = arith.mulf %gather3A_877, %mul3A_318 : vector<16xf32>
        tpu.vector_store_idx %arg22[%add3A_228, %add3A_876], %mul3A_878 : memref<64x112xf32, #tpu.memory_space<vmem>>[vector<16xi32>, vector<16xi32>], vector<16xf32>,
        %broadcast_in_dim3A_879 = arith.constant 0 : i32
        %broadcast_in_dim3A_880 = vector.broadcast %broadcast_in_dim3A_879 : i32 to vector<16xi32>
        %add3A_881 = arith.constant 80 : i32
        %add3A_882 = vector.broadcast %add3A_881 : i32 to vector<16xi32>
        %add3A_883 = arith.addi %broadcast_in_dim3A_880, %add3A_882 : vector<16xi32>
        %gather3A_884 = tpu.vector_load_idx %arg18[%add3A_228, %add3A_883] : memref<64x112xf32, #tpu.memory_space<vmem>>[vector<16xi32>, vector<16xi32>], vector<16xf32>,
        %mul3A_885 = arith.mulf %gather3A_884, %mul3A_318 : vector<16xf32>
        tpu.vector_store_idx %arg22[%add3A_228, %add3A_883], %mul3A_885 : memref<64x112xf32, #tpu.memory_space<vmem>>[vector<16xi32>, vector<16xi32>], vector<16xf32>,
        %broadcast_in_dim3A_886 = arith.constant 0 : i32
        %broadcast_in_dim3A_887 = vector.broadcast %broadcast_in_dim3A_886 : i32 to vector<16xi32>
        %add3A_888 = arith.constant 81 : i32
        %add3A_889 = vector.broadcast %add3A_888 : i32 to vector<16xi32>
        %add3A_890 = arith.addi %broadcast_in_dim3A_887, %add3A_889 : vector<16xi32>
        %gather3A_891 = tpu.vector_load_idx %arg18[%add3A_228, %add3A_890] : memref<64x112xf32, #tpu.memory_space<vmem>>[vector<16xi32>, vector<16xi32>], vector<16xf32>,
        %mul3A_892 = arith.mulf %gather3A_891, %mul3A_318 : vector<16xf32>
        tpu.vector_store_idx %arg22[%add3A_228, %add3A_890], %mul3A_892 : memref<64x112xf32, #tpu.memory_space<vmem>>[vector<16xi32>, vector<16xi32>], vector<16xf32>,
        %broadcast_in_dim3A_893 = arith.constant 0 : i32
        %broadcast_in_dim3A_894 = vector.broadcast %broadcast_in_dim3A_893 : i32 to vector<16xi32>
        %add3A_895 = arith.constant 82 : i32
        %add3A_896 = vector.broadcast %add3A_895 : i32 to vector<16xi32>
        %add3A_897 = arith.addi %broadcast_in_dim3A_894, %add3A_896 : vector<16xi32>
        %gather3A_898 = tpu.vector_load_idx %arg18[%add3A_228, %add3A_897] : memref<64x112xf32, #tpu.memory_space<vmem>>[vector<16xi32>, vector<16xi32>], vector<16xf32>,
        %mul3A_899 = arith.mulf %gather3A_898, %mul3A_318 : vector<16xf32>
        tpu.vector_store_idx %arg22[%add3A_228, %add3A_897], %mul3A_899 : memref<64x112xf32, #tpu.memory_space<vmem>>[vector<16xi32>, vector<16xi32>], vector<16xf32>,
        %broadcast_in_dim3A_900 = arith.constant 0 : i32
        %broadcast_in_dim3A_901 = vector.broadcast %broadcast_in_dim3A_900 : i32 to vector<16xi32>
        %add3A_902 = arith.constant 83 : i32
        %add3A_903 = vector.broadcast %add3A_902 : i32 to vector<16xi32>
        %add3A_904 = arith.addi %broadcast_in_dim3A_901, %add3A_903 : vector<16xi32>
        %gather3A_905 = tpu.vector_load_idx %arg18[%add3A_228, %add3A_904] : memref<64x112xf32, #tpu.memory_space<vmem>>[vector<16xi32>, vector<16xi32>], vector<16xf32>,
        %mul3A_906 = arith.mulf %gather3A_905, %mul3A_318 : vector<16xf32>
        tpu.vector_store_idx %arg22[%add3A_228, %add3A_904], %mul3A_906 : memref<64x112xf32, #tpu.memory_space<vmem>>[vector<16xi32>, vector<16xi32>], vector<16xf32>,
        %broadcast_in_dim3A_907 = arith.constant 0 : i32
        %broadcast_in_dim3A_908 = vector.broadcast %broadcast_in_dim3A_907 : i32 to vector<16xi32>
        %add3A_909 = arith.constant 84 : i32
        %add3A_910 = vector.broadcast %add3A_909 : i32 to vector<16xi32>
        %add3A_911 = arith.addi %broadcast_in_dim3A_908, %add3A_910 : vector<16xi32>
        %gather3A_912 = tpu.vector_load_idx %arg18[%add3A_228, %add3A_911] : memref<64x112xf32, #tpu.memory_space<vmem>>[vector<16xi32>, vector<16xi32>], vector<16xf32>,
        %mul3A_913 = arith.mulf %gather3A_912, %mul3A_318 : vector<16xf32>
        tpu.vector_store_idx %arg22[%add3A_228, %add3A_911], %mul3A_913 : memref<64x112xf32, #tpu.memory_space<vmem>>[vector<16xi32>, vector<16xi32>], vector<16xf32>,
        %broadcast_in_dim3A_914 = arith.constant 0 : i32
        %broadcast_in_dim3A_915 = vector.broadcast %broadcast_in_dim3A_914 : i32 to vector<16xi32>
        %add3A_916 = arith.constant 85 : i32
        %add3A_917 = vector.broadcast %add3A_916 : i32 to vector<16xi32>
        %add3A_918 = arith.addi %broadcast_in_dim3A_915, %add3A_917 : vector<16xi32>
        %gather3A_919 = tpu.vector_load_idx %arg18[%add3A_228, %add3A_918] : memref<64x112xf32, #tpu.memory_space<vmem>>[vector<16xi32>, vector<16xi32>], vector<16xf32>,
        %mul3A_920 = arith.mulf %gather3A_919, %mul3A_318 : vector<16xf32>
        tpu.vector_store_idx %arg22[%add3A_228, %add3A_918], %mul3A_920 : memref<64x112xf32, #tpu.memory_space<vmem>>[vector<16xi32>, vector<16xi32>], vector<16xf32>,
        %broadcast_in_dim3A_921 = arith.constant 0 : i32
        %broadcast_in_dim3A_922 = vector.broadcast %broadcast_in_dim3A_921 : i32 to vector<16xi32>
        %add3A_923 = arith.constant 86 : i32
        %add3A_924 = vector.broadcast %add3A_923 : i32 to vector<16xi32>
        %add3A_925 = arith.addi %broadcast_in_dim3A_922, %add3A_924 : vector<16xi32>
        %gather3A_926 = tpu.vector_load_idx %arg18[%add3A_228, %add3A_925] : memref<64x112xf32, #tpu.memory_space<vmem>>[vector<16xi32>, vector<16xi32>], vector<16xf32>,
        %mul3A_927 = arith.mulf %gather3A_926, %mul3A_318 : vector<16xf32>
        tpu.vector_store_idx %arg22[%add3A_228, %add3A_925], %mul3A_927 : memref<64x112xf32, #tpu.memory_space<vmem>>[vector<16xi32>, vector<16xi32>], vector<16xf32>,
        %broadcast_in_dim3A_928 = arith.constant 0 : i32
        %broadcast_in_dim3A_929 = vector.broadcast %broadcast_in_dim3A_928 : i32 to vector<16xi32>
        %add3A_930 = arith.constant 87 : i32
        %add3A_931 = vector.broadcast %add3A_930 : i32 to vector<16xi32>
        %add3A_932 = arith.addi %broadcast_in_dim3A_929, %add3A_931 : vector<16xi32>
        %gather3A_933 = tpu.vector_load_idx %arg18[%add3A_228, %add3A_932] : memref<64x112xf32, #tpu.memory_space<vmem>>[vector<16xi32>, vector<16xi32>], vector<16xf32>,
        %mul3A_934 = arith.mulf %gather3A_933, %mul3A_318 : vector<16xf32>
        tpu.vector_store_idx %arg22[%add3A_228, %add3A_932], %mul3A_934 : memref<64x112xf32, #tpu.memory_space<vmem>>[vector<16xi32>, vector<16xi32>], vector<16xf32>,
        %broadcast_in_dim3A_935 = arith.constant 0 : i32
        %broadcast_in_dim3A_936 = vector.broadcast %broadcast_in_dim3A_935 : i32 to vector<16xi32>
        %add3A_937 = arith.constant 88 : i32
        %add3A_938 = vector.broadcast %add3A_937 : i32 to vector<16xi32>
        %add3A_939 = arith.addi %broadcast_in_dim3A_936, %add3A_938 : vector<16xi32>
        %gather3A_940 = tpu.vector_load_idx %arg18[%add3A_228, %add3A_939] : memref<64x112xf32, #tpu.memory_space<vmem>>[vector<16xi32>, vector<16xi32>], vector<16xf32>,
        %mul3A_941 = arith.mulf %gather3A_940, %mul3A_318 : vector<16xf32>
        tpu.vector_store_idx %arg22[%add3A_228, %add3A_939], %mul3A_941 : memref<64x112xf32, #tpu.memory_space<vmem>>[vector<16xi32>, vector<16xi32>], vector<16xf32>,
        %broadcast_in_dim3A_942 = arith.constant 0 : i32
        %broadcast_in_dim3A_943 = vector.broadcast %broadcast_in_dim3A_942 : i32 to vector<16xi32>
        %add3A_944 = arith.constant 89 : i32
        %add3A_945 = vector.broadcast %add3A_944 : i32 to vector<16xi32>
        %add3A_946 = arith.addi %broadcast_in_dim3A_943, %add3A_945 : vector<16xi32>
        %gather3A_947 = tpu.vector_load_idx %arg18[%add3A_228, %add3A_946] : memref<64x112xf32, #tpu.memory_space<vmem>>[vector<16xi32>, vector<16xi32>], vector<16xf32>,
        %mul3A_948 = arith.mulf %gather3A_947, %mul3A_318 : vector<16xf32>
        tpu.vector_store_idx %arg22[%add3A_228, %add3A_946], %mul3A_948 : memref<64x112xf32, #tpu.memory_space<vmem>>[vector<16xi32>, vector<16xi32>], vector<16xf32>,
        %broadcast_in_dim3A_949 = arith.constant 0 : i32
        %broadcast_in_dim3A_950 = vector.broadcast %broadcast_in_dim3A_949 : i32 to vector<16xi32>
        %add3A_951 = arith.constant 90 : i32
        %add3A_952 = vector.broadcast %add3A_951 : i32 to vector<16xi32>
        %add3A_953 = arith.addi %broadcast_in_dim3A_950, %add3A_952 : vector<16xi32>
        %gather3A_954 = tpu.vector_load_idx %arg18[%add3A_228, %add3A_953] : memref<64x112xf32, #tpu.memory_space<vmem>>[vector<16xi32>, vector<16xi32>], vector<16xf32>,
        %mul3A_955 = arith.mulf %gather3A_954, %mul3A_318 : vector<16xf32>
        tpu.vector_store_idx %arg22[%add3A_228, %add3A_953], %mul3A_955 : memref<64x112xf32, #tpu.memory_space<vmem>>[vector<16xi32>, vector<16xi32>], vector<16xf32>,
        %broadcast_in_dim3A_956 = arith.constant 0 : i32
        %broadcast_in_dim3A_957 = vector.broadcast %broadcast_in_dim3A_956 : i32 to vector<16xi32>
        %add3A_958 = arith.constant 91 : i32
        %add3A_959 = vector.broadcast %add3A_958 : i32 to vector<16xi32>
        %add3A_960 = arith.addi %broadcast_in_dim3A_957, %add3A_959 : vector<16xi32>
        %gather3A_961 = tpu.vector_load_idx %arg18[%add3A_228, %add3A_960] : memref<64x112xf32, #tpu.memory_space<vmem>>[vector<16xi32>, vector<16xi32>], vector<16xf32>,
        %mul3A_962 = arith.mulf %gather3A_961, %mul3A_318 : vector<16xf32>
        tpu.vector_store_idx %arg22[%add3A_228, %add3A_960], %mul3A_962 : memref<64x112xf32, #tpu.memory_space<vmem>>[vector<16xi32>, vector<16xi32>], vector<16xf32>,
        %broadcast_in_dim3A_963 = arith.constant 0 : i32
        %broadcast_in_dim3A_964 = vector.broadcast %broadcast_in_dim3A_963 : i32 to vector<16xi32>
        %add3A_965 = arith.constant 92 : i32
        %add3A_966 = vector.broadcast %add3A_965 : i32 to vector<16xi32>
        %add3A_967 = arith.addi %broadcast_in_dim3A_964, %add3A_966 : vector<16xi32>
        %gather3A_968 = tpu.vector_load_idx %arg18[%add3A_228, %add3A_967] : memref<64x112xf32, #tpu.memory_space<vmem>>[vector<16xi32>, vector<16xi32>], vector<16xf32>,
        %mul3A_969 = arith.mulf %gather3A_968, %mul3A_318 : vector<16xf32>
        tpu.vector_store_idx %arg22[%add3A_228, %add3A_967], %mul3A_969 : memref<64x112xf32, #tpu.memory_space<vmem>>[vector<16xi32>, vector<16xi32>], vector<16xf32>,
        %broadcast_in_dim3A_970 = arith.constant 0 : i32
        %broadcast_in_dim3A_971 = vector.broadcast %broadcast_in_dim3A_970 : i32 to vector<16xi32>
        %add3A_972 = arith.constant 93 : i32
        %add3A_973 = vector.broadcast %add3A_972 : i32 to vector<16xi32>
        %add3A_974 = arith.addi %broadcast_in_dim3A_971, %add3A_973 : vector<16xi32>
        %gather3A_975 = tpu.vector_load_idx %arg18[%add3A_228, %add3A_974] : memref<64x112xf32, #tpu.memory_space<vmem>>[vector<16xi32>, vector<16xi32>], vector<16xf32>,
        %mul3A_976 = arith.mulf %gather3A_975, %mul3A_318 : vector<16xf32>
        tpu.vector_store_idx %arg22[%add3A_228, %add3A_974], %mul3A_976 : memref<64x112xf32, #tpu.memory_space<vmem>>[vector<16xi32>, vector<16xi32>], vector<16xf32>,
        %broadcast_in_dim3A_977 = arith.constant 0 : i32
        %broadcast_in_dim3A_978 = vector.broadcast %broadcast_in_dim3A_977 : i32 to vector<16xi32>
        %add3A_979 = arith.constant 94 : i32
        %add3A_980 = vector.broadcast %add3A_979 : i32 to vector<16xi32>
        %add3A_981 = arith.addi %broadcast_in_dim3A_978, %add3A_980 : vector<16xi32>
        %gather3A_982 = tpu.vector_load_idx %arg18[%add3A_228, %add3A_981] : memref<64x112xf32, #tpu.memory_space<vmem>>[vector<16xi32>, vector<16xi32>], vector<16xf32>,
        %mul3A_983 = arith.mulf %gather3A_982, %mul3A_318 : vector<16xf32>
        tpu.vector_store_idx %arg22[%add3A_228, %add3A_981], %mul3A_983 : memref<64x112xf32, #tpu.memory_space<vmem>>[vector<16xi32>, vector<16xi32>], vector<16xf32>,
        %broadcast_in_dim3A_984 = arith.constant 0 : i32
        %broadcast_in_dim3A_985 = vector.broadcast %broadcast_in_dim3A_984 : i32 to vector<16xi32>
        %add3A_986 = arith.constant 95 : i32
        %add3A_987 = vector.broadcast %add3A_986 : i32 to vector<16xi32>
        %add3A_988 = arith.addi %broadcast_in_dim3A_985, %add3A_987 : vector<16xi32>
        %gather3A_989 = tpu.vector_load_idx %arg18[%add3A_228, %add3A_988] : memref<64x112xf32, #tpu.memory_space<vmem>>[vector<16xi32>, vector<16xi32>], vector<16xf32>,
        %mul3A_990 = arith.mulf %gather3A_989, %mul3A_318 : vector<16xf32>
        tpu.vector_store_idx %arg22[%add3A_228, %add3A_988], %mul3A_990 : memref<64x112xf32, #tpu.memory_space<vmem>>[vector<16xi32>, vector<16xi32>], vector<16xf32>,
        %broadcast_in_dim3A_991 = arith.constant 0 : i32
        %broadcast_in_dim3A_992 = vector.broadcast %broadcast_in_dim3A_991 : i32 to vector<16xi32>
        %add3A_993 = arith.constant 96 : i32
        %add3A_994 = vector.broadcast %add3A_993 : i32 to vector<16xi32>
        %add3A_995 = arith.addi %broadcast_in_dim3A_992, %add3A_994 : vector<16xi32>
        %gather3A_996 = tpu.vector_load_idx %arg18[%add3A_228, %add3A_995] : memref<64x112xf32, #tpu.memory_space<vmem>>[vector<16xi32>, vector<16xi32>], vector<16xf32>,
        %mul3A_997 = arith.mulf %gather3A_996, %mul3A_318 : vector<16xf32>
        tpu.vector_store_idx %arg22[%add3A_228, %add3A_995], %mul3A_997 : memref<64x112xf32, #tpu.memory_space<vmem>>[vector<16xi32>, vector<16xi32>], vector<16xf32>,
        %broadcast_in_dim3A_998 = arith.constant 0 : i32
        %broadcast_in_dim3A_999 = vector.broadcast %broadcast_in_dim3A_998 : i32 to vector<16xi32>
        %add3A_1000 = arith.constant 97 : i32
        %add3A_1001 = vector.broadcast %add3A_1000 : i32 to vector<16xi32>
        %add3A_1002 = arith.addi %broadcast_in_dim3A_999, %add3A_1001 : vector<16xi32>
        %gather3A_1003 = tpu.vector_load_idx %arg18[%add3A_228, %add3A_1002] : memref<64x112xf32, #tpu.memory_space<vmem>>[vector<16xi32>, vector<16xi32>], vector<16xf32>,
        %mul3A_1004 = arith.mulf %gather3A_1003, %mul3A_318 : vector<16xf32>
        tpu.vector_store_idx %arg22[%add3A_228, %add3A_1002], %mul3A_1004 : memref<64x112xf32, #tpu.memory_space<vmem>>[vector<16xi32>, vector<16xi32>], vector<16xf32>,
        %broadcast_in_dim3A_1005 = arith.constant 0 : i32
        %broadcast_in_dim3A_1006 = vector.broadcast %broadcast_in_dim3A_1005 : i32 to vector<16xi32>
        %add3A_1007 = arith.constant 98 : i32
        %add3A_1008 = vector.broadcast %add3A_1007 : i32 to vector<16xi32>
        %add3A_1009 = arith.addi %broadcast_in_dim3A_1006, %add3A_1008 : vector<16xi32>
        %gather3A_1010 = tpu.vector_load_idx %arg18[%add3A_228, %add3A_1009] : memref<64x112xf32, #tpu.memory_space<vmem>>[vector<16xi32>, vector<16xi32>], vector<16xf32>,
        %mul3A_1011 = arith.mulf %gather3A_1010, %mul3A_318 : vector<16xf32>
        tpu.vector_store_idx %arg22[%add3A_228, %add3A_1009], %mul3A_1011 : memref<64x112xf32, #tpu.memory_space<vmem>>[vector<16xi32>, vector<16xi32>], vector<16xf32>,
        %broadcast_in_dim3A_1012 = arith.constant 0 : i32
        %broadcast_in_dim3A_1013 = vector.broadcast %broadcast_in_dim3A_1012 : i32 to vector<16xi32>
        %add3A_1014 = arith.constant 99 : i32
        %add3A_1015 = vector.broadcast %add3A_1014 : i32 to vector<16xi32>
        %add3A_1016 = arith.addi %broadcast_in_dim3A_1013, %add3A_1015 : vector<16xi32>
        %gather3A_1017 = tpu.vector_load_idx %arg18[%add3A_228, %add3A_1016] : memref<64x112xf32, #tpu.memory_space<vmem>>[vector<16xi32>, vector<16xi32>], vector<16xf32>,
        %mul3A_1018 = arith.mulf %gather3A_1017, %mul3A_318 : vector<16xf32>
        tpu.vector_store_idx %arg22[%add3A_228, %add3A_1016], %mul3A_1018 : memref<64x112xf32, #tpu.memory_space<vmem>>[vector<16xi32>, vector<16xi32>], vector<16xf32>,
        %broadcast_in_dim3A_1019 = arith.constant 0 : i32
        %broadcast_in_dim3A_1020 = vector.broadcast %broadcast_in_dim3A_1019 : i32 to vector<16xi32>
        %add3A_1021 = arith.constant 100 : i32
        %add3A_1022 = vector.broadcast %add3A_1021 : i32 to vector<16xi32>
        %add3A_1023 = arith.addi %broadcast_in_dim3A_1020, %add3A_1022 : vector<16xi32>
        %gather3A_1024 = tpu.vector_load_idx %arg18[%add3A_228, %add3A_1023] : memref<64x112xf32, #tpu.memory_space<vmem>>[vector<16xi32>, vector<16xi32>], vector<16xf32>,
        %mul3A_1025 = arith.mulf %gather3A_1024, %mul3A_318 : vector<16xf32>
        tpu.vector_store_idx %arg22[%add3A_228, %add3A_1023], %mul3A_1025 : memref<64x112xf32, #tpu.memory_space<vmem>>[vector<16xi32>, vector<16xi32>], vector<16xf32>,
        %broadcast_in_dim3A_1026 = arith.constant 0 : i32
        %broadcast_in_dim3A_1027 = vector.broadcast %broadcast_in_dim3A_1026 : i32 to vector<16xi32>
        %add3A_1028 = arith.constant 101 : i32
        %add3A_1029 = vector.broadcast %add3A_1028 : i32 to vector<16xi32>
        %add3A_1030 = arith.addi %broadcast_in_dim3A_1027, %add3A_1029 : vector<16xi32>
        %gather3A_1031 = tpu.vector_load_idx %arg18[%add3A_228, %add3A_1030] : memref<64x112xf32, #tpu.memory_space<vmem>>[vector<16xi32>, vector<16xi32>], vector<16xf32>,
        %mul3A_1032 = arith.mulf %gather3A_1031, %mul3A_318 : vector<16xf32>
        tpu.vector_store_idx %arg22[%add3A_228, %add3A_1030], %mul3A_1032 : memref<64x112xf32, #tpu.memory_space<vmem>>[vector<16xi32>, vector<16xi32>], vector<16xf32>,
        %broadcast_in_dim3A_1033 = arith.constant 0 : i32
        %broadcast_in_dim3A_1034 = vector.broadcast %broadcast_in_dim3A_1033 : i32 to vector<16xi32>
        %add3A_1035 = arith.constant 102 : i32
        %add3A_1036 = vector.broadcast %add3A_1035 : i32 to vector<16xi32>
        %add3A_1037 = arith.addi %broadcast_in_dim3A_1034, %add3A_1036 : vector<16xi32>
        %gather3A_1038 = tpu.vector_load_idx %arg18[%add3A_228, %add3A_1037] : memref<64x112xf32, #tpu.memory_space<vmem>>[vector<16xi32>, vector<16xi32>], vector<16xf32>,
        %mul3A_1039 = arith.mulf %gather3A_1038, %mul3A_318 : vector<16xf32>
        tpu.vector_store_idx %arg22[%add3A_228, %add3A_1037], %mul3A_1039 : memref<64x112xf32, #tpu.memory_space<vmem>>[vector<16xi32>, vector<16xi32>], vector<16xf32>,
        %broadcast_in_dim3A_1040 = arith.constant 0 : i32
        %broadcast_in_dim3A_1041 = vector.broadcast %broadcast_in_dim3A_1040 : i32 to vector<16xi32>
        %add3A_1042 = arith.constant 103 : i32
        %add3A_1043 = vector.broadcast %add3A_1042 : i32 to vector<16xi32>
        %add3A_1044 = arith.addi %broadcast_in_dim3A_1041, %add3A_1043 : vector<16xi32>
        %gather3A_1045 = tpu.vector_load_idx %arg18[%add3A_228, %add3A_1044] : memref<64x112xf32, #tpu.memory_space<vmem>>[vector<16xi32>, vector<16xi32>], vector<16xf32>,
        %mul3A_1046 = arith.mulf %gather3A_1045, %mul3A_318 : vector<16xf32>
        tpu.vector_store_idx %arg22[%add3A_228, %add3A_1044], %mul3A_1046 : memref<64x112xf32, #tpu.memory_space<vmem>>[vector<16xi32>, vector<16xi32>], vector<16xf32>,
      }
      %scan3A_194 = arith.constant 4 : i32
      %dma_start3A_195 = arith.constant 0 : i32
      %dma_start3A_196 = arith.constant 0 : i32
      %dma_start3A_197 = tpu.memref_slice %arg7[%dma_start3A_195, %dma_start3A_196] : memref<12288x112xf32, #tpu.memory_space<vmem_shared>> -> memref<12288x112xf32, #tpu.memory_space<vmem_shared>>
      tpu.enqueue_indirect_dma source(%arg22 : memref<64x112xf32, #tpu.memory_space<vmem>>) target(%dma_start3A_197 : memref<12288x112xf32, #tpu.memory_space<vmem_shared>>) offsets(%arg12 : memref<64xi32, #tpu.memory_space<vmem>>) semaphore(%arg28 : memref<!tpu.dma_semaphore, #tpu.memory_space<semaphore_mem>>) {add = true}
      %mul3A_198 = arith.constant 2 : i32
      %mul3A_199 = arith.muli %scan3A_173, %mul3A_198 : i32
      %add3A_200 = arith.constant 1 : i32
      %add3A_201 = arith.addi %mul3A_199, %add3A_200 : i32
      %add3A_202 = arith.constant 1 : i32
      %add3A_203 = arith.addi %add3A_201, %add3A_202 : i32
      %lt3A_204 = arith.constant 384 : i32
      %lt3A_205 = arith.cmpi slt, %add3A_203, %lt3A_204 : i32
      %convert_element_type3A_206 = arith.extui %lt3A_205 : i1 to i32
      %cond3A_207 = arith.constant 0 : i32
      %cond3A_208 = arith.cmpi ne, %convert_element_type3A_206, %cond3A_207 : i32
      scf.if %cond3A_208 {
        %dma_wait3A_224 = arith.constant 0 : i32
        %dma_wait3A_225 = tpu.memref_slice %arg5[%dma_wait3A_224] : memref<786432xi32, #tpu.memory_space<hbm>> -> memref<128xi32, #tpu.memory_space<hbm>>
        %dma_wait3A_226 = arith.constant 0 : i32
        %dma_wait3A_227 = tpu.memref_slice %arg5[%dma_wait3A_226] : memref<786432xi32, #tpu.memory_space<hbm>> -> memref<128xi32, #tpu.memory_space<hbm>>
        tpu.wait_dma2 semaphore(%arg24 : memref<!tpu.dma_semaphore, #tpu.memory_space<semaphore_mem>>) src(%dma_wait3A_227 : memref<128xi32, #tpu.memory_space<hbm>>) dst(%arg8 : memref<128xi32, #tpu.memory_space<vmem>>)
        %ge3A_228 = arith.constant 1 : i32
        %ge3A_229 = arith.cmpi sge, %add3A_201, %ge3A_228 : i32
        %convert_element_type3A_230 = arith.extui %ge3A_229 : i1 to i32
        %cond3A_231 = arith.constant 0 : i32
        %cond3A_232 = arith.cmpi ne, %convert_element_type3A_230, %cond3A_231 : i32
        scf.if %cond3A_232 {
          %dma_wait3A_374 = arith.constant 0 : i32
          %dma_wait3A_375 = arith.constant 0 : i32
          %dma_wait3A_376 = tpu.memref_slice %arg7[%dma_wait3A_374, %dma_wait3A_375] : memref<12288x112xf32, #tpu.memory_space<vmem_shared>> -> memref<12288x112xf32, #tpu.memory_space<vmem_shared>>
          tpu.wait_indirect_dma semaphore(%arg28 : memref<!tpu.dma_semaphore, #tpu.memory_space<semaphore_mem>>) src(%arg22 : memref<64x112xf32, #tpu.memory_space<vmem>>) dst(%dma_wait3A_376 : memref<12288x112xf32, #tpu.memory_space<vmem_shared>>)
        } else {
        }
        %get3A_233 = arith.constant 0 : index
        %get3A_234 = tpu.vector_load %arg8[%get3A_233] {strides = array<i32>} : memref<128xi32, #tpu.memory_space<vmem>>, vector<16xi32>,
        %swap3A_235 = arith.constant 0 : index
        %swap3A_236 = tpu.vector_load %arg10[%swap3A_235] {strides = array<i32>} : memref<64xi32, #tpu.memory_space<vmem>>, vector<16xi32>,
        tpu.vector_store %arg10[%swap3A_235], %get3A_234 {strides = array<i32>} : memref<64xi32, #tpu.memory_space<vmem>>, vector<16xi32>,
        %get3A_237 = arith.constant 16 : index
        %get3A_238 = tpu.vector_load %arg8[%get3A_237] {strides = array<i32>} : memref<128xi32, #tpu.memory_space<vmem>>, vector<16xi32>,
        %swap3A_239 = arith.constant 16 : index
        %swap3A_240 = tpu.vector_load %arg10[%swap3A_239] {strides = array<i32>} : memref<64xi32, #tpu.memory_space<vmem>>, vector<16xi32>,
        tpu.vector_store %arg10[%swap3A_239], %get3A_238 {strides = array<i32>} : memref<64xi32, #tpu.memory_space<vmem>>, vector<16xi32>,
        %get3A_241 = arith.constant 32 : index
        %get3A_242 = tpu.vector_load %arg8[%get3A_241] {strides = array<i32>} : memref<128xi32, #tpu.memory_space<vmem>>, vector<16xi32>,
        %swap3A_243 = arith.constant 32 : index
        %swap3A_244 = tpu.vector_load %arg10[%swap3A_243] {strides = array<i32>} : memref<64xi32, #tpu.memory_space<vmem>>, vector<16xi32>,
        tpu.vector_store %arg10[%swap3A_243], %get3A_242 {strides = array<i32>} : memref<64xi32, #tpu.memory_space<vmem>>, vector<16xi32>,
        %get3A_245 = arith.constant 48 : index
        %get3A_246 = tpu.vector_load %arg8[%get3A_245] {strides = array<i32>} : memref<128xi32, #tpu.memory_space<vmem>>, vector<16xi32>,
        %swap3A_247 = arith.constant 48 : index
        %swap3A_248 = tpu.vector_load %arg10[%swap3A_247] {strides = array<i32>} : memref<64xi32, #tpu.memory_space<vmem>>, vector<16xi32>,
        tpu.vector_store %arg10[%swap3A_247], %get3A_246 {strides = array<i32>} : memref<64xi32, #tpu.memory_space<vmem>>, vector<16xi32>,
        %get3A_249 = arith.constant 64 : index
        %get3A_250 = tpu.vector_load %arg8[%get3A_249] {strides = array<i32>} : memref<128xi32, #tpu.memory_space<vmem>>, vector<16xi32>,
        %swap3A_251 = arith.constant 0 : index
        %swap3A_252 = tpu.vector_load %arg14[%swap3A_251] {strides = array<i32>} : memref<64xi32, #tpu.memory_space<vmem>>, vector<16xi32>,
        tpu.vector_store %arg14[%swap3A_251], %get3A_250 {strides = array<i32>} : memref<64xi32, #tpu.memory_space<vmem>>, vector<16xi32>,
        %sub3A_253 = vector.broadcast %mul3A_2 : i32 to vector<16xi32>
        %sub3A_254 = arith.subi %get3A_250, %sub3A_253 : vector<16xi32>
        %ge3A_255 = arith.constant 0 : i32
        %ge3A_256 = vector.broadcast %ge3A_255 : i32 to vector<16xi32>
        %ge3A_257 = arith.cmpi sge, %sub3A_254, %ge3A_256 : vector<16xi32>
        %lt3A_258 = arith.constant 12288 : i32
        %lt3A_259 = vector.broadcast %lt3A_258 : i32 to vector<16xi32>
        %lt3A_260 = arith.cmpi slt, %sub3A_254, %lt3A_259 : vector<16xi32>
        %and3A_261 = arith.andi %ge3A_257, %lt3A_260 : vector<16xi1>
        %jit3A_262 = arith.constant 1.000000e+00 : f32
        %jit3A_263 = arith.constant 0.000000e+00 : f32
        %broadcast_in_dim3A_264 = vector.broadcast %jit3A_262 : f32 to vector<16xf32>
        %broadcast_in_dim3A_265 = vector.broadcast %jit3A_263 : f32 to vector<16xf32>
        %select_n3A_266 = arith.select %and3A_261, %broadcast_in_dim3A_264, %broadcast_in_dim3A_265 : vector<16xi1>, vector<16xf32>
        %swap3A_267 = arith.constant 0 : index
        %swap3A_268 = tpu.vector_load %arg16[%swap3A_267] {strides = array<i32>} : memref<64xf32, #tpu.memory_space<vmem>>, vector<16xf32>,
        tpu.vector_store %arg16[%swap3A_267], %select_n3A_266 {strides = array<i32>} : memref<64xf32, #tpu.memory_space<vmem>>, vector<16xf32>,
        %jit3A_269 = arith.constant 0 : i32
        %jit3A_270 = arith.constant 12287 : i32
        %max3A_271 = vector.broadcast %jit3A_269 : i32 to vector<16xi32>
        %max3A_272 = arith.maxsi %max3A_271, %sub3A_254 : vector<16xi32>
        %min3A_273 = vector.broadcast %jit3A_270 : i32 to vector<16xi32>
        %min3A_274 = arith.minsi %min3A_273, %max3A_272 : vector<16xi32>
        %swap3A_275 = arith.constant 0 : index
        %swap3A_276 = tpu.vector_load %arg12[%swap3A_275] {strides = array<i32>} : memref<64xi32, #tpu.memory_space<vmem>>, vector<16xi32>,
        tpu.vector_store %arg12[%swap3A_275], %min3A_274 {strides = array<i32>} : memref<64xi32, #tpu.memory_space<vmem>>, vector<16xi32>,
        %get3A_277 = arith.constant 80 : index
        %get3A_278 = tpu.vector_load %arg8[%get3A_277] {strides = array<i32>} : memref<128xi32, #tpu.memory_space<vmem>>, vector<16xi32>,
        %swap3A_279 = arith.constant 16 : index
        %swap3A_280 = tpu.vector_load %arg14[%swap3A_279] {strides = array<i32>} : memref<64xi32, #tpu.memory_space<vmem>>, vector<16xi32>,
        tpu.vector_store %arg14[%swap3A_279], %get3A_278 {strides = array<i32>} : memref<64xi32, #tpu.memory_space<vmem>>, vector<16xi32>,
        %sub3A_281 = vector.broadcast %mul3A_2 : i32 to vector<16xi32>
        %sub3A_282 = arith.subi %get3A_278, %sub3A_281 : vector<16xi32>
        %ge3A_283 = arith.constant 0 : i32
        %ge3A_284 = vector.broadcast %ge3A_283 : i32 to vector<16xi32>
        %ge3A_285 = arith.cmpi sge, %sub3A_282, %ge3A_284 : vector<16xi32>
        %lt3A_286 = arith.constant 12288 : i32
        %lt3A_287 = vector.broadcast %lt3A_286 : i32 to vector<16xi32>
        %lt3A_288 = arith.cmpi slt, %sub3A_282, %lt3A_287 : vector<16xi32>
        %and3A_289 = arith.andi %ge3A_285, %lt3A_288 : vector<16xi1>
        %jit3A_290 = arith.constant 1.000000e+00 : f32
        %jit3A_291 = arith.constant 0.000000e+00 : f32
        %broadcast_in_dim3A_292 = vector.broadcast %jit3A_290 : f32 to vector<16xf32>
        %broadcast_in_dim3A_293 = vector.broadcast %jit3A_291 : f32 to vector<16xf32>
        %select_n3A_294 = arith.select %and3A_289, %broadcast_in_dim3A_292, %broadcast_in_dim3A_293 : vector<16xi1>, vector<16xf32>
        %swap3A_295 = arith.constant 16 : index
        %swap3A_296 = tpu.vector_load %arg16[%swap3A_295] {strides = array<i32>} : memref<64xf32, #tpu.memory_space<vmem>>, vector<16xf32>,
        tpu.vector_store %arg16[%swap3A_295], %select_n3A_294 {strides = array<i32>} : memref<64xf32, #tpu.memory_space<vmem>>, vector<16xf32>,
        %jit3A_297 = arith.constant 0 : i32
        %jit3A_298 = arith.constant 12287 : i32
        %max3A_299 = vector.broadcast %jit3A_297 : i32 to vector<16xi32>
        %max3A_300 = arith.maxsi %max3A_299, %sub3A_282 : vector<16xi32>
        %min3A_301 = vector.broadcast %jit3A_298 : i32 to vector<16xi32>
        %min3A_302 = arith.minsi %min3A_301, %max3A_300 : vector<16xi32>
        %swap3A_303 = arith.constant 16 : index
        %swap3A_304 = tpu.vector_load %arg12[%swap3A_303] {strides = array<i32>} : memref<64xi32, #tpu.memory_space<vmem>>, vector<16xi32>,
        tpu.vector_store %arg12[%swap3A_303], %min3A_302 {strides = array<i32>} : memref<64xi32, #tpu.memory_space<vmem>>, vector<16xi32>,
        %get3A_305 = arith.constant 96 : index
        %get3A_306 = tpu.vector_load %arg8[%get3A_305] {strides = array<i32>} : memref<128xi32, #tpu.memory_space<vmem>>, vector<16xi32>,
        %swap3A_307 = arith.constant 32 : index
        %swap3A_308 = tpu.vector_load %arg14[%swap3A_307] {strides = array<i32>} : memref<64xi32, #tpu.memory_space<vmem>>, vector<16xi32>,
        tpu.vector_store %arg14[%swap3A_307], %get3A_306 {strides = array<i32>} : memref<64xi32, #tpu.memory_space<vmem>>, vector<16xi32>,
        %sub3A_309 = vector.broadcast %mul3A_2 : i32 to vector<16xi32>
        %sub3A_310 = arith.subi %get3A_306, %sub3A_309 : vector<16xi32>
        %ge3A_311 = arith.constant 0 : i32
        %ge3A_312 = vector.broadcast %ge3A_311 : i32 to vector<16xi32>
        %ge3A_313 = arith.cmpi sge, %sub3A_310, %ge3A_312 : vector<16xi32>
        %lt3A_314 = arith.constant 12288 : i32
        %lt3A_315 = vector.broadcast %lt3A_314 : i32 to vector<16xi32>
        %lt3A_316 = arith.cmpi slt, %sub3A_310, %lt3A_315 : vector<16xi32>
        %and3A_317 = arith.andi %ge3A_313, %lt3A_316 : vector<16xi1>
        %jit3A_318 = arith.constant 1.000000e+00 : f32
        %jit3A_319 = arith.constant 0.000000e+00 : f32
        %broadcast_in_dim3A_320 = vector.broadcast %jit3A_318 : f32 to vector<16xf32>
        %broadcast_in_dim3A_321 = vector.broadcast %jit3A_319 : f32 to vector<16xf32>
        %select_n3A_322 = arith.select %and3A_317, %broadcast_in_dim3A_320, %broadcast_in_dim3A_321 : vector<16xi1>, vector<16xf32>
        %swap3A_323 = arith.constant 32 : index
        %swap3A_324 = tpu.vector_load %arg16[%swap3A_323] {strides = array<i32>} : memref<64xf32, #tpu.memory_space<vmem>>, vector<16xf32>,
        tpu.vector_store %arg16[%swap3A_323], %select_n3A_322 {strides = array<i32>} : memref<64xf32, #tpu.memory_space<vmem>>, vector<16xf32>,
        %jit3A_325 = arith.constant 0 : i32
        %jit3A_326 = arith.constant 12287 : i32
        %max3A_327 = vector.broadcast %jit3A_325 : i32 to vector<16xi32>
        %max3A_328 = arith.maxsi %max3A_327, %sub3A_310 : vector<16xi32>
        %min3A_329 = vector.broadcast %jit3A_326 : i32 to vector<16xi32>
        %min3A_330 = arith.minsi %min3A_329, %max3A_328 : vector<16xi32>
        %swap3A_331 = arith.constant 32 : index
        %swap3A_332 = tpu.vector_load %arg12[%swap3A_331] {strides = array<i32>} : memref<64xi32, #tpu.memory_space<vmem>>, vector<16xi32>,
        tpu.vector_store %arg12[%swap3A_331], %min3A_330 {strides = array<i32>} : memref<64xi32, #tpu.memory_space<vmem>>, vector<16xi32>,
        %get3A_333 = arith.constant 112 : index
        %get3A_334 = tpu.vector_load %arg8[%get3A_333] {strides = array<i32>} : memref<128xi32, #tpu.memory_space<vmem>>, vector<16xi32>,
        %swap3A_335 = arith.constant 48 : index
        %swap3A_336 = tpu.vector_load %arg14[%swap3A_335] {strides = array<i32>} : memref<64xi32, #tpu.memory_space<vmem>>, vector<16xi32>,
        tpu.vector_store %arg14[%swap3A_335], %get3A_334 {strides = array<i32>} : memref<64xi32, #tpu.memory_space<vmem>>, vector<16xi32>,
        %sub3A_337 = vector.broadcast %mul3A_2 : i32 to vector<16xi32>
        %sub3A_338 = arith.subi %get3A_334, %sub3A_337 : vector<16xi32>
        %ge3A_339 = arith.constant 0 : i32
        %ge3A_340 = vector.broadcast %ge3A_339 : i32 to vector<16xi32>
        %ge3A_341 = arith.cmpi sge, %sub3A_338, %ge3A_340 : vector<16xi32>
        %lt3A_342 = arith.constant 12288 : i32
        %lt3A_343 = vector.broadcast %lt3A_342 : i32 to vector<16xi32>
        %lt3A_344 = arith.cmpi slt, %sub3A_338, %lt3A_343 : vector<16xi32>
        %and3A_345 = arith.andi %ge3A_341, %lt3A_344 : vector<16xi1>
        %jit3A_346 = arith.constant 1.000000e+00 : f32
        %jit3A_347 = arith.constant 0.000000e+00 : f32
        %broadcast_in_dim3A_348 = vector.broadcast %jit3A_346 : f32 to vector<16xf32>
        %broadcast_in_dim3A_349 = vector.broadcast %jit3A_347 : f32 to vector<16xf32>
        %select_n3A_350 = arith.select %and3A_345, %broadcast_in_dim3A_348, %broadcast_in_dim3A_349 : vector<16xi1>, vector<16xf32>
        %swap3A_351 = arith.constant 48 : index
        %swap3A_352 = tpu.vector_load %arg16[%swap3A_351] {strides = array<i32>} : memref<64xf32, #tpu.memory_space<vmem>>, vector<16xf32>,
        tpu.vector_store %arg16[%swap3A_351], %select_n3A_350 {strides = array<i32>} : memref<64xf32, #tpu.memory_space<vmem>>, vector<16xf32>,
        %jit3A_353 = arith.constant 0 : i32
        %jit3A_354 = arith.constant 12287 : i32
        %max3A_355 = vector.broadcast %jit3A_353 : i32 to vector<16xi32>
        %max3A_356 = arith.maxsi %max3A_355, %sub3A_338 : vector<16xi32>
        %min3A_357 = vector.broadcast %jit3A_354 : i32 to vector<16xi32>
        %min3A_358 = arith.minsi %min3A_357, %max3A_356 : vector<16xi32>
        %swap3A_359 = arith.constant 48 : index
        %swap3A_360 = tpu.vector_load %arg12[%swap3A_359] {strides = array<i32>} : memref<64xi32, #tpu.memory_space<vmem>>, vector<16xi32>,
        tpu.vector_store %arg12[%swap3A_359], %min3A_358 {strides = array<i32>} : memref<64xi32, #tpu.memory_space<vmem>>, vector<16xi32>,
        %dma_start3A_361 = arith.constant 0 : i32
        %dma_start3A_362 = arith.constant 0 : i32
        %dma_start3A_363 = tpu.memref_slice %arg2[%dma_start3A_361, %dma_start3A_362] : memref<24576x112xf32, #tpu.memory_space<hbm>> -> memref<24576x112xf32, #tpu.memory_space<hbm>>
        tpu.enqueue_indirect_dma source(%dma_start3A_363 : memref<24576x112xf32, #tpu.memory_space<hbm>>) target(%arg18 : memref<64x112xf32, #tpu.memory_space<vmem>>) offsets(%arg10 : memref<64xi32, #tpu.memory_space<vmem>>) semaphore(%arg26 : memref<!tpu.dma_semaphore, #tpu.memory_space<semaphore_mem>>)
        %dma_start3A_364 = arith.constant 0 : i32
        %dma_start3A_365 = arith.constant 0 : i32
        %dma_start3A_366 = tpu.memref_slice %arg3[%dma_start3A_364, %dma_start3A_365] : memref<24576x16xf32, #tpu.memory_space<hbm>> -> memref<24576x16xf32, #tpu.memory_space<hbm>>
        tpu.enqueue_indirect_dma source(%dma_start3A_366 : memref<24576x16xf32, #tpu.memory_space<hbm>>) target(%arg20 : memref<64x16xf32, #tpu.memory_space<vmem>>) offsets(%arg14 : memref<64xi32, #tpu.memory_space<vmem>>) semaphore(%arg26 : memref<!tpu.dma_semaphore, #tpu.memory_space<semaphore_mem>>)
        %add3A_367 = arith.constant 3 : i32
        %add3A_368 = arith.addi %add3A_201, %add3A_367 : i32
        %lt3A_369 = arith.constant 384 : i32
        %lt3A_370 = arith.cmpi slt, %add3A_368, %lt3A_369 : i32
        %convert_element_type3A_371 = arith.extui %lt3A_370 : i1 to i32
        %cond3A_372 = arith.constant 0 : i32
        %cond3A_373 = arith.cmpi ne, %convert_element_type3A_371, %cond3A_372 : i32
        scf.if %cond3A_373 {
          %add3A_374 = arith.constant 3 : i32
          %add3A_375 = arith.addi %add3A_201, %add3A_374 : i32
          %add3A_376 = arith.addi %mul3A_15, %add3A_375 : i32
          %mul3A_377 = arith.constant 128 : i32
          %mul3A_378 = arith.muli %add3A_376, %mul3A_377 : i32
          %dma_start3A_379 = tpu.memref_slice %arg5[%mul3A_378] : memref<786432xi32, #tpu.memory_space<hbm>> -> memref<128xi32, #tpu.memory_space<hbm>>
          %dma_start3A_380 = tpu.memref_slice %arg5[%mul3A_378] : memref<786432xi32, #tpu.memory_space<hbm>> -> memref<128xi32, #tpu.memory_space<hbm>>
          tpu.enqueue_dma source(%dma_start3A_380 : memref<128xi32, #tpu.memory_space<hbm>>) target(%arg8 : memref<128xi32, #tpu.memory_space<vmem>>) target_semaphore(%arg24 : memref<!tpu.dma_semaphore, #tpu.memory_space<semaphore_mem>>)
        } else {
        }
      } else {
      }
      %dma_wait3A_209 = arith.constant 0 : i32
      %dma_wait3A_210 = arith.constant 0 : i32
      %dma_wait3A_211 = tpu.memref_slice %arg2[%dma_wait3A_209, %dma_wait3A_210] : memref<24576x112xf32, #tpu.memory_space<hbm>> -> memref<24576x112xf32, #tpu.memory_space<hbm>>
      tpu.wait_indirect_dma semaphore(%arg27 : memref<!tpu.dma_semaphore, #tpu.memory_space<semaphore_mem>>) src(%dma_wait3A_211 : memref<24576x112xf32, #tpu.memory_space<hbm>>) dst(%arg19 : memref<64x112xf32, #tpu.memory_space<vmem>>)
      %dma_wait3A_212 = arith.constant 0 : i32
      %dma_wait3A_213 = arith.constant 0 : i32
      %dma_wait3A_214 = tpu.memref_slice %arg3[%dma_wait3A_212, %dma_wait3A_213] : memref<24576x16xf32, #tpu.memory_space<hbm>> -> memref<24576x16xf32, #tpu.memory_space<hbm>>
      tpu.wait_indirect_dma semaphore(%arg27 : memref<!tpu.dma_semaphore, #tpu.memory_space<semaphore_mem>>) src(%dma_wait3A_214 : memref<24576x16xf32, #tpu.memory_space<hbm>>) dst(%arg21 : memref<64x16xf32, #tpu.memory_space<vmem>>)
      %scan3A_215 = arith.constant 0 : i32
      %scan3A_216 = arith.constant 0 : i32
      %scan3A_217 = arith.constant 4 : i32
      %scan3A_218 = arith.addi %scan3A_216, %scan3A_217 : i32
      %scan3A_219 = arith.constant 1 : i32
      scf.for %scan3A_224 = %scan3A_216 to %scan3A_218 step %scan3A_219  : i32 {
        %iota3A = tpu.iota {dimensions = array<i32: 0>} : vector<16xi32>
        %mul3A_225 = arith.constant 16 : i32
        %mul3A_226 = arith.muli %scan3A_224, %mul3A_225 : i32
        %add3A_227 = vector.broadcast %mul3A_226 : i32 to vector<16xi32>
        %add3A_228 = arith.addi %iota3A, %add3A_227 : vector<16xi32>
        %mul3A_229 = arith.constant 16 : i32
        %mul3A_230 = arith.muli %scan3A_224, %mul3A_229 : i32
        %get3A_231 = arith.index_cast %mul3A_230 : i32 to index
        %get3A_232 = tpu.vector_load %arg17[%get3A_231] {strides = array<i32>} : memref<64xf32, #tpu.memory_space<vmem>>, vector<16xf32>,
        %broadcast_in_dim3A_233 = arith.constant 0 : i32
        %broadcast_in_dim3A_234 = vector.broadcast %broadcast_in_dim3A_233 : i32 to vector<16xi32>
        %add3A_235 = arith.constant 104 : i32
        %add3A_236 = vector.broadcast %add3A_235 : i32 to vector<16xi32>
        %add3A_237 = arith.addi %broadcast_in_dim3A_234, %add3A_236 : vector<16xi32>
        %gather3A = tpu.vector_load_idx %arg19[%add3A_228, %add3A_237] : memref<64x112xf32, #tpu.memory_space<vmem>>[vector<16xi32>, vector<16xi32>], vector<16xf32>,
        %broadcast_in_dim3A_238 = arith.constant 0 : i32
        %broadcast_in_dim3A_239 = vector.broadcast %broadcast_in_dim3A_238 : i32 to vector<16xi32>
        %add3A_240 = arith.constant 0 : i32
        %add3A_241 = vector.broadcast %add3A_240 : i32 to vector<16xi32>
        %add3A_242 = arith.addi %broadcast_in_dim3A_239, %add3A_241 : vector<16xi32>
        %gather3A_243 = tpu.vector_load_idx %arg21[%add3A_228, %add3A_242] : memref<64x16xf32, #tpu.memory_space<vmem>>[vector<16xi32>, vector<16xi32>], vector<16xf32>,
        %add3A_244 = arith.addf %gather3A, %gather3A_243 : vector<16xf32>
        %ge3A_245 = arith.constant 0.000000e+00 : f32
        %ge3A_246 = vector.broadcast %ge3A_245 : f32 to vector<16xf32>
        %ge3A_247 = arith.cmpf oge, %add3A_244, %ge3A_246 : vector<16xf32>
        %mul3A_248 = arith.constant 2.000000e-01 : f32
        %mul3A_249 = vector.broadcast %mul3A_248 : f32 to vector<16xf32>
        %mul3A_250 = arith.mulf %mul3A_249, %add3A_244 : vector<16xf32>
        %select_n3A_251 = arith.select %ge3A_247, %add3A_244, %mul3A_250 : vector<16xi1>, vector<16xf32>
        %exp3A = math.exp %select_n3A_251 : vector<16xf32>
        %mul3A_252 = arith.mulf %exp3A, %get3A_232 : vector<16xf32>
        tpu.vector_store_idx %arg23[%add3A_228, %add3A_237], %mul3A_252 : memref<64x112xf32, #tpu.memory_space<vmem>>[vector<16xi32>, vector<16xi32>], vector<16xf32>,
        %broadcast_in_dim3A_253 = arith.constant 0 : i32
        %broadcast_in_dim3A_254 = vector.broadcast %broadcast_in_dim3A_253 : i32 to vector<16xi32>
        %add3A_255 = arith.constant 105 : i32
        %add3A_256 = vector.broadcast %add3A_255 : i32 to vector<16xi32>
        %add3A_257 = arith.addi %broadcast_in_dim3A_254, %add3A_256 : vector<16xi32>
        %gather3A_258 = tpu.vector_load_idx %arg19[%add3A_228, %add3A_257] : memref<64x112xf32, #tpu.memory_space<vmem>>[vector<16xi32>, vector<16xi32>], vector<16xf32>,
        %broadcast_in_dim3A_259 = arith.constant 0 : i32
        %broadcast_in_dim3A_260 = vector.broadcast %broadcast_in_dim3A_259 : i32 to vector<16xi32>
        %add3A_261 = arith.constant 1 : i32
        %add3A_262 = vector.broadcast %add3A_261 : i32 to vector<16xi32>
        %add3A_263 = arith.addi %broadcast_in_dim3A_260, %add3A_262 : vector<16xi32>
        %gather3A_264 = tpu.vector_load_idx %arg21[%add3A_228, %add3A_263] : memref<64x16xf32, #tpu.memory_space<vmem>>[vector<16xi32>, vector<16xi32>], vector<16xf32>,
        %add3A_265 = arith.addf %gather3A_258, %gather3A_264 : vector<16xf32>
        %ge3A_266 = arith.constant 0.000000e+00 : f32
        %ge3A_267 = vector.broadcast %ge3A_266 : f32 to vector<16xf32>
        %ge3A_268 = arith.cmpf oge, %add3A_265, %ge3A_267 : vector<16xf32>
        %mul3A_269 = arith.constant 2.000000e-01 : f32
        %mul3A_270 = vector.broadcast %mul3A_269 : f32 to vector<16xf32>
        %mul3A_271 = arith.mulf %mul3A_270, %add3A_265 : vector<16xf32>
        %select_n3A_272 = arith.select %ge3A_268, %add3A_265, %mul3A_271 : vector<16xi1>, vector<16xf32>
        %exp3A_273 = math.exp %select_n3A_272 : vector<16xf32>
        %mul3A_274 = arith.mulf %exp3A_273, %get3A_232 : vector<16xf32>
        tpu.vector_store_idx %arg23[%add3A_228, %add3A_257], %mul3A_274 : memref<64x112xf32, #tpu.memory_space<vmem>>[vector<16xi32>, vector<16xi32>], vector<16xf32>,
        %broadcast_in_dim3A_275 = arith.constant 0 : i32
        %broadcast_in_dim3A_276 = vector.broadcast %broadcast_in_dim3A_275 : i32 to vector<16xi32>
        %add3A_277 = arith.constant 106 : i32
        %add3A_278 = vector.broadcast %add3A_277 : i32 to vector<16xi32>
        %add3A_279 = arith.addi %broadcast_in_dim3A_276, %add3A_278 : vector<16xi32>
        %gather3A_280 = tpu.vector_load_idx %arg19[%add3A_228, %add3A_279] : memref<64x112xf32, #tpu.memory_space<vmem>>[vector<16xi32>, vector<16xi32>], vector<16xf32>,
        %broadcast_in_dim3A_281 = arith.constant 0 : i32
        %broadcast_in_dim3A_282 = vector.broadcast %broadcast_in_dim3A_281 : i32 to vector<16xi32>
        %add3A_283 = arith.constant 2 : i32
        %add3A_284 = vector.broadcast %add3A_283 : i32 to vector<16xi32>
        %add3A_285 = arith.addi %broadcast_in_dim3A_282, %add3A_284 : vector<16xi32>
        %gather3A_286 = tpu.vector_load_idx %arg21[%add3A_228, %add3A_285] : memref<64x16xf32, #tpu.memory_space<vmem>>[vector<16xi32>, vector<16xi32>], vector<16xf32>,
        %add3A_287 = arith.addf %gather3A_280, %gather3A_286 : vector<16xf32>
        %ge3A_288 = arith.constant 0.000000e+00 : f32
        %ge3A_289 = vector.broadcast %ge3A_288 : f32 to vector<16xf32>
        %ge3A_290 = arith.cmpf oge, %add3A_287, %ge3A_289 : vector<16xf32>
        %mul3A_291 = arith.constant 2.000000e-01 : f32
        %mul3A_292 = vector.broadcast %mul3A_291 : f32 to vector<16xf32>
        %mul3A_293 = arith.mulf %mul3A_292, %add3A_287 : vector<16xf32>
        %select_n3A_294 = arith.select %ge3A_290, %add3A_287, %mul3A_293 : vector<16xi1>, vector<16xf32>
        %exp3A_295 = math.exp %select_n3A_294 : vector<16xf32>
        %mul3A_296 = arith.mulf %exp3A_295, %get3A_232 : vector<16xf32>
        tpu.vector_store_idx %arg23[%add3A_228, %add3A_279], %mul3A_296 : memref<64x112xf32, #tpu.memory_space<vmem>>[vector<16xi32>, vector<16xi32>], vector<16xf32>,
        %broadcast_in_dim3A_297 = arith.constant 0 : i32
        %broadcast_in_dim3A_298 = vector.broadcast %broadcast_in_dim3A_297 : i32 to vector<16xi32>
        %add3A_299 = arith.constant 107 : i32
        %add3A_300 = vector.broadcast %add3A_299 : i32 to vector<16xi32>
        %add3A_301 = arith.addi %broadcast_in_dim3A_298, %add3A_300 : vector<16xi32>
        %gather3A_302 = tpu.vector_load_idx %arg19[%add3A_228, %add3A_301] : memref<64x112xf32, #tpu.memory_space<vmem>>[vector<16xi32>, vector<16xi32>], vector<16xf32>,
        %broadcast_in_dim3A_303 = arith.constant 0 : i32
        %broadcast_in_dim3A_304 = vector.broadcast %broadcast_in_dim3A_303 : i32 to vector<16xi32>
        %add3A_305 = arith.constant 3 : i32
        %add3A_306 = vector.broadcast %add3A_305 : i32 to vector<16xi32>
        %add3A_307 = arith.addi %broadcast_in_dim3A_304, %add3A_306 : vector<16xi32>
        %gather3A_308 = tpu.vector_load_idx %arg21[%add3A_228, %add3A_307] : memref<64x16xf32, #tpu.memory_space<vmem>>[vector<16xi32>, vector<16xi32>], vector<16xf32>,
        %add3A_309 = arith.addf %gather3A_302, %gather3A_308 : vector<16xf32>
        %ge3A_310 = arith.constant 0.000000e+00 : f32
        %ge3A_311 = vector.broadcast %ge3A_310 : f32 to vector<16xf32>
        %ge3A_312 = arith.cmpf oge, %add3A_309, %ge3A_311 : vector<16xf32>
        %mul3A_313 = arith.constant 2.000000e-01 : f32
        %mul3A_314 = vector.broadcast %mul3A_313 : f32 to vector<16xf32>
        %mul3A_315 = arith.mulf %mul3A_314, %add3A_309 : vector<16xf32>
        %select_n3A_316 = arith.select %ge3A_312, %add3A_309, %mul3A_315 : vector<16xi1>, vector<16xf32>
        %exp3A_317 = math.exp %select_n3A_316 : vector<16xf32>
        %mul3A_318 = arith.mulf %exp3A_317, %get3A_232 : vector<16xf32>
        tpu.vector_store_idx %arg23[%add3A_228, %add3A_301], %mul3A_318 : memref<64x112xf32, #tpu.memory_space<vmem>>[vector<16xi32>, vector<16xi32>], vector<16xf32>,
        %broadcast_in_dim3A_319 = arith.constant 0 : i32
        %broadcast_in_dim3A_320 = vector.broadcast %broadcast_in_dim3A_319 : i32 to vector<16xi32>
        %add3A_321 = arith.constant 0 : i32
        %add3A_322 = vector.broadcast %add3A_321 : i32 to vector<16xi32>
        %add3A_323 = arith.addi %broadcast_in_dim3A_320, %add3A_322 : vector<16xi32>
        %gather3A_324 = tpu.vector_load_idx %arg19[%add3A_228, %add3A_323] : memref<64x112xf32, #tpu.memory_space<vmem>>[vector<16xi32>, vector<16xi32>], vector<16xf32>,
        %mul3A_325 = arith.mulf %gather3A_324, %mul3A_252 : vector<16xf32>
        tpu.vector_store_idx %arg23[%add3A_228, %add3A_323], %mul3A_325 : memref<64x112xf32, #tpu.memory_space<vmem>>[vector<16xi32>, vector<16xi32>], vector<16xf32>,
        %broadcast_in_dim3A_326 = arith.constant 0 : i32
        %broadcast_in_dim3A_327 = vector.broadcast %broadcast_in_dim3A_326 : i32 to vector<16xi32>
        %add3A_328 = arith.constant 1 : i32
        %add3A_329 = vector.broadcast %add3A_328 : i32 to vector<16xi32>
        %add3A_330 = arith.addi %broadcast_in_dim3A_327, %add3A_329 : vector<16xi32>
        %gather3A_331 = tpu.vector_load_idx %arg19[%add3A_228, %add3A_330] : memref<64x112xf32, #tpu.memory_space<vmem>>[vector<16xi32>, vector<16xi32>], vector<16xf32>,
        %mul3A_332 = arith.mulf %gather3A_331, %mul3A_252 : vector<16xf32>
        tpu.vector_store_idx %arg23[%add3A_228, %add3A_330], %mul3A_332 : memref<64x112xf32, #tpu.memory_space<vmem>>[vector<16xi32>, vector<16xi32>], vector<16xf32>,
        %broadcast_in_dim3A_333 = arith.constant 0 : i32
        %broadcast_in_dim3A_334 = vector.broadcast %broadcast_in_dim3A_333 : i32 to vector<16xi32>
        %add3A_335 = arith.constant 2 : i32
        %add3A_336 = vector.broadcast %add3A_335 : i32 to vector<16xi32>
        %add3A_337 = arith.addi %broadcast_in_dim3A_334, %add3A_336 : vector<16xi32>
        %gather3A_338 = tpu.vector_load_idx %arg19[%add3A_228, %add3A_337] : memref<64x112xf32, #tpu.memory_space<vmem>>[vector<16xi32>, vector<16xi32>], vector<16xf32>,
        %mul3A_339 = arith.mulf %gather3A_338, %mul3A_252 : vector<16xf32>
        tpu.vector_store_idx %arg23[%add3A_228, %add3A_337], %mul3A_339 : memref<64x112xf32, #tpu.memory_space<vmem>>[vector<16xi32>, vector<16xi32>], vector<16xf32>,
        %broadcast_in_dim3A_340 = arith.constant 0 : i32
        %broadcast_in_dim3A_341 = vector.broadcast %broadcast_in_dim3A_340 : i32 to vector<16xi32>
        %add3A_342 = arith.constant 3 : i32
        %add3A_343 = vector.broadcast %add3A_342 : i32 to vector<16xi32>
        %add3A_344 = arith.addi %broadcast_in_dim3A_341, %add3A_343 : vector<16xi32>
        %gather3A_345 = tpu.vector_load_idx %arg19[%add3A_228, %add3A_344] : memref<64x112xf32, #tpu.memory_space<vmem>>[vector<16xi32>, vector<16xi32>], vector<16xf32>,
        %mul3A_346 = arith.mulf %gather3A_345, %mul3A_252 : vector<16xf32>
        tpu.vector_store_idx %arg23[%add3A_228, %add3A_344], %mul3A_346 : memref<64x112xf32, #tpu.memory_space<vmem>>[vector<16xi32>, vector<16xi32>], vector<16xf32>,
        %broadcast_in_dim3A_347 = arith.constant 0 : i32
        %broadcast_in_dim3A_348 = vector.broadcast %broadcast_in_dim3A_347 : i32 to vector<16xi32>
        %add3A_349 = arith.constant 4 : i32
        %add3A_350 = vector.broadcast %add3A_349 : i32 to vector<16xi32>
        %add3A_351 = arith.addi %broadcast_in_dim3A_348, %add3A_350 : vector<16xi32>
        %gather3A_352 = tpu.vector_load_idx %arg19[%add3A_228, %add3A_351] : memref<64x112xf32, #tpu.memory_space<vmem>>[vector<16xi32>, vector<16xi32>], vector<16xf32>,
        %mul3A_353 = arith.mulf %gather3A_352, %mul3A_252 : vector<16xf32>
        tpu.vector_store_idx %arg23[%add3A_228, %add3A_351], %mul3A_353 : memref<64x112xf32, #tpu.memory_space<vmem>>[vector<16xi32>, vector<16xi32>], vector<16xf32>,
        %broadcast_in_dim3A_354 = arith.constant 0 : i32
        %broadcast_in_dim3A_355 = vector.broadcast %broadcast_in_dim3A_354 : i32 to vector<16xi32>
        %add3A_356 = arith.constant 5 : i32
        %add3A_357 = vector.broadcast %add3A_356 : i32 to vector<16xi32>
        %add3A_358 = arith.addi %broadcast_in_dim3A_355, %add3A_357 : vector<16xi32>
        %gather3A_359 = tpu.vector_load_idx %arg19[%add3A_228, %add3A_358] : memref<64x112xf32, #tpu.memory_space<vmem>>[vector<16xi32>, vector<16xi32>], vector<16xf32>,
        %mul3A_360 = arith.mulf %gather3A_359, %mul3A_252 : vector<16xf32>
        tpu.vector_store_idx %arg23[%add3A_228, %add3A_358], %mul3A_360 : memref<64x112xf32, #tpu.memory_space<vmem>>[vector<16xi32>, vector<16xi32>], vector<16xf32>,
        %broadcast_in_dim3A_361 = arith.constant 0 : i32
        %broadcast_in_dim3A_362 = vector.broadcast %broadcast_in_dim3A_361 : i32 to vector<16xi32>
        %add3A_363 = arith.constant 6 : i32
        %add3A_364 = vector.broadcast %add3A_363 : i32 to vector<16xi32>
        %add3A_365 = arith.addi %broadcast_in_dim3A_362, %add3A_364 : vector<16xi32>
        %gather3A_366 = tpu.vector_load_idx %arg19[%add3A_228, %add3A_365] : memref<64x112xf32, #tpu.memory_space<vmem>>[vector<16xi32>, vector<16xi32>], vector<16xf32>,
        %mul3A_367 = arith.mulf %gather3A_366, %mul3A_252 : vector<16xf32>
        tpu.vector_store_idx %arg23[%add3A_228, %add3A_365], %mul3A_367 : memref<64x112xf32, #tpu.memory_space<vmem>>[vector<16xi32>, vector<16xi32>], vector<16xf32>,
        %broadcast_in_dim3A_368 = arith.constant 0 : i32
        %broadcast_in_dim3A_369 = vector.broadcast %broadcast_in_dim3A_368 : i32 to vector<16xi32>
        %add3A_370 = arith.constant 7 : i32
        %add3A_371 = vector.broadcast %add3A_370 : i32 to vector<16xi32>
        %add3A_372 = arith.addi %broadcast_in_dim3A_369, %add3A_371 : vector<16xi32>
        %gather3A_373 = tpu.vector_load_idx %arg19[%add3A_228, %add3A_372] : memref<64x112xf32, #tpu.memory_space<vmem>>[vector<16xi32>, vector<16xi32>], vector<16xf32>,
        %mul3A_374 = arith.mulf %gather3A_373, %mul3A_252 : vector<16xf32>
        tpu.vector_store_idx %arg23[%add3A_228, %add3A_372], %mul3A_374 : memref<64x112xf32, #tpu.memory_space<vmem>>[vector<16xi32>, vector<16xi32>], vector<16xf32>,
        %broadcast_in_dim3A_375 = arith.constant 0 : i32
        %broadcast_in_dim3A_376 = vector.broadcast %broadcast_in_dim3A_375 : i32 to vector<16xi32>
        %add3A_377 = arith.constant 8 : i32
        %add3A_378 = vector.broadcast %add3A_377 : i32 to vector<16xi32>
        %add3A_379 = arith.addi %broadcast_in_dim3A_376, %add3A_378 : vector<16xi32>
        %gather3A_380 = tpu.vector_load_idx %arg19[%add3A_228, %add3A_379] : memref<64x112xf32, #tpu.memory_space<vmem>>[vector<16xi32>, vector<16xi32>], vector<16xf32>,
        %mul3A_381 = arith.mulf %gather3A_380, %mul3A_252 : vector<16xf32>
        tpu.vector_store_idx %arg23[%add3A_228, %add3A_379], %mul3A_381 : memref<64x112xf32, #tpu.memory_space<vmem>>[vector<16xi32>, vector<16xi32>], vector<16xf32>,
        %broadcast_in_dim3A_382 = arith.constant 0 : i32
        %broadcast_in_dim3A_383 = vector.broadcast %broadcast_in_dim3A_382 : i32 to vector<16xi32>
        %add3A_384 = arith.constant 9 : i32
        %add3A_385 = vector.broadcast %add3A_384 : i32 to vector<16xi32>
        %add3A_386 = arith.addi %broadcast_in_dim3A_383, %add3A_385 : vector<16xi32>
        %gather3A_387 = tpu.vector_load_idx %arg19[%add3A_228, %add3A_386] : memref<64x112xf32, #tpu.memory_space<vmem>>[vector<16xi32>, vector<16xi32>], vector<16xf32>,
        %mul3A_388 = arith.mulf %gather3A_387, %mul3A_252 : vector<16xf32>
        tpu.vector_store_idx %arg23[%add3A_228, %add3A_386], %mul3A_388 : memref<64x112xf32, #tpu.memory_space<vmem>>[vector<16xi32>, vector<16xi32>], vector<16xf32>,
        %broadcast_in_dim3A_389 = arith.constant 0 : i32
        %broadcast_in_dim3A_390 = vector.broadcast %broadcast_in_dim3A_389 : i32 to vector<16xi32>
        %add3A_391 = arith.constant 10 : i32
        %add3A_392 = vector.broadcast %add3A_391 : i32 to vector<16xi32>
        %add3A_393 = arith.addi %broadcast_in_dim3A_390, %add3A_392 : vector<16xi32>
        %gather3A_394 = tpu.vector_load_idx %arg19[%add3A_228, %add3A_393] : memref<64x112xf32, #tpu.memory_space<vmem>>[vector<16xi32>, vector<16xi32>], vector<16xf32>,
        %mul3A_395 = arith.mulf %gather3A_394, %mul3A_252 : vector<16xf32>
        tpu.vector_store_idx %arg23[%add3A_228, %add3A_393], %mul3A_395 : memref<64x112xf32, #tpu.memory_space<vmem>>[vector<16xi32>, vector<16xi32>], vector<16xf32>,
        %broadcast_in_dim3A_396 = arith.constant 0 : i32
        %broadcast_in_dim3A_397 = vector.broadcast %broadcast_in_dim3A_396 : i32 to vector<16xi32>
        %add3A_398 = arith.constant 11 : i32
        %add3A_399 = vector.broadcast %add3A_398 : i32 to vector<16xi32>
        %add3A_400 = arith.addi %broadcast_in_dim3A_397, %add3A_399 : vector<16xi32>
        %gather3A_401 = tpu.vector_load_idx %arg19[%add3A_228, %add3A_400] : memref<64x112xf32, #tpu.memory_space<vmem>>[vector<16xi32>, vector<16xi32>], vector<16xf32>,
        %mul3A_402 = arith.mulf %gather3A_401, %mul3A_252 : vector<16xf32>
        tpu.vector_store_idx %arg23[%add3A_228, %add3A_400], %mul3A_402 : memref<64x112xf32, #tpu.memory_space<vmem>>[vector<16xi32>, vector<16xi32>], vector<16xf32>,
        %broadcast_in_dim3A_403 = arith.constant 0 : i32
        %broadcast_in_dim3A_404 = vector.broadcast %broadcast_in_dim3A_403 : i32 to vector<16xi32>
        %add3A_405 = arith.constant 12 : i32
        %add3A_406 = vector.broadcast %add3A_405 : i32 to vector<16xi32>
        %add3A_407 = arith.addi %broadcast_in_dim3A_404, %add3A_406 : vector<16xi32>
        %gather3A_408 = tpu.vector_load_idx %arg19[%add3A_228, %add3A_407] : memref<64x112xf32, #tpu.memory_space<vmem>>[vector<16xi32>, vector<16xi32>], vector<16xf32>,
        %mul3A_409 = arith.mulf %gather3A_408, %mul3A_252 : vector<16xf32>
        tpu.vector_store_idx %arg23[%add3A_228, %add3A_407], %mul3A_409 : memref<64x112xf32, #tpu.memory_space<vmem>>[vector<16xi32>, vector<16xi32>], vector<16xf32>,
        %broadcast_in_dim3A_410 = arith.constant 0 : i32
        %broadcast_in_dim3A_411 = vector.broadcast %broadcast_in_dim3A_410 : i32 to vector<16xi32>
        %add3A_412 = arith.constant 13 : i32
        %add3A_413 = vector.broadcast %add3A_412 : i32 to vector<16xi32>
        %add3A_414 = arith.addi %broadcast_in_dim3A_411, %add3A_413 : vector<16xi32>
        %gather3A_415 = tpu.vector_load_idx %arg19[%add3A_228, %add3A_414] : memref<64x112xf32, #tpu.memory_space<vmem>>[vector<16xi32>, vector<16xi32>], vector<16xf32>,
        %mul3A_416 = arith.mulf %gather3A_415, %mul3A_252 : vector<16xf32>
        tpu.vector_store_idx %arg23[%add3A_228, %add3A_414], %mul3A_416 : memref<64x112xf32, #tpu.memory_space<vmem>>[vector<16xi32>, vector<16xi32>], vector<16xf32>,
        %broadcast_in_dim3A_417 = arith.constant 0 : i32
        %broadcast_in_dim3A_418 = vector.broadcast %broadcast_in_dim3A_417 : i32 to vector<16xi32>
        %add3A_419 = arith.constant 14 : i32
        %add3A_420 = vector.broadcast %add3A_419 : i32 to vector<16xi32>
        %add3A_421 = arith.addi %broadcast_in_dim3A_418, %add3A_420 : vector<16xi32>
        %gather3A_422 = tpu.vector_load_idx %arg19[%add3A_228, %add3A_421] : memref<64x112xf32, #tpu.memory_space<vmem>>[vector<16xi32>, vector<16xi32>], vector<16xf32>,
        %mul3A_423 = arith.mulf %gather3A_422, %mul3A_252 : vector<16xf32>
        tpu.vector_store_idx %arg23[%add3A_228, %add3A_421], %mul3A_423 : memref<64x112xf32, #tpu.memory_space<vmem>>[vector<16xi32>, vector<16xi32>], vector<16xf32>,
        %broadcast_in_dim3A_424 = arith.constant 0 : i32
        %broadcast_in_dim3A_425 = vector.broadcast %broadcast_in_dim3A_424 : i32 to vector<16xi32>
        %add3A_426 = arith.constant 15 : i32
        %add3A_427 = vector.broadcast %add3A_426 : i32 to vector<16xi32>
        %add3A_428 = arith.addi %broadcast_in_dim3A_425, %add3A_427 : vector<16xi32>
        %gather3A_429 = tpu.vector_load_idx %arg19[%add3A_228, %add3A_428] : memref<64x112xf32, #tpu.memory_space<vmem>>[vector<16xi32>, vector<16xi32>], vector<16xf32>,
        %mul3A_430 = arith.mulf %gather3A_429, %mul3A_252 : vector<16xf32>
        tpu.vector_store_idx %arg23[%add3A_228, %add3A_428], %mul3A_430 : memref<64x112xf32, #tpu.memory_space<vmem>>[vector<16xi32>, vector<16xi32>], vector<16xf32>,
        %broadcast_in_dim3A_431 = arith.constant 0 : i32
        %broadcast_in_dim3A_432 = vector.broadcast %broadcast_in_dim3A_431 : i32 to vector<16xi32>
        %add3A_433 = arith.constant 16 : i32
        %add3A_434 = vector.broadcast %add3A_433 : i32 to vector<16xi32>
        %add3A_435 = arith.addi %broadcast_in_dim3A_432, %add3A_434 : vector<16xi32>
        %gather3A_436 = tpu.vector_load_idx %arg19[%add3A_228, %add3A_435] : memref<64x112xf32, #tpu.memory_space<vmem>>[vector<16xi32>, vector<16xi32>], vector<16xf32>,
        %mul3A_437 = arith.mulf %gather3A_436, %mul3A_252 : vector<16xf32>
        tpu.vector_store_idx %arg23[%add3A_228, %add3A_435], %mul3A_437 : memref<64x112xf32, #tpu.memory_space<vmem>>[vector<16xi32>, vector<16xi32>], vector<16xf32>,
        %broadcast_in_dim3A_438 = arith.constant 0 : i32
        %broadcast_in_dim3A_439 = vector.broadcast %broadcast_in_dim3A_438 : i32 to vector<16xi32>
        %add3A_440 = arith.constant 17 : i32
        %add3A_441 = vector.broadcast %add3A_440 : i32 to vector<16xi32>
        %add3A_442 = arith.addi %broadcast_in_dim3A_439, %add3A_441 : vector<16xi32>
        %gather3A_443 = tpu.vector_load_idx %arg19[%add3A_228, %add3A_442] : memref<64x112xf32, #tpu.memory_space<vmem>>[vector<16xi32>, vector<16xi32>], vector<16xf32>,
        %mul3A_444 = arith.mulf %gather3A_443, %mul3A_252 : vector<16xf32>
        tpu.vector_store_idx %arg23[%add3A_228, %add3A_442], %mul3A_444 : memref<64x112xf32, #tpu.memory_space<vmem>>[vector<16xi32>, vector<16xi32>], vector<16xf32>,
        %broadcast_in_dim3A_445 = arith.constant 0 : i32
        %broadcast_in_dim3A_446 = vector.broadcast %broadcast_in_dim3A_445 : i32 to vector<16xi32>
        %add3A_447 = arith.constant 18 : i32
        %add3A_448 = vector.broadcast %add3A_447 : i32 to vector<16xi32>
        %add3A_449 = arith.addi %broadcast_in_dim3A_446, %add3A_448 : vector<16xi32>
        %gather3A_450 = tpu.vector_load_idx %arg19[%add3A_228, %add3A_449] : memref<64x112xf32, #tpu.memory_space<vmem>>[vector<16xi32>, vector<16xi32>], vector<16xf32>,
        %mul3A_451 = arith.mulf %gather3A_450, %mul3A_252 : vector<16xf32>
        tpu.vector_store_idx %arg23[%add3A_228, %add3A_449], %mul3A_451 : memref<64x112xf32, #tpu.memory_space<vmem>>[vector<16xi32>, vector<16xi32>], vector<16xf32>,
        %broadcast_in_dim3A_452 = arith.constant 0 : i32
        %broadcast_in_dim3A_453 = vector.broadcast %broadcast_in_dim3A_452 : i32 to vector<16xi32>
        %add3A_454 = arith.constant 19 : i32
        %add3A_455 = vector.broadcast %add3A_454 : i32 to vector<16xi32>
        %add3A_456 = arith.addi %broadcast_in_dim3A_453, %add3A_455 : vector<16xi32>
        %gather3A_457 = tpu.vector_load_idx %arg19[%add3A_228, %add3A_456] : memref<64x112xf32, #tpu.memory_space<vmem>>[vector<16xi32>, vector<16xi32>], vector<16xf32>,
        %mul3A_458 = arith.mulf %gather3A_457, %mul3A_252 : vector<16xf32>
        tpu.vector_store_idx %arg23[%add3A_228, %add3A_456], %mul3A_458 : memref<64x112xf32, #tpu.memory_space<vmem>>[vector<16xi32>, vector<16xi32>], vector<16xf32>,
        %broadcast_in_dim3A_459 = arith.constant 0 : i32
        %broadcast_in_dim3A_460 = vector.broadcast %broadcast_in_dim3A_459 : i32 to vector<16xi32>
        %add3A_461 = arith.constant 20 : i32
        %add3A_462 = vector.broadcast %add3A_461 : i32 to vector<16xi32>
        %add3A_463 = arith.addi %broadcast_in_dim3A_460, %add3A_462 : vector<16xi32>
        %gather3A_464 = tpu.vector_load_idx %arg19[%add3A_228, %add3A_463] : memref<64x112xf32, #tpu.memory_space<vmem>>[vector<16xi32>, vector<16xi32>], vector<16xf32>,
        %mul3A_465 = arith.mulf %gather3A_464, %mul3A_252 : vector<16xf32>
        tpu.vector_store_idx %arg23[%add3A_228, %add3A_463], %mul3A_465 : memref<64x112xf32, #tpu.memory_space<vmem>>[vector<16xi32>, vector<16xi32>], vector<16xf32>,
        %broadcast_in_dim3A_466 = arith.constant 0 : i32
        %broadcast_in_dim3A_467 = vector.broadcast %broadcast_in_dim3A_466 : i32 to vector<16xi32>
        %add3A_468 = arith.constant 21 : i32
        %add3A_469 = vector.broadcast %add3A_468 : i32 to vector<16xi32>
        %add3A_470 = arith.addi %broadcast_in_dim3A_467, %add3A_469 : vector<16xi32>
        %gather3A_471 = tpu.vector_load_idx %arg19[%add3A_228, %add3A_470] : memref<64x112xf32, #tpu.memory_space<vmem>>[vector<16xi32>, vector<16xi32>], vector<16xf32>,
        %mul3A_472 = arith.mulf %gather3A_471, %mul3A_252 : vector<16xf32>
        tpu.vector_store_idx %arg23[%add3A_228, %add3A_470], %mul3A_472 : memref<64x112xf32, #tpu.memory_space<vmem>>[vector<16xi32>, vector<16xi32>], vector<16xf32>,
        %broadcast_in_dim3A_473 = arith.constant 0 : i32
        %broadcast_in_dim3A_474 = vector.broadcast %broadcast_in_dim3A_473 : i32 to vector<16xi32>
        %add3A_475 = arith.constant 22 : i32
        %add3A_476 = vector.broadcast %add3A_475 : i32 to vector<16xi32>
        %add3A_477 = arith.addi %broadcast_in_dim3A_474, %add3A_476 : vector<16xi32>
        %gather3A_478 = tpu.vector_load_idx %arg19[%add3A_228, %add3A_477] : memref<64x112xf32, #tpu.memory_space<vmem>>[vector<16xi32>, vector<16xi32>], vector<16xf32>,
        %mul3A_479 = arith.mulf %gather3A_478, %mul3A_252 : vector<16xf32>
        tpu.vector_store_idx %arg23[%add3A_228, %add3A_477], %mul3A_479 : memref<64x112xf32, #tpu.memory_space<vmem>>[vector<16xi32>, vector<16xi32>], vector<16xf32>,
        %broadcast_in_dim3A_480 = arith.constant 0 : i32
        %broadcast_in_dim3A_481 = vector.broadcast %broadcast_in_dim3A_480 : i32 to vector<16xi32>
        %add3A_482 = arith.constant 23 : i32
        %add3A_483 = vector.broadcast %add3A_482 : i32 to vector<16xi32>
        %add3A_484 = arith.addi %broadcast_in_dim3A_481, %add3A_483 : vector<16xi32>
        %gather3A_485 = tpu.vector_load_idx %arg19[%add3A_228, %add3A_484] : memref<64x112xf32, #tpu.memory_space<vmem>>[vector<16xi32>, vector<16xi32>], vector<16xf32>,
        %mul3A_486 = arith.mulf %gather3A_485, %mul3A_252 : vector<16xf32>
        tpu.vector_store_idx %arg23[%add3A_228, %add3A_484], %mul3A_486 : memref<64x112xf32, #tpu.memory_space<vmem>>[vector<16xi32>, vector<16xi32>], vector<16xf32>,
        %broadcast_in_dim3A_487 = arith.constant 0 : i32
        %broadcast_in_dim3A_488 = vector.broadcast %broadcast_in_dim3A_487 : i32 to vector<16xi32>
        %add3A_489 = arith.constant 24 : i32
        %add3A_490 = vector.broadcast %add3A_489 : i32 to vector<16xi32>
        %add3A_491 = arith.addi %broadcast_in_dim3A_488, %add3A_490 : vector<16xi32>
        %gather3A_492 = tpu.vector_load_idx %arg19[%add3A_228, %add3A_491] : memref<64x112xf32, #tpu.memory_space<vmem>>[vector<16xi32>, vector<16xi32>], vector<16xf32>,
        %mul3A_493 = arith.mulf %gather3A_492, %mul3A_252 : vector<16xf32>
        tpu.vector_store_idx %arg23[%add3A_228, %add3A_491], %mul3A_493 : memref<64x112xf32, #tpu.memory_space<vmem>>[vector<16xi32>, vector<16xi32>], vector<16xf32>,
        %broadcast_in_dim3A_494 = arith.constant 0 : i32
        %broadcast_in_dim3A_495 = vector.broadcast %broadcast_in_dim3A_494 : i32 to vector<16xi32>
        %add3A_496 = arith.constant 25 : i32
        %add3A_497 = vector.broadcast %add3A_496 : i32 to vector<16xi32>
        %add3A_498 = arith.addi %broadcast_in_dim3A_495, %add3A_497 : vector<16xi32>
        %gather3A_499 = tpu.vector_load_idx %arg19[%add3A_228, %add3A_498] : memref<64x112xf32, #tpu.memory_space<vmem>>[vector<16xi32>, vector<16xi32>], vector<16xf32>,
        %mul3A_500 = arith.mulf %gather3A_499, %mul3A_252 : vector<16xf32>
        tpu.vector_store_idx %arg23[%add3A_228, %add3A_498], %mul3A_500 : memref<64x112xf32, #tpu.memory_space<vmem>>[vector<16xi32>, vector<16xi32>], vector<16xf32>,
        %broadcast_in_dim3A_501 = arith.constant 0 : i32
        %broadcast_in_dim3A_502 = vector.broadcast %broadcast_in_dim3A_501 : i32 to vector<16xi32>
        %add3A_503 = arith.constant 26 : i32
        %add3A_504 = vector.broadcast %add3A_503 : i32 to vector<16xi32>
        %add3A_505 = arith.addi %broadcast_in_dim3A_502, %add3A_504 : vector<16xi32>
        %gather3A_506 = tpu.vector_load_idx %arg19[%add3A_228, %add3A_505] : memref<64x112xf32, #tpu.memory_space<vmem>>[vector<16xi32>, vector<16xi32>], vector<16xf32>,
        %mul3A_507 = arith.mulf %gather3A_506, %mul3A_274 : vector<16xf32>
        tpu.vector_store_idx %arg23[%add3A_228, %add3A_505], %mul3A_507 : memref<64x112xf32, #tpu.memory_space<vmem>>[vector<16xi32>, vector<16xi32>], vector<16xf32>,
        %broadcast_in_dim3A_508 = arith.constant 0 : i32
        %broadcast_in_dim3A_509 = vector.broadcast %broadcast_in_dim3A_508 : i32 to vector<16xi32>
        %add3A_510 = arith.constant 27 : i32
        %add3A_511 = vector.broadcast %add3A_510 : i32 to vector<16xi32>
        %add3A_512 = arith.addi %broadcast_in_dim3A_509, %add3A_511 : vector<16xi32>
        %gather3A_513 = tpu.vector_load_idx %arg19[%add3A_228, %add3A_512] : memref<64x112xf32, #tpu.memory_space<vmem>>[vector<16xi32>, vector<16xi32>], vector<16xf32>,
        %mul3A_514 = arith.mulf %gather3A_513, %mul3A_274 : vector<16xf32>
        tpu.vector_store_idx %arg23[%add3A_228, %add3A_512], %mul3A_514 : memref<64x112xf32, #tpu.memory_space<vmem>>[vector<16xi32>, vector<16xi32>], vector<16xf32>,
        %broadcast_in_dim3A_515 = arith.constant 0 : i32
        %broadcast_in_dim3A_516 = vector.broadcast %broadcast_in_dim3A_515 : i32 to vector<16xi32>
        %add3A_517 = arith.constant 28 : i32
        %add3A_518 = vector.broadcast %add3A_517 : i32 to vector<16xi32>
        %add3A_519 = arith.addi %broadcast_in_dim3A_516, %add3A_518 : vector<16xi32>
        %gather3A_520 = tpu.vector_load_idx %arg19[%add3A_228, %add3A_519] : memref<64x112xf32, #tpu.memory_space<vmem>>[vector<16xi32>, vector<16xi32>], vector<16xf32>,
        %mul3A_521 = arith.mulf %gather3A_520, %mul3A_274 : vector<16xf32>
        tpu.vector_store_idx %arg23[%add3A_228, %add3A_519], %mul3A_521 : memref<64x112xf32, #tpu.memory_space<vmem>>[vector<16xi32>, vector<16xi32>], vector<16xf32>,
        %broadcast_in_dim3A_522 = arith.constant 0 : i32
        %broadcast_in_dim3A_523 = vector.broadcast %broadcast_in_dim3A_522 : i32 to vector<16xi32>
        %add3A_524 = arith.constant 29 : i32
        %add3A_525 = vector.broadcast %add3A_524 : i32 to vector<16xi32>
        %add3A_526 = arith.addi %broadcast_in_dim3A_523, %add3A_525 : vector<16xi32>
        %gather3A_527 = tpu.vector_load_idx %arg19[%add3A_228, %add3A_526] : memref<64x112xf32, #tpu.memory_space<vmem>>[vector<16xi32>, vector<16xi32>], vector<16xf32>,
        %mul3A_528 = arith.mulf %gather3A_527, %mul3A_274 : vector<16xf32>
        tpu.vector_store_idx %arg23[%add3A_228, %add3A_526], %mul3A_528 : memref<64x112xf32, #tpu.memory_space<vmem>>[vector<16xi32>, vector<16xi32>], vector<16xf32>,
        %broadcast_in_dim3A_529 = arith.constant 0 : i32
        %broadcast_in_dim3A_530 = vector.broadcast %broadcast_in_dim3A_529 : i32 to vector<16xi32>
        %add3A_531 = arith.constant 30 : i32
        %add3A_532 = vector.broadcast %add3A_531 : i32 to vector<16xi32>
        %add3A_533 = arith.addi %broadcast_in_dim3A_530, %add3A_532 : vector<16xi32>
        %gather3A_534 = tpu.vector_load_idx %arg19[%add3A_228, %add3A_533] : memref<64x112xf32, #tpu.memory_space<vmem>>[vector<16xi32>, vector<16xi32>], vector<16xf32>,
        %mul3A_535 = arith.mulf %gather3A_534, %mul3A_274 : vector<16xf32>
        tpu.vector_store_idx %arg23[%add3A_228, %add3A_533], %mul3A_535 : memref<64x112xf32, #tpu.memory_space<vmem>>[vector<16xi32>, vector<16xi32>], vector<16xf32>,
        %broadcast_in_dim3A_536 = arith.constant 0 : i32
        %broadcast_in_dim3A_537 = vector.broadcast %broadcast_in_dim3A_536 : i32 to vector<16xi32>
        %add3A_538 = arith.constant 31 : i32
        %add3A_539 = vector.broadcast %add3A_538 : i32 to vector<16xi32>
        %add3A_540 = arith.addi %broadcast_in_dim3A_537, %add3A_539 : vector<16xi32>
        %gather3A_541 = tpu.vector_load_idx %arg19[%add3A_228, %add3A_540] : memref<64x112xf32, #tpu.memory_space<vmem>>[vector<16xi32>, vector<16xi32>], vector<16xf32>,
        %mul3A_542 = arith.mulf %gather3A_541, %mul3A_274 : vector<16xf32>
        tpu.vector_store_idx %arg23[%add3A_228, %add3A_540], %mul3A_542 : memref<64x112xf32, #tpu.memory_space<vmem>>[vector<16xi32>, vector<16xi32>], vector<16xf32>,
        %broadcast_in_dim3A_543 = arith.constant 0 : i32
        %broadcast_in_dim3A_544 = vector.broadcast %broadcast_in_dim3A_543 : i32 to vector<16xi32>
        %add3A_545 = arith.constant 32 : i32
        %add3A_546 = vector.broadcast %add3A_545 : i32 to vector<16xi32>
        %add3A_547 = arith.addi %broadcast_in_dim3A_544, %add3A_546 : vector<16xi32>
        %gather3A_548 = tpu.vector_load_idx %arg19[%add3A_228, %add3A_547] : memref<64x112xf32, #tpu.memory_space<vmem>>[vector<16xi32>, vector<16xi32>], vector<16xf32>,
        %mul3A_549 = arith.mulf %gather3A_548, %mul3A_274 : vector<16xf32>
        tpu.vector_store_idx %arg23[%add3A_228, %add3A_547], %mul3A_549 : memref<64x112xf32, #tpu.memory_space<vmem>>[vector<16xi32>, vector<16xi32>], vector<16xf32>,
        %broadcast_in_dim3A_550 = arith.constant 0 : i32
        %broadcast_in_dim3A_551 = vector.broadcast %broadcast_in_dim3A_550 : i32 to vector<16xi32>
        %add3A_552 = arith.constant 33 : i32
        %add3A_553 = vector.broadcast %add3A_552 : i32 to vector<16xi32>
        %add3A_554 = arith.addi %broadcast_in_dim3A_551, %add3A_553 : vector<16xi32>
        %gather3A_555 = tpu.vector_load_idx %arg19[%add3A_228, %add3A_554] : memref<64x112xf32, #tpu.memory_space<vmem>>[vector<16xi32>, vector<16xi32>], vector<16xf32>,
        %mul3A_556 = arith.mulf %gather3A_555, %mul3A_274 : vector<16xf32>
        tpu.vector_store_idx %arg23[%add3A_228, %add3A_554], %mul3A_556 : memref<64x112xf32, #tpu.memory_space<vmem>>[vector<16xi32>, vector<16xi32>], vector<16xf32>,
        %broadcast_in_dim3A_557 = arith.constant 0 : i32
        %broadcast_in_dim3A_558 = vector.broadcast %broadcast_in_dim3A_557 : i32 to vector<16xi32>
        %add3A_559 = arith.constant 34 : i32
        %add3A_560 = vector.broadcast %add3A_559 : i32 to vector<16xi32>
        %add3A_561 = arith.addi %broadcast_in_dim3A_558, %add3A_560 : vector<16xi32>
        %gather3A_562 = tpu.vector_load_idx %arg19[%add3A_228, %add3A_561] : memref<64x112xf32, #tpu.memory_space<vmem>>[vector<16xi32>, vector<16xi32>], vector<16xf32>,
        %mul3A_563 = arith.mulf %gather3A_562, %mul3A_274 : vector<16xf32>
        tpu.vector_store_idx %arg23[%add3A_228, %add3A_561], %mul3A_563 : memref<64x112xf32, #tpu.memory_space<vmem>>[vector<16xi32>, vector<16xi32>], vector<16xf32>,
        %broadcast_in_dim3A_564 = arith.constant 0 : i32
        %broadcast_in_dim3A_565 = vector.broadcast %broadcast_in_dim3A_564 : i32 to vector<16xi32>
        %add3A_566 = arith.constant 35 : i32
        %add3A_567 = vector.broadcast %add3A_566 : i32 to vector<16xi32>
        %add3A_568 = arith.addi %broadcast_in_dim3A_565, %add3A_567 : vector<16xi32>
        %gather3A_569 = tpu.vector_load_idx %arg19[%add3A_228, %add3A_568] : memref<64x112xf32, #tpu.memory_space<vmem>>[vector<16xi32>, vector<16xi32>], vector<16xf32>,
        %mul3A_570 = arith.mulf %gather3A_569, %mul3A_274 : vector<16xf32>
        tpu.vector_store_idx %arg23[%add3A_228, %add3A_568], %mul3A_570 : memref<64x112xf32, #tpu.memory_space<vmem>>[vector<16xi32>, vector<16xi32>], vector<16xf32>,
        %broadcast_in_dim3A_571 = arith.constant 0 : i32
        %broadcast_in_dim3A_572 = vector.broadcast %broadcast_in_dim3A_571 : i32 to vector<16xi32>
        %add3A_573 = arith.constant 36 : i32
        %add3A_574 = vector.broadcast %add3A_573 : i32 to vector<16xi32>
        %add3A_575 = arith.addi %broadcast_in_dim3A_572, %add3A_574 : vector<16xi32>
        %gather3A_576 = tpu.vector_load_idx %arg19[%add3A_228, %add3A_575] : memref<64x112xf32, #tpu.memory_space<vmem>>[vector<16xi32>, vector<16xi32>], vector<16xf32>,
        %mul3A_577 = arith.mulf %gather3A_576, %mul3A_274 : vector<16xf32>
        tpu.vector_store_idx %arg23[%add3A_228, %add3A_575], %mul3A_577 : memref<64x112xf32, #tpu.memory_space<vmem>>[vector<16xi32>, vector<16xi32>], vector<16xf32>,
        %broadcast_in_dim3A_578 = arith.constant 0 : i32
        %broadcast_in_dim3A_579 = vector.broadcast %broadcast_in_dim3A_578 : i32 to vector<16xi32>
        %add3A_580 = arith.constant 37 : i32
        %add3A_581 = vector.broadcast %add3A_580 : i32 to vector<16xi32>
        %add3A_582 = arith.addi %broadcast_in_dim3A_579, %add3A_581 : vector<16xi32>
        %gather3A_583 = tpu.vector_load_idx %arg19[%add3A_228, %add3A_582] : memref<64x112xf32, #tpu.memory_space<vmem>>[vector<16xi32>, vector<16xi32>], vector<16xf32>,
        %mul3A_584 = arith.mulf %gather3A_583, %mul3A_274 : vector<16xf32>
        tpu.vector_store_idx %arg23[%add3A_228, %add3A_582], %mul3A_584 : memref<64x112xf32, #tpu.memory_space<vmem>>[vector<16xi32>, vector<16xi32>], vector<16xf32>,
        %broadcast_in_dim3A_585 = arith.constant 0 : i32
        %broadcast_in_dim3A_586 = vector.broadcast %broadcast_in_dim3A_585 : i32 to vector<16xi32>
        %add3A_587 = arith.constant 38 : i32
        %add3A_588 = vector.broadcast %add3A_587 : i32 to vector<16xi32>
        %add3A_589 = arith.addi %broadcast_in_dim3A_586, %add3A_588 : vector<16xi32>
        %gather3A_590 = tpu.vector_load_idx %arg19[%add3A_228, %add3A_589] : memref<64x112xf32, #tpu.memory_space<vmem>>[vector<16xi32>, vector<16xi32>], vector<16xf32>,
        %mul3A_591 = arith.mulf %gather3A_590, %mul3A_274 : vector<16xf32>
        tpu.vector_store_idx %arg23[%add3A_228, %add3A_589], %mul3A_591 : memref<64x112xf32, #tpu.memory_space<vmem>>[vector<16xi32>, vector<16xi32>], vector<16xf32>,
        %broadcast_in_dim3A_592 = arith.constant 0 : i32
        %broadcast_in_dim3A_593 = vector.broadcast %broadcast_in_dim3A_592 : i32 to vector<16xi32>
        %add3A_594 = arith.constant 39 : i32
        %add3A_595 = vector.broadcast %add3A_594 : i32 to vector<16xi32>
        %add3A_596 = arith.addi %broadcast_in_dim3A_593, %add3A_595 : vector<16xi32>
        %gather3A_597 = tpu.vector_load_idx %arg19[%add3A_228, %add3A_596] : memref<64x112xf32, #tpu.memory_space<vmem>>[vector<16xi32>, vector<16xi32>], vector<16xf32>,
        %mul3A_598 = arith.mulf %gather3A_597, %mul3A_274 : vector<16xf32>
        tpu.vector_store_idx %arg23[%add3A_228, %add3A_596], %mul3A_598 : memref<64x112xf32, #tpu.memory_space<vmem>>[vector<16xi32>, vector<16xi32>], vector<16xf32>,
        %broadcast_in_dim3A_599 = arith.constant 0 : i32
        %broadcast_in_dim3A_600 = vector.broadcast %broadcast_in_dim3A_599 : i32 to vector<16xi32>
        %add3A_601 = arith.constant 40 : i32
        %add3A_602 = vector.broadcast %add3A_601 : i32 to vector<16xi32>
        %add3A_603 = arith.addi %broadcast_in_dim3A_600, %add3A_602 : vector<16xi32>
        %gather3A_604 = tpu.vector_load_idx %arg19[%add3A_228, %add3A_603] : memref<64x112xf32, #tpu.memory_space<vmem>>[vector<16xi32>, vector<16xi32>], vector<16xf32>,
        %mul3A_605 = arith.mulf %gather3A_604, %mul3A_274 : vector<16xf32>
        tpu.vector_store_idx %arg23[%add3A_228, %add3A_603], %mul3A_605 : memref<64x112xf32, #tpu.memory_space<vmem>>[vector<16xi32>, vector<16xi32>], vector<16xf32>,
        %broadcast_in_dim3A_606 = arith.constant 0 : i32
        %broadcast_in_dim3A_607 = vector.broadcast %broadcast_in_dim3A_606 : i32 to vector<16xi32>
        %add3A_608 = arith.constant 41 : i32
        %add3A_609 = vector.broadcast %add3A_608 : i32 to vector<16xi32>
        %add3A_610 = arith.addi %broadcast_in_dim3A_607, %add3A_609 : vector<16xi32>
        %gather3A_611 = tpu.vector_load_idx %arg19[%add3A_228, %add3A_610] : memref<64x112xf32, #tpu.memory_space<vmem>>[vector<16xi32>, vector<16xi32>], vector<16xf32>,
        %mul3A_612 = arith.mulf %gather3A_611, %mul3A_274 : vector<16xf32>
        tpu.vector_store_idx %arg23[%add3A_228, %add3A_610], %mul3A_612 : memref<64x112xf32, #tpu.memory_space<vmem>>[vector<16xi32>, vector<16xi32>], vector<16xf32>,
        %broadcast_in_dim3A_613 = arith.constant 0 : i32
        %broadcast_in_dim3A_614 = vector.broadcast %broadcast_in_dim3A_613 : i32 to vector<16xi32>
        %add3A_615 = arith.constant 42 : i32
        %add3A_616 = vector.broadcast %add3A_615 : i32 to vector<16xi32>
        %add3A_617 = arith.addi %broadcast_in_dim3A_614, %add3A_616 : vector<16xi32>
        %gather3A_618 = tpu.vector_load_idx %arg19[%add3A_228, %add3A_617] : memref<64x112xf32, #tpu.memory_space<vmem>>[vector<16xi32>, vector<16xi32>], vector<16xf32>,
        %mul3A_619 = arith.mulf %gather3A_618, %mul3A_274 : vector<16xf32>
        tpu.vector_store_idx %arg23[%add3A_228, %add3A_617], %mul3A_619 : memref<64x112xf32, #tpu.memory_space<vmem>>[vector<16xi32>, vector<16xi32>], vector<16xf32>,
        %broadcast_in_dim3A_620 = arith.constant 0 : i32
        %broadcast_in_dim3A_621 = vector.broadcast %broadcast_in_dim3A_620 : i32 to vector<16xi32>
        %add3A_622 = arith.constant 43 : i32
        %add3A_623 = vector.broadcast %add3A_622 : i32 to vector<16xi32>
        %add3A_624 = arith.addi %broadcast_in_dim3A_621, %add3A_623 : vector<16xi32>
        %gather3A_625 = tpu.vector_load_idx %arg19[%add3A_228, %add3A_624] : memref<64x112xf32, #tpu.memory_space<vmem>>[vector<16xi32>, vector<16xi32>], vector<16xf32>,
        %mul3A_626 = arith.mulf %gather3A_625, %mul3A_274 : vector<16xf32>
        tpu.vector_store_idx %arg23[%add3A_228, %add3A_624], %mul3A_626 : memref<64x112xf32, #tpu.memory_space<vmem>>[vector<16xi32>, vector<16xi32>], vector<16xf32>,
        %broadcast_in_dim3A_627 = arith.constant 0 : i32
        %broadcast_in_dim3A_628 = vector.broadcast %broadcast_in_dim3A_627 : i32 to vector<16xi32>
        %add3A_629 = arith.constant 44 : i32
        %add3A_630 = vector.broadcast %add3A_629 : i32 to vector<16xi32>
        %add3A_631 = arith.addi %broadcast_in_dim3A_628, %add3A_630 : vector<16xi32>
        %gather3A_632 = tpu.vector_load_idx %arg19[%add3A_228, %add3A_631] : memref<64x112xf32, #tpu.memory_space<vmem>>[vector<16xi32>, vector<16xi32>], vector<16xf32>,
        %mul3A_633 = arith.mulf %gather3A_632, %mul3A_274 : vector<16xf32>
        tpu.vector_store_idx %arg23[%add3A_228, %add3A_631], %mul3A_633 : memref<64x112xf32, #tpu.memory_space<vmem>>[vector<16xi32>, vector<16xi32>], vector<16xf32>,
        %broadcast_in_dim3A_634 = arith.constant 0 : i32
        %broadcast_in_dim3A_635 = vector.broadcast %broadcast_in_dim3A_634 : i32 to vector<16xi32>
        %add3A_636 = arith.constant 45 : i32
        %add3A_637 = vector.broadcast %add3A_636 : i32 to vector<16xi32>
        %add3A_638 = arith.addi %broadcast_in_dim3A_635, %add3A_637 : vector<16xi32>
        %gather3A_639 = tpu.vector_load_idx %arg19[%add3A_228, %add3A_638] : memref<64x112xf32, #tpu.memory_space<vmem>>[vector<16xi32>, vector<16xi32>], vector<16xf32>,
        %mul3A_640 = arith.mulf %gather3A_639, %mul3A_274 : vector<16xf32>
        tpu.vector_store_idx %arg23[%add3A_228, %add3A_638], %mul3A_640 : memref<64x112xf32, #tpu.memory_space<vmem>>[vector<16xi32>, vector<16xi32>], vector<16xf32>,
        %broadcast_in_dim3A_641 = arith.constant 0 : i32
        %broadcast_in_dim3A_642 = vector.broadcast %broadcast_in_dim3A_641 : i32 to vector<16xi32>
        %add3A_643 = arith.constant 46 : i32
        %add3A_644 = vector.broadcast %add3A_643 : i32 to vector<16xi32>
        %add3A_645 = arith.addi %broadcast_in_dim3A_642, %add3A_644 : vector<16xi32>
        %gather3A_646 = tpu.vector_load_idx %arg19[%add3A_228, %add3A_645] : memref<64x112xf32, #tpu.memory_space<vmem>>[vector<16xi32>, vector<16xi32>], vector<16xf32>,
        %mul3A_647 = arith.mulf %gather3A_646, %mul3A_274 : vector<16xf32>
        tpu.vector_store_idx %arg23[%add3A_228, %add3A_645], %mul3A_647 : memref<64x112xf32, #tpu.memory_space<vmem>>[vector<16xi32>, vector<16xi32>], vector<16xf32>,
        %broadcast_in_dim3A_648 = arith.constant 0 : i32
        %broadcast_in_dim3A_649 = vector.broadcast %broadcast_in_dim3A_648 : i32 to vector<16xi32>
        %add3A_650 = arith.constant 47 : i32
        %add3A_651 = vector.broadcast %add3A_650 : i32 to vector<16xi32>
        %add3A_652 = arith.addi %broadcast_in_dim3A_649, %add3A_651 : vector<16xi32>
        %gather3A_653 = tpu.vector_load_idx %arg19[%add3A_228, %add3A_652] : memref<64x112xf32, #tpu.memory_space<vmem>>[vector<16xi32>, vector<16xi32>], vector<16xf32>,
        %mul3A_654 = arith.mulf %gather3A_653, %mul3A_274 : vector<16xf32>
        tpu.vector_store_idx %arg23[%add3A_228, %add3A_652], %mul3A_654 : memref<64x112xf32, #tpu.memory_space<vmem>>[vector<16xi32>, vector<16xi32>], vector<16xf32>,
        %broadcast_in_dim3A_655 = arith.constant 0 : i32
        %broadcast_in_dim3A_656 = vector.broadcast %broadcast_in_dim3A_655 : i32 to vector<16xi32>
        %add3A_657 = arith.constant 48 : i32
        %add3A_658 = vector.broadcast %add3A_657 : i32 to vector<16xi32>
        %add3A_659 = arith.addi %broadcast_in_dim3A_656, %add3A_658 : vector<16xi32>
        %gather3A_660 = tpu.vector_load_idx %arg19[%add3A_228, %add3A_659] : memref<64x112xf32, #tpu.memory_space<vmem>>[vector<16xi32>, vector<16xi32>], vector<16xf32>,
        %mul3A_661 = arith.mulf %gather3A_660, %mul3A_274 : vector<16xf32>
        tpu.vector_store_idx %arg23[%add3A_228, %add3A_659], %mul3A_661 : memref<64x112xf32, #tpu.memory_space<vmem>>[vector<16xi32>, vector<16xi32>], vector<16xf32>,
        %broadcast_in_dim3A_662 = arith.constant 0 : i32
        %broadcast_in_dim3A_663 = vector.broadcast %broadcast_in_dim3A_662 : i32 to vector<16xi32>
        %add3A_664 = arith.constant 49 : i32
        %add3A_665 = vector.broadcast %add3A_664 : i32 to vector<16xi32>
        %add3A_666 = arith.addi %broadcast_in_dim3A_663, %add3A_665 : vector<16xi32>
        %gather3A_667 = tpu.vector_load_idx %arg19[%add3A_228, %add3A_666] : memref<64x112xf32, #tpu.memory_space<vmem>>[vector<16xi32>, vector<16xi32>], vector<16xf32>,
        %mul3A_668 = arith.mulf %gather3A_667, %mul3A_274 : vector<16xf32>
        tpu.vector_store_idx %arg23[%add3A_228, %add3A_666], %mul3A_668 : memref<64x112xf32, #tpu.memory_space<vmem>>[vector<16xi32>, vector<16xi32>], vector<16xf32>,
        %broadcast_in_dim3A_669 = arith.constant 0 : i32
        %broadcast_in_dim3A_670 = vector.broadcast %broadcast_in_dim3A_669 : i32 to vector<16xi32>
        %add3A_671 = arith.constant 50 : i32
        %add3A_672 = vector.broadcast %add3A_671 : i32 to vector<16xi32>
        %add3A_673 = arith.addi %broadcast_in_dim3A_670, %add3A_672 : vector<16xi32>
        %gather3A_674 = tpu.vector_load_idx %arg19[%add3A_228, %add3A_673] : memref<64x112xf32, #tpu.memory_space<vmem>>[vector<16xi32>, vector<16xi32>], vector<16xf32>,
        %mul3A_675 = arith.mulf %gather3A_674, %mul3A_274 : vector<16xf32>
        tpu.vector_store_idx %arg23[%add3A_228, %add3A_673], %mul3A_675 : memref<64x112xf32, #tpu.memory_space<vmem>>[vector<16xi32>, vector<16xi32>], vector<16xf32>,
        %broadcast_in_dim3A_676 = arith.constant 0 : i32
        %broadcast_in_dim3A_677 = vector.broadcast %broadcast_in_dim3A_676 : i32 to vector<16xi32>
        %add3A_678 = arith.constant 51 : i32
        %add3A_679 = vector.broadcast %add3A_678 : i32 to vector<16xi32>
        %add3A_680 = arith.addi %broadcast_in_dim3A_677, %add3A_679 : vector<16xi32>
        %gather3A_681 = tpu.vector_load_idx %arg19[%add3A_228, %add3A_680] : memref<64x112xf32, #tpu.memory_space<vmem>>[vector<16xi32>, vector<16xi32>], vector<16xf32>,
        %mul3A_682 = arith.mulf %gather3A_681, %mul3A_274 : vector<16xf32>
        tpu.vector_store_idx %arg23[%add3A_228, %add3A_680], %mul3A_682 : memref<64x112xf32, #tpu.memory_space<vmem>>[vector<16xi32>, vector<16xi32>], vector<16xf32>,
        %broadcast_in_dim3A_683 = arith.constant 0 : i32
        %broadcast_in_dim3A_684 = vector.broadcast %broadcast_in_dim3A_683 : i32 to vector<16xi32>
        %add3A_685 = arith.constant 52 : i32
        %add3A_686 = vector.broadcast %add3A_685 : i32 to vector<16xi32>
        %add3A_687 = arith.addi %broadcast_in_dim3A_684, %add3A_686 : vector<16xi32>
        %gather3A_688 = tpu.vector_load_idx %arg19[%add3A_228, %add3A_687] : memref<64x112xf32, #tpu.memory_space<vmem>>[vector<16xi32>, vector<16xi32>], vector<16xf32>,
        %mul3A_689 = arith.mulf %gather3A_688, %mul3A_296 : vector<16xf32>
        tpu.vector_store_idx %arg23[%add3A_228, %add3A_687], %mul3A_689 : memref<64x112xf32, #tpu.memory_space<vmem>>[vector<16xi32>, vector<16xi32>], vector<16xf32>,
        %broadcast_in_dim3A_690 = arith.constant 0 : i32
        %broadcast_in_dim3A_691 = vector.broadcast %broadcast_in_dim3A_690 : i32 to vector<16xi32>
        %add3A_692 = arith.constant 53 : i32
        %add3A_693 = vector.broadcast %add3A_692 : i32 to vector<16xi32>
        %add3A_694 = arith.addi %broadcast_in_dim3A_691, %add3A_693 : vector<16xi32>
        %gather3A_695 = tpu.vector_load_idx %arg19[%add3A_228, %add3A_694] : memref<64x112xf32, #tpu.memory_space<vmem>>[vector<16xi32>, vector<16xi32>], vector<16xf32>,
        %mul3A_696 = arith.mulf %gather3A_695, %mul3A_296 : vector<16xf32>
        tpu.vector_store_idx %arg23[%add3A_228, %add3A_694], %mul3A_696 : memref<64x112xf32, #tpu.memory_space<vmem>>[vector<16xi32>, vector<16xi32>], vector<16xf32>,
        %broadcast_in_dim3A_697 = arith.constant 0 : i32
        %broadcast_in_dim3A_698 = vector.broadcast %broadcast_in_dim3A_697 : i32 to vector<16xi32>
        %add3A_699 = arith.constant 54 : i32
        %add3A_700 = vector.broadcast %add3A_699 : i32 to vector<16xi32>
        %add3A_701 = arith.addi %broadcast_in_dim3A_698, %add3A_700 : vector<16xi32>
        %gather3A_702 = tpu.vector_load_idx %arg19[%add3A_228, %add3A_701] : memref<64x112xf32, #tpu.memory_space<vmem>>[vector<16xi32>, vector<16xi32>], vector<16xf32>,
        %mul3A_703 = arith.mulf %gather3A_702, %mul3A_296 : vector<16xf32>
        tpu.vector_store_idx %arg23[%add3A_228, %add3A_701], %mul3A_703 : memref<64x112xf32, #tpu.memory_space<vmem>>[vector<16xi32>, vector<16xi32>], vector<16xf32>,
        %broadcast_in_dim3A_704 = arith.constant 0 : i32
        %broadcast_in_dim3A_705 = vector.broadcast %broadcast_in_dim3A_704 : i32 to vector<16xi32>
        %add3A_706 = arith.constant 55 : i32
        %add3A_707 = vector.broadcast %add3A_706 : i32 to vector<16xi32>
        %add3A_708 = arith.addi %broadcast_in_dim3A_705, %add3A_707 : vector<16xi32>
        %gather3A_709 = tpu.vector_load_idx %arg19[%add3A_228, %add3A_708] : memref<64x112xf32, #tpu.memory_space<vmem>>[vector<16xi32>, vector<16xi32>], vector<16xf32>,
        %mul3A_710 = arith.mulf %gather3A_709, %mul3A_296 : vector<16xf32>
        tpu.vector_store_idx %arg23[%add3A_228, %add3A_708], %mul3A_710 : memref<64x112xf32, #tpu.memory_space<vmem>>[vector<16xi32>, vector<16xi32>], vector<16xf32>,
        %broadcast_in_dim3A_711 = arith.constant 0 : i32
        %broadcast_in_dim3A_712 = vector.broadcast %broadcast_in_dim3A_711 : i32 to vector<16xi32>
        %add3A_713 = arith.constant 56 : i32
        %add3A_714 = vector.broadcast %add3A_713 : i32 to vector<16xi32>
        %add3A_715 = arith.addi %broadcast_in_dim3A_712, %add3A_714 : vector<16xi32>
        %gather3A_716 = tpu.vector_load_idx %arg19[%add3A_228, %add3A_715] : memref<64x112xf32, #tpu.memory_space<vmem>>[vector<16xi32>, vector<16xi32>], vector<16xf32>,
        %mul3A_717 = arith.mulf %gather3A_716, %mul3A_296 : vector<16xf32>
        tpu.vector_store_idx %arg23[%add3A_228, %add3A_715], %mul3A_717 : memref<64x112xf32, #tpu.memory_space<vmem>>[vector<16xi32>, vector<16xi32>], vector<16xf32>,
        %broadcast_in_dim3A_718 = arith.constant 0 : i32
        %broadcast_in_dim3A_719 = vector.broadcast %broadcast_in_dim3A_718 : i32 to vector<16xi32>
        %add3A_720 = arith.constant 57 : i32
        %add3A_721 = vector.broadcast %add3A_720 : i32 to vector<16xi32>
        %add3A_722 = arith.addi %broadcast_in_dim3A_719, %add3A_721 : vector<16xi32>
        %gather3A_723 = tpu.vector_load_idx %arg19[%add3A_228, %add3A_722] : memref<64x112xf32, #tpu.memory_space<vmem>>[vector<16xi32>, vector<16xi32>], vector<16xf32>,
        %mul3A_724 = arith.mulf %gather3A_723, %mul3A_296 : vector<16xf32>
        tpu.vector_store_idx %arg23[%add3A_228, %add3A_722], %mul3A_724 : memref<64x112xf32, #tpu.memory_space<vmem>>[vector<16xi32>, vector<16xi32>], vector<16xf32>,
        %broadcast_in_dim3A_725 = arith.constant 0 : i32
        %broadcast_in_dim3A_726 = vector.broadcast %broadcast_in_dim3A_725 : i32 to vector<16xi32>
        %add3A_727 = arith.constant 58 : i32
        %add3A_728 = vector.broadcast %add3A_727 : i32 to vector<16xi32>
        %add3A_729 = arith.addi %broadcast_in_dim3A_726, %add3A_728 : vector<16xi32>
        %gather3A_730 = tpu.vector_load_idx %arg19[%add3A_228, %add3A_729] : memref<64x112xf32, #tpu.memory_space<vmem>>[vector<16xi32>, vector<16xi32>], vector<16xf32>,
        %mul3A_731 = arith.mulf %gather3A_730, %mul3A_296 : vector<16xf32>
        tpu.vector_store_idx %arg23[%add3A_228, %add3A_729], %mul3A_731 : memref<64x112xf32, #tpu.memory_space<vmem>>[vector<16xi32>, vector<16xi32>], vector<16xf32>,
        %broadcast_in_dim3A_732 = arith.constant 0 : i32
        %broadcast_in_dim3A_733 = vector.broadcast %broadcast_in_dim3A_732 : i32 to vector<16xi32>
        %add3A_734 = arith.constant 59 : i32
        %add3A_735 = vector.broadcast %add3A_734 : i32 to vector<16xi32>
        %add3A_736 = arith.addi %broadcast_in_dim3A_733, %add3A_735 : vector<16xi32>
        %gather3A_737 = tpu.vector_load_idx %arg19[%add3A_228, %add3A_736] : memref<64x112xf32, #tpu.memory_space<vmem>>[vector<16xi32>, vector<16xi32>], vector<16xf32>,
        %mul3A_738 = arith.mulf %gather3A_737, %mul3A_296 : vector<16xf32>
        tpu.vector_store_idx %arg23[%add3A_228, %add3A_736], %mul3A_738 : memref<64x112xf32, #tpu.memory_space<vmem>>[vector<16xi32>, vector<16xi32>], vector<16xf32>,
        %broadcast_in_dim3A_739 = arith.constant 0 : i32
        %broadcast_in_dim3A_740 = vector.broadcast %broadcast_in_dim3A_739 : i32 to vector<16xi32>
        %add3A_741 = arith.constant 60 : i32
        %add3A_742 = vector.broadcast %add3A_741 : i32 to vector<16xi32>
        %add3A_743 = arith.addi %broadcast_in_dim3A_740, %add3A_742 : vector<16xi32>
        %gather3A_744 = tpu.vector_load_idx %arg19[%add3A_228, %add3A_743] : memref<64x112xf32, #tpu.memory_space<vmem>>[vector<16xi32>, vector<16xi32>], vector<16xf32>,
        %mul3A_745 = arith.mulf %gather3A_744, %mul3A_296 : vector<16xf32>
        tpu.vector_store_idx %arg23[%add3A_228, %add3A_743], %mul3A_745 : memref<64x112xf32, #tpu.memory_space<vmem>>[vector<16xi32>, vector<16xi32>], vector<16xf32>,
        %broadcast_in_dim3A_746 = arith.constant 0 : i32
        %broadcast_in_dim3A_747 = vector.broadcast %broadcast_in_dim3A_746 : i32 to vector<16xi32>
        %add3A_748 = arith.constant 61 : i32
        %add3A_749 = vector.broadcast %add3A_748 : i32 to vector<16xi32>
        %add3A_750 = arith.addi %broadcast_in_dim3A_747, %add3A_749 : vector<16xi32>
        %gather3A_751 = tpu.vector_load_idx %arg19[%add3A_228, %add3A_750] : memref<64x112xf32, #tpu.memory_space<vmem>>[vector<16xi32>, vector<16xi32>], vector<16xf32>,
        %mul3A_752 = arith.mulf %gather3A_751, %mul3A_296 : vector<16xf32>
        tpu.vector_store_idx %arg23[%add3A_228, %add3A_750], %mul3A_752 : memref<64x112xf32, #tpu.memory_space<vmem>>[vector<16xi32>, vector<16xi32>], vector<16xf32>,
        %broadcast_in_dim3A_753 = arith.constant 0 : i32
        %broadcast_in_dim3A_754 = vector.broadcast %broadcast_in_dim3A_753 : i32 to vector<16xi32>
        %add3A_755 = arith.constant 62 : i32
        %add3A_756 = vector.broadcast %add3A_755 : i32 to vector<16xi32>
        %add3A_757 = arith.addi %broadcast_in_dim3A_754, %add3A_756 : vector<16xi32>
        %gather3A_758 = tpu.vector_load_idx %arg19[%add3A_228, %add3A_757] : memref<64x112xf32, #tpu.memory_space<vmem>>[vector<16xi32>, vector<16xi32>], vector<16xf32>,
        %mul3A_759 = arith.mulf %gather3A_758, %mul3A_296 : vector<16xf32>
        tpu.vector_store_idx %arg23[%add3A_228, %add3A_757], %mul3A_759 : memref<64x112xf32, #tpu.memory_space<vmem>>[vector<16xi32>, vector<16xi32>], vector<16xf32>,
        %broadcast_in_dim3A_760 = arith.constant 0 : i32
        %broadcast_in_dim3A_761 = vector.broadcast %broadcast_in_dim3A_760 : i32 to vector<16xi32>
        %add3A_762 = arith.constant 63 : i32
        %add3A_763 = vector.broadcast %add3A_762 : i32 to vector<16xi32>
        %add3A_764 = arith.addi %broadcast_in_dim3A_761, %add3A_763 : vector<16xi32>
        %gather3A_765 = tpu.vector_load_idx %arg19[%add3A_228, %add3A_764] : memref<64x112xf32, #tpu.memory_space<vmem>>[vector<16xi32>, vector<16xi32>], vector<16xf32>,
        %mul3A_766 = arith.mulf %gather3A_765, %mul3A_296 : vector<16xf32>
        tpu.vector_store_idx %arg23[%add3A_228, %add3A_764], %mul3A_766 : memref<64x112xf32, #tpu.memory_space<vmem>>[vector<16xi32>, vector<16xi32>], vector<16xf32>,
        %broadcast_in_dim3A_767 = arith.constant 0 : i32
        %broadcast_in_dim3A_768 = vector.broadcast %broadcast_in_dim3A_767 : i32 to vector<16xi32>
        %add3A_769 = arith.constant 64 : i32
        %add3A_770 = vector.broadcast %add3A_769 : i32 to vector<16xi32>
        %add3A_771 = arith.addi %broadcast_in_dim3A_768, %add3A_770 : vector<16xi32>
        %gather3A_772 = tpu.vector_load_idx %arg19[%add3A_228, %add3A_771] : memref<64x112xf32, #tpu.memory_space<vmem>>[vector<16xi32>, vector<16xi32>], vector<16xf32>,
        %mul3A_773 = arith.mulf %gather3A_772, %mul3A_296 : vector<16xf32>
        tpu.vector_store_idx %arg23[%add3A_228, %add3A_771], %mul3A_773 : memref<64x112xf32, #tpu.memory_space<vmem>>[vector<16xi32>, vector<16xi32>], vector<16xf32>,
        %broadcast_in_dim3A_774 = arith.constant 0 : i32
        %broadcast_in_dim3A_775 = vector.broadcast %broadcast_in_dim3A_774 : i32 to vector<16xi32>
        %add3A_776 = arith.constant 65 : i32
        %add3A_777 = vector.broadcast %add3A_776 : i32 to vector<16xi32>
        %add3A_778 = arith.addi %broadcast_in_dim3A_775, %add3A_777 : vector<16xi32>
        %gather3A_779 = tpu.vector_load_idx %arg19[%add3A_228, %add3A_778] : memref<64x112xf32, #tpu.memory_space<vmem>>[vector<16xi32>, vector<16xi32>], vector<16xf32>,
        %mul3A_780 = arith.mulf %gather3A_779, %mul3A_296 : vector<16xf32>
        tpu.vector_store_idx %arg23[%add3A_228, %add3A_778], %mul3A_780 : memref<64x112xf32, #tpu.memory_space<vmem>>[vector<16xi32>, vector<16xi32>], vector<16xf32>,
        %broadcast_in_dim3A_781 = arith.constant 0 : i32
        %broadcast_in_dim3A_782 = vector.broadcast %broadcast_in_dim3A_781 : i32 to vector<16xi32>
        %add3A_783 = arith.constant 66 : i32
        %add3A_784 = vector.broadcast %add3A_783 : i32 to vector<16xi32>
        %add3A_785 = arith.addi %broadcast_in_dim3A_782, %add3A_784 : vector<16xi32>
        %gather3A_786 = tpu.vector_load_idx %arg19[%add3A_228, %add3A_785] : memref<64x112xf32, #tpu.memory_space<vmem>>[vector<16xi32>, vector<16xi32>], vector<16xf32>,
        %mul3A_787 = arith.mulf %gather3A_786, %mul3A_296 : vector<16xf32>
        tpu.vector_store_idx %arg23[%add3A_228, %add3A_785], %mul3A_787 : memref<64x112xf32, #tpu.memory_space<vmem>>[vector<16xi32>, vector<16xi32>], vector<16xf32>,
        %broadcast_in_dim3A_788 = arith.constant 0 : i32
        %broadcast_in_dim3A_789 = vector.broadcast %broadcast_in_dim3A_788 : i32 to vector<16xi32>
        %add3A_790 = arith.constant 67 : i32
        %add3A_791 = vector.broadcast %add3A_790 : i32 to vector<16xi32>
        %add3A_792 = arith.addi %broadcast_in_dim3A_789, %add3A_791 : vector<16xi32>
        %gather3A_793 = tpu.vector_load_idx %arg19[%add3A_228, %add3A_792] : memref<64x112xf32, #tpu.memory_space<vmem>>[vector<16xi32>, vector<16xi32>], vector<16xf32>,
        %mul3A_794 = arith.mulf %gather3A_793, %mul3A_296 : vector<16xf32>
        tpu.vector_store_idx %arg23[%add3A_228, %add3A_792], %mul3A_794 : memref<64x112xf32, #tpu.memory_space<vmem>>[vector<16xi32>, vector<16xi32>], vector<16xf32>,
        %broadcast_in_dim3A_795 = arith.constant 0 : i32
        %broadcast_in_dim3A_796 = vector.broadcast %broadcast_in_dim3A_795 : i32 to vector<16xi32>
        %add3A_797 = arith.constant 68 : i32
        %add3A_798 = vector.broadcast %add3A_797 : i32 to vector<16xi32>
        %add3A_799 = arith.addi %broadcast_in_dim3A_796, %add3A_798 : vector<16xi32>
        %gather3A_800 = tpu.vector_load_idx %arg19[%add3A_228, %add3A_799] : memref<64x112xf32, #tpu.memory_space<vmem>>[vector<16xi32>, vector<16xi32>], vector<16xf32>,
        %mul3A_801 = arith.mulf %gather3A_800, %mul3A_296 : vector<16xf32>
        tpu.vector_store_idx %arg23[%add3A_228, %add3A_799], %mul3A_801 : memref<64x112xf32, #tpu.memory_space<vmem>>[vector<16xi32>, vector<16xi32>], vector<16xf32>,
        %broadcast_in_dim3A_802 = arith.constant 0 : i32
        %broadcast_in_dim3A_803 = vector.broadcast %broadcast_in_dim3A_802 : i32 to vector<16xi32>
        %add3A_804 = arith.constant 69 : i32
        %add3A_805 = vector.broadcast %add3A_804 : i32 to vector<16xi32>
        %add3A_806 = arith.addi %broadcast_in_dim3A_803, %add3A_805 : vector<16xi32>
        %gather3A_807 = tpu.vector_load_idx %arg19[%add3A_228, %add3A_806] : memref<64x112xf32, #tpu.memory_space<vmem>>[vector<16xi32>, vector<16xi32>], vector<16xf32>,
        %mul3A_808 = arith.mulf %gather3A_807, %mul3A_296 : vector<16xf32>
        tpu.vector_store_idx %arg23[%add3A_228, %add3A_806], %mul3A_808 : memref<64x112xf32, #tpu.memory_space<vmem>>[vector<16xi32>, vector<16xi32>], vector<16xf32>,
        %broadcast_in_dim3A_809 = arith.constant 0 : i32
        %broadcast_in_dim3A_810 = vector.broadcast %broadcast_in_dim3A_809 : i32 to vector<16xi32>
        %add3A_811 = arith.constant 70 : i32
        %add3A_812 = vector.broadcast %add3A_811 : i32 to vector<16xi32>
        %add3A_813 = arith.addi %broadcast_in_dim3A_810, %add3A_812 : vector<16xi32>
        %gather3A_814 = tpu.vector_load_idx %arg19[%add3A_228, %add3A_813] : memref<64x112xf32, #tpu.memory_space<vmem>>[vector<16xi32>, vector<16xi32>], vector<16xf32>,
        %mul3A_815 = arith.mulf %gather3A_814, %mul3A_296 : vector<16xf32>
        tpu.vector_store_idx %arg23[%add3A_228, %add3A_813], %mul3A_815 : memref<64x112xf32, #tpu.memory_space<vmem>>[vector<16xi32>, vector<16xi32>], vector<16xf32>,
        %broadcast_in_dim3A_816 = arith.constant 0 : i32
        %broadcast_in_dim3A_817 = vector.broadcast %broadcast_in_dim3A_816 : i32 to vector<16xi32>
        %add3A_818 = arith.constant 71 : i32
        %add3A_819 = vector.broadcast %add3A_818 : i32 to vector<16xi32>
        %add3A_820 = arith.addi %broadcast_in_dim3A_817, %add3A_819 : vector<16xi32>
        %gather3A_821 = tpu.vector_load_idx %arg19[%add3A_228, %add3A_820] : memref<64x112xf32, #tpu.memory_space<vmem>>[vector<16xi32>, vector<16xi32>], vector<16xf32>,
        %mul3A_822 = arith.mulf %gather3A_821, %mul3A_296 : vector<16xf32>
        tpu.vector_store_idx %arg23[%add3A_228, %add3A_820], %mul3A_822 : memref<64x112xf32, #tpu.memory_space<vmem>>[vector<16xi32>, vector<16xi32>], vector<16xf32>,
        %broadcast_in_dim3A_823 = arith.constant 0 : i32
        %broadcast_in_dim3A_824 = vector.broadcast %broadcast_in_dim3A_823 : i32 to vector<16xi32>
        %add3A_825 = arith.constant 72 : i32
        %add3A_826 = vector.broadcast %add3A_825 : i32 to vector<16xi32>
        %add3A_827 = arith.addi %broadcast_in_dim3A_824, %add3A_826 : vector<16xi32>
        %gather3A_828 = tpu.vector_load_idx %arg19[%add3A_228, %add3A_827] : memref<64x112xf32, #tpu.memory_space<vmem>>[vector<16xi32>, vector<16xi32>], vector<16xf32>,
        %mul3A_829 = arith.mulf %gather3A_828, %mul3A_296 : vector<16xf32>
        tpu.vector_store_idx %arg23[%add3A_228, %add3A_827], %mul3A_829 : memref<64x112xf32, #tpu.memory_space<vmem>>[vector<16xi32>, vector<16xi32>], vector<16xf32>,
        %broadcast_in_dim3A_830 = arith.constant 0 : i32
        %broadcast_in_dim3A_831 = vector.broadcast %broadcast_in_dim3A_830 : i32 to vector<16xi32>
        %add3A_832 = arith.constant 73 : i32
        %add3A_833 = vector.broadcast %add3A_832 : i32 to vector<16xi32>
        %add3A_834 = arith.addi %broadcast_in_dim3A_831, %add3A_833 : vector<16xi32>
        %gather3A_835 = tpu.vector_load_idx %arg19[%add3A_228, %add3A_834] : memref<64x112xf32, #tpu.memory_space<vmem>>[vector<16xi32>, vector<16xi32>], vector<16xf32>,
        %mul3A_836 = arith.mulf %gather3A_835, %mul3A_296 : vector<16xf32>
        tpu.vector_store_idx %arg23[%add3A_228, %add3A_834], %mul3A_836 : memref<64x112xf32, #tpu.memory_space<vmem>>[vector<16xi32>, vector<16xi32>], vector<16xf32>,
        %broadcast_in_dim3A_837 = arith.constant 0 : i32
        %broadcast_in_dim3A_838 = vector.broadcast %broadcast_in_dim3A_837 : i32 to vector<16xi32>
        %add3A_839 = arith.constant 74 : i32
        %add3A_840 = vector.broadcast %add3A_839 : i32 to vector<16xi32>
        %add3A_841 = arith.addi %broadcast_in_dim3A_838, %add3A_840 : vector<16xi32>
        %gather3A_842 = tpu.vector_load_idx %arg19[%add3A_228, %add3A_841] : memref<64x112xf32, #tpu.memory_space<vmem>>[vector<16xi32>, vector<16xi32>], vector<16xf32>,
        %mul3A_843 = arith.mulf %gather3A_842, %mul3A_296 : vector<16xf32>
        tpu.vector_store_idx %arg23[%add3A_228, %add3A_841], %mul3A_843 : memref<64x112xf32, #tpu.memory_space<vmem>>[vector<16xi32>, vector<16xi32>], vector<16xf32>,
        %broadcast_in_dim3A_844 = arith.constant 0 : i32
        %broadcast_in_dim3A_845 = vector.broadcast %broadcast_in_dim3A_844 : i32 to vector<16xi32>
        %add3A_846 = arith.constant 75 : i32
        %add3A_847 = vector.broadcast %add3A_846 : i32 to vector<16xi32>
        %add3A_848 = arith.addi %broadcast_in_dim3A_845, %add3A_847 : vector<16xi32>
        %gather3A_849 = tpu.vector_load_idx %arg19[%add3A_228, %add3A_848] : memref<64x112xf32, #tpu.memory_space<vmem>>[vector<16xi32>, vector<16xi32>], vector<16xf32>,
        %mul3A_850 = arith.mulf %gather3A_849, %mul3A_296 : vector<16xf32>
        tpu.vector_store_idx %arg23[%add3A_228, %add3A_848], %mul3A_850 : memref<64x112xf32, #tpu.memory_space<vmem>>[vector<16xi32>, vector<16xi32>], vector<16xf32>,
        %broadcast_in_dim3A_851 = arith.constant 0 : i32
        %broadcast_in_dim3A_852 = vector.broadcast %broadcast_in_dim3A_851 : i32 to vector<16xi32>
        %add3A_853 = arith.constant 76 : i32
        %add3A_854 = vector.broadcast %add3A_853 : i32 to vector<16xi32>
        %add3A_855 = arith.addi %broadcast_in_dim3A_852, %add3A_854 : vector<16xi32>
        %gather3A_856 = tpu.vector_load_idx %arg19[%add3A_228, %add3A_855] : memref<64x112xf32, #tpu.memory_space<vmem>>[vector<16xi32>, vector<16xi32>], vector<16xf32>,
        %mul3A_857 = arith.mulf %gather3A_856, %mul3A_296 : vector<16xf32>
        tpu.vector_store_idx %arg23[%add3A_228, %add3A_855], %mul3A_857 : memref<64x112xf32, #tpu.memory_space<vmem>>[vector<16xi32>, vector<16xi32>], vector<16xf32>,
        %broadcast_in_dim3A_858 = arith.constant 0 : i32
        %broadcast_in_dim3A_859 = vector.broadcast %broadcast_in_dim3A_858 : i32 to vector<16xi32>
        %add3A_860 = arith.constant 77 : i32
        %add3A_861 = vector.broadcast %add3A_860 : i32 to vector<16xi32>
        %add3A_862 = arith.addi %broadcast_in_dim3A_859, %add3A_861 : vector<16xi32>
        %gather3A_863 = tpu.vector_load_idx %arg19[%add3A_228, %add3A_862] : memref<64x112xf32, #tpu.memory_space<vmem>>[vector<16xi32>, vector<16xi32>], vector<16xf32>,
        %mul3A_864 = arith.mulf %gather3A_863, %mul3A_296 : vector<16xf32>
        tpu.vector_store_idx %arg23[%add3A_228, %add3A_862], %mul3A_864 : memref<64x112xf32, #tpu.memory_space<vmem>>[vector<16xi32>, vector<16xi32>], vector<16xf32>,
        %broadcast_in_dim3A_865 = arith.constant 0 : i32
        %broadcast_in_dim3A_866 = vector.broadcast %broadcast_in_dim3A_865 : i32 to vector<16xi32>
        %add3A_867 = arith.constant 78 : i32
        %add3A_868 = vector.broadcast %add3A_867 : i32 to vector<16xi32>
        %add3A_869 = arith.addi %broadcast_in_dim3A_866, %add3A_868 : vector<16xi32>
        %gather3A_870 = tpu.vector_load_idx %arg19[%add3A_228, %add3A_869] : memref<64x112xf32, #tpu.memory_space<vmem>>[vector<16xi32>, vector<16xi32>], vector<16xf32>,
        %mul3A_871 = arith.mulf %gather3A_870, %mul3A_318 : vector<16xf32>
        tpu.vector_store_idx %arg23[%add3A_228, %add3A_869], %mul3A_871 : memref<64x112xf32, #tpu.memory_space<vmem>>[vector<16xi32>, vector<16xi32>], vector<16xf32>,
        %broadcast_in_dim3A_872 = arith.constant 0 : i32
        %broadcast_in_dim3A_873 = vector.broadcast %broadcast_in_dim3A_872 : i32 to vector<16xi32>
        %add3A_874 = arith.constant 79 : i32
        %add3A_875 = vector.broadcast %add3A_874 : i32 to vector<16xi32>
        %add3A_876 = arith.addi %broadcast_in_dim3A_873, %add3A_875 : vector<16xi32>
        %gather3A_877 = tpu.vector_load_idx %arg19[%add3A_228, %add3A_876] : memref<64x112xf32, #tpu.memory_space<vmem>>[vector<16xi32>, vector<16xi32>], vector<16xf32>,
        %mul3A_878 = arith.mulf %gather3A_877, %mul3A_318 : vector<16xf32>
        tpu.vector_store_idx %arg23[%add3A_228, %add3A_876], %mul3A_878 : memref<64x112xf32, #tpu.memory_space<vmem>>[vector<16xi32>, vector<16xi32>], vector<16xf32>,
        %broadcast_in_dim3A_879 = arith.constant 0 : i32
        %broadcast_in_dim3A_880 = vector.broadcast %broadcast_in_dim3A_879 : i32 to vector<16xi32>
        %add3A_881 = arith.constant 80 : i32
        %add3A_882 = vector.broadcast %add3A_881 : i32 to vector<16xi32>
        %add3A_883 = arith.addi %broadcast_in_dim3A_880, %add3A_882 : vector<16xi32>
        %gather3A_884 = tpu.vector_load_idx %arg19[%add3A_228, %add3A_883] : memref<64x112xf32, #tpu.memory_space<vmem>>[vector<16xi32>, vector<16xi32>], vector<16xf32>,
        %mul3A_885 = arith.mulf %gather3A_884, %mul3A_318 : vector<16xf32>
        tpu.vector_store_idx %arg23[%add3A_228, %add3A_883], %mul3A_885 : memref<64x112xf32, #tpu.memory_space<vmem>>[vector<16xi32>, vector<16xi32>], vector<16xf32>,
        %broadcast_in_dim3A_886 = arith.constant 0 : i32
        %broadcast_in_dim3A_887 = vector.broadcast %broadcast_in_dim3A_886 : i32 to vector<16xi32>
        %add3A_888 = arith.constant 81 : i32
        %add3A_889 = vector.broadcast %add3A_888 : i32 to vector<16xi32>
        %add3A_890 = arith.addi %broadcast_in_dim3A_887, %add3A_889 : vector<16xi32>
        %gather3A_891 = tpu.vector_load_idx %arg19[%add3A_228, %add3A_890] : memref<64x112xf32, #tpu.memory_space<vmem>>[vector<16xi32>, vector<16xi32>], vector<16xf32>,
        %mul3A_892 = arith.mulf %gather3A_891, %mul3A_318 : vector<16xf32>
        tpu.vector_store_idx %arg23[%add3A_228, %add3A_890], %mul3A_892 : memref<64x112xf32, #tpu.memory_space<vmem>>[vector<16xi32>, vector<16xi32>], vector<16xf32>,
        %broadcast_in_dim3A_893 = arith.constant 0 : i32
        %broadcast_in_dim3A_894 = vector.broadcast %broadcast_in_dim3A_893 : i32 to vector<16xi32>
        %add3A_895 = arith.constant 82 : i32
        %add3A_896 = vector.broadcast %add3A_895 : i32 to vector<16xi32>
        %add3A_897 = arith.addi %broadcast_in_dim3A_894, %add3A_896 : vector<16xi32>
        %gather3A_898 = tpu.vector_load_idx %arg19[%add3A_228, %add3A_897] : memref<64x112xf32, #tpu.memory_space<vmem>>[vector<16xi32>, vector<16xi32>], vector<16xf32>,
        %mul3A_899 = arith.mulf %gather3A_898, %mul3A_318 : vector<16xf32>
        tpu.vector_store_idx %arg23[%add3A_228, %add3A_897], %mul3A_899 : memref<64x112xf32, #tpu.memory_space<vmem>>[vector<16xi32>, vector<16xi32>], vector<16xf32>,
        %broadcast_in_dim3A_900 = arith.constant 0 : i32
        %broadcast_in_dim3A_901 = vector.broadcast %broadcast_in_dim3A_900 : i32 to vector<16xi32>
        %add3A_902 = arith.constant 83 : i32
        %add3A_903 = vector.broadcast %add3A_902 : i32 to vector<16xi32>
        %add3A_904 = arith.addi %broadcast_in_dim3A_901, %add3A_903 : vector<16xi32>
        %gather3A_905 = tpu.vector_load_idx %arg19[%add3A_228, %add3A_904] : memref<64x112xf32, #tpu.memory_space<vmem>>[vector<16xi32>, vector<16xi32>], vector<16xf32>,
        %mul3A_906 = arith.mulf %gather3A_905, %mul3A_318 : vector<16xf32>
        tpu.vector_store_idx %arg23[%add3A_228, %add3A_904], %mul3A_906 : memref<64x112xf32, #tpu.memory_space<vmem>>[vector<16xi32>, vector<16xi32>], vector<16xf32>,
        %broadcast_in_dim3A_907 = arith.constant 0 : i32
        %broadcast_in_dim3A_908 = vector.broadcast %broadcast_in_dim3A_907 : i32 to vector<16xi32>
        %add3A_909 = arith.constant 84 : i32
        %add3A_910 = vector.broadcast %add3A_909 : i32 to vector<16xi32>
        %add3A_911 = arith.addi %broadcast_in_dim3A_908, %add3A_910 : vector<16xi32>
        %gather3A_912 = tpu.vector_load_idx %arg19[%add3A_228, %add3A_911] : memref<64x112xf32, #tpu.memory_space<vmem>>[vector<16xi32>, vector<16xi32>], vector<16xf32>,
        %mul3A_913 = arith.mulf %gather3A_912, %mul3A_318 : vector<16xf32>
        tpu.vector_store_idx %arg23[%add3A_228, %add3A_911], %mul3A_913 : memref<64x112xf32, #tpu.memory_space<vmem>>[vector<16xi32>, vector<16xi32>], vector<16xf32>,
        %broadcast_in_dim3A_914 = arith.constant 0 : i32
        %broadcast_in_dim3A_915 = vector.broadcast %broadcast_in_dim3A_914 : i32 to vector<16xi32>
        %add3A_916 = arith.constant 85 : i32
        %add3A_917 = vector.broadcast %add3A_916 : i32 to vector<16xi32>
        %add3A_918 = arith.addi %broadcast_in_dim3A_915, %add3A_917 : vector<16xi32>
        %gather3A_919 = tpu.vector_load_idx %arg19[%add3A_228, %add3A_918] : memref<64x112xf32, #tpu.memory_space<vmem>>[vector<16xi32>, vector<16xi32>], vector<16xf32>,
        %mul3A_920 = arith.mulf %gather3A_919, %mul3A_318 : vector<16xf32>
        tpu.vector_store_idx %arg23[%add3A_228, %add3A_918], %mul3A_920 : memref<64x112xf32, #tpu.memory_space<vmem>>[vector<16xi32>, vector<16xi32>], vector<16xf32>,
        %broadcast_in_dim3A_921 = arith.constant 0 : i32
        %broadcast_in_dim3A_922 = vector.broadcast %broadcast_in_dim3A_921 : i32 to vector<16xi32>
        %add3A_923 = arith.constant 86 : i32
        %add3A_924 = vector.broadcast %add3A_923 : i32 to vector<16xi32>
        %add3A_925 = arith.addi %broadcast_in_dim3A_922, %add3A_924 : vector<16xi32>
        %gather3A_926 = tpu.vector_load_idx %arg19[%add3A_228, %add3A_925] : memref<64x112xf32, #tpu.memory_space<vmem>>[vector<16xi32>, vector<16xi32>], vector<16xf32>,
        %mul3A_927 = arith.mulf %gather3A_926, %mul3A_318 : vector<16xf32>
        tpu.vector_store_idx %arg23[%add3A_228, %add3A_925], %mul3A_927 : memref<64x112xf32, #tpu.memory_space<vmem>>[vector<16xi32>, vector<16xi32>], vector<16xf32>,
        %broadcast_in_dim3A_928 = arith.constant 0 : i32
        %broadcast_in_dim3A_929 = vector.broadcast %broadcast_in_dim3A_928 : i32 to vector<16xi32>
        %add3A_930 = arith.constant 87 : i32
        %add3A_931 = vector.broadcast %add3A_930 : i32 to vector<16xi32>
        %add3A_932 = arith.addi %broadcast_in_dim3A_929, %add3A_931 : vector<16xi32>
        %gather3A_933 = tpu.vector_load_idx %arg19[%add3A_228, %add3A_932] : memref<64x112xf32, #tpu.memory_space<vmem>>[vector<16xi32>, vector<16xi32>], vector<16xf32>,
        %mul3A_934 = arith.mulf %gather3A_933, %mul3A_318 : vector<16xf32>
        tpu.vector_store_idx %arg23[%add3A_228, %add3A_932], %mul3A_934 : memref<64x112xf32, #tpu.memory_space<vmem>>[vector<16xi32>, vector<16xi32>], vector<16xf32>,
        %broadcast_in_dim3A_935 = arith.constant 0 : i32
        %broadcast_in_dim3A_936 = vector.broadcast %broadcast_in_dim3A_935 : i32 to vector<16xi32>
        %add3A_937 = arith.constant 88 : i32
        %add3A_938 = vector.broadcast %add3A_937 : i32 to vector<16xi32>
        %add3A_939 = arith.addi %broadcast_in_dim3A_936, %add3A_938 : vector<16xi32>
        %gather3A_940 = tpu.vector_load_idx %arg19[%add3A_228, %add3A_939] : memref<64x112xf32, #tpu.memory_space<vmem>>[vector<16xi32>, vector<16xi32>], vector<16xf32>,
        %mul3A_941 = arith.mulf %gather3A_940, %mul3A_318 : vector<16xf32>
        tpu.vector_store_idx %arg23[%add3A_228, %add3A_939], %mul3A_941 : memref<64x112xf32, #tpu.memory_space<vmem>>[vector<16xi32>, vector<16xi32>], vector<16xf32>,
        %broadcast_in_dim3A_942 = arith.constant 0 : i32
        %broadcast_in_dim3A_943 = vector.broadcast %broadcast_in_dim3A_942 : i32 to vector<16xi32>
        %add3A_944 = arith.constant 89 : i32
        %add3A_945 = vector.broadcast %add3A_944 : i32 to vector<16xi32>
        %add3A_946 = arith.addi %broadcast_in_dim3A_943, %add3A_945 : vector<16xi32>
        %gather3A_947 = tpu.vector_load_idx %arg19[%add3A_228, %add3A_946] : memref<64x112xf32, #tpu.memory_space<vmem>>[vector<16xi32>, vector<16xi32>], vector<16xf32>,
        %mul3A_948 = arith.mulf %gather3A_947, %mul3A_318 : vector<16xf32>
        tpu.vector_store_idx %arg23[%add3A_228, %add3A_946], %mul3A_948 : memref<64x112xf32, #tpu.memory_space<vmem>>[vector<16xi32>, vector<16xi32>], vector<16xf32>,
        %broadcast_in_dim3A_949 = arith.constant 0 : i32
        %broadcast_in_dim3A_950 = vector.broadcast %broadcast_in_dim3A_949 : i32 to vector<16xi32>
        %add3A_951 = arith.constant 90 : i32
        %add3A_952 = vector.broadcast %add3A_951 : i32 to vector<16xi32>
        %add3A_953 = arith.addi %broadcast_in_dim3A_950, %add3A_952 : vector<16xi32>
        %gather3A_954 = tpu.vector_load_idx %arg19[%add3A_228, %add3A_953] : memref<64x112xf32, #tpu.memory_space<vmem>>[vector<16xi32>, vector<16xi32>], vector<16xf32>,
        %mul3A_955 = arith.mulf %gather3A_954, %mul3A_318 : vector<16xf32>
        tpu.vector_store_idx %arg23[%add3A_228, %add3A_953], %mul3A_955 : memref<64x112xf32, #tpu.memory_space<vmem>>[vector<16xi32>, vector<16xi32>], vector<16xf32>,
        %broadcast_in_dim3A_956 = arith.constant 0 : i32
        %broadcast_in_dim3A_957 = vector.broadcast %broadcast_in_dim3A_956 : i32 to vector<16xi32>
        %add3A_958 = arith.constant 91 : i32
        %add3A_959 = vector.broadcast %add3A_958 : i32 to vector<16xi32>
        %add3A_960 = arith.addi %broadcast_in_dim3A_957, %add3A_959 : vector<16xi32>
        %gather3A_961 = tpu.vector_load_idx %arg19[%add3A_228, %add3A_960] : memref<64x112xf32, #tpu.memory_space<vmem>>[vector<16xi32>, vector<16xi32>], vector<16xf32>,
        %mul3A_962 = arith.mulf %gather3A_961, %mul3A_318 : vector<16xf32>
        tpu.vector_store_idx %arg23[%add3A_228, %add3A_960], %mul3A_962 : memref<64x112xf32, #tpu.memory_space<vmem>>[vector<16xi32>, vector<16xi32>], vector<16xf32>,
        %broadcast_in_dim3A_963 = arith.constant 0 : i32
        %broadcast_in_dim3A_964 = vector.broadcast %broadcast_in_dim3A_963 : i32 to vector<16xi32>
        %add3A_965 = arith.constant 92 : i32
        %add3A_966 = vector.broadcast %add3A_965 : i32 to vector<16xi32>
        %add3A_967 = arith.addi %broadcast_in_dim3A_964, %add3A_966 : vector<16xi32>
        %gather3A_968 = tpu.vector_load_idx %arg19[%add3A_228, %add3A_967] : memref<64x112xf32, #tpu.memory_space<vmem>>[vector<16xi32>, vector<16xi32>], vector<16xf32>,
        %mul3A_969 = arith.mulf %gather3A_968, %mul3A_318 : vector<16xf32>
        tpu.vector_store_idx %arg23[%add3A_228, %add3A_967], %mul3A_969 : memref<64x112xf32, #tpu.memory_space<vmem>>[vector<16xi32>, vector<16xi32>], vector<16xf32>,
        %broadcast_in_dim3A_970 = arith.constant 0 : i32
        %broadcast_in_dim3A_971 = vector.broadcast %broadcast_in_dim3A_970 : i32 to vector<16xi32>
        %add3A_972 = arith.constant 93 : i32
        %add3A_973 = vector.broadcast %add3A_972 : i32 to vector<16xi32>
        %add3A_974 = arith.addi %broadcast_in_dim3A_971, %add3A_973 : vector<16xi32>
        %gather3A_975 = tpu.vector_load_idx %arg19[%add3A_228, %add3A_974] : memref<64x112xf32, #tpu.memory_space<vmem>>[vector<16xi32>, vector<16xi32>], vector<16xf32>,
        %mul3A_976 = arith.mulf %gather3A_975, %mul3A_318 : vector<16xf32>
        tpu.vector_store_idx %arg23[%add3A_228, %add3A_974], %mul3A_976 : memref<64x112xf32, #tpu.memory_space<vmem>>[vector<16xi32>, vector<16xi32>], vector<16xf32>,
        %broadcast_in_dim3A_977 = arith.constant 0 : i32
        %broadcast_in_dim3A_978 = vector.broadcast %broadcast_in_dim3A_977 : i32 to vector<16xi32>
        %add3A_979 = arith.constant 94 : i32
        %add3A_980 = vector.broadcast %add3A_979 : i32 to vector<16xi32>
        %add3A_981 = arith.addi %broadcast_in_dim3A_978, %add3A_980 : vector<16xi32>
        %gather3A_982 = tpu.vector_load_idx %arg19[%add3A_228, %add3A_981] : memref<64x112xf32, #tpu.memory_space<vmem>>[vector<16xi32>, vector<16xi32>], vector<16xf32>,
        %mul3A_983 = arith.mulf %gather3A_982, %mul3A_318 : vector<16xf32>
        tpu.vector_store_idx %arg23[%add3A_228, %add3A_981], %mul3A_983 : memref<64x112xf32, #tpu.memory_space<vmem>>[vector<16xi32>, vector<16xi32>], vector<16xf32>,
        %broadcast_in_dim3A_984 = arith.constant 0 : i32
        %broadcast_in_dim3A_985 = vector.broadcast %broadcast_in_dim3A_984 : i32 to vector<16xi32>
        %add3A_986 = arith.constant 95 : i32
        %add3A_987 = vector.broadcast %add3A_986 : i32 to vector<16xi32>
        %add3A_988 = arith.addi %broadcast_in_dim3A_985, %add3A_987 : vector<16xi32>
        %gather3A_989 = tpu.vector_load_idx %arg19[%add3A_228, %add3A_988] : memref<64x112xf32, #tpu.memory_space<vmem>>[vector<16xi32>, vector<16xi32>], vector<16xf32>,
        %mul3A_990 = arith.mulf %gather3A_989, %mul3A_318 : vector<16xf32>
        tpu.vector_store_idx %arg23[%add3A_228, %add3A_988], %mul3A_990 : memref<64x112xf32, #tpu.memory_space<vmem>>[vector<16xi32>, vector<16xi32>], vector<16xf32>,
        %broadcast_in_dim3A_991 = arith.constant 0 : i32
        %broadcast_in_dim3A_992 = vector.broadcast %broadcast_in_dim3A_991 : i32 to vector<16xi32>
        %add3A_993 = arith.constant 96 : i32
        %add3A_994 = vector.broadcast %add3A_993 : i32 to vector<16xi32>
        %add3A_995 = arith.addi %broadcast_in_dim3A_992, %add3A_994 : vector<16xi32>
        %gather3A_996 = tpu.vector_load_idx %arg19[%add3A_228, %add3A_995] : memref<64x112xf32, #tpu.memory_space<vmem>>[vector<16xi32>, vector<16xi32>], vector<16xf32>,
        %mul3A_997 = arith.mulf %gather3A_996, %mul3A_318 : vector<16xf32>
        tpu.vector_store_idx %arg23[%add3A_228, %add3A_995], %mul3A_997 : memref<64x112xf32, #tpu.memory_space<vmem>>[vector<16xi32>, vector<16xi32>], vector<16xf32>,
        %broadcast_in_dim3A_998 = arith.constant 0 : i32
        %broadcast_in_dim3A_999 = vector.broadcast %broadcast_in_dim3A_998 : i32 to vector<16xi32>
        %add3A_1000 = arith.constant 97 : i32
        %add3A_1001 = vector.broadcast %add3A_1000 : i32 to vector<16xi32>
        %add3A_1002 = arith.addi %broadcast_in_dim3A_999, %add3A_1001 : vector<16xi32>
        %gather3A_1003 = tpu.vector_load_idx %arg19[%add3A_228, %add3A_1002] : memref<64x112xf32, #tpu.memory_space<vmem>>[vector<16xi32>, vector<16xi32>], vector<16xf32>,
        %mul3A_1004 = arith.mulf %gather3A_1003, %mul3A_318 : vector<16xf32>
        tpu.vector_store_idx %arg23[%add3A_228, %add3A_1002], %mul3A_1004 : memref<64x112xf32, #tpu.memory_space<vmem>>[vector<16xi32>, vector<16xi32>], vector<16xf32>,
        %broadcast_in_dim3A_1005 = arith.constant 0 : i32
        %broadcast_in_dim3A_1006 = vector.broadcast %broadcast_in_dim3A_1005 : i32 to vector<16xi32>
        %add3A_1007 = arith.constant 98 : i32
        %add3A_1008 = vector.broadcast %add3A_1007 : i32 to vector<16xi32>
        %add3A_1009 = arith.addi %broadcast_in_dim3A_1006, %add3A_1008 : vector<16xi32>
        %gather3A_1010 = tpu.vector_load_idx %arg19[%add3A_228, %add3A_1009] : memref<64x112xf32, #tpu.memory_space<vmem>>[vector<16xi32>, vector<16xi32>], vector<16xf32>,
        %mul3A_1011 = arith.mulf %gather3A_1010, %mul3A_318 : vector<16xf32>
        tpu.vector_store_idx %arg23[%add3A_228, %add3A_1009], %mul3A_1011 : memref<64x112xf32, #tpu.memory_space<vmem>>[vector<16xi32>, vector<16xi32>], vector<16xf32>,
        %broadcast_in_dim3A_1012 = arith.constant 0 : i32
        %broadcast_in_dim3A_1013 = vector.broadcast %broadcast_in_dim3A_1012 : i32 to vector<16xi32>
        %add3A_1014 = arith.constant 99 : i32
        %add3A_1015 = vector.broadcast %add3A_1014 : i32 to vector<16xi32>
        %add3A_1016 = arith.addi %broadcast_in_dim3A_1013, %add3A_1015 : vector<16xi32>
        %gather3A_1017 = tpu.vector_load_idx %arg19[%add3A_228, %add3A_1016] : memref<64x112xf32, #tpu.memory_space<vmem>>[vector<16xi32>, vector<16xi32>], vector<16xf32>,
        %mul3A_1018 = arith.mulf %gather3A_1017, %mul3A_318 : vector<16xf32>
        tpu.vector_store_idx %arg23[%add3A_228, %add3A_1016], %mul3A_1018 : memref<64x112xf32, #tpu.memory_space<vmem>>[vector<16xi32>, vector<16xi32>], vector<16xf32>,
        %broadcast_in_dim3A_1019 = arith.constant 0 : i32
        %broadcast_in_dim3A_1020 = vector.broadcast %broadcast_in_dim3A_1019 : i32 to vector<16xi32>
        %add3A_1021 = arith.constant 100 : i32
        %add3A_1022 = vector.broadcast %add3A_1021 : i32 to vector<16xi32>
        %add3A_1023 = arith.addi %broadcast_in_dim3A_1020, %add3A_1022 : vector<16xi32>
        %gather3A_1024 = tpu.vector_load_idx %arg19[%add3A_228, %add3A_1023] : memref<64x112xf32, #tpu.memory_space<vmem>>[vector<16xi32>, vector<16xi32>], vector<16xf32>,
        %mul3A_1025 = arith.mulf %gather3A_1024, %mul3A_318 : vector<16xf32>
        tpu.vector_store_idx %arg23[%add3A_228, %add3A_1023], %mul3A_1025 : memref<64x112xf32, #tpu.memory_space<vmem>>[vector<16xi32>, vector<16xi32>], vector<16xf32>,
        %broadcast_in_dim3A_1026 = arith.constant 0 : i32
        %broadcast_in_dim3A_1027 = vector.broadcast %broadcast_in_dim3A_1026 : i32 to vector<16xi32>
        %add3A_1028 = arith.constant 101 : i32
        %add3A_1029 = vector.broadcast %add3A_1028 : i32 to vector<16xi32>
        %add3A_1030 = arith.addi %broadcast_in_dim3A_1027, %add3A_1029 : vector<16xi32>
        %gather3A_1031 = tpu.vector_load_idx %arg19[%add3A_228, %add3A_1030] : memref<64x112xf32, #tpu.memory_space<vmem>>[vector<16xi32>, vector<16xi32>], vector<16xf32>,
        %mul3A_1032 = arith.mulf %gather3A_1031, %mul3A_318 : vector<16xf32>
        tpu.vector_store_idx %arg23[%add3A_228, %add3A_1030], %mul3A_1032 : memref<64x112xf32, #tpu.memory_space<vmem>>[vector<16xi32>, vector<16xi32>], vector<16xf32>,
        %broadcast_in_dim3A_1033 = arith.constant 0 : i32
        %broadcast_in_dim3A_1034 = vector.broadcast %broadcast_in_dim3A_1033 : i32 to vector<16xi32>
        %add3A_1035 = arith.constant 102 : i32
        %add3A_1036 = vector.broadcast %add3A_1035 : i32 to vector<16xi32>
        %add3A_1037 = arith.addi %broadcast_in_dim3A_1034, %add3A_1036 : vector<16xi32>
        %gather3A_1038 = tpu.vector_load_idx %arg19[%add3A_228, %add3A_1037] : memref<64x112xf32, #tpu.memory_space<vmem>>[vector<16xi32>, vector<16xi32>], vector<16xf32>,
        %mul3A_1039 = arith.mulf %gather3A_1038, %mul3A_318 : vector<16xf32>
        tpu.vector_store_idx %arg23[%add3A_228, %add3A_1037], %mul3A_1039 : memref<64x112xf32, #tpu.memory_space<vmem>>[vector<16xi32>, vector<16xi32>], vector<16xf32>,
        %broadcast_in_dim3A_1040 = arith.constant 0 : i32
        %broadcast_in_dim3A_1041 = vector.broadcast %broadcast_in_dim3A_1040 : i32 to vector<16xi32>
        %add3A_1042 = arith.constant 103 : i32
        %add3A_1043 = vector.broadcast %add3A_1042 : i32 to vector<16xi32>
        %add3A_1044 = arith.addi %broadcast_in_dim3A_1041, %add3A_1043 : vector<16xi32>
        %gather3A_1045 = tpu.vector_load_idx %arg19[%add3A_228, %add3A_1044] : memref<64x112xf32, #tpu.memory_space<vmem>>[vector<16xi32>, vector<16xi32>], vector<16xf32>,
        %mul3A_1046 = arith.mulf %gather3A_1045, %mul3A_318 : vector<16xf32>
        tpu.vector_store_idx %arg23[%add3A_228, %add3A_1044], %mul3A_1046 : memref<64x112xf32, #tpu.memory_space<vmem>>[vector<16xi32>, vector<16xi32>], vector<16xf32>,
      }
      %scan3A_220 = arith.constant 4 : i32
      %dma_start3A_221 = arith.constant 0 : i32
      %dma_start3A_222 = arith.constant 0 : i32
      %dma_start3A_223 = tpu.memref_slice %arg7[%dma_start3A_221, %dma_start3A_222] : memref<12288x112xf32, #tpu.memory_space<vmem_shared>> -> memref<12288x112xf32, #tpu.memory_space<vmem_shared>>
      tpu.enqueue_indirect_dma source(%arg23 : memref<64x112xf32, #tpu.memory_space<vmem>>) target(%dma_start3A_223 : memref<12288x112xf32, #tpu.memory_space<vmem_shared>>) offsets(%arg13 : memref<64xi32, #tpu.memory_space<vmem>>) semaphore(%arg29 : memref<!tpu.dma_semaphore, #tpu.memory_space<semaphore_mem>>) {add = true}
    }
    %scan3A_164 = arith.constant 192 : i32
    %dma_wait3A_165 = arith.constant 0 : i32
    %dma_wait3A_166 = arith.constant 0 : i32
    %dma_wait3A_167 = tpu.memref_slice %arg7[%dma_wait3A_165, %dma_wait3A_166] : memref<12288x112xf32, #tpu.memory_space<vmem_shared>> -> memref<12288x112xf32, #tpu.memory_space<vmem_shared>>
    tpu.wait_indirect_dma semaphore(%arg28 : memref<!tpu.dma_semaphore, #tpu.memory_space<semaphore_mem>>) src(%arg22 : memref<64x112xf32, #tpu.memory_space<vmem>>) dst(%dma_wait3A_167 : memref<12288x112xf32, #tpu.memory_space<vmem_shared>>)
    %dma_wait3A_168 = arith.constant 0 : i32
    %dma_wait3A_169 = arith.constant 0 : i32
    %dma_wait3A_170 = tpu.memref_slice %arg7[%dma_wait3A_168, %dma_wait3A_169] : memref<12288x112xf32, #tpu.memory_space<vmem_shared>> -> memref<12288x112xf32, #tpu.memory_space<vmem_shared>>
    tpu.wait_indirect_dma semaphore(%arg29 : memref<!tpu.dma_semaphore, #tpu.memory_space<semaphore_mem>>) src(%arg23 : memref<64x112xf32, #tpu.memory_space<vmem>>) dst(%dma_wait3A_170 : memref<12288x112xf32, #tpu.memory_space<vmem_shared>>)
    %barrier3A_171 = arith.constant 0 : index
    tpu.barrier barrier_id(%barrier3A_171)
    %add3A_172 = arith.addi %mul3A_2, %mul3A_0 : i32
    "tpu.region"() ({
      %run_scoped3A = tpu.sem_alloc : memref<!tpu.dma_semaphore, #tpu.memory_space<semaphore_mem>>
      %dma_start3A_173 = arith.constant 0 : i32
      %dma_start3A_174 = tpu.memref_slice %arg6[%add3A_172, %dma_start3A_173] : memref<24576x112xf32, #tpu.memory_space<hbm>> -> memref<768x112xf32, #tpu.memory_space<hbm>>
      %dma_start3A_175 = arith.constant 0 : i32
      %dma_start3A_176 = tpu.memref_slice %arg7[%mul3A_0, %dma_start3A_175] : memref<12288x112xf32, #tpu.memory_space<vmem_shared>> -> memref<768x112xf32, #tpu.memory_space<vmem_shared>>
      tpu.enqueue_dma source(%dma_start3A_176 : memref<768x112xf32, #tpu.memory_space<vmem_shared>>) target(%dma_start3A_174 : memref<768x112xf32, #tpu.memory_space<hbm>>) target_semaphore(%run_scoped3A : memref<!tpu.dma_semaphore, #tpu.memory_space<semaphore_mem>>)
      %dma_wait3A_177 = arith.constant 0 : i32
      %dma_wait3A_178 = tpu.memref_slice %arg6[%add3A_172, %dma_wait3A_177] : memref<24576x112xf32, #tpu.memory_space<hbm>> -> memref<768x112xf32, #tpu.memory_space<hbm>>
      %dma_wait3A_179 = arith.constant 0 : i32
      %dma_wait3A_180 = tpu.memref_slice %arg7[%mul3A_0, %dma_wait3A_179] : memref<12288x112xf32, #tpu.memory_space<vmem_shared>> -> memref<768x112xf32, #tpu.memory_space<vmem_shared>>
      tpu.wait_dma2 semaphore(%run_scoped3A : memref<!tpu.dma_semaphore, #tpu.memory_space<semaphore_mem>>) src(%dma_wait3A_180 : memref<768x112xf32, #tpu.memory_space<vmem_shared>>) dst(%dma_wait3A_178 : memref<768x112xf32, #tpu.memory_space<hbm>>)
      tpu.yield
    }) : () -> ()
    return
  }
}

#map = affine_map<(d0, d1) -> (0, 0)>
#map1 = affine_map<(d0, d1) -> (0)>
module attributes {stable_mosaic.version = 14 : i64} {
  func.func @gat_edge(%arg0: i32, %arg1: i32, %arg2: memref<12288x16xf32, #tpu.memory_space<hbm>>, %arg3: memref<12288x16xf32, #tpu.memory_space<hbm>>, %arg4: memref<12288x16xf32, #tpu.memory_space<hbm>>, %arg5: memref<393216xi32, #tpu.memory_space<hbm>>, %arg6: memref<12288x16xf32, #tpu.memory_space<hbm>>, %arg7: memref<6144x16xf32, #tpu.memory_space<vmem_shared>>, %arg8: memref<128xi32, #tpu.memory_space<vmem>>, %arg9: memref<128xi32, #tpu.memory_space<vmem>>, %arg10: memref<64xi32, #tpu.memory_space<vmem>>, %arg11: memref<64xi32, #tpu.memory_space<vmem>>, %arg12: memref<64xi32, #tpu.memory_space<vmem>>, %arg13: memref<64xi32, #tpu.memory_space<vmem>>, %arg14: memref<64xi32, #tpu.memory_space<vmem>>, %arg15: memref<64xi32, #tpu.memory_space<vmem>>, %arg16: memref<64xf32, #tpu.memory_space<vmem>>, %arg17: memref<64xf32, #tpu.memory_space<vmem>>, %arg18: memref<64x16xf32, #tpu.memory_space<vmem>>, %arg19: memref<64x16xf32, #tpu.memory_space<vmem>>, %arg20: memref<64x16xf32, #tpu.memory_space<vmem>>, %arg21: memref<64x16xf32, #tpu.memory_space<vmem>>, %arg22: memref<64x16xf32, #tpu.memory_space<vmem>>, %arg23: memref<64x16xf32, #tpu.memory_space<vmem>>, %arg24: memref<!tpu.dma_semaphore, #tpu.memory_space<semaphore_mem>>, %arg25: memref<!tpu.dma_semaphore, #tpu.memory_space<semaphore_mem>>, %arg26: memref<!tpu.dma_semaphore, #tpu.memory_space<semaphore_mem>>, %arg27: memref<!tpu.dma_semaphore, #tpu.memory_space<semaphore_mem>>, %arg28: memref<!tpu.dma_semaphore, #tpu.memory_space<semaphore_mem>>, %arg29: memref<!tpu.dma_semaphore, #tpu.memory_space<semaphore_mem>>) attributes {dimension_semantics = [#tpu.dimension_semantics<core_parallel>, #tpu.dimension_semantics<subcore_parallel>], iteration_bounds = array<i64: 2, 16>, scalar_prefetch = 0 : i64, scratch_operands = 23 : i64, tpu.core_type = #tpu.core_type<sc_vector_subcore>, window_params = [{transform_indices = #map}, {transform_indices = #map}, {transform_indices = #map}, {transform_indices = #map1}, {transform_indices = #map}]} {
    %mul3A = arith.constant 384 : i32
    %mul3A_0 = arith.muli %arg1, %mul3A : i32
    %mul3A_1 = arith.constant 6144 : i32
    %mul3A_2 = arith.muli %arg0, %mul3A_1 : i32
    %add3A = arith.addi %mul3A_2, %mul3A_0 : i32
    "tpu.region"() ({
      %run_scoped3A = tpu.sem_alloc : memref<!tpu.dma_semaphore, #tpu.memory_space<semaphore_mem>>
      %dma_start3A_173 = arith.constant 0 : i32
      %dma_start3A_174 = tpu.memref_slice %arg7[%mul3A_0, %dma_start3A_173] : memref<6144x16xf32, #tpu.memory_space<vmem_shared>> -> memref<384x16xf32, #tpu.memory_space<vmem_shared>>
      %dma_start3A_175 = arith.constant 0 : i32
      %dma_start3A_176 = tpu.memref_slice %arg4[%add3A, %dma_start3A_175] : memref<12288x16xf32, #tpu.memory_space<hbm>> -> memref<384x16xf32, #tpu.memory_space<hbm>>
      tpu.enqueue_dma source(%dma_start3A_176 : memref<384x16xf32, #tpu.memory_space<hbm>>) target(%dma_start3A_174 : memref<384x16xf32, #tpu.memory_space<vmem_shared>>) target_semaphore(%run_scoped3A : memref<!tpu.dma_semaphore, #tpu.memory_space<semaphore_mem>>)
      %dma_wait3A_177 = arith.constant 0 : i32
      %dma_wait3A_178 = tpu.memref_slice %arg7[%mul3A_0, %dma_wait3A_177] : memref<6144x16xf32, #tpu.memory_space<vmem_shared>> -> memref<384x16xf32, #tpu.memory_space<vmem_shared>>
      %dma_wait3A_179 = arith.constant 0 : i32
      %dma_wait3A_180 = tpu.memref_slice %arg4[%add3A, %dma_wait3A_179] : memref<12288x16xf32, #tpu.memory_space<hbm>> -> memref<384x16xf32, #tpu.memory_space<hbm>>
      tpu.wait_dma2 semaphore(%run_scoped3A : memref<!tpu.dma_semaphore, #tpu.memory_space<semaphore_mem>>) src(%dma_wait3A_180 : memref<384x16xf32, #tpu.memory_space<hbm>>) dst(%dma_wait3A_178 : memref<384x16xf32, #tpu.memory_space<vmem_shared>>)
      tpu.yield
    }) : () -> ()
    %scan3A = arith.constant 0 : i32
    %scan3A_3 = arith.constant 0 : i32
    %scan3A_4 = arith.constant 64 : i32
    %scan3A_5 = arith.addi %scan3A_3, %scan3A_4 : i32
    %scan3A_6 = arith.constant 1 : i32
    scf.for %scan3A_173 = %scan3A_3 to %scan3A_5 step %scan3A_6  : i32 {
      %broadcast_in_dim3A_174 = arith.constant 0.000000e+00 : f32
      %broadcast_in_dim3A_175 = vector.broadcast %broadcast_in_dim3A_174 : f32 to vector<16xf32>
      %swap3A_176 = arith.index_cast %scan3A_173 : i32 to index
      %swap3A_177 = arith.constant 0 : index
      %swap3A_178 = tpu.vector_load %arg22[%swap3A_176, %swap3A_177] {strides = array<i32>} : memref<64x16xf32, #tpu.memory_space<vmem>>, vector<16xf32>,
      tpu.vector_store %arg22[%swap3A_176, %swap3A_177], %broadcast_in_dim3A_175 {strides = array<i32>} : memref<64x16xf32, #tpu.memory_space<vmem>>, vector<16xf32>,
    }
    %scan3A_7 = arith.constant 64 : i32
    %scan3A_8 = arith.constant 0 : i32
    %scan3A_9 = arith.constant 0 : i32
    %scan3A_10 = arith.constant 64 : i32
    %scan3A_11 = arith.addi %scan3A_9, %scan3A_10 : i32
    %scan3A_12 = arith.constant 1 : i32
    scf.for %scan3A_173 = %scan3A_9 to %scan3A_11 step %scan3A_12  : i32 {
      %broadcast_in_dim3A_174 = arith.constant 0.000000e+00 : f32
      %broadcast_in_dim3A_175 = vector.broadcast %broadcast_in_dim3A_174 : f32 to vector<16xf32>
      %swap3A_176 = arith.index_cast %scan3A_173 : i32 to index
      %swap3A_177 = arith.constant 0 : index
      %swap3A_178 = tpu.vector_load %arg23[%swap3A_176, %swap3A_177] {strides = array<i32>} : memref<64x16xf32, #tpu.memory_space<vmem>>, vector<16xf32>,
      tpu.vector_store %arg23[%swap3A_176, %swap3A_177], %broadcast_in_dim3A_175 {strides = array<i32>} : memref<64x16xf32, #tpu.memory_space<vmem>>, vector<16xf32>,
    }
    %scan3A_13 = arith.constant 64 : i32
    %barrier3A = arith.constant 0 : index
    tpu.barrier barrier_id(%barrier3A)
    %mul3A_14 = arith.constant 192 : i32
    %mul3A_15 = arith.muli %arg1, %mul3A_14 : i32
    %add3A_16 = arith.constant 0 : i32
    %add3A_17 = arith.addi %mul3A_15, %add3A_16 : i32
    %mul3A_18 = arith.constant 128 : i32
    %mul3A_19 = arith.muli %add3A_17, %mul3A_18 : i32
    %dma_start3A = tpu.memref_slice %arg5[%mul3A_19] : memref<393216xi32, #tpu.memory_space<hbm>> -> memref<128xi32, #tpu.memory_space<hbm>>
    %dma_start3A_20 = tpu.memref_slice %arg5[%mul3A_19] : memref<393216xi32, #tpu.memory_space<hbm>> -> memref<128xi32, #tpu.memory_space<hbm>>
    tpu.enqueue_dma source(%dma_start3A_20 : memref<128xi32, #tpu.memory_space<hbm>>) target(%arg8 : memref<128xi32, #tpu.memory_space<vmem>>) target_semaphore(%arg24 : memref<!tpu.dma_semaphore, #tpu.memory_space<semaphore_mem>>)
    %dma_wait3A = arith.constant 0 : i32
    %dma_wait3A_21 = tpu.memref_slice %arg5[%dma_wait3A] : memref<393216xi32, #tpu.memory_space<hbm>> -> memref<128xi32, #tpu.memory_space<hbm>>
    %dma_wait3A_22 = arith.constant 0 : i32
    %dma_wait3A_23 = tpu.memref_slice %arg5[%dma_wait3A_22] : memref<393216xi32, #tpu.memory_space<hbm>> -> memref<128xi32, #tpu.memory_space<hbm>>
    tpu.wait_dma2 semaphore(%arg24 : memref<!tpu.dma_semaphore, #tpu.memory_space<semaphore_mem>>) src(%dma_wait3A_23 : memref<128xi32, #tpu.memory_space<hbm>>) dst(%arg8 : memref<128xi32, #tpu.memory_space<vmem>>)
    %get3A = arith.constant 0 : index
    %get3A_24 = tpu.vector_load %arg8[%get3A] {strides = array<i32>} : memref<128xi32, #tpu.memory_space<vmem>>, vector<16xi32>,
    %swap3A = arith.constant 0 : index
    %swap3A_25 = tpu.vector_load %arg10[%swap3A] {strides = array<i32>} : memref<64xi32, #tpu.memory_space<vmem>>, vector<16xi32>,
    tpu.vector_store %arg10[%swap3A], %get3A_24 {strides = array<i32>} : memref<64xi32, #tpu.memory_space<vmem>>, vector<16xi32>,
    %get3A_26 = arith.constant 16 : index
    %get3A_27 = tpu.vector_load %arg8[%get3A_26] {strides = array<i32>} : memref<128xi32, #tpu.memory_space<vmem>>, vector<16xi32>,
    %swap3A_28 = arith.constant 16 : index
    %swap3A_29 = tpu.vector_load %arg10[%swap3A_28] {strides = array<i32>} : memref<64xi32, #tpu.memory_space<vmem>>, vector<16xi32>,
    tpu.vector_store %arg10[%swap3A_28], %get3A_27 {strides = array<i32>} : memref<64xi32, #tpu.memory_space<vmem>>, vector<16xi32>,
    %get3A_30 = arith.constant 32 : index
    %get3A_31 = tpu.vector_load %arg8[%get3A_30] {strides = array<i32>} : memref<128xi32, #tpu.memory_space<vmem>>, vector<16xi32>,
    %swap3A_32 = arith.constant 32 : index
    %swap3A_33 = tpu.vector_load %arg10[%swap3A_32] {strides = array<i32>} : memref<64xi32, #tpu.memory_space<vmem>>, vector<16xi32>,
    tpu.vector_store %arg10[%swap3A_32], %get3A_31 {strides = array<i32>} : memref<64xi32, #tpu.memory_space<vmem>>, vector<16xi32>,
    %get3A_34 = arith.constant 48 : index
    %get3A_35 = tpu.vector_load %arg8[%get3A_34] {strides = array<i32>} : memref<128xi32, #tpu.memory_space<vmem>>, vector<16xi32>,
    %swap3A_36 = arith.constant 48 : index
    %swap3A_37 = tpu.vector_load %arg10[%swap3A_36] {strides = array<i32>} : memref<64xi32, #tpu.memory_space<vmem>>, vector<16xi32>,
    tpu.vector_store %arg10[%swap3A_36], %get3A_35 {strides = array<i32>} : memref<64xi32, #tpu.memory_space<vmem>>, vector<16xi32>,
    %get3A_38 = arith.constant 64 : index
    %get3A_39 = tpu.vector_load %arg8[%get3A_38] {strides = array<i32>} : memref<128xi32, #tpu.memory_space<vmem>>, vector<16xi32>,
    %swap3A_40 = arith.constant 0 : index
    %swap3A_41 = tpu.vector_load %arg14[%swap3A_40] {strides = array<i32>} : memref<64xi32, #tpu.memory_space<vmem>>, vector<16xi32>,
    tpu.vector_store %arg14[%swap3A_40], %get3A_39 {strides = array<i32>} : memref<64xi32, #tpu.memory_space<vmem>>, vector<16xi32>,
    %sub3A = vector.broadcast %mul3A_2 : i32 to vector<16xi32>
    %sub3A_42 = arith.subi %get3A_39, %sub3A : vector<16xi32>
    %ge3A = arith.constant 0 : i32
    %ge3A_43 = vector.broadcast %ge3A : i32 to vector<16xi32>
    %ge3A_44 = arith.cmpi sge, %sub3A_42, %ge3A_43 : vector<16xi32>
    %lt3A = arith.constant 6144 : i32
    %lt3A_45 = vector.broadcast %lt3A : i32 to vector<16xi32>
    %lt3A_46 = arith.cmpi slt, %sub3A_42, %lt3A_45 : vector<16xi32>
    %and3A = arith.andi %ge3A_44, %lt3A_46 : vector<16xi1>
    %jit3A = arith.constant 1.000000e+00 : f32
    %jit3A_47 = arith.constant 0.000000e+00 : f32
    %broadcast_in_dim3A = vector.broadcast %jit3A : f32 to vector<16xf32>
    %broadcast_in_dim3A_48 = vector.broadcast %jit3A_47 : f32 to vector<16xf32>
    %select_n3A = arith.select %and3A, %broadcast_in_dim3A, %broadcast_in_dim3A_48 : vector<16xi1>, vector<16xf32>
    %swap3A_49 = arith.constant 0 : index
    %swap3A_50 = tpu.vector_load %arg16[%swap3A_49] {strides = array<i32>} : memref<64xf32, #tpu.memory_space<vmem>>, vector<16xf32>,
    tpu.vector_store %arg16[%swap3A_49], %select_n3A {strides = array<i32>} : memref<64xf32, #tpu.memory_space<vmem>>, vector<16xf32>,
    %jit3A_51 = arith.constant 0 : i32
    %jit3A_52 = arith.constant 6143 : i32
    %max3A = vector.broadcast %jit3A_51 : i32 to vector<16xi32>
    %max3A_53 = arith.maxsi %max3A, %sub3A_42 : vector<16xi32>
    %min3A = vector.broadcast %jit3A_52 : i32 to vector<16xi32>
    %min3A_54 = arith.minsi %min3A, %max3A_53 : vector<16xi32>
    %swap3A_55 = arith.constant 0 : index
    %swap3A_56 = tpu.vector_load %arg12[%swap3A_55] {strides = array<i32>} : memref<64xi32, #tpu.memory_space<vmem>>, vector<16xi32>,
    tpu.vector_store %arg12[%swap3A_55], %min3A_54 {strides = array<i32>} : memref<64xi32, #tpu.memory_space<vmem>>, vector<16xi32>,
    %get3A_57 = arith.constant 80 : index
    %get3A_58 = tpu.vector_load %arg8[%get3A_57] {strides = array<i32>} : memref<128xi32, #tpu.memory_space<vmem>>, vector<16xi32>,
    %swap3A_59 = arith.constant 16 : index
    %swap3A_60 = tpu.vector_load %arg14[%swap3A_59] {strides = array<i32>} : memref<64xi32, #tpu.memory_space<vmem>>, vector<16xi32>,
    tpu.vector_store %arg14[%swap3A_59], %get3A_58 {strides = array<i32>} : memref<64xi32, #tpu.memory_space<vmem>>, vector<16xi32>,
    %sub3A_61 = vector.broadcast %mul3A_2 : i32 to vector<16xi32>
    %sub3A_62 = arith.subi %get3A_58, %sub3A_61 : vector<16xi32>
    %ge3A_63 = arith.constant 0 : i32
    %ge3A_64 = vector.broadcast %ge3A_63 : i32 to vector<16xi32>
    %ge3A_65 = arith.cmpi sge, %sub3A_62, %ge3A_64 : vector<16xi32>
    %lt3A_66 = arith.constant 6144 : i32
    %lt3A_67 = vector.broadcast %lt3A_66 : i32 to vector<16xi32>
    %lt3A_68 = arith.cmpi slt, %sub3A_62, %lt3A_67 : vector<16xi32>
    %and3A_69 = arith.andi %ge3A_65, %lt3A_68 : vector<16xi1>
    %jit3A_70 = arith.constant 1.000000e+00 : f32
    %jit3A_71 = arith.constant 0.000000e+00 : f32
    %broadcast_in_dim3A_72 = vector.broadcast %jit3A_70 : f32 to vector<16xf32>
    %broadcast_in_dim3A_73 = vector.broadcast %jit3A_71 : f32 to vector<16xf32>
    %select_n3A_74 = arith.select %and3A_69, %broadcast_in_dim3A_72, %broadcast_in_dim3A_73 : vector<16xi1>, vector<16xf32>
    %swap3A_75 = arith.constant 16 : index
    %swap3A_76 = tpu.vector_load %arg16[%swap3A_75] {strides = array<i32>} : memref<64xf32, #tpu.memory_space<vmem>>, vector<16xf32>,
    tpu.vector_store %arg16[%swap3A_75], %select_n3A_74 {strides = array<i32>} : memref<64xf32, #tpu.memory_space<vmem>>, vector<16xf32>,
    %jit3A_77 = arith.constant 0 : i32
    %jit3A_78 = arith.constant 6143 : i32
    %max3A_79 = vector.broadcast %jit3A_77 : i32 to vector<16xi32>
    %max3A_80 = arith.maxsi %max3A_79, %sub3A_62 : vector<16xi32>
    %min3A_81 = vector.broadcast %jit3A_78 : i32 to vector<16xi32>
    %min3A_82 = arith.minsi %min3A_81, %max3A_80 : vector<16xi32>
    %swap3A_83 = arith.constant 16 : index
    %swap3A_84 = tpu.vector_load %arg12[%swap3A_83] {strides = array<i32>} : memref<64xi32, #tpu.memory_space<vmem>>, vector<16xi32>,
    tpu.vector_store %arg12[%swap3A_83], %min3A_82 {strides = array<i32>} : memref<64xi32, #tpu.memory_space<vmem>>, vector<16xi32>,
    %get3A_85 = arith.constant 96 : index
    %get3A_86 = tpu.vector_load %arg8[%get3A_85] {strides = array<i32>} : memref<128xi32, #tpu.memory_space<vmem>>, vector<16xi32>,
    %swap3A_87 = arith.constant 32 : index
    %swap3A_88 = tpu.vector_load %arg14[%swap3A_87] {strides = array<i32>} : memref<64xi32, #tpu.memory_space<vmem>>, vector<16xi32>,
    tpu.vector_store %arg14[%swap3A_87], %get3A_86 {strides = array<i32>} : memref<64xi32, #tpu.memory_space<vmem>>, vector<16xi32>,
    %sub3A_89 = vector.broadcast %mul3A_2 : i32 to vector<16xi32>
    %sub3A_90 = arith.subi %get3A_86, %sub3A_89 : vector<16xi32>
    %ge3A_91 = arith.constant 0 : i32
    %ge3A_92 = vector.broadcast %ge3A_91 : i32 to vector<16xi32>
    %ge3A_93 = arith.cmpi sge, %sub3A_90, %ge3A_92 : vector<16xi32>
    %lt3A_94 = arith.constant 6144 : i32
    %lt3A_95 = vector.broadcast %lt3A_94 : i32 to vector<16xi32>
    %lt3A_96 = arith.cmpi slt, %sub3A_90, %lt3A_95 : vector<16xi32>
    %and3A_97 = arith.andi %ge3A_93, %lt3A_96 : vector<16xi1>
    %jit3A_98 = arith.constant 1.000000e+00 : f32
    %jit3A_99 = arith.constant 0.000000e+00 : f32
    %broadcast_in_dim3A_100 = vector.broadcast %jit3A_98 : f32 to vector<16xf32>
    %broadcast_in_dim3A_101 = vector.broadcast %jit3A_99 : f32 to vector<16xf32>
    %select_n3A_102 = arith.select %and3A_97, %broadcast_in_dim3A_100, %broadcast_in_dim3A_101 : vector<16xi1>, vector<16xf32>
    %swap3A_103 = arith.constant 32 : index
    %swap3A_104 = tpu.vector_load %arg16[%swap3A_103] {strides = array<i32>} : memref<64xf32, #tpu.memory_space<vmem>>, vector<16xf32>,
    tpu.vector_store %arg16[%swap3A_103], %select_n3A_102 {strides = array<i32>} : memref<64xf32, #tpu.memory_space<vmem>>, vector<16xf32>,
    %jit3A_105 = arith.constant 0 : i32
    %jit3A_106 = arith.constant 6143 : i32
    %max3A_107 = vector.broadcast %jit3A_105 : i32 to vector<16xi32>
    %max3A_108 = arith.maxsi %max3A_107, %sub3A_90 : vector<16xi32>
    %min3A_109 = vector.broadcast %jit3A_106 : i32 to vector<16xi32>
    %min3A_110 = arith.minsi %min3A_109, %max3A_108 : vector<16xi32>
    %swap3A_111 = arith.constant 32 : index
    %swap3A_112 = tpu.vector_load %arg12[%swap3A_111] {strides = array<i32>} : memref<64xi32, #tpu.memory_space<vmem>>, vector<16xi32>,
    tpu.vector_store %arg12[%swap3A_111], %min3A_110 {strides = array<i32>} : memref<64xi32, #tpu.memory_space<vmem>>, vector<16xi32>,
    %get3A_113 = arith.constant 112 : index
    %get3A_114 = tpu.vector_load %arg8[%get3A_113] {strides = array<i32>} : memref<128xi32, #tpu.memory_space<vmem>>, vector<16xi32>,
    %swap3A_115 = arith.constant 48 : index
    %swap3A_116 = tpu.vector_load %arg14[%swap3A_115] {strides = array<i32>} : memref<64xi32, #tpu.memory_space<vmem>>, vector<16xi32>,
    tpu.vector_store %arg14[%swap3A_115], %get3A_114 {strides = array<i32>} : memref<64xi32, #tpu.memory_space<vmem>>, vector<16xi32>,
    %sub3A_117 = vector.broadcast %mul3A_2 : i32 to vector<16xi32>
    %sub3A_118 = arith.subi %get3A_114, %sub3A_117 : vector<16xi32>
    %ge3A_119 = arith.constant 0 : i32
    %ge3A_120 = vector.broadcast %ge3A_119 : i32 to vector<16xi32>
    %ge3A_121 = arith.cmpi sge, %sub3A_118, %ge3A_120 : vector<16xi32>
    %lt3A_122 = arith.constant 6144 : i32
    %lt3A_123 = vector.broadcast %lt3A_122 : i32 to vector<16xi32>
    %lt3A_124 = arith.cmpi slt, %sub3A_118, %lt3A_123 : vector<16xi32>
    %and3A_125 = arith.andi %ge3A_121, %lt3A_124 : vector<16xi1>
    %jit3A_126 = arith.constant 1.000000e+00 : f32
    %jit3A_127 = arith.constant 0.000000e+00 : f32
    %broadcast_in_dim3A_128 = vector.broadcast %jit3A_126 : f32 to vector<16xf32>
    %broadcast_in_dim3A_129 = vector.broadcast %jit3A_127 : f32 to vector<16xf32>
    %select_n3A_130 = arith.select %and3A_125, %broadcast_in_dim3A_128, %broadcast_in_dim3A_129 : vector<16xi1>, vector<16xf32>
    %swap3A_131 = arith.constant 48 : index
    %swap3A_132 = tpu.vector_load %arg16[%swap3A_131] {strides = array<i32>} : memref<64xf32, #tpu.memory_space<vmem>>, vector<16xf32>,
    tpu.vector_store %arg16[%swap3A_131], %select_n3A_130 {strides = array<i32>} : memref<64xf32, #tpu.memory_space<vmem>>, vector<16xf32>,
    %jit3A_133 = arith.constant 0 : i32
    %jit3A_134 = arith.constant 6143 : i32
    %max3A_135 = vector.broadcast %jit3A_133 : i32 to vector<16xi32>
    %max3A_136 = arith.maxsi %max3A_135, %sub3A_118 : vector<16xi32>
    %min3A_137 = vector.broadcast %jit3A_134 : i32 to vector<16xi32>
    %min3A_138 = arith.minsi %min3A_137, %max3A_136 : vector<16xi32>
    %swap3A_139 = arith.constant 48 : index
    %swap3A_140 = tpu.vector_load %arg12[%swap3A_139] {strides = array<i32>} : memref<64xi32, #tpu.memory_space<vmem>>, vector<16xi32>,
    tpu.vector_store %arg12[%swap3A_139], %min3A_138 {strides = array<i32>} : memref<64xi32, #tpu.memory_space<vmem>>, vector<16xi32>,
    %dma_start3A_141 = arith.constant 0 : i32
    %dma_start3A_142 = arith.constant 0 : i32
    %dma_start3A_143 = tpu.memref_slice %arg2[%dma_start3A_141, %dma_start3A_142] : memref<12288x16xf32, #tpu.memory_space<hbm>> -> memref<12288x16xf32, #tpu.memory_space<hbm>>
    tpu.enqueue_indirect_dma source(%dma_start3A_143 : memref<12288x16xf32, #tpu.memory_space<hbm>>) target(%arg18 : memref<64x16xf32, #tpu.memory_space<vmem>>) offsets(%arg10 : memref<64xi32, #tpu.memory_space<vmem>>) semaphore(%arg26 : memref<!tpu.dma_semaphore, #tpu.memory_space<semaphore_mem>>)
    %dma_start3A_144 = arith.constant 0 : i32
    %dma_start3A_145 = arith.constant 0 : i32
    %dma_start3A_146 = tpu.memref_slice %arg3[%dma_start3A_144, %dma_start3A_145] : memref<12288x16xf32, #tpu.memory_space<hbm>> -> memref<12288x16xf32, #tpu.memory_space<hbm>>
    tpu.enqueue_indirect_dma source(%dma_start3A_146 : memref<12288x16xf32, #tpu.memory_space<hbm>>) target(%arg20 : memref<64x16xf32, #tpu.memory_space<vmem>>) offsets(%arg14 : memref<64xi32, #tpu.memory_space<vmem>>) semaphore(%arg26 : memref<!tpu.dma_semaphore, #tpu.memory_space<semaphore_mem>>)
    %add3A_147 = arith.constant 1 : i32
    %add3A_148 = arith.addi %mul3A_15, %add3A_147 : i32
    %mul3A_149 = arith.constant 128 : i32
    %mul3A_150 = arith.muli %add3A_148, %mul3A_149 : i32
    %dma_start3A_151 = tpu.memref_slice %arg5[%mul3A_150] : memref<393216xi32, #tpu.memory_space<hbm>> -> memref<128xi32, #tpu.memory_space<hbm>>
    %dma_start3A_152 = tpu.memref_slice %arg5[%mul3A_150] : memref<393216xi32, #tpu.memory_space<hbm>> -> memref<128xi32, #tpu.memory_space<hbm>>
    tpu.enqueue_dma source(%dma_start3A_152 : memref<128xi32, #tpu.memory_space<hbm>>) target(%arg9 : memref<128xi32, #tpu.memory_space<vmem>>) target_semaphore(%arg25 : memref<!tpu.dma_semaphore, #tpu.memory_space<semaphore_mem>>)
    %add3A_153 = arith.constant 2 : i32
    %add3A_154 = arith.addi %mul3A_15, %add3A_153 : i32
    %mul3A_155 = arith.constant 128 : i32
    %mul3A_156 = arith.muli %add3A_154, %mul3A_155 : i32
    %dma_start3A_157 = tpu.memref_slice %arg5[%mul3A_156] : memref<393216xi32, #tpu.memory_space<hbm>> -> memref<128xi32, #tpu.memory_space<hbm>>
    %dma_start3A_158 = tpu.memref_slice %arg5[%mul3A_156] : memref<393216xi32, #tpu.memory_space<hbm>> -> memref<128xi32, #tpu.memory_space<hbm>>
    tpu.enqueue_dma source(%dma_start3A_158 : memref<128xi32, #tpu.memory_space<hbm>>) target(%arg8 : memref<128xi32, #tpu.memory_space<vmem>>) target_semaphore(%arg24 : memref<!tpu.dma_semaphore, #tpu.memory_space<semaphore_mem>>)
    %scan3A_159 = arith.constant 0 : i32
    %scan3A_160 = arith.constant 0 : i32
    %scan3A_161 = arith.constant 96 : i32
    %scan3A_162 = arith.addi %scan3A_160, %scan3A_161 : i32
    %scan3A_163 = arith.constant 1 : i32
    scf.for %scan3A_173 = %scan3A_160 to %scan3A_162 step %scan3A_163  : i32 {
      %mul3A_174 = arith.constant 2 : i32
      %mul3A_175 = arith.muli %scan3A_173, %mul3A_174 : i32
      %add3A_176 = arith.constant 0 : i32
      %add3A_177 = arith.addi %mul3A_175, %add3A_176 : i32
      %add3A_178 = arith.constant 1 : i32
      %add3A_179 = arith.addi %add3A_177, %add3A_178 : i32
      %lt3A_180 = arith.constant 192 : i32
      %lt3A_181 = arith.cmpi slt, %add3A_179, %lt3A_180 : i32
      %convert_element_type3A = arith.extui %lt3A_181 : i1 to i32
      %cond3A = arith.constant 0 : i32
      %cond3A_182 = arith.cmpi ne, %convert_element_type3A, %cond3A : i32
      scf.if %cond3A_182 {
        %dma_wait3A_224 = arith.constant 0 : i32
        %dma_wait3A_225 = tpu.memref_slice %arg5[%dma_wait3A_224] : memref<393216xi32, #tpu.memory_space<hbm>> -> memref<128xi32, #tpu.memory_space<hbm>>
        %dma_wait3A_226 = arith.constant 0 : i32
        %dma_wait3A_227 = tpu.memref_slice %arg5[%dma_wait3A_226] : memref<393216xi32, #tpu.memory_space<hbm>> -> memref<128xi32, #tpu.memory_space<hbm>>
        tpu.wait_dma2 semaphore(%arg25 : memref<!tpu.dma_semaphore, #tpu.memory_space<semaphore_mem>>) src(%dma_wait3A_227 : memref<128xi32, #tpu.memory_space<hbm>>) dst(%arg9 : memref<128xi32, #tpu.memory_space<vmem>>)
        %ge3A_228 = arith.constant 1 : i32
        %ge3A_229 = arith.cmpi sge, %add3A_177, %ge3A_228 : i32
        %convert_element_type3A_230 = arith.extui %ge3A_229 : i1 to i32
        %cond3A_231 = arith.constant 0 : i32
        %cond3A_232 = arith.cmpi ne, %convert_element_type3A_230, %cond3A_231 : i32
        scf.if %cond3A_232 {
          %dma_wait3A_374 = arith.constant 0 : i32
          %dma_wait3A_375 = arith.constant 0 : i32
          %dma_wait3A_376 = tpu.memref_slice %arg7[%dma_wait3A_374, %dma_wait3A_375] : memref<6144x16xf32, #tpu.memory_space<vmem_shared>> -> memref<6144x16xf32, #tpu.memory_space<vmem_shared>>
          tpu.wait_indirect_dma semaphore(%arg29 : memref<!tpu.dma_semaphore, #tpu.memory_space<semaphore_mem>>) src(%arg23 : memref<64x16xf32, #tpu.memory_space<vmem>>) dst(%dma_wait3A_376 : memref<6144x16xf32, #tpu.memory_space<vmem_shared>>)
        } else {
        }
        %get3A_233 = arith.constant 0 : index
        %get3A_234 = tpu.vector_load %arg9[%get3A_233] {strides = array<i32>} : memref<128xi32, #tpu.memory_space<vmem>>, vector<16xi32>,
        %swap3A_235 = arith.constant 0 : index
        %swap3A_236 = tpu.vector_load %arg11[%swap3A_235] {strides = array<i32>} : memref<64xi32, #tpu.memory_space<vmem>>, vector<16xi32>,
        tpu.vector_store %arg11[%swap3A_235], %get3A_234 {strides = array<i32>} : memref<64xi32, #tpu.memory_space<vmem>>, vector<16xi32>,
        %get3A_237 = arith.constant 16 : index
        %get3A_238 = tpu.vector_load %arg9[%get3A_237] {strides = array<i32>} : memref<128xi32, #tpu.memory_space<vmem>>, vector<16xi32>,
        %swap3A_239 = arith.constant 16 : index
        %swap3A_240 = tpu.vector_load %arg11[%swap3A_239] {strides = array<i32>} : memref<64xi32, #tpu.memory_space<vmem>>, vector<16xi32>,
        tpu.vector_store %arg11[%swap3A_239], %get3A_238 {strides = array<i32>} : memref<64xi32, #tpu.memory_space<vmem>>, vector<16xi32>,
        %get3A_241 = arith.constant 32 : index
        %get3A_242 = tpu.vector_load %arg9[%get3A_241] {strides = array<i32>} : memref<128xi32, #tpu.memory_space<vmem>>, vector<16xi32>,
        %swap3A_243 = arith.constant 32 : index
        %swap3A_244 = tpu.vector_load %arg11[%swap3A_243] {strides = array<i32>} : memref<64xi32, #tpu.memory_space<vmem>>, vector<16xi32>,
        tpu.vector_store %arg11[%swap3A_243], %get3A_242 {strides = array<i32>} : memref<64xi32, #tpu.memory_space<vmem>>, vector<16xi32>,
        %get3A_245 = arith.constant 48 : index
        %get3A_246 = tpu.vector_load %arg9[%get3A_245] {strides = array<i32>} : memref<128xi32, #tpu.memory_space<vmem>>, vector<16xi32>,
        %swap3A_247 = arith.constant 48 : index
        %swap3A_248 = tpu.vector_load %arg11[%swap3A_247] {strides = array<i32>} : memref<64xi32, #tpu.memory_space<vmem>>, vector<16xi32>,
        tpu.vector_store %arg11[%swap3A_247], %get3A_246 {strides = array<i32>} : memref<64xi32, #tpu.memory_space<vmem>>, vector<16xi32>,
        %get3A_249 = arith.constant 64 : index
        %get3A_250 = tpu.vector_load %arg9[%get3A_249] {strides = array<i32>} : memref<128xi32, #tpu.memory_space<vmem>>, vector<16xi32>,
        %swap3A_251 = arith.constant 0 : index
        %swap3A_252 = tpu.vector_load %arg15[%swap3A_251] {strides = array<i32>} : memref<64xi32, #tpu.memory_space<vmem>>, vector<16xi32>,
        tpu.vector_store %arg15[%swap3A_251], %get3A_250 {strides = array<i32>} : memref<64xi32, #tpu.memory_space<vmem>>, vector<16xi32>,
        %sub3A_253 = vector.broadcast %mul3A_2 : i32 to vector<16xi32>
        %sub3A_254 = arith.subi %get3A_250, %sub3A_253 : vector<16xi32>
        %ge3A_255 = arith.constant 0 : i32
        %ge3A_256 = vector.broadcast %ge3A_255 : i32 to vector<16xi32>
        %ge3A_257 = arith.cmpi sge, %sub3A_254, %ge3A_256 : vector<16xi32>
        %lt3A_258 = arith.constant 6144 : i32
        %lt3A_259 = vector.broadcast %lt3A_258 : i32 to vector<16xi32>
        %lt3A_260 = arith.cmpi slt, %sub3A_254, %lt3A_259 : vector<16xi32>
        %and3A_261 = arith.andi %ge3A_257, %lt3A_260 : vector<16xi1>
        %jit3A_262 = arith.constant 1.000000e+00 : f32
        %jit3A_263 = arith.constant 0.000000e+00 : f32
        %broadcast_in_dim3A_264 = vector.broadcast %jit3A_262 : f32 to vector<16xf32>
        %broadcast_in_dim3A_265 = vector.broadcast %jit3A_263 : f32 to vector<16xf32>
        %select_n3A_266 = arith.select %and3A_261, %broadcast_in_dim3A_264, %broadcast_in_dim3A_265 : vector<16xi1>, vector<16xf32>
        %swap3A_267 = arith.constant 0 : index
        %swap3A_268 = tpu.vector_load %arg17[%swap3A_267] {strides = array<i32>} : memref<64xf32, #tpu.memory_space<vmem>>, vector<16xf32>,
        tpu.vector_store %arg17[%swap3A_267], %select_n3A_266 {strides = array<i32>} : memref<64xf32, #tpu.memory_space<vmem>>, vector<16xf32>,
        %jit3A_269 = arith.constant 0 : i32
        %jit3A_270 = arith.constant 6143 : i32
        %max3A_271 = vector.broadcast %jit3A_269 : i32 to vector<16xi32>
        %max3A_272 = arith.maxsi %max3A_271, %sub3A_254 : vector<16xi32>
        %min3A_273 = vector.broadcast %jit3A_270 : i32 to vector<16xi32>
        %min3A_274 = arith.minsi %min3A_273, %max3A_272 : vector<16xi32>
        %swap3A_275 = arith.constant 0 : index
        %swap3A_276 = tpu.vector_load %arg13[%swap3A_275] {strides = array<i32>} : memref<64xi32, #tpu.memory_space<vmem>>, vector<16xi32>,
        tpu.vector_store %arg13[%swap3A_275], %min3A_274 {strides = array<i32>} : memref<64xi32, #tpu.memory_space<vmem>>, vector<16xi32>,
        %get3A_277 = arith.constant 80 : index
        %get3A_278 = tpu.vector_load %arg9[%get3A_277] {strides = array<i32>} : memref<128xi32, #tpu.memory_space<vmem>>, vector<16xi32>,
        %swap3A_279 = arith.constant 16 : index
        %swap3A_280 = tpu.vector_load %arg15[%swap3A_279] {strides = array<i32>} : memref<64xi32, #tpu.memory_space<vmem>>, vector<16xi32>,
        tpu.vector_store %arg15[%swap3A_279], %get3A_278 {strides = array<i32>} : memref<64xi32, #tpu.memory_space<vmem>>, vector<16xi32>,
        %sub3A_281 = vector.broadcast %mul3A_2 : i32 to vector<16xi32>
        %sub3A_282 = arith.subi %get3A_278, %sub3A_281 : vector<16xi32>
        %ge3A_283 = arith.constant 0 : i32
        %ge3A_284 = vector.broadcast %ge3A_283 : i32 to vector<16xi32>
        %ge3A_285 = arith.cmpi sge, %sub3A_282, %ge3A_284 : vector<16xi32>
        %lt3A_286 = arith.constant 6144 : i32
        %lt3A_287 = vector.broadcast %lt3A_286 : i32 to vector<16xi32>
        %lt3A_288 = arith.cmpi slt, %sub3A_282, %lt3A_287 : vector<16xi32>
        %and3A_289 = arith.andi %ge3A_285, %lt3A_288 : vector<16xi1>
        %jit3A_290 = arith.constant 1.000000e+00 : f32
        %jit3A_291 = arith.constant 0.000000e+00 : f32
        %broadcast_in_dim3A_292 = vector.broadcast %jit3A_290 : f32 to vector<16xf32>
        %broadcast_in_dim3A_293 = vector.broadcast %jit3A_291 : f32 to vector<16xf32>
        %select_n3A_294 = arith.select %and3A_289, %broadcast_in_dim3A_292, %broadcast_in_dim3A_293 : vector<16xi1>, vector<16xf32>
        %swap3A_295 = arith.constant 16 : index
        %swap3A_296 = tpu.vector_load %arg17[%swap3A_295] {strides = array<i32>} : memref<64xf32, #tpu.memory_space<vmem>>, vector<16xf32>,
        tpu.vector_store %arg17[%swap3A_295], %select_n3A_294 {strides = array<i32>} : memref<64xf32, #tpu.memory_space<vmem>>, vector<16xf32>,
        %jit3A_297 = arith.constant 0 : i32
        %jit3A_298 = arith.constant 6143 : i32
        %max3A_299 = vector.broadcast %jit3A_297 : i32 to vector<16xi32>
        %max3A_300 = arith.maxsi %max3A_299, %sub3A_282 : vector<16xi32>
        %min3A_301 = vector.broadcast %jit3A_298 : i32 to vector<16xi32>
        %min3A_302 = arith.minsi %min3A_301, %max3A_300 : vector<16xi32>
        %swap3A_303 = arith.constant 16 : index
        %swap3A_304 = tpu.vector_load %arg13[%swap3A_303] {strides = array<i32>} : memref<64xi32, #tpu.memory_space<vmem>>, vector<16xi32>,
        tpu.vector_store %arg13[%swap3A_303], %min3A_302 {strides = array<i32>} : memref<64xi32, #tpu.memory_space<vmem>>, vector<16xi32>,
        %get3A_305 = arith.constant 96 : index
        %get3A_306 = tpu.vector_load %arg9[%get3A_305] {strides = array<i32>} : memref<128xi32, #tpu.memory_space<vmem>>, vector<16xi32>,
        %swap3A_307 = arith.constant 32 : index
        %swap3A_308 = tpu.vector_load %arg15[%swap3A_307] {strides = array<i32>} : memref<64xi32, #tpu.memory_space<vmem>>, vector<16xi32>,
        tpu.vector_store %arg15[%swap3A_307], %get3A_306 {strides = array<i32>} : memref<64xi32, #tpu.memory_space<vmem>>, vector<16xi32>,
        %sub3A_309 = vector.broadcast %mul3A_2 : i32 to vector<16xi32>
        %sub3A_310 = arith.subi %get3A_306, %sub3A_309 : vector<16xi32>
        %ge3A_311 = arith.constant 0 : i32
        %ge3A_312 = vector.broadcast %ge3A_311 : i32 to vector<16xi32>
        %ge3A_313 = arith.cmpi sge, %sub3A_310, %ge3A_312 : vector<16xi32>
        %lt3A_314 = arith.constant 6144 : i32
        %lt3A_315 = vector.broadcast %lt3A_314 : i32 to vector<16xi32>
        %lt3A_316 = arith.cmpi slt, %sub3A_310, %lt3A_315 : vector<16xi32>
        %and3A_317 = arith.andi %ge3A_313, %lt3A_316 : vector<16xi1>
        %jit3A_318 = arith.constant 1.000000e+00 : f32
        %jit3A_319 = arith.constant 0.000000e+00 : f32
        %broadcast_in_dim3A_320 = vector.broadcast %jit3A_318 : f32 to vector<16xf32>
        %broadcast_in_dim3A_321 = vector.broadcast %jit3A_319 : f32 to vector<16xf32>
        %select_n3A_322 = arith.select %and3A_317, %broadcast_in_dim3A_320, %broadcast_in_dim3A_321 : vector<16xi1>, vector<16xf32>
        %swap3A_323 = arith.constant 32 : index
        %swap3A_324 = tpu.vector_load %arg17[%swap3A_323] {strides = array<i32>} : memref<64xf32, #tpu.memory_space<vmem>>, vector<16xf32>,
        tpu.vector_store %arg17[%swap3A_323], %select_n3A_322 {strides = array<i32>} : memref<64xf32, #tpu.memory_space<vmem>>, vector<16xf32>,
        %jit3A_325 = arith.constant 0 : i32
        %jit3A_326 = arith.constant 6143 : i32
        %max3A_327 = vector.broadcast %jit3A_325 : i32 to vector<16xi32>
        %max3A_328 = arith.maxsi %max3A_327, %sub3A_310 : vector<16xi32>
        %min3A_329 = vector.broadcast %jit3A_326 : i32 to vector<16xi32>
        %min3A_330 = arith.minsi %min3A_329, %max3A_328 : vector<16xi32>
        %swap3A_331 = arith.constant 32 : index
        %swap3A_332 = tpu.vector_load %arg13[%swap3A_331] {strides = array<i32>} : memref<64xi32, #tpu.memory_space<vmem>>, vector<16xi32>,
        tpu.vector_store %arg13[%swap3A_331], %min3A_330 {strides = array<i32>} : memref<64xi32, #tpu.memory_space<vmem>>, vector<16xi32>,
        %get3A_333 = arith.constant 112 : index
        %get3A_334 = tpu.vector_load %arg9[%get3A_333] {strides = array<i32>} : memref<128xi32, #tpu.memory_space<vmem>>, vector<16xi32>,
        %swap3A_335 = arith.constant 48 : index
        %swap3A_336 = tpu.vector_load %arg15[%swap3A_335] {strides = array<i32>} : memref<64xi32, #tpu.memory_space<vmem>>, vector<16xi32>,
        tpu.vector_store %arg15[%swap3A_335], %get3A_334 {strides = array<i32>} : memref<64xi32, #tpu.memory_space<vmem>>, vector<16xi32>,
        %sub3A_337 = vector.broadcast %mul3A_2 : i32 to vector<16xi32>
        %sub3A_338 = arith.subi %get3A_334, %sub3A_337 : vector<16xi32>
        %ge3A_339 = arith.constant 0 : i32
        %ge3A_340 = vector.broadcast %ge3A_339 : i32 to vector<16xi32>
        %ge3A_341 = arith.cmpi sge, %sub3A_338, %ge3A_340 : vector<16xi32>
        %lt3A_342 = arith.constant 6144 : i32
        %lt3A_343 = vector.broadcast %lt3A_342 : i32 to vector<16xi32>
        %lt3A_344 = arith.cmpi slt, %sub3A_338, %lt3A_343 : vector<16xi32>
        %and3A_345 = arith.andi %ge3A_341, %lt3A_344 : vector<16xi1>
        %jit3A_346 = arith.constant 1.000000e+00 : f32
        %jit3A_347 = arith.constant 0.000000e+00 : f32
        %broadcast_in_dim3A_348 = vector.broadcast %jit3A_346 : f32 to vector<16xf32>
        %broadcast_in_dim3A_349 = vector.broadcast %jit3A_347 : f32 to vector<16xf32>
        %select_n3A_350 = arith.select %and3A_345, %broadcast_in_dim3A_348, %broadcast_in_dim3A_349 : vector<16xi1>, vector<16xf32>
        %swap3A_351 = arith.constant 48 : index
        %swap3A_352 = tpu.vector_load %arg17[%swap3A_351] {strides = array<i32>} : memref<64xf32, #tpu.memory_space<vmem>>, vector<16xf32>,
        tpu.vector_store %arg17[%swap3A_351], %select_n3A_350 {strides = array<i32>} : memref<64xf32, #tpu.memory_space<vmem>>, vector<16xf32>,
        %jit3A_353 = arith.constant 0 : i32
        %jit3A_354 = arith.constant 6143 : i32
        %max3A_355 = vector.broadcast %jit3A_353 : i32 to vector<16xi32>
        %max3A_356 = arith.maxsi %max3A_355, %sub3A_338 : vector<16xi32>
        %min3A_357 = vector.broadcast %jit3A_354 : i32 to vector<16xi32>
        %min3A_358 = arith.minsi %min3A_357, %max3A_356 : vector<16xi32>
        %swap3A_359 = arith.constant 48 : index
        %swap3A_360 = tpu.vector_load %arg13[%swap3A_359] {strides = array<i32>} : memref<64xi32, #tpu.memory_space<vmem>>, vector<16xi32>,
        tpu.vector_store %arg13[%swap3A_359], %min3A_358 {strides = array<i32>} : memref<64xi32, #tpu.memory_space<vmem>>, vector<16xi32>,
        %dma_start3A_361 = arith.constant 0 : i32
        %dma_start3A_362 = arith.constant 0 : i32
        %dma_start3A_363 = tpu.memref_slice %arg2[%dma_start3A_361, %dma_start3A_362] : memref<12288x16xf32, #tpu.memory_space<hbm>> -> memref<12288x16xf32, #tpu.memory_space<hbm>>
        tpu.enqueue_indirect_dma source(%dma_start3A_363 : memref<12288x16xf32, #tpu.memory_space<hbm>>) target(%arg19 : memref<64x16xf32, #tpu.memory_space<vmem>>) offsets(%arg11 : memref<64xi32, #tpu.memory_space<vmem>>) semaphore(%arg27 : memref<!tpu.dma_semaphore, #tpu.memory_space<semaphore_mem>>)
        %dma_start3A_364 = arith.constant 0 : i32
        %dma_start3A_365 = arith.constant 0 : i32
        %dma_start3A_366 = tpu.memref_slice %arg3[%dma_start3A_364, %dma_start3A_365] : memref<12288x16xf32, #tpu.memory_space<hbm>> -> memref<12288x16xf32, #tpu.memory_space<hbm>>
        tpu.enqueue_indirect_dma source(%dma_start3A_366 : memref<12288x16xf32, #tpu.memory_space<hbm>>) target(%arg21 : memref<64x16xf32, #tpu.memory_space<vmem>>) offsets(%arg15 : memref<64xi32, #tpu.memory_space<vmem>>) semaphore(%arg27 : memref<!tpu.dma_semaphore, #tpu.memory_space<semaphore_mem>>)
        %add3A_367 = arith.constant 3 : i32
        %add3A_368 = arith.addi %add3A_177, %add3A_367 : i32
        %lt3A_369 = arith.constant 192 : i32
        %lt3A_370 = arith.cmpi slt, %add3A_368, %lt3A_369 : i32
        %convert_element_type3A_371 = arith.extui %lt3A_370 : i1 to i32
        %cond3A_372 = arith.constant 0 : i32
        %cond3A_373 = arith.cmpi ne, %convert_element_type3A_371, %cond3A_372 : i32
        scf.if %cond3A_373 {
          %add3A_374 = arith.constant 3 : i32
          %add3A_375 = arith.addi %add3A_177, %add3A_374 : i32
          %add3A_376 = arith.addi %mul3A_15, %add3A_375 : i32
          %mul3A_377 = arith.constant 128 : i32
          %mul3A_378 = arith.muli %add3A_376, %mul3A_377 : i32
          %dma_start3A_379 = tpu.memref_slice %arg5[%mul3A_378] : memref<393216xi32, #tpu.memory_space<hbm>> -> memref<128xi32, #tpu.memory_space<hbm>>
          %dma_start3A_380 = tpu.memref_slice %arg5[%mul3A_378] : memref<393216xi32, #tpu.memory_space<hbm>> -> memref<128xi32, #tpu.memory_space<hbm>>
          tpu.enqueue_dma source(%dma_start3A_380 : memref<128xi32, #tpu.memory_space<hbm>>) target(%arg9 : memref<128xi32, #tpu.memory_space<vmem>>) target_semaphore(%arg25 : memref<!tpu.dma_semaphore, #tpu.memory_space<semaphore_mem>>)
        } else {
        }
      } else {
      }
      %dma_wait3A_183 = arith.constant 0 : i32
      %dma_wait3A_184 = arith.constant 0 : i32
      %dma_wait3A_185 = tpu.memref_slice %arg2[%dma_wait3A_183, %dma_wait3A_184] : memref<12288x16xf32, #tpu.memory_space<hbm>> -> memref<12288x16xf32, #tpu.memory_space<hbm>>
      tpu.wait_indirect_dma semaphore(%arg26 : memref<!tpu.dma_semaphore, #tpu.memory_space<semaphore_mem>>) src(%dma_wait3A_185 : memref<12288x16xf32, #tpu.memory_space<hbm>>) dst(%arg18 : memref<64x16xf32, #tpu.memory_space<vmem>>)
      %dma_wait3A_186 = arith.constant 0 : i32
      %dma_wait3A_187 = arith.constant 0 : i32
      %dma_wait3A_188 = tpu.memref_slice %arg3[%dma_wait3A_186, %dma_wait3A_187] : memref<12288x16xf32, #tpu.memory_space<hbm>> -> memref<12288x16xf32, #tpu.memory_space<hbm>>
      tpu.wait_indirect_dma semaphore(%arg26 : memref<!tpu.dma_semaphore, #tpu.memory_space<semaphore_mem>>) src(%dma_wait3A_188 : memref<12288x16xf32, #tpu.memory_space<hbm>>) dst(%arg20 : memref<64x16xf32, #tpu.memory_space<vmem>>)
      %scan3A_189 = arith.constant 0 : i32
      %scan3A_190 = arith.constant 0 : i32
      %scan3A_191 = arith.constant 4 : i32
      %scan3A_192 = arith.addi %scan3A_190, %scan3A_191 : i32
      %scan3A_193 = arith.constant 1 : i32
      scf.for %scan3A_224 = %scan3A_190 to %scan3A_192 step %scan3A_193  : i32 {
        %iota3A = tpu.iota {dimensions = array<i32: 0>} : vector<16xi32>
        %mul3A_225 = arith.constant 16 : i32
        %mul3A_226 = arith.muli %scan3A_224, %mul3A_225 : i32
        %add3A_227 = vector.broadcast %mul3A_226 : i32 to vector<16xi32>
        %add3A_228 = arith.addi %iota3A, %add3A_227 : vector<16xi32>
        %mul3A_229 = arith.constant 16 : i32
        %mul3A_230 = arith.muli %scan3A_224, %mul3A_229 : i32
        %get3A_231 = arith.index_cast %mul3A_230 : i32 to index
        %get3A_232 = tpu.vector_load %arg16[%get3A_231] {strides = array<i32>} : memref<64xf32, #tpu.memory_space<vmem>>, vector<16xf32>,
        %broadcast_in_dim3A_233 = arith.constant 0 : i32
        %broadcast_in_dim3A_234 = vector.broadcast %broadcast_in_dim3A_233 : i32 to vector<16xi32>
        %add3A_235 = arith.constant 4 : i32
        %add3A_236 = vector.broadcast %add3A_235 : i32 to vector<16xi32>
        %add3A_237 = arith.addi %broadcast_in_dim3A_234, %add3A_236 : vector<16xi32>
        %gather3A = tpu.vector_load_idx %arg18[%add3A_228, %add3A_237] : memref<64x16xf32, #tpu.memory_space<vmem>>[vector<16xi32>, vector<16xi32>], vector<16xf32>,
        %broadcast_in_dim3A_238 = arith.constant 0 : i32
        %broadcast_in_dim3A_239 = vector.broadcast %broadcast_in_dim3A_238 : i32 to vector<16xi32>
        %add3A_240 = arith.constant 0 : i32
        %add3A_241 = vector.broadcast %add3A_240 : i32 to vector<16xi32>
        %add3A_242 = arith.addi %broadcast_in_dim3A_239, %add3A_241 : vector<16xi32>
        %gather3A_243 = tpu.vector_load_idx %arg20[%add3A_228, %add3A_242] : memref<64x16xf32, #tpu.memory_space<vmem>>[vector<16xi32>, vector<16xi32>], vector<16xf32>,
        %add3A_244 = arith.addf %gather3A, %gather3A_243 : vector<16xf32>
        %ge3A_245 = arith.constant 0.000000e+00 : f32
        %ge3A_246 = vector.broadcast %ge3A_245 : f32 to vector<16xf32>
        %ge3A_247 = arith.cmpf oge, %add3A_244, %ge3A_246 : vector<16xf32>
        %mul3A_248 = arith.constant 2.000000e-01 : f32
        %mul3A_249 = vector.broadcast %mul3A_248 : f32 to vector<16xf32>
        %mul3A_250 = arith.mulf %mul3A_249, %add3A_244 : vector<16xf32>
        %select_n3A_251 = arith.select %ge3A_247, %add3A_244, %mul3A_250 : vector<16xi1>, vector<16xf32>
        %exp3A = math.exp %select_n3A_251 : vector<16xf32>
        %mul3A_252 = arith.mulf %exp3A, %get3A_232 : vector<16xf32>
        tpu.vector_store_idx %arg22[%add3A_228, %add3A_237], %mul3A_252 : memref<64x16xf32, #tpu.memory_space<vmem>>[vector<16xi32>, vector<16xi32>], vector<16xf32>,
        %broadcast_in_dim3A_253 = arith.constant 0 : i32
        %broadcast_in_dim3A_254 = vector.broadcast %broadcast_in_dim3A_253 : i32 to vector<16xi32>
        %add3A_255 = arith.constant 5 : i32
        %add3A_256 = vector.broadcast %add3A_255 : i32 to vector<16xi32>
        %add3A_257 = arith.addi %broadcast_in_dim3A_254, %add3A_256 : vector<16xi32>
        %gather3A_258 = tpu.vector_load_idx %arg18[%add3A_228, %add3A_257] : memref<64x16xf32, #tpu.memory_space<vmem>>[vector<16xi32>, vector<16xi32>], vector<16xf32>,
        %broadcast_in_dim3A_259 = arith.constant 0 : i32
        %broadcast_in_dim3A_260 = vector.broadcast %broadcast_in_dim3A_259 : i32 to vector<16xi32>
        %add3A_261 = arith.constant 1 : i32
        %add3A_262 = vector.broadcast %add3A_261 : i32 to vector<16xi32>
        %add3A_263 = arith.addi %broadcast_in_dim3A_260, %add3A_262 : vector<16xi32>
        %gather3A_264 = tpu.vector_load_idx %arg20[%add3A_228, %add3A_263] : memref<64x16xf32, #tpu.memory_space<vmem>>[vector<16xi32>, vector<16xi32>], vector<16xf32>,
        %add3A_265 = arith.addf %gather3A_258, %gather3A_264 : vector<16xf32>
        %ge3A_266 = arith.constant 0.000000e+00 : f32
        %ge3A_267 = vector.broadcast %ge3A_266 : f32 to vector<16xf32>
        %ge3A_268 = arith.cmpf oge, %add3A_265, %ge3A_267 : vector<16xf32>
        %mul3A_269 = arith.constant 2.000000e-01 : f32
        %mul3A_270 = vector.broadcast %mul3A_269 : f32 to vector<16xf32>
        %mul3A_271 = arith.mulf %mul3A_270, %add3A_265 : vector<16xf32>
        %select_n3A_272 = arith.select %ge3A_268, %add3A_265, %mul3A_271 : vector<16xi1>, vector<16xf32>
        %exp3A_273 = math.exp %select_n3A_272 : vector<16xf32>
        %mul3A_274 = arith.mulf %exp3A_273, %get3A_232 : vector<16xf32>
        tpu.vector_store_idx %arg22[%add3A_228, %add3A_257], %mul3A_274 : memref<64x16xf32, #tpu.memory_space<vmem>>[vector<16xi32>, vector<16xi32>], vector<16xf32>,
        %broadcast_in_dim3A_275 = arith.constant 0 : i32
        %broadcast_in_dim3A_276 = vector.broadcast %broadcast_in_dim3A_275 : i32 to vector<16xi32>
        %add3A_277 = arith.constant 6 : i32
        %add3A_278 = vector.broadcast %add3A_277 : i32 to vector<16xi32>
        %add3A_279 = arith.addi %broadcast_in_dim3A_276, %add3A_278 : vector<16xi32>
        %gather3A_280 = tpu.vector_load_idx %arg18[%add3A_228, %add3A_279] : memref<64x16xf32, #tpu.memory_space<vmem>>[vector<16xi32>, vector<16xi32>], vector<16xf32>,
        %broadcast_in_dim3A_281 = arith.constant 0 : i32
        %broadcast_in_dim3A_282 = vector.broadcast %broadcast_in_dim3A_281 : i32 to vector<16xi32>
        %add3A_283 = arith.constant 2 : i32
        %add3A_284 = vector.broadcast %add3A_283 : i32 to vector<16xi32>
        %add3A_285 = arith.addi %broadcast_in_dim3A_282, %add3A_284 : vector<16xi32>
        %gather3A_286 = tpu.vector_load_idx %arg20[%add3A_228, %add3A_285] : memref<64x16xf32, #tpu.memory_space<vmem>>[vector<16xi32>, vector<16xi32>], vector<16xf32>,
        %add3A_287 = arith.addf %gather3A_280, %gather3A_286 : vector<16xf32>
        %ge3A_288 = arith.constant 0.000000e+00 : f32
        %ge3A_289 = vector.broadcast %ge3A_288 : f32 to vector<16xf32>
        %ge3A_290 = arith.cmpf oge, %add3A_287, %ge3A_289 : vector<16xf32>
        %mul3A_291 = arith.constant 2.000000e-01 : f32
        %mul3A_292 = vector.broadcast %mul3A_291 : f32 to vector<16xf32>
        %mul3A_293 = arith.mulf %mul3A_292, %add3A_287 : vector<16xf32>
        %select_n3A_294 = arith.select %ge3A_290, %add3A_287, %mul3A_293 : vector<16xi1>, vector<16xf32>
        %exp3A_295 = math.exp %select_n3A_294 : vector<16xf32>
        %mul3A_296 = arith.mulf %exp3A_295, %get3A_232 : vector<16xf32>
        tpu.vector_store_idx %arg22[%add3A_228, %add3A_279], %mul3A_296 : memref<64x16xf32, #tpu.memory_space<vmem>>[vector<16xi32>, vector<16xi32>], vector<16xf32>,
        %broadcast_in_dim3A_297 = arith.constant 0 : i32
        %broadcast_in_dim3A_298 = vector.broadcast %broadcast_in_dim3A_297 : i32 to vector<16xi32>
        %add3A_299 = arith.constant 7 : i32
        %add3A_300 = vector.broadcast %add3A_299 : i32 to vector<16xi32>
        %add3A_301 = arith.addi %broadcast_in_dim3A_298, %add3A_300 : vector<16xi32>
        %gather3A_302 = tpu.vector_load_idx %arg18[%add3A_228, %add3A_301] : memref<64x16xf32, #tpu.memory_space<vmem>>[vector<16xi32>, vector<16xi32>], vector<16xf32>,
        %broadcast_in_dim3A_303 = arith.constant 0 : i32
        %broadcast_in_dim3A_304 = vector.broadcast %broadcast_in_dim3A_303 : i32 to vector<16xi32>
        %add3A_305 = arith.constant 3 : i32
        %add3A_306 = vector.broadcast %add3A_305 : i32 to vector<16xi32>
        %add3A_307 = arith.addi %broadcast_in_dim3A_304, %add3A_306 : vector<16xi32>
        %gather3A_308 = tpu.vector_load_idx %arg20[%add3A_228, %add3A_307] : memref<64x16xf32, #tpu.memory_space<vmem>>[vector<16xi32>, vector<16xi32>], vector<16xf32>,
        %add3A_309 = arith.addf %gather3A_302, %gather3A_308 : vector<16xf32>
        %ge3A_310 = arith.constant 0.000000e+00 : f32
        %ge3A_311 = vector.broadcast %ge3A_310 : f32 to vector<16xf32>
        %ge3A_312 = arith.cmpf oge, %add3A_309, %ge3A_311 : vector<16xf32>
        %mul3A_313 = arith.constant 2.000000e-01 : f32
        %mul3A_314 = vector.broadcast %mul3A_313 : f32 to vector<16xf32>
        %mul3A_315 = arith.mulf %mul3A_314, %add3A_309 : vector<16xf32>
        %select_n3A_316 = arith.select %ge3A_312, %add3A_309, %mul3A_315 : vector<16xi1>, vector<16xf32>
        %exp3A_317 = math.exp %select_n3A_316 : vector<16xf32>
        %mul3A_318 = arith.mulf %exp3A_317, %get3A_232 : vector<16xf32>
        tpu.vector_store_idx %arg22[%add3A_228, %add3A_301], %mul3A_318 : memref<64x16xf32, #tpu.memory_space<vmem>>[vector<16xi32>, vector<16xi32>], vector<16xf32>,
        %broadcast_in_dim3A_319 = arith.constant 0 : i32
        %broadcast_in_dim3A_320 = vector.broadcast %broadcast_in_dim3A_319 : i32 to vector<16xi32>
        %add3A_321 = arith.constant 0 : i32
        %add3A_322 = vector.broadcast %add3A_321 : i32 to vector<16xi32>
        %add3A_323 = arith.addi %broadcast_in_dim3A_320, %add3A_322 : vector<16xi32>
        %gather3A_324 = tpu.vector_load_idx %arg18[%add3A_228, %add3A_323] : memref<64x16xf32, #tpu.memory_space<vmem>>[vector<16xi32>, vector<16xi32>], vector<16xf32>,
        %mul3A_325 = arith.mulf %gather3A_324, %mul3A_252 : vector<16xf32>
        tpu.vector_store_idx %arg22[%add3A_228, %add3A_323], %mul3A_325 : memref<64x16xf32, #tpu.memory_space<vmem>>[vector<16xi32>, vector<16xi32>], vector<16xf32>,
        %broadcast_in_dim3A_326 = arith.constant 0 : i32
        %broadcast_in_dim3A_327 = vector.broadcast %broadcast_in_dim3A_326 : i32 to vector<16xi32>
        %add3A_328 = arith.constant 1 : i32
        %add3A_329 = vector.broadcast %add3A_328 : i32 to vector<16xi32>
        %add3A_330 = arith.addi %broadcast_in_dim3A_327, %add3A_329 : vector<16xi32>
        %gather3A_331 = tpu.vector_load_idx %arg18[%add3A_228, %add3A_330] : memref<64x16xf32, #tpu.memory_space<vmem>>[vector<16xi32>, vector<16xi32>], vector<16xf32>,
        %mul3A_332 = arith.mulf %gather3A_331, %mul3A_274 : vector<16xf32>
        tpu.vector_store_idx %arg22[%add3A_228, %add3A_330], %mul3A_332 : memref<64x16xf32, #tpu.memory_space<vmem>>[vector<16xi32>, vector<16xi32>], vector<16xf32>,
        %broadcast_in_dim3A_333 = arith.constant 0 : i32
        %broadcast_in_dim3A_334 = vector.broadcast %broadcast_in_dim3A_333 : i32 to vector<16xi32>
        %add3A_335 = arith.constant 2 : i32
        %add3A_336 = vector.broadcast %add3A_335 : i32 to vector<16xi32>
        %add3A_337 = arith.addi %broadcast_in_dim3A_334, %add3A_336 : vector<16xi32>
        %gather3A_338 = tpu.vector_load_idx %arg18[%add3A_228, %add3A_337] : memref<64x16xf32, #tpu.memory_space<vmem>>[vector<16xi32>, vector<16xi32>], vector<16xf32>,
        %mul3A_339 = arith.mulf %gather3A_338, %mul3A_296 : vector<16xf32>
        tpu.vector_store_idx %arg22[%add3A_228, %add3A_337], %mul3A_339 : memref<64x16xf32, #tpu.memory_space<vmem>>[vector<16xi32>, vector<16xi32>], vector<16xf32>,
        %broadcast_in_dim3A_340 = arith.constant 0 : i32
        %broadcast_in_dim3A_341 = vector.broadcast %broadcast_in_dim3A_340 : i32 to vector<16xi32>
        %add3A_342 = arith.constant 3 : i32
        %add3A_343 = vector.broadcast %add3A_342 : i32 to vector<16xi32>
        %add3A_344 = arith.addi %broadcast_in_dim3A_341, %add3A_343 : vector<16xi32>
        %gather3A_345 = tpu.vector_load_idx %arg18[%add3A_228, %add3A_344] : memref<64x16xf32, #tpu.memory_space<vmem>>[vector<16xi32>, vector<16xi32>], vector<16xf32>,
        %mul3A_346 = arith.mulf %gather3A_345, %mul3A_318 : vector<16xf32>
        tpu.vector_store_idx %arg22[%add3A_228, %add3A_344], %mul3A_346 : memref<64x16xf32, #tpu.memory_space<vmem>>[vector<16xi32>, vector<16xi32>], vector<16xf32>,
      }
      %scan3A_194 = arith.constant 4 : i32
      %dma_start3A_195 = arith.constant 0 : i32
      %dma_start3A_196 = arith.constant 0 : i32
      %dma_start3A_197 = tpu.memref_slice %arg7[%dma_start3A_195, %dma_start3A_196] : memref<6144x16xf32, #tpu.memory_space<vmem_shared>> -> memref<6144x16xf32, #tpu.memory_space<vmem_shared>>
      tpu.enqueue_indirect_dma source(%arg22 : memref<64x16xf32, #tpu.memory_space<vmem>>) target(%dma_start3A_197 : memref<6144x16xf32, #tpu.memory_space<vmem_shared>>) offsets(%arg12 : memref<64xi32, #tpu.memory_space<vmem>>) semaphore(%arg28 : memref<!tpu.dma_semaphore, #tpu.memory_space<semaphore_mem>>) {add = true}
      %mul3A_198 = arith.constant 2 : i32
      %mul3A_199 = arith.muli %scan3A_173, %mul3A_198 : i32
      %add3A_200 = arith.constant 1 : i32
      %add3A_201 = arith.addi %mul3A_199, %add3A_200 : i32
      %add3A_202 = arith.constant 1 : i32
      %add3A_203 = arith.addi %add3A_201, %add3A_202 : i32
      %lt3A_204 = arith.constant 192 : i32
      %lt3A_205 = arith.cmpi slt, %add3A_203, %lt3A_204 : i32
      %convert_element_type3A_206 = arith.extui %lt3A_205 : i1 to i32
      %cond3A_207 = arith.constant 0 : i32
      %cond3A_208 = arith.cmpi ne, %convert_element_type3A_206, %cond3A_207 : i32
      scf.if %cond3A_208 {
        %dma_wait3A_224 = arith.constant 0 : i32
        %dma_wait3A_225 = tpu.memref_slice %arg5[%dma_wait3A_224] : memref<393216xi32, #tpu.memory_space<hbm>> -> memref<128xi32, #tpu.memory_space<hbm>>
        %dma_wait3A_226 = arith.constant 0 : i32
        %dma_wait3A_227 = tpu.memref_slice %arg5[%dma_wait3A_226] : memref<393216xi32, #tpu.memory_space<hbm>> -> memref<128xi32, #tpu.memory_space<hbm>>
        tpu.wait_dma2 semaphore(%arg24 : memref<!tpu.dma_semaphore, #tpu.memory_space<semaphore_mem>>) src(%dma_wait3A_227 : memref<128xi32, #tpu.memory_space<hbm>>) dst(%arg8 : memref<128xi32, #tpu.memory_space<vmem>>)
        %ge3A_228 = arith.constant 1 : i32
        %ge3A_229 = arith.cmpi sge, %add3A_201, %ge3A_228 : i32
        %convert_element_type3A_230 = arith.extui %ge3A_229 : i1 to i32
        %cond3A_231 = arith.constant 0 : i32
        %cond3A_232 = arith.cmpi ne, %convert_element_type3A_230, %cond3A_231 : i32
        scf.if %cond3A_232 {
          %dma_wait3A_374 = arith.constant 0 : i32
          %dma_wait3A_375 = arith.constant 0 : i32
          %dma_wait3A_376 = tpu.memref_slice %arg7[%dma_wait3A_374, %dma_wait3A_375] : memref<6144x16xf32, #tpu.memory_space<vmem_shared>> -> memref<6144x16xf32, #tpu.memory_space<vmem_shared>>
          tpu.wait_indirect_dma semaphore(%arg28 : memref<!tpu.dma_semaphore, #tpu.memory_space<semaphore_mem>>) src(%arg22 : memref<64x16xf32, #tpu.memory_space<vmem>>) dst(%dma_wait3A_376 : memref<6144x16xf32, #tpu.memory_space<vmem_shared>>)
        } else {
        }
        %get3A_233 = arith.constant 0 : index
        %get3A_234 = tpu.vector_load %arg8[%get3A_233] {strides = array<i32>} : memref<128xi32, #tpu.memory_space<vmem>>, vector<16xi32>,
        %swap3A_235 = arith.constant 0 : index
        %swap3A_236 = tpu.vector_load %arg10[%swap3A_235] {strides = array<i32>} : memref<64xi32, #tpu.memory_space<vmem>>, vector<16xi32>,
        tpu.vector_store %arg10[%swap3A_235], %get3A_234 {strides = array<i32>} : memref<64xi32, #tpu.memory_space<vmem>>, vector<16xi32>,
        %get3A_237 = arith.constant 16 : index
        %get3A_238 = tpu.vector_load %arg8[%get3A_237] {strides = array<i32>} : memref<128xi32, #tpu.memory_space<vmem>>, vector<16xi32>,
        %swap3A_239 = arith.constant 16 : index
        %swap3A_240 = tpu.vector_load %arg10[%swap3A_239] {strides = array<i32>} : memref<64xi32, #tpu.memory_space<vmem>>, vector<16xi32>,
        tpu.vector_store %arg10[%swap3A_239], %get3A_238 {strides = array<i32>} : memref<64xi32, #tpu.memory_space<vmem>>, vector<16xi32>,
        %get3A_241 = arith.constant 32 : index
        %get3A_242 = tpu.vector_load %arg8[%get3A_241] {strides = array<i32>} : memref<128xi32, #tpu.memory_space<vmem>>, vector<16xi32>,
        %swap3A_243 = arith.constant 32 : index
        %swap3A_244 = tpu.vector_load %arg10[%swap3A_243] {strides = array<i32>} : memref<64xi32, #tpu.memory_space<vmem>>, vector<16xi32>,
        tpu.vector_store %arg10[%swap3A_243], %get3A_242 {strides = array<i32>} : memref<64xi32, #tpu.memory_space<vmem>>, vector<16xi32>,
        %get3A_245 = arith.constant 48 : index
        %get3A_246 = tpu.vector_load %arg8[%get3A_245] {strides = array<i32>} : memref<128xi32, #tpu.memory_space<vmem>>, vector<16xi32>,
        %swap3A_247 = arith.constant 48 : index
        %swap3A_248 = tpu.vector_load %arg10[%swap3A_247] {strides = array<i32>} : memref<64xi32, #tpu.memory_space<vmem>>, vector<16xi32>,
        tpu.vector_store %arg10[%swap3A_247], %get3A_246 {strides = array<i32>} : memref<64xi32, #tpu.memory_space<vmem>>, vector<16xi32>,
        %get3A_249 = arith.constant 64 : index
        %get3A_250 = tpu.vector_load %arg8[%get3A_249] {strides = array<i32>} : memref<128xi32, #tpu.memory_space<vmem>>, vector<16xi32>,
        %swap3A_251 = arith.constant 0 : index
        %swap3A_252 = tpu.vector_load %arg14[%swap3A_251] {strides = array<i32>} : memref<64xi32, #tpu.memory_space<vmem>>, vector<16xi32>,
        tpu.vector_store %arg14[%swap3A_251], %get3A_250 {strides = array<i32>} : memref<64xi32, #tpu.memory_space<vmem>>, vector<16xi32>,
        %sub3A_253 = vector.broadcast %mul3A_2 : i32 to vector<16xi32>
        %sub3A_254 = arith.subi %get3A_250, %sub3A_253 : vector<16xi32>
        %ge3A_255 = arith.constant 0 : i32
        %ge3A_256 = vector.broadcast %ge3A_255 : i32 to vector<16xi32>
        %ge3A_257 = arith.cmpi sge, %sub3A_254, %ge3A_256 : vector<16xi32>
        %lt3A_258 = arith.constant 6144 : i32
        %lt3A_259 = vector.broadcast %lt3A_258 : i32 to vector<16xi32>
        %lt3A_260 = arith.cmpi slt, %sub3A_254, %lt3A_259 : vector<16xi32>
        %and3A_261 = arith.andi %ge3A_257, %lt3A_260 : vector<16xi1>
        %jit3A_262 = arith.constant 1.000000e+00 : f32
        %jit3A_263 = arith.constant 0.000000e+00 : f32
        %broadcast_in_dim3A_264 = vector.broadcast %jit3A_262 : f32 to vector<16xf32>
        %broadcast_in_dim3A_265 = vector.broadcast %jit3A_263 : f32 to vector<16xf32>
        %select_n3A_266 = arith.select %and3A_261, %broadcast_in_dim3A_264, %broadcast_in_dim3A_265 : vector<16xi1>, vector<16xf32>
        %swap3A_267 = arith.constant 0 : index
        %swap3A_268 = tpu.vector_load %arg16[%swap3A_267] {strides = array<i32>} : memref<64xf32, #tpu.memory_space<vmem>>, vector<16xf32>,
        tpu.vector_store %arg16[%swap3A_267], %select_n3A_266 {strides = array<i32>} : memref<64xf32, #tpu.memory_space<vmem>>, vector<16xf32>,
        %jit3A_269 = arith.constant 0 : i32
        %jit3A_270 = arith.constant 6143 : i32
        %max3A_271 = vector.broadcast %jit3A_269 : i32 to vector<16xi32>
        %max3A_272 = arith.maxsi %max3A_271, %sub3A_254 : vector<16xi32>
        %min3A_273 = vector.broadcast %jit3A_270 : i32 to vector<16xi32>
        %min3A_274 = arith.minsi %min3A_273, %max3A_272 : vector<16xi32>
        %swap3A_275 = arith.constant 0 : index
        %swap3A_276 = tpu.vector_load %arg12[%swap3A_275] {strides = array<i32>} : memref<64xi32, #tpu.memory_space<vmem>>, vector<16xi32>,
        tpu.vector_store %arg12[%swap3A_275], %min3A_274 {strides = array<i32>} : memref<64xi32, #tpu.memory_space<vmem>>, vector<16xi32>,
        %get3A_277 = arith.constant 80 : index
        %get3A_278 = tpu.vector_load %arg8[%get3A_277] {strides = array<i32>} : memref<128xi32, #tpu.memory_space<vmem>>, vector<16xi32>,
        %swap3A_279 = arith.constant 16 : index
        %swap3A_280 = tpu.vector_load %arg14[%swap3A_279] {strides = array<i32>} : memref<64xi32, #tpu.memory_space<vmem>>, vector<16xi32>,
        tpu.vector_store %arg14[%swap3A_279], %get3A_278 {strides = array<i32>} : memref<64xi32, #tpu.memory_space<vmem>>, vector<16xi32>,
        %sub3A_281 = vector.broadcast %mul3A_2 : i32 to vector<16xi32>
        %sub3A_282 = arith.subi %get3A_278, %sub3A_281 : vector<16xi32>
        %ge3A_283 = arith.constant 0 : i32
        %ge3A_284 = vector.broadcast %ge3A_283 : i32 to vector<16xi32>
        %ge3A_285 = arith.cmpi sge, %sub3A_282, %ge3A_284 : vector<16xi32>
        %lt3A_286 = arith.constant 6144 : i32
        %lt3A_287 = vector.broadcast %lt3A_286 : i32 to vector<16xi32>
        %lt3A_288 = arith.cmpi slt, %sub3A_282, %lt3A_287 : vector<16xi32>
        %and3A_289 = arith.andi %ge3A_285, %lt3A_288 : vector<16xi1>
        %jit3A_290 = arith.constant 1.000000e+00 : f32
        %jit3A_291 = arith.constant 0.000000e+00 : f32
        %broadcast_in_dim3A_292 = vector.broadcast %jit3A_290 : f32 to vector<16xf32>
        %broadcast_in_dim3A_293 = vector.broadcast %jit3A_291 : f32 to vector<16xf32>
        %select_n3A_294 = arith.select %and3A_289, %broadcast_in_dim3A_292, %broadcast_in_dim3A_293 : vector<16xi1>, vector<16xf32>
        %swap3A_295 = arith.constant 16 : index
        %swap3A_296 = tpu.vector_load %arg16[%swap3A_295] {strides = array<i32>} : memref<64xf32, #tpu.memory_space<vmem>>, vector<16xf32>,
        tpu.vector_store %arg16[%swap3A_295], %select_n3A_294 {strides = array<i32>} : memref<64xf32, #tpu.memory_space<vmem>>, vector<16xf32>,
        %jit3A_297 = arith.constant 0 : i32
        %jit3A_298 = arith.constant 6143 : i32
        %max3A_299 = vector.broadcast %jit3A_297 : i32 to vector<16xi32>
        %max3A_300 = arith.maxsi %max3A_299, %sub3A_282 : vector<16xi32>
        %min3A_301 = vector.broadcast %jit3A_298 : i32 to vector<16xi32>
        %min3A_302 = arith.minsi %min3A_301, %max3A_300 : vector<16xi32>
        %swap3A_303 = arith.constant 16 : index
        %swap3A_304 = tpu.vector_load %arg12[%swap3A_303] {strides = array<i32>} : memref<64xi32, #tpu.memory_space<vmem>>, vector<16xi32>,
        tpu.vector_store %arg12[%swap3A_303], %min3A_302 {strides = array<i32>} : memref<64xi32, #tpu.memory_space<vmem>>, vector<16xi32>,
        %get3A_305 = arith.constant 96 : index
        %get3A_306 = tpu.vector_load %arg8[%get3A_305] {strides = array<i32>} : memref<128xi32, #tpu.memory_space<vmem>>, vector<16xi32>,
        %swap3A_307 = arith.constant 32 : index
        %swap3A_308 = tpu.vector_load %arg14[%swap3A_307] {strides = array<i32>} : memref<64xi32, #tpu.memory_space<vmem>>, vector<16xi32>,
        tpu.vector_store %arg14[%swap3A_307], %get3A_306 {strides = array<i32>} : memref<64xi32, #tpu.memory_space<vmem>>, vector<16xi32>,
        %sub3A_309 = vector.broadcast %mul3A_2 : i32 to vector<16xi32>
        %sub3A_310 = arith.subi %get3A_306, %sub3A_309 : vector<16xi32>
        %ge3A_311 = arith.constant 0 : i32
        %ge3A_312 = vector.broadcast %ge3A_311 : i32 to vector<16xi32>
        %ge3A_313 = arith.cmpi sge, %sub3A_310, %ge3A_312 : vector<16xi32>
        %lt3A_314 = arith.constant 6144 : i32
        %lt3A_315 = vector.broadcast %lt3A_314 : i32 to vector<16xi32>
        %lt3A_316 = arith.cmpi slt, %sub3A_310, %lt3A_315 : vector<16xi32>
        %and3A_317 = arith.andi %ge3A_313, %lt3A_316 : vector<16xi1>
        %jit3A_318 = arith.constant 1.000000e+00 : f32
        %jit3A_319 = arith.constant 0.000000e+00 : f32
        %broadcast_in_dim3A_320 = vector.broadcast %jit3A_318 : f32 to vector<16xf32>
        %broadcast_in_dim3A_321 = vector.broadcast %jit3A_319 : f32 to vector<16xf32>
        %select_n3A_322 = arith.select %and3A_317, %broadcast_in_dim3A_320, %broadcast_in_dim3A_321 : vector<16xi1>, vector<16xf32>
        %swap3A_323 = arith.constant 32 : index
        %swap3A_324 = tpu.vector_load %arg16[%swap3A_323] {strides = array<i32>} : memref<64xf32, #tpu.memory_space<vmem>>, vector<16xf32>,
        tpu.vector_store %arg16[%swap3A_323], %select_n3A_322 {strides = array<i32>} : memref<64xf32, #tpu.memory_space<vmem>>, vector<16xf32>,
        %jit3A_325 = arith.constant 0 : i32
        %jit3A_326 = arith.constant 6143 : i32
        %max3A_327 = vector.broadcast %jit3A_325 : i32 to vector<16xi32>
        %max3A_328 = arith.maxsi %max3A_327, %sub3A_310 : vector<16xi32>
        %min3A_329 = vector.broadcast %jit3A_326 : i32 to vector<16xi32>
        %min3A_330 = arith.minsi %min3A_329, %max3A_328 : vector<16xi32>
        %swap3A_331 = arith.constant 32 : index
        %swap3A_332 = tpu.vector_load %arg12[%swap3A_331] {strides = array<i32>} : memref<64xi32, #tpu.memory_space<vmem>>, vector<16xi32>,
        tpu.vector_store %arg12[%swap3A_331], %min3A_330 {strides = array<i32>} : memref<64xi32, #tpu.memory_space<vmem>>, vector<16xi32>,
        %get3A_333 = arith.constant 112 : index
        %get3A_334 = tpu.vector_load %arg8[%get3A_333] {strides = array<i32>} : memref<128xi32, #tpu.memory_space<vmem>>, vector<16xi32>,
        %swap3A_335 = arith.constant 48 : index
        %swap3A_336 = tpu.vector_load %arg14[%swap3A_335] {strides = array<i32>} : memref<64xi32, #tpu.memory_space<vmem>>, vector<16xi32>,
        tpu.vector_store %arg14[%swap3A_335], %get3A_334 {strides = array<i32>} : memref<64xi32, #tpu.memory_space<vmem>>, vector<16xi32>,
        %sub3A_337 = vector.broadcast %mul3A_2 : i32 to vector<16xi32>
        %sub3A_338 = arith.subi %get3A_334, %sub3A_337 : vector<16xi32>
        %ge3A_339 = arith.constant 0 : i32
        %ge3A_340 = vector.broadcast %ge3A_339 : i32 to vector<16xi32>
        %ge3A_341 = arith.cmpi sge, %sub3A_338, %ge3A_340 : vector<16xi32>
        %lt3A_342 = arith.constant 6144 : i32
        %lt3A_343 = vector.broadcast %lt3A_342 : i32 to vector<16xi32>
        %lt3A_344 = arith.cmpi slt, %sub3A_338, %lt3A_343 : vector<16xi32>
        %and3A_345 = arith.andi %ge3A_341, %lt3A_344 : vector<16xi1>
        %jit3A_346 = arith.constant 1.000000e+00 : f32
        %jit3A_347 = arith.constant 0.000000e+00 : f32
        %broadcast_in_dim3A_348 = vector.broadcast %jit3A_346 : f32 to vector<16xf32>
        %broadcast_in_dim3A_349 = vector.broadcast %jit3A_347 : f32 to vector<16xf32>
        %select_n3A_350 = arith.select %and3A_345, %broadcast_in_dim3A_348, %broadcast_in_dim3A_349 : vector<16xi1>, vector<16xf32>
        %swap3A_351 = arith.constant 48 : index
        %swap3A_352 = tpu.vector_load %arg16[%swap3A_351] {strides = array<i32>} : memref<64xf32, #tpu.memory_space<vmem>>, vector<16xf32>,
        tpu.vector_store %arg16[%swap3A_351], %select_n3A_350 {strides = array<i32>} : memref<64xf32, #tpu.memory_space<vmem>>, vector<16xf32>,
        %jit3A_353 = arith.constant 0 : i32
        %jit3A_354 = arith.constant 6143 : i32
        %max3A_355 = vector.broadcast %jit3A_353 : i32 to vector<16xi32>
        %max3A_356 = arith.maxsi %max3A_355, %sub3A_338 : vector<16xi32>
        %min3A_357 = vector.broadcast %jit3A_354 : i32 to vector<16xi32>
        %min3A_358 = arith.minsi %min3A_357, %max3A_356 : vector<16xi32>
        %swap3A_359 = arith.constant 48 : index
        %swap3A_360 = tpu.vector_load %arg12[%swap3A_359] {strides = array<i32>} : memref<64xi32, #tpu.memory_space<vmem>>, vector<16xi32>,
        tpu.vector_store %arg12[%swap3A_359], %min3A_358 {strides = array<i32>} : memref<64xi32, #tpu.memory_space<vmem>>, vector<16xi32>,
        %dma_start3A_361 = arith.constant 0 : i32
        %dma_start3A_362 = arith.constant 0 : i32
        %dma_start3A_363 = tpu.memref_slice %arg2[%dma_start3A_361, %dma_start3A_362] : memref<12288x16xf32, #tpu.memory_space<hbm>> -> memref<12288x16xf32, #tpu.memory_space<hbm>>
        tpu.enqueue_indirect_dma source(%dma_start3A_363 : memref<12288x16xf32, #tpu.memory_space<hbm>>) target(%arg18 : memref<64x16xf32, #tpu.memory_space<vmem>>) offsets(%arg10 : memref<64xi32, #tpu.memory_space<vmem>>) semaphore(%arg26 : memref<!tpu.dma_semaphore, #tpu.memory_space<semaphore_mem>>)
        %dma_start3A_364 = arith.constant 0 : i32
        %dma_start3A_365 = arith.constant 0 : i32
        %dma_start3A_366 = tpu.memref_slice %arg3[%dma_start3A_364, %dma_start3A_365] : memref<12288x16xf32, #tpu.memory_space<hbm>> -> memref<12288x16xf32, #tpu.memory_space<hbm>>
        tpu.enqueue_indirect_dma source(%dma_start3A_366 : memref<12288x16xf32, #tpu.memory_space<hbm>>) target(%arg20 : memref<64x16xf32, #tpu.memory_space<vmem>>) offsets(%arg14 : memref<64xi32, #tpu.memory_space<vmem>>) semaphore(%arg26 : memref<!tpu.dma_semaphore, #tpu.memory_space<semaphore_mem>>)
        %add3A_367 = arith.constant 3 : i32
        %add3A_368 = arith.addi %add3A_201, %add3A_367 : i32
        %lt3A_369 = arith.constant 192 : i32
        %lt3A_370 = arith.cmpi slt, %add3A_368, %lt3A_369 : i32
        %convert_element_type3A_371 = arith.extui %lt3A_370 : i1 to i32
        %cond3A_372 = arith.constant 0 : i32
        %cond3A_373 = arith.cmpi ne, %convert_element_type3A_371, %cond3A_372 : i32
        scf.if %cond3A_373 {
          %add3A_374 = arith.constant 3 : i32
          %add3A_375 = arith.addi %add3A_201, %add3A_374 : i32
          %add3A_376 = arith.addi %mul3A_15, %add3A_375 : i32
          %mul3A_377 = arith.constant 128 : i32
          %mul3A_378 = arith.muli %add3A_376, %mul3A_377 : i32
          %dma_start3A_379 = tpu.memref_slice %arg5[%mul3A_378] : memref<393216xi32, #tpu.memory_space<hbm>> -> memref<128xi32, #tpu.memory_space<hbm>>
          %dma_start3A_380 = tpu.memref_slice %arg5[%mul3A_378] : memref<393216xi32, #tpu.memory_space<hbm>> -> memref<128xi32, #tpu.memory_space<hbm>>
          tpu.enqueue_dma source(%dma_start3A_380 : memref<128xi32, #tpu.memory_space<hbm>>) target(%arg8 : memref<128xi32, #tpu.memory_space<vmem>>) target_semaphore(%arg24 : memref<!tpu.dma_semaphore, #tpu.memory_space<semaphore_mem>>)
        } else {
        }
      } else {
      }
      %dma_wait3A_209 = arith.constant 0 : i32
      %dma_wait3A_210 = arith.constant 0 : i32
      %dma_wait3A_211 = tpu.memref_slice %arg2[%dma_wait3A_209, %dma_wait3A_210] : memref<12288x16xf32, #tpu.memory_space<hbm>> -> memref<12288x16xf32, #tpu.memory_space<hbm>>
      tpu.wait_indirect_dma semaphore(%arg27 : memref<!tpu.dma_semaphore, #tpu.memory_space<semaphore_mem>>) src(%dma_wait3A_211 : memref<12288x16xf32, #tpu.memory_space<hbm>>) dst(%arg19 : memref<64x16xf32, #tpu.memory_space<vmem>>)
      %dma_wait3A_212 = arith.constant 0 : i32
      %dma_wait3A_213 = arith.constant 0 : i32
      %dma_wait3A_214 = tpu.memref_slice %arg3[%dma_wait3A_212, %dma_wait3A_213] : memref<12288x16xf32, #tpu.memory_space<hbm>> -> memref<12288x16xf32, #tpu.memory_space<hbm>>
      tpu.wait_indirect_dma semaphore(%arg27 : memref<!tpu.dma_semaphore, #tpu.memory_space<semaphore_mem>>) src(%dma_wait3A_214 : memref<12288x16xf32, #tpu.memory_space<hbm>>) dst(%arg21 : memref<64x16xf32, #tpu.memory_space<vmem>>)
      %scan3A_215 = arith.constant 0 : i32
      %scan3A_216 = arith.constant 0 : i32
      %scan3A_217 = arith.constant 4 : i32
      %scan3A_218 = arith.addi %scan3A_216, %scan3A_217 : i32
      %scan3A_219 = arith.constant 1 : i32
      scf.for %scan3A_224 = %scan3A_216 to %scan3A_218 step %scan3A_219  : i32 {
        %iota3A = tpu.iota {dimensions = array<i32: 0>} : vector<16xi32>
        %mul3A_225 = arith.constant 16 : i32
        %mul3A_226 = arith.muli %scan3A_224, %mul3A_225 : i32
        %add3A_227 = vector.broadcast %mul3A_226 : i32 to vector<16xi32>
        %add3A_228 = arith.addi %iota3A, %add3A_227 : vector<16xi32>
        %mul3A_229 = arith.constant 16 : i32
        %mul3A_230 = arith.muli %scan3A_224, %mul3A_229 : i32
        %get3A_231 = arith.index_cast %mul3A_230 : i32 to index
        %get3A_232 = tpu.vector_load %arg17[%get3A_231] {strides = array<i32>} : memref<64xf32, #tpu.memory_space<vmem>>, vector<16xf32>,
        %broadcast_in_dim3A_233 = arith.constant 0 : i32
        %broadcast_in_dim3A_234 = vector.broadcast %broadcast_in_dim3A_233 : i32 to vector<16xi32>
        %add3A_235 = arith.constant 4 : i32
        %add3A_236 = vector.broadcast %add3A_235 : i32 to vector<16xi32>
        %add3A_237 = arith.addi %broadcast_in_dim3A_234, %add3A_236 : vector<16xi32>
        %gather3A = tpu.vector_load_idx %arg19[%add3A_228, %add3A_237] : memref<64x16xf32, #tpu.memory_space<vmem>>[vector<16xi32>, vector<16xi32>], vector<16xf32>,
        %broadcast_in_dim3A_238 = arith.constant 0 : i32
        %broadcast_in_dim3A_239 = vector.broadcast %broadcast_in_dim3A_238 : i32 to vector<16xi32>
        %add3A_240 = arith.constant 0 : i32
        %add3A_241 = vector.broadcast %add3A_240 : i32 to vector<16xi32>
        %add3A_242 = arith.addi %broadcast_in_dim3A_239, %add3A_241 : vector<16xi32>
        %gather3A_243 = tpu.vector_load_idx %arg21[%add3A_228, %add3A_242] : memref<64x16xf32, #tpu.memory_space<vmem>>[vector<16xi32>, vector<16xi32>], vector<16xf32>,
        %add3A_244 = arith.addf %gather3A, %gather3A_243 : vector<16xf32>
        %ge3A_245 = arith.constant 0.000000e+00 : f32
        %ge3A_246 = vector.broadcast %ge3A_245 : f32 to vector<16xf32>
        %ge3A_247 = arith.cmpf oge, %add3A_244, %ge3A_246 : vector<16xf32>
        %mul3A_248 = arith.constant 2.000000e-01 : f32
        %mul3A_249 = vector.broadcast %mul3A_248 : f32 to vector<16xf32>
        %mul3A_250 = arith.mulf %mul3A_249, %add3A_244 : vector<16xf32>
        %select_n3A_251 = arith.select %ge3A_247, %add3A_244, %mul3A_250 : vector<16xi1>, vector<16xf32>
        %exp3A = math.exp %select_n3A_251 : vector<16xf32>
        %mul3A_252 = arith.mulf %exp3A, %get3A_232 : vector<16xf32>
        tpu.vector_store_idx %arg23[%add3A_228, %add3A_237], %mul3A_252 : memref<64x16xf32, #tpu.memory_space<vmem>>[vector<16xi32>, vector<16xi32>], vector<16xf32>,
        %broadcast_in_dim3A_253 = arith.constant 0 : i32
        %broadcast_in_dim3A_254 = vector.broadcast %broadcast_in_dim3A_253 : i32 to vector<16xi32>
        %add3A_255 = arith.constant 5 : i32
        %add3A_256 = vector.broadcast %add3A_255 : i32 to vector<16xi32>
        %add3A_257 = arith.addi %broadcast_in_dim3A_254, %add3A_256 : vector<16xi32>
        %gather3A_258 = tpu.vector_load_idx %arg19[%add3A_228, %add3A_257] : memref<64x16xf32, #tpu.memory_space<vmem>>[vector<16xi32>, vector<16xi32>], vector<16xf32>,
        %broadcast_in_dim3A_259 = arith.constant 0 : i32
        %broadcast_in_dim3A_260 = vector.broadcast %broadcast_in_dim3A_259 : i32 to vector<16xi32>
        %add3A_261 = arith.constant 1 : i32
        %add3A_262 = vector.broadcast %add3A_261 : i32 to vector<16xi32>
        %add3A_263 = arith.addi %broadcast_in_dim3A_260, %add3A_262 : vector<16xi32>
        %gather3A_264 = tpu.vector_load_idx %arg21[%add3A_228, %add3A_263] : memref<64x16xf32, #tpu.memory_space<vmem>>[vector<16xi32>, vector<16xi32>], vector<16xf32>,
        %add3A_265 = arith.addf %gather3A_258, %gather3A_264 : vector<16xf32>
        %ge3A_266 = arith.constant 0.000000e+00 : f32
        %ge3A_267 = vector.broadcast %ge3A_266 : f32 to vector<16xf32>
        %ge3A_268 = arith.cmpf oge, %add3A_265, %ge3A_267 : vector<16xf32>
        %mul3A_269 = arith.constant 2.000000e-01 : f32
        %mul3A_270 = vector.broadcast %mul3A_269 : f32 to vector<16xf32>
        %mul3A_271 = arith.mulf %mul3A_270, %add3A_265 : vector<16xf32>
        %select_n3A_272 = arith.select %ge3A_268, %add3A_265, %mul3A_271 : vector<16xi1>, vector<16xf32>
        %exp3A_273 = math.exp %select_n3A_272 : vector<16xf32>
        %mul3A_274 = arith.mulf %exp3A_273, %get3A_232 : vector<16xf32>
        tpu.vector_store_idx %arg23[%add3A_228, %add3A_257], %mul3A_274 : memref<64x16xf32, #tpu.memory_space<vmem>>[vector<16xi32>, vector<16xi32>], vector<16xf32>,
        %broadcast_in_dim3A_275 = arith.constant 0 : i32
        %broadcast_in_dim3A_276 = vector.broadcast %broadcast_in_dim3A_275 : i32 to vector<16xi32>
        %add3A_277 = arith.constant 6 : i32
        %add3A_278 = vector.broadcast %add3A_277 : i32 to vector<16xi32>
        %add3A_279 = arith.addi %broadcast_in_dim3A_276, %add3A_278 : vector<16xi32>
        %gather3A_280 = tpu.vector_load_idx %arg19[%add3A_228, %add3A_279] : memref<64x16xf32, #tpu.memory_space<vmem>>[vector<16xi32>, vector<16xi32>], vector<16xf32>,
        %broadcast_in_dim3A_281 = arith.constant 0 : i32
        %broadcast_in_dim3A_282 = vector.broadcast %broadcast_in_dim3A_281 : i32 to vector<16xi32>
        %add3A_283 = arith.constant 2 : i32
        %add3A_284 = vector.broadcast %add3A_283 : i32 to vector<16xi32>
        %add3A_285 = arith.addi %broadcast_in_dim3A_282, %add3A_284 : vector<16xi32>
        %gather3A_286 = tpu.vector_load_idx %arg21[%add3A_228, %add3A_285] : memref<64x16xf32, #tpu.memory_space<vmem>>[vector<16xi32>, vector<16xi32>], vector<16xf32>,
        %add3A_287 = arith.addf %gather3A_280, %gather3A_286 : vector<16xf32>
        %ge3A_288 = arith.constant 0.000000e+00 : f32
        %ge3A_289 = vector.broadcast %ge3A_288 : f32 to vector<16xf32>
        %ge3A_290 = arith.cmpf oge, %add3A_287, %ge3A_289 : vector<16xf32>
        %mul3A_291 = arith.constant 2.000000e-01 : f32
        %mul3A_292 = vector.broadcast %mul3A_291 : f32 to vector<16xf32>
        %mul3A_293 = arith.mulf %mul3A_292, %add3A_287 : vector<16xf32>
        %select_n3A_294 = arith.select %ge3A_290, %add3A_287, %mul3A_293 : vector<16xi1>, vector<16xf32>
        %exp3A_295 = math.exp %select_n3A_294 : vector<16xf32>
        %mul3A_296 = arith.mulf %exp3A_295, %get3A_232 : vector<16xf32>
        tpu.vector_store_idx %arg23[%add3A_228, %add3A_279], %mul3A_296 : memref<64x16xf32, #tpu.memory_space<vmem>>[vector<16xi32>, vector<16xi32>], vector<16xf32>,
        %broadcast_in_dim3A_297 = arith.constant 0 : i32
        %broadcast_in_dim3A_298 = vector.broadcast %broadcast_in_dim3A_297 : i32 to vector<16xi32>
        %add3A_299 = arith.constant 7 : i32
        %add3A_300 = vector.broadcast %add3A_299 : i32 to vector<16xi32>
        %add3A_301 = arith.addi %broadcast_in_dim3A_298, %add3A_300 : vector<16xi32>
        %gather3A_302 = tpu.vector_load_idx %arg19[%add3A_228, %add3A_301] : memref<64x16xf32, #tpu.memory_space<vmem>>[vector<16xi32>, vector<16xi32>], vector<16xf32>,
        %broadcast_in_dim3A_303 = arith.constant 0 : i32
        %broadcast_in_dim3A_304 = vector.broadcast %broadcast_in_dim3A_303 : i32 to vector<16xi32>
        %add3A_305 = arith.constant 3 : i32
        %add3A_306 = vector.broadcast %add3A_305 : i32 to vector<16xi32>
        %add3A_307 = arith.addi %broadcast_in_dim3A_304, %add3A_306 : vector<16xi32>
        %gather3A_308 = tpu.vector_load_idx %arg21[%add3A_228, %add3A_307] : memref<64x16xf32, #tpu.memory_space<vmem>>[vector<16xi32>, vector<16xi32>], vector<16xf32>,
        %add3A_309 = arith.addf %gather3A_302, %gather3A_308 : vector<16xf32>
        %ge3A_310 = arith.constant 0.000000e+00 : f32
        %ge3A_311 = vector.broadcast %ge3A_310 : f32 to vector<16xf32>
        %ge3A_312 = arith.cmpf oge, %add3A_309, %ge3A_311 : vector<16xf32>
        %mul3A_313 = arith.constant 2.000000e-01 : f32
        %mul3A_314 = vector.broadcast %mul3A_313 : f32 to vector<16xf32>
        %mul3A_315 = arith.mulf %mul3A_314, %add3A_309 : vector<16xf32>
        %select_n3A_316 = arith.select %ge3A_312, %add3A_309, %mul3A_315 : vector<16xi1>, vector<16xf32>
        %exp3A_317 = math.exp %select_n3A_316 : vector<16xf32>
        %mul3A_318 = arith.mulf %exp3A_317, %get3A_232 : vector<16xf32>
        tpu.vector_store_idx %arg23[%add3A_228, %add3A_301], %mul3A_318 : memref<64x16xf32, #tpu.memory_space<vmem>>[vector<16xi32>, vector<16xi32>], vector<16xf32>,
        %broadcast_in_dim3A_319 = arith.constant 0 : i32
        %broadcast_in_dim3A_320 = vector.broadcast %broadcast_in_dim3A_319 : i32 to vector<16xi32>
        %add3A_321 = arith.constant 0 : i32
        %add3A_322 = vector.broadcast %add3A_321 : i32 to vector<16xi32>
        %add3A_323 = arith.addi %broadcast_in_dim3A_320, %add3A_322 : vector<16xi32>
        %gather3A_324 = tpu.vector_load_idx %arg19[%add3A_228, %add3A_323] : memref<64x16xf32, #tpu.memory_space<vmem>>[vector<16xi32>, vector<16xi32>], vector<16xf32>,
        %mul3A_325 = arith.mulf %gather3A_324, %mul3A_252 : vector<16xf32>
        tpu.vector_store_idx %arg23[%add3A_228, %add3A_323], %mul3A_325 : memref<64x16xf32, #tpu.memory_space<vmem>>[vector<16xi32>, vector<16xi32>], vector<16xf32>,
        %broadcast_in_dim3A_326 = arith.constant 0 : i32
        %broadcast_in_dim3A_327 = vector.broadcast %broadcast_in_dim3A_326 : i32 to vector<16xi32>
        %add3A_328 = arith.constant 1 : i32
        %add3A_329 = vector.broadcast %add3A_328 : i32 to vector<16xi32>
        %add3A_330 = arith.addi %broadcast_in_dim3A_327, %add3A_329 : vector<16xi32>
        %gather3A_331 = tpu.vector_load_idx %arg19[%add3A_228, %add3A_330] : memref<64x16xf32, #tpu.memory_space<vmem>>[vector<16xi32>, vector<16xi32>], vector<16xf32>,
        %mul3A_332 = arith.mulf %gather3A_331, %mul3A_274 : vector<16xf32>
        tpu.vector_store_idx %arg23[%add3A_228, %add3A_330], %mul3A_332 : memref<64x16xf32, #tpu.memory_space<vmem>>[vector<16xi32>, vector<16xi32>], vector<16xf32>,
        %broadcast_in_dim3A_333 = arith.constant 0 : i32
        %broadcast_in_dim3A_334 = vector.broadcast %broadcast_in_dim3A_333 : i32 to vector<16xi32>
        %add3A_335 = arith.constant 2 : i32
        %add3A_336 = vector.broadcast %add3A_335 : i32 to vector<16xi32>
        %add3A_337 = arith.addi %broadcast_in_dim3A_334, %add3A_336 : vector<16xi32>
        %gather3A_338 = tpu.vector_load_idx %arg19[%add3A_228, %add3A_337] : memref<64x16xf32, #tpu.memory_space<vmem>>[vector<16xi32>, vector<16xi32>], vector<16xf32>,
        %mul3A_339 = arith.mulf %gather3A_338, %mul3A_296 : vector<16xf32>
        tpu.vector_store_idx %arg23[%add3A_228, %add3A_337], %mul3A_339 : memref<64x16xf32, #tpu.memory_space<vmem>>[vector<16xi32>, vector<16xi32>], vector<16xf32>,
        %broadcast_in_dim3A_340 = arith.constant 0 : i32
        %broadcast_in_dim3A_341 = vector.broadcast %broadcast_in_dim3A_340 : i32 to vector<16xi32>
        %add3A_342 = arith.constant 3 : i32
        %add3A_343 = vector.broadcast %add3A_342 : i32 to vector<16xi32>
        %add3A_344 = arith.addi %broadcast_in_dim3A_341, %add3A_343 : vector<16xi32>
        %gather3A_345 = tpu.vector_load_idx %arg19[%add3A_228, %add3A_344] : memref<64x16xf32, #tpu.memory_space<vmem>>[vector<16xi32>, vector<16xi32>], vector<16xf32>,
        %mul3A_346 = arith.mulf %gather3A_345, %mul3A_318 : vector<16xf32>
        tpu.vector_store_idx %arg23[%add3A_228, %add3A_344], %mul3A_346 : memref<64x16xf32, #tpu.memory_space<vmem>>[vector<16xi32>, vector<16xi32>], vector<16xf32>,
      }
      %scan3A_220 = arith.constant 4 : i32
      %dma_start3A_221 = arith.constant 0 : i32
      %dma_start3A_222 = arith.constant 0 : i32
      %dma_start3A_223 = tpu.memref_slice %arg7[%dma_start3A_221, %dma_start3A_222] : memref<6144x16xf32, #tpu.memory_space<vmem_shared>> -> memref<6144x16xf32, #tpu.memory_space<vmem_shared>>
      tpu.enqueue_indirect_dma source(%arg23 : memref<64x16xf32, #tpu.memory_space<vmem>>) target(%dma_start3A_223 : memref<6144x16xf32, #tpu.memory_space<vmem_shared>>) offsets(%arg13 : memref<64xi32, #tpu.memory_space<vmem>>) semaphore(%arg29 : memref<!tpu.dma_semaphore, #tpu.memory_space<semaphore_mem>>) {add = true}
    }
    %scan3A_164 = arith.constant 96 : i32
    %dma_wait3A_165 = arith.constant 0 : i32
    %dma_wait3A_166 = arith.constant 0 : i32
    %dma_wait3A_167 = tpu.memref_slice %arg7[%dma_wait3A_165, %dma_wait3A_166] : memref<6144x16xf32, #tpu.memory_space<vmem_shared>> -> memref<6144x16xf32, #tpu.memory_space<vmem_shared>>
    tpu.wait_indirect_dma semaphore(%arg28 : memref<!tpu.dma_semaphore, #tpu.memory_space<semaphore_mem>>) src(%arg22 : memref<64x16xf32, #tpu.memory_space<vmem>>) dst(%dma_wait3A_167 : memref<6144x16xf32, #tpu.memory_space<vmem_shared>>)
    %dma_wait3A_168 = arith.constant 0 : i32
    %dma_wait3A_169 = arith.constant 0 : i32
    %dma_wait3A_170 = tpu.memref_slice %arg7[%dma_wait3A_168, %dma_wait3A_169] : memref<6144x16xf32, #tpu.memory_space<vmem_shared>> -> memref<6144x16xf32, #tpu.memory_space<vmem_shared>>
    tpu.wait_indirect_dma semaphore(%arg29 : memref<!tpu.dma_semaphore, #tpu.memory_space<semaphore_mem>>) src(%arg23 : memref<64x16xf32, #tpu.memory_space<vmem>>) dst(%dma_wait3A_170 : memref<6144x16xf32, #tpu.memory_space<vmem_shared>>)
    %barrier3A_171 = arith.constant 0 : index
    tpu.barrier barrier_id(%barrier3A_171)
    %add3A_172 = arith.addi %mul3A_2, %mul3A_0 : i32
    "tpu.region"() ({
      %run_scoped3A = tpu.sem_alloc : memref<!tpu.dma_semaphore, #tpu.memory_space<semaphore_mem>>
      %dma_start3A_173 = arith.constant 0 : i32
      %dma_start3A_174 = tpu.memref_slice %arg6[%add3A_172, %dma_start3A_173] : memref<12288x16xf32, #tpu.memory_space<hbm>> -> memref<384x16xf32, #tpu.memory_space<hbm>>
      %dma_start3A_175 = arith.constant 0 : i32
      %dma_start3A_176 = tpu.memref_slice %arg7[%mul3A_0, %dma_start3A_175] : memref<6144x16xf32, #tpu.memory_space<vmem_shared>> -> memref<384x16xf32, #tpu.memory_space<vmem_shared>>
      tpu.enqueue_dma source(%dma_start3A_176 : memref<384x16xf32, #tpu.memory_space<vmem_shared>>) target(%dma_start3A_174 : memref<384x16xf32, #tpu.memory_space<hbm>>) target_semaphore(%run_scoped3A : memref<!tpu.dma_semaphore, #tpu.memory_space<semaphore_mem>>)
      %dma_wait3A_177 = arith.constant 0 : i32
      %dma_wait3A_178 = tpu.memref_slice %arg6[%add3A_172, %dma_wait3A_177] : memref<12288x16xf32, #tpu.memory_space<hbm>> -> memref<384x16xf32, #tpu.memory_space<hbm>>
      %dma_wait3A_179 = arith.constant 0 : i32
      %dma_wait3A_180 = tpu.memref_slice %arg7[%mul3A_0, %dma_wait3A_179] : memref<6144x16xf32, #tpu.memory_space<vmem_shared>> -> memref<384x16xf32, #tpu.memory_space<vmem_shared>>
      tpu.wait_dma2 semaphore(%run_scoped3A : memref<!tpu.dma_semaphore, #tpu.memory_space<semaphore_mem>>) src(%dma_wait3A_180 : memref<384x16xf32, #tpu.memory_space<vmem_shared>>) dst(%dma_wait3A_178 : memref<384x16xf32, #tpu.memory_space<hbm>>)
      tpu.yield
    }) : () -> ()
    return
  }
}

module attributes {stable_mosaic.version = 14 : i64} {
  func.func @_mm_kernel(%arg0: i32, %arg1: memref<512x27xf32, #tpu.memory_space<vmem>>, %arg2: memref<27x112xf32, #tpu.memory_space<vmem>>, %arg3: memref<512x112xf32, #tpu.memory_space<vmem>>) attributes {dimension_semantics = [#tpu.dimension_semantics<arbitrary>], iteration_bounds = array<i64: 48>, scalar_prefetch = 0 : i64, scratch_operands = 0 : i64, tpu.core_type = #tpu.core_type<tc>, window_params = [{transform_indices = @transform_0, window_bounds = array<i64: 512, 27>}, {pipeline_mode = #tpu.pipeline_mode<synchronous>, transform_indices = @transform_1, window_bounds = array<i64: 27, 112>}, {transform_indices = @transform_2, window_bounds = array<i64: 512, 112>}]} {
    %get3A = arith.constant 0 : index
    %get3A_0 = arith.constant 0 : index
    %get3A_1 = vector.load %arg1[%get3A, %get3A_0] : memref<512x27xf32, #tpu.memory_space<vmem>>, vector<512x27xf32>
    %get3A_2 = arith.constant 0 : index
    %get3A_3 = arith.constant 0 : index
    %get3A_4 = vector.load %arg2[%get3A_2, %get3A_3] : memref<27x112xf32, #tpu.memory_space<vmem>>, vector<27x112xf32>
    %dot_general3A = arith.constant dense<0.000000e+00> : vector<512x112xf32>
    %dot_general3A_5 = tpu.matmul %get3A_1, %get3A_4, %dot_general3A {dimension_numbers = #tpu.dot_dimension_numbers<[1], [0], [0], [1], [0, 0, 1, 1], [], []>, transpose_lhs_hint = false} : vector<512x27xf32>, vector<27x112xf32>, vector<512x112xf32> -> vector<512x112xf32>
    %swap3A = arith.constant 0 : index
    %swap3A_6 = arith.constant 0 : index
    %swap3A_7 = vector.load %arg3[%swap3A, %swap3A_6] : memref<512x112xf32, #tpu.memory_space<vmem>>, vector<512x112xf32>
    tpu.vector_store %arg3[%swap3A, %swap3A_6], %dot_general3A_5 {strides = array<i32>} : memref<512x112xf32, #tpu.memory_space<vmem>>, vector<512x112xf32>,
    return
  }
  func.func @transform_0(%arg0: i32) -> (i32, i32) {
    %c0_i32 = arith.constant 0 : i32
    %c0_i32_0 = arith.constant 0 : i32
    return %arg0, %c0_i32 : i32, i32
  }
  func.func @transform_1(%arg0: i32) -> (i32, i32) {
    %c0_i32 = arith.constant 0 : i32
    %c0_i32_0 = arith.constant 0 : i32
    %c0_i32_1 = arith.constant 0 : i32
    return %c0_i32, %c0_i32_0 : i32, i32
  }
  func.func @transform_2(%arg0: i32) -> (i32, i32) {
    %c0_i32 = arith.constant 0 : i32
    %c0_i32_0 = arith.constant 0 : i32
    return %arg0, %c0_i32 : i32, i32
  }
}

module attributes {stable_mosaic.version = 14 : i64} {
  func.func @_mm_kernel(%arg0: i32, %arg1: memref<512x26xf32, #tpu.memory_space<vmem>>, %arg2: memref<26x32xf32, #tpu.memory_space<vmem>>, %arg3: memref<512x32xf32, #tpu.memory_space<vmem>>) attributes {dimension_semantics = [#tpu.dimension_semantics<arbitrary>], iteration_bounds = array<i64: 24>, scalar_prefetch = 0 : i64, scratch_operands = 0 : i64, tpu.core_type = #tpu.core_type<tc>, window_params = [{transform_indices = @transform_0, window_bounds = array<i64: 512, 26>}, {pipeline_mode = #tpu.pipeline_mode<synchronous>, transform_indices = @transform_1, window_bounds = array<i64: 26, 32>}, {transform_indices = @transform_2, window_bounds = array<i64: 512, 32>}]} {
    %get3A = arith.constant 0 : index
    %get3A_0 = arith.constant 0 : index
    %get3A_1 = vector.load %arg1[%get3A, %get3A_0] : memref<512x26xf32, #tpu.memory_space<vmem>>, vector<512x26xf32>
    %get3A_2 = arith.constant 0 : index
    %get3A_3 = arith.constant 0 : index
    %get3A_4 = vector.load %arg2[%get3A_2, %get3A_3] : memref<26x32xf32, #tpu.memory_space<vmem>>, vector<26x32xf32>
    %dot_general3A = arith.constant dense<0.000000e+00> : vector<512x32xf32>
    %dot_general3A_5 = tpu.matmul %get3A_1, %get3A_4, %dot_general3A {dimension_numbers = #tpu.dot_dimension_numbers<[1], [0], [0], [1], [0, 0, 1, 1], [], []>, transpose_lhs_hint = false} : vector<512x26xf32>, vector<26x32xf32>, vector<512x32xf32> -> vector<512x32xf32>
    %swap3A = arith.constant 0 : index
    %swap3A_6 = arith.constant 0 : index
    %swap3A_7 = vector.load %arg3[%swap3A, %swap3A_6] : memref<512x32xf32, #tpu.memory_space<vmem>>, vector<512x32xf32>
    tpu.vector_store %arg3[%swap3A, %swap3A_6], %dot_general3A_5 {strides = array<i32>} : memref<512x32xf32, #tpu.memory_space<vmem>>, vector<512x32xf32>,
    return
  }
  func.func @transform_0(%arg0: i32) -> (i32, i32) {
    %c0_i32 = arith.constant 0 : i32
    %c0_i32_0 = arith.constant 0 : i32
    return %arg0, %c0_i32 : i32, i32
  }
  func.func @transform_1(%arg0: i32) -> (i32, i32) {
    %c0_i32 = arith.constant 0 : i32
    %c0_i32_0 = arith.constant 0 : i32
    %c0_i32_1 = arith.constant 0 : i32
    return %c0_i32, %c0_i32_0 : i32, i32
  }
  func.func @transform_2(%arg0: i32) -> (i32, i32) {
    %c0_i32 = arith.constant 0 : i32
    %c0_i32_0 = arith.constant 0 : i32
    return %arg0, %c0_i32 : i32, i32
  }
}

module attributes {stable_mosaic.version = 14 : i64} {
  func.func @_mm_kernel(%arg0: i32, %arg1: memref<512x26xf32, #tpu.memory_space<vmem>>, %arg2: memref<26x32xf32, #tpu.memory_space<vmem>>, %arg3: memref<512x32xf32, #tpu.memory_space<vmem>>) attributes {dimension_semantics = [#tpu.dimension_semantics<arbitrary>], iteration_bounds = array<i64: 48>, scalar_prefetch = 0 : i64, scratch_operands = 0 : i64, tpu.core_type = #tpu.core_type<tc>, window_params = [{transform_indices = @transform_0, window_bounds = array<i64: 512, 26>}, {pipeline_mode = #tpu.pipeline_mode<synchronous>, transform_indices = @transform_1, window_bounds = array<i64: 26, 32>}, {transform_indices = @transform_2, window_bounds = array<i64: 512, 32>}]} {
    %get3A = arith.constant 0 : index
    %get3A_0 = arith.constant 0 : index
    %get3A_1 = vector.load %arg1[%get3A, %get3A_0] : memref<512x26xf32, #tpu.memory_space<vmem>>, vector<512x26xf32>
    %get3A_2 = arith.constant 0 : index
    %get3A_3 = arith.constant 0 : index
    %get3A_4 = vector.load %arg2[%get3A_2, %get3A_3] : memref<26x32xf32, #tpu.memory_space<vmem>>, vector<26x32xf32>
    %dot_general3A = arith.constant dense<0.000000e+00> : vector<512x32xf32>
    %dot_general3A_5 = tpu.matmul %get3A_1, %get3A_4, %dot_general3A {dimension_numbers = #tpu.dot_dimension_numbers<[1], [0], [0], [1], [0, 0, 1, 1], [], []>, transpose_lhs_hint = false} : vector<512x26xf32>, vector<26x32xf32>, vector<512x32xf32> -> vector<512x32xf32>
    %swap3A = arith.constant 0 : index
    %swap3A_6 = arith.constant 0 : index
    %swap3A_7 = vector.load %arg3[%swap3A, %swap3A_6] : memref<512x32xf32, #tpu.memory_space<vmem>>, vector<512x32xf32>
    tpu.vector_store %arg3[%swap3A, %swap3A_6], %dot_general3A_5 {strides = array<i32>} : memref<512x32xf32, #tpu.memory_space<vmem>>, vector<512x32xf32>,
    return
  }
  func.func @transform_0(%arg0: i32) -> (i32, i32) {
    %c0_i32 = arith.constant 0 : i32
    %c0_i32_0 = arith.constant 0 : i32
    return %arg0, %c0_i32 : i32, i32
  }
  func.func @transform_1(%arg0: i32) -> (i32, i32) {
    %c0_i32 = arith.constant 0 : i32
    %c0_i32_0 = arith.constant 0 : i32
    %c0_i32_1 = arith.constant 0 : i32
    return %c0_i32, %c0_i32_0 : i32, i32
  }
  func.func @transform_2(%arg0: i32) -> (i32, i32) {
    %c0_i32 = arith.constant 0 : i32
    %c0_i32_0 = arith.constant 0 : i32
    return %arg0, %c0_i32 : i32, i32
  }
}

module attributes {stable_mosaic.version = 14 : i64} {
  func.func @_mm_kernel(%arg0: i32, %arg1: memref<512x27xf32, #tpu.memory_space<vmem>>, %arg2: memref<27x12xf32, #tpu.memory_space<vmem>>, %arg3: memref<512x12xf32, #tpu.memory_space<vmem>>) attributes {dimension_semantics = [#tpu.dimension_semantics<arbitrary>], iteration_bounds = array<i64: 24>, scalar_prefetch = 0 : i64, scratch_operands = 0 : i64, tpu.core_type = #tpu.core_type<tc>, window_params = [{transform_indices = @transform_0, window_bounds = array<i64: 512, 27>}, {pipeline_mode = #tpu.pipeline_mode<synchronous>, transform_indices = @transform_1, window_bounds = array<i64: 27, 12>}, {transform_indices = @transform_2, window_bounds = array<i64: 512, 12>}]} {
    %get3A = arith.constant 0 : index
    %get3A_0 = arith.constant 0 : index
    %get3A_1 = vector.load %arg1[%get3A, %get3A_0] : memref<512x27xf32, #tpu.memory_space<vmem>>, vector<512x27xf32>
    %get3A_2 = arith.constant 0 : index
    %get3A_3 = arith.constant 0 : index
    %get3A_4 = vector.load %arg2[%get3A_2, %get3A_3] : memref<27x12xf32, #tpu.memory_space<vmem>>, vector<27x12xf32>
    %dot_general3A = arith.constant dense<0.000000e+00> : vector<512x12xf32>
    %dot_general3A_5 = tpu.matmul %get3A_1, %get3A_4, %dot_general3A {dimension_numbers = #tpu.dot_dimension_numbers<[1], [0], [0], [1], [0, 0, 1, 1], [], []>, transpose_lhs_hint = false} : vector<512x27xf32>, vector<27x12xf32>, vector<512x12xf32> -> vector<512x12xf32>
    %swap3A = arith.constant 0 : index
    %swap3A_6 = arith.constant 0 : index
    %swap3A_7 = vector.load %arg3[%swap3A, %swap3A_6] : memref<512x12xf32, #tpu.memory_space<vmem>>, vector<512x12xf32>
    tpu.vector_store %arg3[%swap3A, %swap3A_6], %dot_general3A_5 {strides = array<i32>} : memref<512x12xf32, #tpu.memory_space<vmem>>, vector<512x12xf32>,
    return
  }
  func.func @transform_0(%arg0: i32) -> (i32, i32) {
    %c0_i32 = arith.constant 0 : i32
    %c0_i32_0 = arith.constant 0 : i32
    return %arg0, %c0_i32 : i32, i32
  }
  func.func @transform_1(%arg0: i32) -> (i32, i32) {
    %c0_i32 = arith.constant 0 : i32
    %c0_i32_0 = arith.constant 0 : i32
    %c0_i32_1 = arith.constant 0 : i32
    return %c0_i32, %c0_i32_0 : i32, i32
  }
  func.func @transform_2(%arg0: i32) -> (i32, i32) {
    %c0_i32 = arith.constant 0 : i32
    %c0_i32_0 = arith.constant 0 : i32
    return %arg0, %c0_i32 : i32, i32
  }
}

</mosaic_0001>

<sc_bundles>
// kernel: kernel.11.cloned.1.call-start
scs
__scs_entry_jumppad:
0x0: {  	(pc) =	sbr.rel $0x88, $3  }
0x1: {  	(tag) =	ssettag $0x0;
	lr =	simm.s32 $0x1  }
0x2: {  	[smem:$0x3F91] =	sst lr;
	_ =	strace $0xD0000000  }
0x3: {  	_ = 	snop  }
0x4: {  	_ = 	snop  }
0x5: {  	_ = 	snop  }
0x6: {  	_ = 	snop  }
0x7: {  	_ = 	snop  }
__scs_overlays_trampoline_lowered:
0x8: {  	[smem:$0x3FA0] =	sst s0  }
0x9: {  	[smem:$0x3FA1] =	sst s1  }
0xa: {  	[smem:$0x3FA2] =	sst s2  }
0xb: {  	[smem:$0x3FA3] =	sst s3  }
0xc: {  	[smem:$0x3FA4] =	sst s4  }
0xd: {  	[smem:$0x3FA5] =	sst s5  }
0xe: {  	[smem:$0x3FA6] =	sst s6  }
0xf: {  	[smem:$0x3FA7] =	sst s7  }
0x10: {  	[smem:$0x3FA8] =	sst s8  }
0x11: {  	[smem:$0x3FA9] =	sst s9;
	s0 =	simm.s32 @!p0 $0x0  }
0x12: {  	s1 =	sld [smem:$0x3F8F];
	s0 =	simm.s32 @p0 $0x1  }
0x13: {  	[smem:$0x3FAA] =	sst s0;
	s0 =	simm.s32 @!p1 $0x0  }
0x14: {  	s2 =	sld [smem:$0x3F8E];
	s0 =	simm.s32 @p1 $0x1  }
0x15: {  	[smem:$0x3FAB] =	sst s0;
	s0 =	simm.s32 @!p2 $0x0  }
0x16: {  	s3 =	sld [smem:$0x3FDB];
	s0 =	simm.s32 @p2 $0x1  }
0x17: {  	s4 =	simm.s32 $0x1BF5;
	[smem:$0x3FAD] =	sst s0  }
0x18: {  	s0 =	sld [smem:$0x3F90];
	_ =	swait.ge [sflag:s4], $0x0  }
0x19: {  	s7 =	sld [smem:$0x3F91]  }
0x1a: {  	s8 =	sadd.s32 $0xFFFFE003, lr  }
0x1b: {  	s9 =	sadd.s32 $0xFFFFFEF7, lr;
	s5 =	simm.s32 $0xFFFFFFFF;
	p2 =	slt.u32 s8, $0xFFFFF086  }
0x1c: {  	p1 =	slt.u32 s9, $0xF7A;
	s5 =	simm.s32 @!p2 $0x0  }
0x1d: {  	s5 =	simm.s32 @p1 $0x1;
	p0 =	seq.s32 s7, s2  }
0x1e: {  	s7 =	smul.u32 @!p0 $0xF7A, s2;
	p2 =	seq.s32 @!p0 s5, $0x0  }
0x1f: {  	s9 =	smul.u32 $0xF7A, s1;
	s8 =	simm.s32 @!p0 $0x1BF5;
	p2 =	por !p2, p0  }
0x20: {  	[sflag:s8] =	ssyncset.s32 @!p0 $0xFFFFF086;
	s6 =	sadd.s32 @!p0 s3, s7;
	s7 =	simm.s32 @!p0 $0x108  }
0x21: {  	s3 =	sadd.s32 s3, s9;
	s6 =	sadd.s32 @!p0 $0x88, s6;
	s7 =	simm.s32 @p2 $0x1082  }
0x22: {  	[simem:s7], [sflag:s8] =	dma.local @!p0 [hbm:s6], $0xF7A  }
0x23: {  	s9 =	sor.u32 $0xD0000000, s2;
	s6 =	simm.s32 $0x108;
	_ =	swait.ge @!p0 [sflag:s8], $0x0  }
0x24: {  	s3 =	sadd.s32 $0x88, s3;
	s6 =	simm.s32 @!p1 $0x1082;
	[sflag:s4] =	ssyncset.s32 $0xFFFFF086  }
0x25: {  	[simem:s6], [sflag:s4] =	dma.local [hbm:s3], $0xF7A  }
0x26: {  	[smem:$0x3F91] =	sst s1;
	(tag) =	ssettag s2;
	_ =	strace s9  }
0x27: {  	s1 =	sld [smem:$0x3FA1]  }
0x28: {  	s2 =	sld [smem:$0x3FA2]  }
0x29: {  	s4 =	sld [smem:$0x3FA4]  }
0x2a: {  	p0 =	seq.s32 s5, $0x0;
	s5 =	sld [smem:$0x3FA5]  }
0x2b: {  	s6 =	sld [smem:$0x3FA6]  }
0x2c: {  	s7 =	sld [smem:$0x3FA7]  }
0x2d: {  	s3 =	simm.s32 $0x108;
	s8 =	sld [smem:$0x3FA8]  }
0x2e: {  	s3 =	simm.s32 @!p0 $0x1082;
	s9 =	sld [smem:$0x3FA9]  }
0x2f: {  	lr =	sadd.s32 s0, s3;
	s0 =	sld [smem:$0x3FA0]  }
0x30: {  	s3 =	sld [smem:$0x3FA3]  }
0x31: {  	[smem:$0x3FAC] =	sst s10  }
0x32: {  	s10 =	sld [smem:$0x3FAA];
	_ =	sdelay $0x3  }
0x33: {  	p0 =	seq.s32 s10, $0x1;
	s10 =	sld [smem:$0x3FAC];
	_ =	sdelay $0x3  }
0x34: {  	[smem:$0x3FAC] =	sst s10  }
0x35: {  	s10 =	sld [smem:$0x3FAB];
	_ =	sdelay $0x3  }
0x36: {  	p1 =	seq.s32 s10, $0x1;
	s10 =	sld [smem:$0x3FAC];
	_ =	sdelay $0x3  }
0x37: {  	[smem:$0x3FAC] =	sst s10  }
0x38: {  	s10 =	sld [smem:$0x3FAD]  }
0x39: {  	_ = 	snop;
	(pc) =	sbr.ind lr, $3  }
0x3a: {  	_ = 	snop  }
0x3b: {  	_ = 	snop  }
0x3c: {  	p2 =	seq.s32 s10, $0x1;
	s10 =	sld [smem:$0x3FAC]  }
0x3d: {  	_ =	shalt  }
0x3e: {  	_ =	shalt  }
0x3f: {  	_ =	shalt  }
0x40: {  	_ =	shalt  }
0x41: {  	_ =	shalt  }
0x42: {  	_ =	shalt  }
0x43: {  	_ =	shalt  }
0x44: {  	_ =	shalt  }
0x45: {  	_ =	shalt  }
0x46: {  	_ =	shalt  }
0x47: {  	_ =	shalt  }
0x48: {  	_ =	shalt  }
0x49: {  	_ =	shalt  }
0x4a: {  	_ =	shalt  }
0x4b: {  	_ =	shalt  }
0x4c: {  	_ =	shalt  }
0x4d: {  	_ =	shalt  }
0x4e: {  	_ =	shalt  }
0x4f: {  	_ =	shalt  }
0x50: {  	_ =	shalt  }
0x51: {  	_ =	shalt  }
0x52: {  	_ =	shalt  }
0x53: {  	_ =	shalt  }
0x54: {  	_ =	shalt  }
0x55: {  	_ =	shalt  }
0x56: {  	_ =	shalt  }
0x57: {  	_ =	shalt  }
0x58: {  	_ =	shalt  }
0x59: {  	_ =	shalt  }
0x5a: {  	_ =	shalt  }
0x5b: {  	_ =	shalt  }
0x5c: {  	_ =	shalt  }
0x5d: {  	_ =	shalt  }
0x5e: {  	_ =	shalt  }
0x5f: {  	_ =	shalt  }
0x60: {  	_ =	shalt  }
0x61: {  	_ =	shalt  }
0x62: {  	_ =	shalt  }
0x63: {  	_ =	shalt  }
0x64: {  	_ =	shalt  }
0x65: {  	_ =	shalt  }
0x66: {  	_ =	shalt  }
0x67: {  	_ =	shalt  }
0x68: {  	_ =	shalt  }
0x69: {  	_ =	shalt  }
0x6a: {  	_ =	shalt  }
0x6b: {  	_ =	shalt  }
0x6c: {  	_ =	shalt  }
0x6d: {  	_ =	shalt  }
0x6e: {  	_ =	shalt  }
0x6f: {  	_ =	shalt  }
0x70: {  	_ =	shalt  }
0x71: {  	_ =	shalt  }
0x72: {  	_ =	shalt  }
0x73: {  	_ =	shalt  }
0x74: {  	_ =	shalt  }
0x75: {  	_ =	shalt  }
0x76: {  	_ =	shalt  }
0x77: {  	_ =	shalt  }
0x78: {  	_ =	shalt  }
0x79: {  	_ =	shalt  }
0x7a: {  	_ =	shalt  }
0x7b: {  	_ =	shalt  }
0x7c: {  	_ =	shalt  }
0x7d: {  	_ =	shalt  }
0x7e: {  	_ =	shalt  }
0x7f: {  	_ =	shalt  }
0x80: {  	_ =	shalt  }
0x81: {  	_ =	shalt  }
0x82: {  	_ =	shalt  }
0x83: {  	_ =	shalt  }
0x84: {  	_ =	shalt  }
0x85: {  	_ =	shalt  }
0x86: {  	_ =	shalt  }
0x87: {  	_ =	shalt  }
.Lfunc_end0:
.L_simem_size_0:
called_computation.1_lowered:
.L_overlay_start_0:
0x88: {  	s2 =	sld [smem:$0x3FD9]  }
0x89: {  	s3 =	sld [smem:$0x3FFE];
	_ =	sdelay $0x1  }
0x8a: {  	s1 =	srdreg.scid  }
0x8b: {  	s0 =	sand.u32 $0x1, s1  }
0x8c: {  	s16 =	sshll.u32 s0, $0xA;
	s2 =	sadd.s32 s3, s2  }
0x8d: {  	s2 =	sadd.s32 s2, s16  }
0x8e: {  	[smem:$0x3FB8] =	sst s2  }
0x8f: {  	_ = 	snop  }
0x90: {  	(tm) =	ssettm $0x1  }
0x91: {  	s17 =	sld [smem:$0x3FFB];
	_ =	sdelay $0x3  }
0x92: {  	_ =	strace s17  }
0x93: {  	s2 =	sld [smem:$0x3FFC];
	_ =	sdelay $0x3  }
0x94: {  	_ =	strace s2  }
0x95: {  	s2 =	sld [smem:$0x3FFD];
	_ =	sdelay $0x3  }
0x96: {  	_ =	strace s2  }
0x97: {  	_ =	strace $0x8FFFFFFF  }
0x98: {  	s18 =	sld [smem:$0x3FDB];
	_ =	sdelay $0x1  }
0x99: {  	s19 =	simm.s32 $_scs_section_size  }
0x9a: {  	s4 =	simm.s32 $_size__tile_overlayer_lowered;
	s5 =	simm.s32 $_tile_overlayer_lowered  }
0x9b: {  	s22 =	simm.s32 $0x1BFF;
	s21 =	sshll.u32 s5, $0x1;
	s2 =	sadd.s32 s19, s18  }
0x9c: {  	s6 =	simm.s32 $0x0;
	s20 =	sshll.u32 s4, $0x1;
	s4 =	sadd.s32 s21, s2  }
0x9d: {  	[timem:s6], [sflag:s22] =	dma.local [hbm:s4], s20  }
0x9e: {  	_ =	swait.ge [sflag:s22], s20  }
0x9f: {  	s3 =	ssub.s32 $0x0, s20;
	[sflag:s22] =	ssyncset.done $0x0  }
0xa0: {  	[sflag:s22] =	ssyncadd.s32 s3;
	_ =	sdelay $0x1  }
0xa1: {  	s23 =	simm.s32 $0x1B8B  }
0xa2: {  	_ =	swait.ge [sflag:s23], $0x1  }
0xa3: {  	[sflag:s23] =	ssyncset.done $0x0  }
0xa4: {  	s25 =	simm.s32 $0x1B8E;
	s24 =	sld [smem:$0x3FFE];
	[sflag:s23] =	ssyncadd.s32 $0xFFFFFFFF  }
0xa5: {  	s26 =	simm.s32 $execute0_lowered;
	[smem:$0x3FD2] =	sst s25  }
0xa6: {  	s4 =	sshll.u32 s26, $0x1;
	_ =	strace $0x80000049;
	[dreg:$0x1] =	wrdreg $0xFFFFFFFF  }
0xa7: {  	s28 =	simm.s32 $_size_execute0_lowered;
	s2 =	sadd.s32 s2, s4;
	[dreg:$0x0] =	wrdreg $0x0  }
0xa8: {  	s4 =	sshll.u32 s28, $0x1;
	[dreg:$0x2] =	wrdreg s2  }
0xa9: {  	[dreg:$0x3] =	wrdreg s4  }
0xaa: {  	[dreg:$0x4] =	wrdreg $0xC0  }
0xab: {  	_ =	task [dreg:s6], $0x5FFFF  }
0xac: {  	[dreg:$0x1] =	wrdreg $0xFFFFFFFF  }
0xad: {  	[dreg:$0x0] =	wrdreg $0x60  }
0xae: {  	[dreg:$0x2] =	wrdreg s24  }
0xaf: {  	[dreg:$0x3] =	wrdreg $0x0  }
0xb0: {  	[dreg:$0x4] =	wrdreg $0x9  }
0xb1: {  	_ =	task.clear_ibuf [dreg:s6], $0x5FFFF;
	_ =	strace $0x90000049  }
0xb2: {  	s29 =	simm.s32 $0x9;
	_ =	strace $0x8000004B  }
0xb3: {  	_ =	swait.ge [sflag:s29], $0x1  }
0xb4: {  	[sflag:s29] =	ssyncadd.s32 $0xFFFFFFFF  }
0xb5: {  	_ =	strace $0x9000004B  }
0xb6: {  	_ =	sfence  }
0xb7: {  	s30 =	sld [smem:$0x0];
	_ =	sdelay $0x2  }
0xb8: {  	s31 =	sshll.u32 s1, $0xD;
	s1 =	sshrl.u32 s1, $0x2  }
0xb9: {  	s3 =	sand.u32 $0x4000, s31;
	s1 =	sadd.s32 s1, s30  }
0xba: {  	s0 =	sor.u32 s3, s0;
	s1 =	sshll.u32 s1, $0x11  }
0xbb: {  	s0 =	sor.u32 s1, s0  }
0xbc: {  	s0 =	sadd.s32 $0x8F2B, s0  }
0xbd: {  	[sflag:s0] =	ssyncadd.remote.s32 $0x1  }
0xbe: {  	_ =	sfence.sel $0xFFFF  }
0xbf: {  	[dreg:$0x0] =	wrdreg $0xFFFFFFFF;
	(pc) =	sbr.abs _section_cstart, $3  }
0xc0: {  	[dreg:$0x1] =	wrdreg $0xFFFFFFFF  }
0xc1: {  	_ =	task.clear_ibuf [dreg:s6], $0x2FFFF;
	_ =	strace $0x9FFFFFFF  }
0xc2: {  	(tm) =	ssettm $0x7FFFFFFF  }
0xc3: {  	_ =	shalt  }
tec
execute0_lowered:
.L_overlay_start_1:
0x0: {  	(tag) =	ssettag $0x1  }
0x1: {  	s0 =	rddreg [dreg:$0x0];
	s1 =	srdreg.scid  }
0x2: {  	s2 =	rddreg [dreg:$0x1];
	s11 =	stileid.u32;
	s3 =	simm.s32 $0x0  }
0x3: {  	s15 =	simm.s32 $0x7;
	s19 =	simm.s32 $0x1;
	s20 =	simm.s32 $0x40  }
0x4: {  	s21 =	simm.s32 $0x1900;
	s28 =	simm.s32 $0x1940;
	s5 =	smul.u32 $0x180, s11  }
0x5: {  	s29 =	simm.s32 $0x1F00;
	s30 =	simm.s32 $0x1A40;
	s9 =	smul.u32 $0x6000, s11  }
0x6: {  	s31 =	simm.s32 $0x2700;
	s18 =	simm.s32 $0x4;
	s10 =	smul.u32 $0xC00, s11  }
0x7: {  	s1 =	sand.u32 $0x1, s1;
	s25 =	sshll.u32 s11, $0x6;
	s11 =	smul.u32 $0xC0, s11  }
0x8: {  	[smem:$0x7FF] =	sst s3;
	s8 =	smul.u32 $0x1800, s1;
	s1 =	ssub.s32 $0x2, s1  }
0x9: {  	s4 =	sadd.s32 $0xC600, s0;
	_ =	strace $0x8000004A;
	s22 =	sshrl.u32 s1, $0x1  }
0xa: {  	s9 =	sshrl.u32 s9, $0x2;
	s13 =	sor.u32 $0x4, s11;
	s6 =	sadd.s32 s5, s8  }
0xb: {  	s5 =	sadd.s32 $0x6600, s0;
	s1 =	ssub.s32 s1, s22;
	s23 =	sadd.s32 s9, s2  }
0xc: {  	s9 =	sor.u32 $0x1C07, s25;
	s22 =	simm.s32 $0x1B00;
	s25 =	simm.s32 $0x1980  }
0xd: {  	s7 =	sshll.u32 s6, $0x1;
	s26 =	smax.u32 s1, $0x1;
	[dreg:$0x5] =	wrdreg s9  }
0xe: {  	s6 =	sadd.s32 $0x1ACA00, s0;
	s14 =	sshrl.u32 s23, $0x3;
	[dreg:$0x9] =	wrdreg s26  }
0xf: {  	s0 =	sadd.s32 s7, s0;
	s10 =	sadd.s32 s6, s10;
	[dreg:$0xa] =	wrdreg s14  }
0x10: {  	s23 =	simm.s32 $0x1A00;
	s24 =	sadd.s32 $0x600, s0;
	[dreg:$0x4] =	wrdreg s10  }
0x11: {  	s1 =	simm.s32 $0x2B00;
	s12 =	sadd.s32 $0x10, s10;
	[dreg:$0x3] =	wrdreg s24  }
0x12: {  	s26 =	simm.s32 $0x2;
	s10 =	sadd.s32 $0x20, s10;
	[dreg:$0x6] =	wrdreg s12  }
0x13: {  	s7 =	simm.s32 $0x2F00;
	s0 =	sadd.s32 $0x12600, s0;
	[dreg:$0x7] =	wrdreg s10  }
0x14: {  	v2 =	vlaneseq.u32;
	s12 =	sor.u32 $0x3, s11;
	[dreg:$0x8] =	wrdreg s0;
	s24 =	simm.s32 $0x2300  }
0x15: {  	v1 =	vimm.f32 $0.0e+00;
	v2 =	vmul.u32 $0x10, v2;
	v0 =	vmov s8;
	s0 =	simm.s32 $0x3;
	s10 =	simm.s32 $0x19C0;
	s11 =	simm.s32 $0x5  }
.LBB2_1:
0x16: {  	s8 =	rddreg [dreg:$0x3]  }
0x17: {  	[spmem:s14], [sflag:s9] =	dma.local [hbm:s8], $0x300  }
0x18: {  	_ =	swait.ge [sflag:s15], $0x300  }
0x19: {  	[sflag:s15] =	ssyncset.done $0x0  }
0x1a: {  	s8 =	simm.s32 $0x0;
	[sflag:s15] =	ssyncadd.s32 $0xFFFFFD00  }
.LBB2_2:
0x1b: {  	p0 =	sne.s32 s8, $0xFC0  }
.Ltmp0:
0x1c: {  	_ = 	snop;
	(pc) =	sbr.rel @p0 .LBB2_2-.Ltmp0, $3  }
0x1d: {  	_ =	sdelay $0x1  }
0x1e: {  	s9 =	sshra.s32 s8, $0x2  }
0x1f: {  	s8 =	sadd.s32 $0x40, s8;
	[tilespmem:s9+$0x2B00] =	vst v1  }
0x20: {  	s8 =	simm.s32 $0x40;
	s9 =	simm.s32 $0x0  }
.LBB2_4:
0x21: {  	p0 =	sne.s32 s8, $0xFC0;
	[tilespmem:s9+$0x2F00] =	vst v1;
	s9 =	smov.u32 s8;
	s8 =	sadd.s32 $0x40, s8  }
.Ltmp1:
0x22: {  	(pc) =	sbr.rel @p0 .LBB2_4-.Ltmp1, $2  }
0x23: {  	_ =	sdelay $0x2  }
0x24: {  	s9 =	sshra.s32 s9, $0x2  }
0x25: {  	[tilespmem:s9+$0x2F00] =	vst v1  }
0x26: {  	[bflag:$0x0] =	sbarrier.arrive $0xFFFF  }
0x27: {  	s15 =	simm.s32 $0x0;
	s9 =	simm.s32 $0x1800;
	s8 =	rddreg [dreg:$0x4]  }
0x28: {  	[tilespmem:s9], [sflag:$0x1] =	stream.linear.gather [hbm4b:s8+s15], $0x80, $0x38;
	[tilespmem:$0x3300] =	vst v63  }
0x29: {  	_ =	swait.ge [sflag:s19], $0x80  }
0x2a: {  	[sflag:s19] =	ssyncset.done $0x0  }
0x2b: {  	[sflag:s19] =	ssyncadd.s32 $0xFFFFFF80  }
0x2c: {  	v3 =	vld [tilespmem:$0x1800]  }
0x2d: {  	v4 =	vld [tilespmem:$0x1810]  }
0x2e: {  	v5 =	vld [tilespmem:$0x1820]  }
0x2f: {  	v6 =	vld [tilespmem:$0x1840]  }
0x30: {  	v7 =	vld [tilespmem:$0x1830]  }
0x31: {  	v56 =	vld [tilespmem:$0x1860]  }
0x32: {  	v59 =	vld [tilespmem:$0x1870];
	[tilespmem:$0x1900] =	vst v3  }
0x33: {  	[tilespmem:$0x1910] =	vst v4  }
0x34: {  	v3 =	vld [tilespmem:$0x1850];
	[tilespmem:$0x1920] =	vst v5  }
0x35: {  	[tilespmem:$0x1930] =	vst v7  }
0x36: {  	v55 =	vsub.s32 v6, v0;
	[tilespmem:$0x1A00] =	vst v6  }
0x37: {  	[tilespmem:$0x1A20] =	vst v56;
	v62 =	vsub.s32 v59, v0;
	vm0 =	vlt.u32 v55, $0x1800  }
0x38: {  	[tilespmem:$0x1A30] =	vst v59;
	vm14 =	vlt.u32 v62, $0x1800;
	v57 =	vsel vm0, $0x3F800000, v1  }
0x39: {  	v63 =	vsel vm14, $0x3F800000, v1;
	[tilespmem:$0x1A80] =	vst v57;
	v58 =	vsub.s32 v3, v0  }
0x3a: {  	[tilespmem:$0x1AB0] =	vst v63;
	vm10 =	vlt.u32 v58, $0x1800;
	vm11 =	vgt.s32 v58, $0x0  }
0x3b: {  	v60 =	vsub.s32 v56, v0;
	[tilespmem:$0x1A10] =	vst v3;
	v3 =	vsel vm10, $0x3F800000, v1;
	v6 =	vnsel vm11, $0x0, v58  }
0x3c: {  	vm12 =	vlt.u32 v60, $0x1800;
	vm13 =	vgt.s32 v60, $0x0;
	[tilespmem:$0x1A90] =	vst v3;
	v3 =	vmin.u32 v6, $0x17FF  }
0x3d: {  	vm1 =	vgt.s32 v55, $0x0;
	v61 =	vnsel vm13, $0x0, v60;
	[tilespmem:$0x1990] =	vst v3;
	v3 =	vsel vm12, $0x3F800000, v1  }
0x3e: {  	vm15 =	vgt.s32 v62, $0x0;
	v4 =	vnsel vm1, $0x0, v55;
	[tilespmem:$0x1AA0] =	vst v3;
	v3 =	vmin.u32 v61, $0x17FF  }
0x3f: {  	v4 =	vmin.u32 v4, $0x17FF;
	[tilespmem:$0x19A0] =	vst v3;
	v3 =	vnsel vm15, $0x0, v62  }
0x40: {  	[tilespmem:$0x1980] =	vst v4;
	v3 =	vmin.u32 v3, $0x17FF  }
0x41: {  	[tilespmem:$0x19B0] =	vst v3  }
0x42: {  	[tilespmem:s22], [sflag:$0x3] =	stream.indirect.gather [hbm4b:s4+s20], $0x10, s21, s20, $0xb8;
	[tilespmem:$0x3300] =	vst v63  }
0x43: {  	_ = 	snop  }
0x44: {  	[tilespmem:s24], [sflag:$0x3] =	stream.indirect.gather [hbm4b:s5+s20], $0x10, s23, s20, $0xb8;
	[tilespmem:$0x3300] =	vst v63  }
0x45: {  	s14 =	simm.s32 $0x1880;
	s16 =	rddreg [dreg:$0x6]  }
0x46: {  	[tilespmem:s14], [sflag:$0x2] =	stream.linear.gather [hbm4b:s16+s15], $0x80, $0x38;
	[tilespmem:$0x3300] =	vst v63  }
0x47: {  	s8 =	simm.s32 $0x0;
	s17 =	rddreg [dreg:$0x7]  }
0x48: {  	[tilespmem:s9], [sflag:$0x1] =	stream.linear.gather [hbm4b:s17+s15], $0x80, $0x38;
	[tilespmem:$0x3300] =	vst v63  }
.LBB2_6:
0x49: {  	_ =	swait.ge [sflag:s26], $0x80  }
0x4a: {  	p0 =	seq.s32 s8, $0x0;
	[sflag:s26] =	ssyncset.done $0x0  }
0x4b: {  	s9 =	simm.s32 @!p0 $0x6;
	[sflag:s26] =	ssyncadd.s32 $0xFFFFFF80  }
0x4c: {  	_ =	swait.ge @!p0 [sflag:s9], $0x400  }
0x4d: {  	[sflag:s9] =	ssyncset.done @!p0 $0x0  }
0x4e: {  	[sflag:s9] =	ssyncadd.s32 @!p0 $0xFFFFFC00  }
0x4f: {  	v3 =	vld [tilespmem:$0x1880]  }
0x50: {  	v4 =	vld [tilespmem:$0x1890]  }
0x51: {  	v5 =	vld [tilespmem:$0x18A0]  }
0x52: {  	v6 =	vld [tilespmem:$0x18C0]  }
0x53: {  	v7 =	vld [tilespmem:$0x18B0];
	_ =	sdelay $0x1  }
0x54: {  	[tilespmem:$0x1940] =	vst v3;
	v3 =	vld [tilespmem:$0x18D0]  }
0x55: {  	[tilespmem:$0x1950] =	vst v4  }
0x56: {  	[tilespmem:$0x1960] =	vst v5;
	v4 =	vsub.s32 v6, v0  }
0x57: {  	[tilespmem:$0x1970] =	vst v7;
	v5 =	vld [tilespmem:$0x18E0];
	vm0 =	vlt.u32 v4, $0x1800;
	vm1 =	vgt.s32 v4, $0x0  }
0x58: {  	[tilespmem:$0x1A40] =	vst v6;
	v6 =	vsel vm0, $0x3F800000, v1;
	v4 =	vnsel vm1, $0x0, v4  }
0x59: {  	[tilespmem:$0x1AC0] =	vst v6;
	v4 =	vmin.u32 v4, $0x17FF;
	v6 =	vsub.s32 v3, v0  }
0x5a: {  	[tilespmem:$0x19C0] =	vst v4;
	v4 =	vld [tilespmem:$0x18F0];
	vm6 =	vlt.u32 v6, $0x1800;
	vm7 =	vgt.s32 v6, $0x0  }
0x5b: {  	[tilespmem:$0x1A50] =	vst v3;
	v3 =	vsel vm6, $0x3F800000, v1;
	v6 =	vnsel vm7, $0x0, v6  }
0x5c: {  	[tilespmem:$0x1AD0] =	vst v3;
	v3 =	vmin.u32 v6, $0x17FF;
	v6 =	vsub.s32 v5, v0  }
0x5d: {  	[tilespmem:$0x1A60] =	vst v5;
	vm8 =	vlt.u32 v6, $0x1800;
	vm9 =	vgt.s32 v6, $0x0  }
0x5e: {  	[tilespmem:$0x19D0] =	vst v3;
	v3 =	vsel vm8, $0x3F800000, v1;
	v5 =	vnsel vm9, $0x0, v6  }
0x5f: {  	[tilespmem:$0x1AE0] =	vst v3;
	v3 =	vmin.u32 v5, $0x17FF;
	v5 =	vsub.s32 v4, v0  }
0x60: {  	[tilespmem:$0x1A70] =	vst v4;
	vm10 =	vlt.u32 v5, $0x1800;
	vm11 =	vgt.s32 v5, $0x0  }
0x61: {  	[tilespmem:$0x19E0] =	vst v3;
	v3 =	vsel vm10, $0x3F800000, v1;
	v4 =	vnsel vm11, $0x0, v5  }
0x62: {  	s14 =	sshll.u32 s8, $0x1;
	p0 =	seq.s32 s8, $0x5F;
	[tilespmem:$0x1AF0] =	vst v3;
	v3 =	vmin.u32 v4, $0x17FF  }
0x63: {  	s9 =	sadd.s32 @!p0 s14, s12;
	[tilespmem:$0x19F0] =	vst v3  }
0x64: {  	[tilespmem:s29], [sflag:$0x4] =	stream.indirect.gather [hbm4b:s4+s20], $0x10, s28, s20, $0xb8;
	[tilespmem:$0x3300] =	vst v63  }
0x65: {  	s9 =	sshll.u32 @!p0 s9, $0x4  }
0x66: {  	[tilespmem:s31], [sflag:$0x4] =	stream.indirect.gather [hbm4b:s5+s20], $0x10, s30, s20, $0xb8;
	[tilespmem:$0x3300] =	vst v63  }
0x67: {  	s16 =	simm.s32 @!p0 $0x0;
	s17 =	simm.s32 @!p0 $0x1880;
	s9 =	sadd.s32 @!p0 s6, s9  }
0x68: {  	v3 =	vmov s15;
	[tilespmem:s17], [sflag:$0x2] =	stream.linear.gather @!p0 [hbm4b:s9+s16], $0x80, $0x38;
	[tilespmem:$0x3300] =	vst v63  }
0x69: {  	v3 =	vshll.u32 v3, $0x4;
	_ =	swait.ge [sflag:s0], $0x400  }
0x6a: {  	v3 =	vor.u32 v2, v3;
	[sflag:s0] =	ssyncset.done $0x0  }
0x6b: {  	v4 =	vor.u32 $0x4, v3;
	[sflag:s0] =	ssyncadd.s32 $0xFFFFFC00  }
0x6c: {  	_ =	swait.ge [sflag:s0], $0x400  }
0x6d: {  	[sflag:s0] =	ssyncset.done $0x0  }
0x6e: {  	[sflag:s0] =	ssyncadd.s32 $0xFFFFFC00  }
0x6f: {  	v5 =	vld.idx.msk [tilespmem:v3+s24+$0x0], $0xffff  }
0x70: {  	v6 =	vld.idx.msk [tilespmem:v4+s22+$0x0], $0xffff;
	_ =	sdelay $0x4  }
0x71: {  	v5 =	vadd.f32 v5, v6;
	_ =	sdelay $0x1  }
0x72: {  	v6 =	vmul.f32 $2.000000030e-01, v5  }
0x73: {  	vm12 =	vge.f32 v5, $0.0e+00  }
0x74: {  	v5 =	vsel vm12, v5, v6  }
0x75: {  	v5 =	vmul.f32 $1.442695020e+00, v5;
	_ =	sdelay $0x1  }
0x76: {  	(erf) = vpow2.f32 v5;
	_ =	sdelay $0x3  }
0x77: {  	s9 =	simm.s32 $0x1A80  }
0x78: {  	v6 =	vld [tilespmem:s9+$0x0];
	_ =	sdelay $0x2  }
0x79: {  	v5 =	vor.u32 $0x5, v3  }
0x7a: {  	v8 =	vor.u32 $0x1, v3;
	v7 =	vpop (erf)  }
0x7b: {  	v9 =	vmul.f32 v7, v6;
	_ =	sdelay $0x1  }
0x7c: {  	[tilespmem:v4+s1+$0x0] =	vst.idx.msk $0xffff, v9  }
0x7d: {  	v4 =	vld.idx.msk [tilespmem:v5+s22+$0x0], $0xffff  }
0x7e: {  	v7 =	vld.idx.msk [tilespmem:v8+s24+$0x0], $0xffff;
	_ =	sdelay $0x4  }
0x7f: {  	v4 =	vadd.f32 v7, v4;
	_ =	sdelay $0x1  }
0x80: {  	v7 =	vmul.f32 $2.000000030e-01, v4  }
0x81: {  	vm13 =	vge.f32 v4, $0.0e+00  }
0x82: {  	v4 =	vsel vm13, v4, v7  }
0x83: {  	v4 =	vmul.f32 $1.442695020e+00, v4;
	_ =	sdelay $0x1  }
0x84: {  	(erf) = vpow2.f32 v4;
	_ =	sdelay $0x7  }
0x85: {  	v4 =	vor.u32 $0x6, v3  }
0x86: {  	v10 =	vor.u32 $0x2, v3;
	v7 =	vpop (erf)  }
0x87: {  	v11 =	vmul.f32 v7, v6;
	_ =	sdelay $0x1  }
0x88: {  	[tilespmem:v5+s1+$0x0] =	vst.idx.msk $0xffff, v11  }
0x89: {  	v5 =	vld.idx.msk [tilespmem:v4+s22+$0x0], $0xffff  }
0x8a: {  	v7 =	vld.idx.msk [tilespmem:v10+s24+$0x0], $0xffff;
	_ =	sdelay $0x4  }
0x8b: {  	v5 =	vadd.f32 v7, v5;
	_ =	sdelay $0x1  }
0x8c: {  	v7 =	vmul.f32 $2.000000030e-01, v5  }
0x8d: {  	vm14 =	vge.f32 v5, $0.0e+00  }
0x8e: {  	v5 =	vsel vm14, v5, v7  }
0x8f: {  	v5 =	vmul.f32 $1.442695020e+00, v5;
	_ =	sdelay $0x1  }
0x90: {  	(erf) = vpow2.f32 v5;
	_ =	sdelay $0x7  }
0x91: {  	v12 =	vor.u32 $0x7, v3  }
0x92: {  	v5 =	vor.u32 $0x3, v3;
	v7 =	vpop (erf)  }
0x93: {  	v13 =	vmul.f32 v7, v6;
	_ =	sdelay $0x1  }
0x94: {  	[tilespmem:v4+s1+$0x0] =	vst.idx.msk $0xffff, v13  }
0x95: {  	v4 =	vld.idx.msk [tilespmem:v12+s22+$0x0], $0xffff  }
0x96: {  	v7 =	vld.idx.msk [tilespmem:v5+s24+$0x0], $0xffff;
	_ =	sdelay $0x4  }
0x97: {  	v4 =	vadd.f32 v7, v4;
	_ =	sdelay $0x1  }
0x98: {  	v7 =	vmul.f32 $2.000000030e-01, v4  }
0x99: {  	vm15 =	vge.f32 v4, $0.0e+00  }
0x9a: {  	v4 =	vsel vm15, v4, v7  }
0x9b: {  	v4 =	vmul.f32 $1.442695020e+00, v4;
	_ =	sdelay $0x1  }
0x9c: {  	(erf) = vpow2.f32 v4;
	_ =	sdelay $0x8  }
0x9d: {  	v4 =	vpop (erf)  }
0x9e: {  	v7 =	vmul.f32 v4, v6;
	_ =	sdelay $0x1  }
0x9f: {  	[tilespmem:v12+s1+$0x0] =	vst.idx.msk $0xffff, v7  }
0xa0: {  	v4 =	vld.idx.msk [tilespmem:v3+s22+$0x0], $0xffff;
	_ =	sdelay $0x4  }
0xa1: {  	v4 =	vmul.f32 v4, v9;
	_ =	sdelay $0x1  }
0xa2: {  	[tilespmem:v3+s1+$0x0] =	vst.idx.msk $0xffff, v4  }
0xa3: {  	v3 =	vld.idx.msk [tilespmem:v8+s22+$0x0], $0xffff;
	_ =	sdelay $0x4  }
0xa4: {  	v3 =	vmul.f32 v3, v11;
	_ =	sdelay $0x1  }
0xa5: {  	[tilespmem:v8+s1+$0x0] =	vst.idx.msk $0xffff, v3  }
0xa6: {  	v3 =	vld.idx.msk [tilespmem:v10+s22+$0x0], $0xffff;
	_ =	sdelay $0x4  }
0xa7: {  	v3 =	vmul.f32 v3, v13  }
0xa8: {  	s17 =	simm.s32 $0x10  }
0xa9: {  	v4 =	vmov s17;
	[tilespmem:v10+s1+$0x0] =	vst.idx.msk $0xffff, v3  }
0xaa: {  	v3 =	vshll.u32 v4, $0x4;
	v4 =	vld.idx.msk [tilespmem:v5+s22+$0x0], $0xffff;
	_ =	sdelay $0x1  }
0xab: {  	s16 =	simm.s32 $0x20;
	v3 =	vor.u32 v2, v3  }
.LBB2_7:
0xac: {  	p1 =	sne.s32 s16, $0x30  }
0xad: {  	v8 =	vor.u32 $0x4, v3;
	s9 =	sadd.s32 $0x10, s9;
	s17 =	smov.u32 s16;
	s16 =	sadd.s32 $0x10, s16  }
0xae: {  	v4 =	vmul.f32 v4, v7;
	_ =	sdelay $0x1  }
0xaf: {  	[tilespmem:v5+s1+$0x0] =	vst.idx.msk $0xffff, v4  }
0xb0: {  	v4 =	vld.idx.msk [tilespmem:v3+s24+$0x0], $0xffff  }
0xb1: {  	v5 =	vld.idx.msk [tilespmem:v8+s22+$0x0], $0xffff;
	_ =	sdelay $0x5  }
0xb2: {  	v4 =	vadd.f32 v4, v5;
	_ =	sdelay $0x1  }
0xb3: {  	v5 =	vmul.f32 $2.000000030e-01, v4  }
0xb4: {  	vm0 =	vge.f32 v4, $0.0e+00  }
0xb5: {  	v4 =	vsel vm0, v4, v5  }
0xb6: {  	v4 =	vmul.f32 $1.442695020e+00, v4;
	_ =	sdelay $0x1  }
0xb7: {  	(erf) = vpow2.f32 v4;
	_ =	sdelay $0x4  }
0xb8: {  	v7 =	vld [tilespmem:s9+$0x0];
	_ =	sdelay $0x2  }
0xb9: {  	v5 =	vor.u32 $0x5, v3;
	v4 =	vor.u32 $0x1, v3  }
0xba: {  	v6 =	vpop (erf)  }
0xbb: {  	v6 =	vmul.f32 v6, v7;
	_ =	sdelay $0x1  }
0xbc: {  	[tilespmem:v8+s1+$0x0] =	vst.idx.msk $0xffff, v6  }
0xbd: {  	v8 =	vld.idx.msk [tilespmem:v5+s22+$0x0], $0xffff  }
0xbe: {  	v9 =	vld.idx.msk [tilespmem:v4+s24+$0x0], $0xffff;
	_ =	sdelay $0x5  }
0xbf: {  	v8 =	vadd.f32 v9, v8;
	_ =	sdelay $0x1  }
0xc0: {  	vm0 =	vge.f32 v8, $0.0e+00;
	v9 =	vmul.f32 $2.000000030e-01, v8;
	_ =	sdelay $0x1  }
0xc1: {  	v8 =	vsel vm0, v8, v9  }
0xc2: {  	v8 =	vmul.f32 $1.442695020e+00, v8;
	_ =	sdelay $0x1  }
0xc3: {  	(erf) = vpow2.f32 v8;
	_ =	sdelay $0x7  }
0xc4: {  	v9 =	vor.u32 $0x2, v3;
	v8 =	vor.u32 $0x6, v3  }
0xc5: {  	v10 =	vpop (erf)  }
0xc6: {  	v10 =	vmul.f32 v10, v7;
	_ =	sdelay $0x1  }
0xc7: {  	[tilespmem:v5+s1+$0x0] =	vst.idx.msk $0xffff, v10  }
0xc8: {  	v5 =	vld.idx.msk [tilespmem:v8+s22+$0x0], $0xffff  }
0xc9: {  	v11 =	vld.idx.msk [tilespmem:v9+s24+$0x0], $0xffff;
	_ =	sdelay $0x5  }
0xca: {  	v5 =	vadd.f32 v11, v5;
	_ =	sdelay $0x1  }
0xcb: {  	vm0 =	vge.f32 v5, $0.0e+00;
	v11 =	vmul.f32 $2.000000030e-01, v5;
	_ =	sdelay $0x1  }
0xcc: {  	v5 =	vsel vm0, v5, v11  }
0xcd: {  	v5 =	vmul.f32 $1.442695020e+00, v5;
	_ =	sdelay $0x1  }
0xce: {  	(erf) = vpow2.f32 v5;
	_ =	sdelay $0x7  }
0xcf: {  	v11 =	vor.u32 $0x7, v3;
	v5 =	vor.u32 $0x3, v3  }
0xd0: {  	v12 =	vpop (erf)  }
0xd1: {  	v12 =	vmul.f32 v12, v7;
	_ =	sdelay $0x1  }
0xd2: {  	[tilespmem:v8+s1+$0x0] =	vst.idx.msk $0xffff, v12  }
0xd3: {  	v8 =	vld.idx.msk [tilespmem:v11+s22+$0x0], $0xffff  }
0xd4: {  	v13 =	vld.idx.msk [tilespmem:v5+s24+$0x0], $0xffff;
	_ =	sdelay $0x5  }
0xd5: {  	v8 =	vadd.f32 v13, v8;
	_ =	sdelay $0x1  }
0xd6: {  	vm0 =	vge.f32 v8, $0.0e+00;
	v13 =	vmul.f32 $2.000000030e-01, v8;
	_ =	sdelay $0x1  }
0xd7: {  	v8 =	vsel vm0, v8, v13  }
0xd8: {  	v8 =	vmul.f32 $1.442695020e+00, v8;
	_ =	sdelay $0x1  }
0xd9: {  	(erf) = vpow2.f32 v8;
	_ =	sdelay $0x8  }
0xda: {  	v8 =	vpop (erf)  }
0xdb: {  	v7 =	vmul.f32 v8, v7;
	_ =	sdelay $0x1  }
0xdc: {  	[tilespmem:v11+s1+$0x0] =	vst.idx.msk $0xffff, v7  }
0xdd: {  	v8 =	vld.idx.msk [tilespmem:v3+s22+$0x0], $0xffff;
	_ =	sdelay $0x5  }
0xde: {  	v6 =	vmul.f32 v8, v6;
	_ =	sdelay $0x1  }
0xdf: {  	[tilespmem:v3+s1+$0x0] =	vst.idx.msk $0xffff, v6  }
0xe0: {  	v3 =	vld.idx.msk [tilespmem:v4+s22+$0x0], $0xffff;
	_ =	sdelay $0x5  }
0xe1: {  	v3 =	vmul.f32 v3, v10;
	_ =	sdelay $0x1  }
0xe2: {  	[tilespmem:v4+s1+$0x0] =	vst.idx.msk $0xffff, v3  }
0xe3: {  	v3 =	vld.idx.msk [tilespmem:v9+s22+$0x0], $0xffff;
	_ =	sdelay $0x5  }
0xe4: {  	v3 =	vmul.f32 v3, v12;
	_ =	sdelay $0x1  }
0xe5: {  	[tilespmem:v9+s1+$0x0] =	vst.idx.msk $0xffff, v3  }
.Ltmp2:
0xe6: {  	v4 =	vld.idx.msk [tilespmem:v5+s22+$0x0], $0xffff;
	(pc) =	sbr.rel @p1 .LBB2_7-.Ltmp2, $4  }
0xe7: {  	_ = 	snop  }
0xe8: {  	v3 =	vmov s17  }
0xe9: {  	v3 =	vshll.u32 v3, $0x4  }
0xea: {  	v3 =	vor.u32 v2, v3  }
0xeb: {  	_ = 	snop  }
0xec: {  	v6 =	vor.u32 $0x4, v3  }
0xed: {  	v4 =	vmul.f32 v4, v7;
	_ =	sdelay $0x1  }
0xee: {  	[tilespmem:v5+s1+$0x0] =	vst.idx.msk $0xffff, v4  }
0xef: {  	v4 =	vld.idx.msk [tilespmem:v3+s24+$0x0], $0xffff  }
0xf0: {  	v5 =	vld.idx.msk [tilespmem:v6+s22+$0x0], $0xffff;
	_ =	sdelay $0x4  }
0xf1: {  	v4 =	vadd.f32 v4, v5;
	_ =	sdelay $0x1  }
0xf2: {  	v5 =	vmul.f32 $2.000000030e-01, v4  }
0xf3: {  	vm0 =	vge.f32 v4, $0.0e+00  }
0xf4: {  	v4 =	vsel vm0, v4, v5  }
0xf5: {  	v4 =	vmul.f32 $1.442695020e+00, v4;
	_ =	sdelay $0x1  }
0xf6: {  	(erf) = vpow2.f32 v4;
	_ =	sdelay $0x3  }
0xf7: {  	s9 =	sadd.s32 $0x10, s9  }
0xf8: {  	v57 =	vld [tilespmem:s9+$0x0];
	_ =	sdelay $0x2  }
0xf9: {  	v58 =	vor.u32 $0x5, v3  }
0xfa: {  	v59 =	vor.u32 $0x1, v3;
	v8 =	vpop (erf)  }
0xfb: {  	v8 =	vmul.f32 v8, v57;
	_ =	sdelay $0x1  }
0xfc: {  	[tilespmem:v6+s1+$0x0] =	vst.idx.msk $0xffff, v8  }
0xfd: {  	v6 =	vld.idx.msk [tilespmem:v58+s22+$0x0], $0xffff  }
0xfe: {  	v9 =	vld.idx.msk [tilespmem:v59+s24+$0x0], $0xffff;
	_ =	sdelay $0x4  }
0xff: {  	v6 =	vadd.f32 v9, v6;
	_ =	sdelay $0x1  }
0x100: {  	v9 =	vmul.f32 $2.000000030e-01, v6  }
0x101: {  	vm13 =	vge.f32 v6, $0.0e+00  }
0x102: {  	v6 =	vsel vm13, v6, v9  }
0x103: {  	v6 =	vmul.f32 $1.442695020e+00, v6;
	_ =	sdelay $0x1  }
0x104: {  	(erf) = vpow2.f32 v6;
	_ =	sdelay $0x7  }
0x105: {  	v60 =	vor.u32 $0x6, v3  }
0x106: {  	v61 =	vor.u32 $0x2, v3;
	v10 =	vpop (erf)  }
0x107: {  	v10 =	vmul.f32 v10, v57;
	_ =	sdelay $0x1  }
0x108: {  	[tilespmem:v58+s1+$0x0] =	vst.idx.msk $0xffff, v10  }
0x109: {  	v5 =	vld.idx.msk [tilespmem:v60+s22+$0x0], $0xffff  }
0x10a: {  	v11 =	vld.idx.msk [tilespmem:v61+s24+$0x0], $0xffff;
	_ =	sdelay $0x4  }
0x10b: {  	v5 =	vadd.f32 v11, v5;
	_ =	sdelay $0x1  }
0x10c: {  	v11 =	vmul.f32 $2.000000030e-01, v5  }
0x10d: {  	vm14 =	vge.f32 v5, $0.0e+00  }
0x10e: {  	v5 =	vsel vm14, v5, v11  }
0x10f: {  	v5 =	vmul.f32 $1.442695020e+00, v5;
	_ =	sdelay $0x1  }
0x110: {  	(erf) = vpow2.f32 v5;
	_ =	sdelay $0x7  }
0x111: {  	v62 =	vor.u32 $0x7, v3  }
0x112: {  	v63 =	vor.u32 $0x3, v3;
	v12 =	vpop (erf)  }
0x113: {  	v12 =	vmul.f32 v12, v57;
	_ =	sdelay $0x1  }
0x114: {  	[tilespmem:v60+s1+$0x0] =	vst.idx.msk $0xffff, v12  }
0x115: {  	v6 =	vld.idx.msk [tilespmem:v62+s22+$0x0], $0xffff  }
0x116: {  	v13 =	vld.idx.msk [tilespmem:v63+s24+$0x0], $0xffff;
	_ =	sdelay $0x4  }
0x117: {  	v6 =	vadd.f32 v13, v6;
	_ =	sdelay $0x1  }
0x118: {  	v13 =	vmul.f32 $2.000000030e-01, v6  }
0x119: {  	vm15 =	vge.f32 v6, $0.0e+00  }
0x11a: {  	v6 =	vsel vm15, v6, v13  }
0x11b: {  	v6 =	vmul.f32 $1.442695020e+00, v6;
	_ =	sdelay $0x1  }
0x11c: {  	(erf) = vpow2.f32 v6;
	_ =	sdelay $0x8  }
0x11d: {  	v6 =	vpop (erf)  }
0x11e: {  	v4 =	vmul.f32 v6, v57;
	_ =	sdelay $0x1  }
0x11f: {  	[tilespmem:v62+s1+$0x0] =	vst.idx.msk $0xffff, v4  }
0x120: {  	v5 =	vld.idx.msk [tilespmem:v3+s22+$0x0], $0xffff;
	_ =	sdelay $0x4  }
0x121: {  	v5 =	vmul.f32 v5, v8;
	_ =	sdelay $0x1  }
0x122: {  	[tilespmem:v3+s1+$0x0] =	vst.idx.msk $0xffff, v5  }
0x123: {  	v3 =	vld.idx.msk [tilespmem:v59+s22+$0x0], $0xffff;
	_ =	sdelay $0x4  }
0x124: {  	v3 =	vmul.f32 v3, v10;
	_ =	sdelay $0x1  }
0x125: {  	[tilespmem:v59+s1+$0x0] =	vst.idx.msk $0xffff, v3  }
0x126: {  	v3 =	vld.idx.msk [tilespmem:v61+s22+$0x0], $0xffff;
	_ =	sdelay $0x4  }
0x127: {  	v3 =	vmul.f32 v3, v12;
	_ =	sdelay $0x1  }
0x128: {  	[tilespmem:v61+s1+$0x0] =	vst.idx.msk $0xffff, v3  }
0x129: {  	v3 =	vld.idx.msk [tilespmem:v63+s22+$0x0], $0xffff;
	_ =	sdelay $0x3  }
.Ltmp3:
0x12a: {  	_ = 	snop;
	(pc) =	sbr.rel @p0 .LBB2_10-.Ltmp3, $3  }
0x12b: {  	v3 =	vmul.f32 v3, v4;
	_ =	sdelay $0x1  }
0x12c: {  	[tilespmem:v63+s1+$0x0] =	vst.idx.msk $0xffff, v3  }
0x12d: {  	[spmem:s2] =	stream.indirect.scatter.add.f32 [tilespmem:s1], [sflag:$0x5], $0x10, s25, s20, $0xb8;
	[tilespmem:$0x3300] =	vst v63  }
0x12e: {  	_ =	swait.ge [sflag:s19], $0x80  }
0x12f: {  	[sflag:s19] =	ssyncset.done $0x0  }
0x130: {  	[sflag:s19] =	ssyncadd.s32 $0xFFFFFF80  }
0x131: {  	_ =	swait.ge [sflag:s11], $0x400  }
0x132: {  	[sflag:s11] =	ssyncset.done $0x0  }
0x133: {  	[sflag:s11] =	ssyncadd.s32 $0xFFFFFC00  }
0x134: {  	v3 =	vld [tilespmem:$0x1800]  }
0x135: {  	v4 =	vld [tilespmem:$0x1810]  }
0x136: {  	v5 =	vld [tilespmem:$0x1820]  }
0x137: {  	v6 =	vld [tilespmem:$0x1840]  }
0x138: {  	v7 =	vld [tilespmem:$0x1830]  }
0x139: {  	v56 =	vld [tilespmem:$0x1860]  }
0x13a: {  	v59 =	vld [tilespmem:$0x1870];
	[tilespmem:$0x1900] =	vst v3  }
0x13b: {  	[tilespmem:$0x1910] =	vst v4  }
0x13c: {  	v3 =	vld [tilespmem:$0x1850];
	[tilespmem:$0x1920] =	vst v5  }
0x13d: {  	[tilespmem:$0x1930] =	vst v7  }
0x13e: {  	v55 =	vsub.s32 v6, v0;
	[tilespmem:$0x1A00] =	vst v6  }
0x13f: {  	[tilespmem:$0x1A20] =	vst v56;
	v62 =	vsub.s32 v59, v0;
	vm0 =	vlt.u32 v55, $0x1800  }
0x140: {  	[tilespmem:$0x1A30] =	vst v59;
	vm14 =	vlt.u32 v62, $0x1800;
	v57 =	vsel vm0, $0x3F800000, v1  }
0x141: {  	v63 =	vsel vm14, $0x3F800000, v1;
	[tilespmem:$0x1A80] =	vst v57;
	v58 =	vsub.s32 v3, v0  }
0x142: {  	[tilespmem:$0x1AB0] =	vst v63;
	vm10 =	vlt.u32 v58, $0x1800;
	vm11 =	vgt.s32 v58, $0x0  }
0x143: {  	v60 =	vsub.s32 v56, v0;
	[tilespmem:$0x1A10] =	vst v3;
	v3 =	vsel vm10, $0x3F800000, v1;
	v6 =	vnsel vm11, $0x0, v58  }
0x144: {  	vm12 =	vlt.u32 v60, $0x1800;
	vm13 =	vgt.s32 v60, $0x0;
	[tilespmem:$0x1A90] =	vst v3;
	v3 =	vmin.u32 v6, $0x17FF  }
0x145: {  	vm1 =	vgt.s32 v55, $0x0;
	v61 =	vnsel vm13, $0x0, v60;
	[tilespmem:$0x1990] =	vst v3;
	v3 =	vsel vm12, $0x3F800000, v1  }
0x146: {  	vm15 =	vgt.s32 v62, $0x0;
	v4 =	vnsel vm1, $0x0, v55;
	[tilespmem:$0x1AA0] =	vst v3;
	v3 =	vmin.u32 v61, $0x17FF  }
0x147: {  	v4 =	vmin.u32 v4, $0x17FF;
	[tilespmem:$0x19A0] =	vst v3;
	v3 =	vnsel vm15, $0x0, v62  }
0x148: {  	p0 =	sgt.u32 s8, $0x5D;
	[tilespmem:$0x1980] =	vst v4;
	v3 =	vmin.u32 v3, $0x17FF  }
0x149: {  	s9 =	sadd.s32 @!p0 s14, s13;
	[tilespmem:$0x19B0] =	vst v3  }
0x14a: {  	[tilespmem:s22], [sflag:$0x3] =	stream.indirect.gather [hbm4b:s4+s20], $0x10, s21, s20, $0xb8;
	[tilespmem:$0x3300] =	vst v63  }
0x14b: {  	s9 =	sshll.u32 @!p0 s9, $0x4  }
0x14c: {  	[tilespmem:s24], [sflag:$0x3] =	stream.indirect.gather [hbm4b:s5+s20], $0x10, s23, s20, $0xb8;
	[tilespmem:$0x3300] =	vst v63  }
0x14d: {  	s14 =	simm.s32 @!p0 $0x0;
	s16 =	simm.s32 @!p0 $0x1800;
	s9 =	sadd.s32 @!p0 s6, s9  }
0x14e: {  	[tilespmem:s16], [sflag:$0x1] =	stream.linear.gather @!p0 [hbm4b:s9+s14], $0x80, $0x38;
	[tilespmem:$0x3300] =	vst v63  }
.LBB2_10:
0x14f: {  	s9 =	simm.s32 $0x0  }
0x150: {  	v3 =	vmov s9  }
0x151: {  	_ =	swait.ge [sflag:s18], $0x400;
	v3 =	vshll.u32 v3, $0x4  }
0x152: {  	[sflag:s18] =	ssyncset.done $0x0;
	v3 =	vor.u32 v2, v3  }
0x153: {  	[sflag:s18] =	ssyncadd.s32 $0xFFFFFC00;
	v4 =	vor.u32 $0x4, v3  }
0x154: {  	_ =	swait.ge [sflag:s18], $0x400  }
0x155: {  	[sflag:s18] =	ssyncset.done $0x0  }
0x156: {  	[sflag:s18] =	ssyncadd.s32 $0xFFFFFC00  }
0x157: {  	v5 =	vld.idx.msk [tilespmem:v3+s31+$0x0], $0xffff  }
0x158: {  	v6 =	vld.idx.msk [tilespmem:v4+s29+$0x0], $0xffff;
	_ =	sdelay $0x4  }
0x159: {  	v5 =	vadd.f32 v5, v6;
	_ =	sdelay $0x1  }
0x15a: {  	v6 =	vmul.f32 $2.000000030e-01, v5  }
0x15b: {  	vm0 =	vge.f32 v5, $0.0e+00  }
0x15c: {  	v5 =	vsel vm0, v5, v6  }
0x15d: {  	v5 =	vmul.f32 $1.442695020e+00, v5;
	_ =	sdelay $0x1  }
0x15e: {  	(erf) = vpow2.f32 v5;
	_ =	sdelay $0x3  }
0x15f: {  	s9 =	simm.s32 $0x1AC0  }
0x160: {  	v6 =	vld [tilespmem:s9+$0x0];
	_ =	sdelay $0x2  }
0x161: {  	v5 =	vor.u32 $0x5, v3  }
0x162: {  	v8 =	vor.u32 $0x1, v3;
	v7 =	vpop (erf)  }
0x163: {  	v9 =	vmul.f32 v7, v6;
	_ =	sdelay $0x1  }
0x164: {  	[tilespmem:v4+s7+$0x0] =	vst.idx.msk $0xffff, v9  }
0x165: {  	v4 =	vld.idx.msk [tilespmem:v5+s29+$0x0], $0xffff  }
0x166: {  	v7 =	vld.idx.msk [tilespmem:v8+s31+$0x0], $0xffff;
	_ =	sdelay $0x4  }
0x167: {  	v4 =	vadd.f32 v7, v4;
	_ =	sdelay $0x1  }
0x168: {  	v7 =	vmul.f32 $2.000000030e-01, v4  }
0x169: {  	vm13 =	vge.f32 v4, $0.0e+00  }
0x16a: {  	v4 =	vsel vm13, v4, v7  }
0x16b: {  	v4 =	vmul.f32 $1.442695020e+00, v4;
	_ =	sdelay $0x1  }
0x16c: {  	(erf) = vpow2.f32 v4;
	_ =	sdelay $0x7  }
0x16d: {  	v4 =	vor.u32 $0x6, v3  }
0x16e: {  	v10 =	vor.u32 $0x2, v3;
	v7 =	vpop (erf)  }
0x16f: {  	v11 =	vmul.f32 v7, v6;
	_ =	sdelay $0x1  }
0x170: {  	[tilespmem:v5+s7+$0x0] =	vst.idx.msk $0xffff, v11  }
0x171: {  	v5 =	vld.idx.msk [tilespmem:v4+s29+$0x0], $0xffff  }
0x172: {  	v7 =	vld.idx.msk [tilespmem:v10+s31+$0x0], $0xffff;
	_ =	sdelay $0x4  }
0x173: {  	v5 =	vadd.f32 v7, v5;
	_ =	sdelay $0x1  }
0x174: {  	v7 =	vmul.f32 $2.000000030e-01, v5  }
0x175: {  	vm14 =	vge.f32 v5, $0.0e+00  }
0x176: {  	v5 =	vsel vm14, v5, v7  }
0x177: {  	v5 =	vmul.f32 $1.442695020e+00, v5;
	_ =	sdelay $0x1  }
0x178: {  	(erf) = vpow2.f32 v5;
	_ =	sdelay $0x7  }
0x179: {  	v12 =	vor.u32 $0x7, v3  }
0x17a: {  	v5 =	vor.u32 $0x3, v3;
	v7 =	vpop (erf)  }
0x17b: {  	v13 =	vmul.f32 v7, v6;
	_ =	sdelay $0x1  }
0x17c: {  	[tilespmem:v4+s7+$0x0] =	vst.idx.msk $0xffff, v13  }
0x17d: {  	v4 =	vld.idx.msk [tilespmem:v12+s29+$0x0], $0xffff  }
0x17e: {  	v7 =	vld.idx.msk [tilespmem:v5+s31+$0x0], $0xffff;
	_ =	sdelay $0x4  }
0x17f: {  	v4 =	vadd.f32 v7, v4;
	_ =	sdelay $0x1  }
0x180: {  	v7 =	vmul.f32 $2.000000030e-01, v4  }
0x181: {  	vm15 =	vge.f32 v4, $0.0e+00  }
0x182: {  	v4 =	vsel vm15, v4, v7  }
0x183: {  	v4 =	vmul.f32 $1.442695020e+00, v4;
	_ =	sdelay $0x1  }
0x184: {  	(erf) = vpow2.f32 v4;
	_ =	sdelay $0x8  }
0x185: {  	v4 =	vpop (erf)  }
0x186: {  	v7 =	vmul.f32 v4, v6;
	_ =	sdelay $0x1  }
0x187: {  	[tilespmem:v12+s7+$0x0] =	vst.idx.msk $0xffff, v7  }
0x188: {  	v4 =	vld.idx.msk [tilespmem:v3+s29+$0x0], $0xffff;
	_ =	sdelay $0x4  }
0x189: {  	v4 =	vmul.f32 v4, v9;
	_ =	sdelay $0x1  }
0x18a: {  	[tilespmem:v3+s7+$0x0] =	vst.idx.msk $0xffff, v4  }
0x18b: {  	v3 =	vld.idx.msk [tilespmem:v8+s29+$0x0], $0xffff;
	_ =	sdelay $0x4  }
0x18c: {  	v3 =	vmul.f32 v3, v11;
	_ =	sdelay $0x1  }
0x18d: {  	[tilespmem:v8+s7+$0x0] =	vst.idx.msk $0xffff, v3  }
0x18e: {  	v3 =	vld.idx.msk [tilespmem:v10+s29+$0x0], $0xffff;
	_ =	sdelay $0x4  }
0x18f: {  	v3 =	vmul.f32 v3, v13  }
0x190: {  	s14 =	simm.s32 $0x10  }
0x191: {  	v4 =	vmov s14;
	[tilespmem:v10+s7+$0x0] =	vst.idx.msk $0xffff, v3  }
0x192: {  	v3 =	vshll.u32 v4, $0x4;
	v4 =	vld.idx.msk [tilespmem:v5+s29+$0x0], $0xffff;
	_ =	sdelay $0x1  }
0x193: {  	s14 =	simm.s32 $0x20;
	v3 =	vor.u32 v2, v3  }
.LBB2_11:
0x194: {  	p0 =	sne.s32 s14, $0x30  }
0x195: {  	v8 =	vor.u32 $0x4, v3;
	s9 =	sadd.s32 $0x10, s9;
	s16 =	smov.u32 s14;
	s14 =	sadd.s32 $0x10, s14  }
0x196: {  	v4 =	vmul.f32 v4, v7;
	_ =	sdelay $0x1  }
0x197: {  	[tilespmem:v5+s7+$0x0] =	vst.idx.msk $0xffff, v4  }
0x198: {  	v4 =	vld.idx.msk [tilespmem:v3+s31+$0x0], $0xffff  }
0x199: {  	v5 =	vld.idx.msk [tilespmem:v8+s29+$0x0], $0xffff;
	_ =	sdelay $0x5  }
0x19a: {  	v4 =	vadd.f32 v4, v5;
	_ =	sdelay $0x1  }
0x19b: {  	v5 =	vmul.f32 $2.000000030e-01, v4  }
0x19c: {  	vm0 =	vge.f32 v4, $0.0e+00  }
0x19d: {  	v4 =	vsel vm0, v4, v5  }
0x19e: {  	v4 =	vmul.f32 $1.442695020e+00, v4;
	_ =	sdelay $0x1  }
0x19f: {  	(erf) = vpow2.f32 v4;
	_ =	sdelay $0x4  }
0x1a0: {  	v7 =	vld [tilespmem:s9+$0x0];
	_ =	sdelay $0x2  }
0x1a1: {  	v5 =	vor.u32 $0x5, v3;
	v4 =	vor.u32 $0x1, v3  }
0x1a2: {  	v6 =	vpop (erf)  }
0x1a3: {  	v6 =	vmul.f32 v6, v7;
	_ =	sdelay $0x1  }
0x1a4: {  	[tilespmem:v8+s7+$0x0] =	vst.idx.msk $0xffff, v6  }
0x1a5: {  	v8 =	vld.idx.msk [tilespmem:v5+s29+$0x0], $0xffff  }
0x1a6: {  	v9 =	vld.idx.msk [tilespmem:v4+s31+$0x0], $0xffff;
	_ =	sdelay $0x5  }
0x1a7: {  	v8 =	vadd.f32 v9, v8;
	_ =	sdelay $0x1  }
0x1a8: {  	vm0 =	vge.f32 v8, $0.0e+00;
	v9 =	vmul.f32 $2.000000030e-01, v8;
	_ =	sdelay $0x1  }
0x1a9: {  	v8 =	vsel vm0, v8, v9  }
0x1aa: {  	v8 =	vmul.f32 $1.442695020e+00, v8;
	_ =	sdelay $0x1  }
0x1ab: {  	(erf) = vpow2.f32 v8;
	_ =	sdelay $0x7  }
0x1ac: {  	v9 =	vor.u32 $0x2, v3;
	v8 =	vor.u32 $0x6, v3  }
0x1ad: {  	v10 =	vpop (erf)  }
0x1ae: {  	v10 =	vmul.f32 v10, v7;
	_ =	sdelay $0x1  }
0x1af: {  	[tilespmem:v5+s7+$0x0] =	vst.idx.msk $0xffff, v10  }
0x1b0: {  	v5 =	vld.idx.msk [tilespmem:v8+s29+$0x0], $0xffff  }
0x1b1: {  	v11 =	vld.idx.msk [tilespmem:v9+s31+$0x0], $0xffff;
	_ =	sdelay $0x5  }
0x1b2: {  	v5 =	vadd.f32 v11, v5;
	_ =	sdelay $0x1  }
0x1b3: {  	vm0 =	vge.f32 v5, $0.0e+00;
	v11 =	vmul.f32 $2.000000030e-01, v5;
	_ =	sdelay $0x1  }
0x1b4: {  	v5 =	vsel vm0, v5, v11  }
0x1b5: {  	v5 =	vmul.f32 $1.442695020e+00, v5;
	_ =	sdelay $0x1  }
0x1b6: {  	(erf) = vpow2.f32 v5;
	_ =	sdelay $0x7  }
0x1b7: {  	v11 =	vor.u32 $0x7, v3;
	v5 =	vor.u32 $0x3, v3  }
0x1b8: {  	v12 =	vpop (erf)  }
0x1b9: {  	v12 =	vmul.f32 v12, v7;
	_ =	sdelay $0x1  }
0x1ba: {  	[tilespmem:v8+s7+$0x0] =	vst.idx.msk $0xffff, v12  }
0x1bb: {  	v8 =	vld.idx.msk [tilespmem:v11+s29+$0x0], $0xffff  }
0x1bc: {  	v13 =	vld.idx.msk [tilespmem:v5+s31+$0x0], $0xffff;
	_ =	sdelay $0x5  }
0x1bd: {  	v8 =	vadd.f32 v13, v8;
	_ =	sdelay $0x1  }
0x1be: {  	vm0 =	vge.f32 v8, $0.0e+00;
	v13 =	vmul.f32 $2.000000030e-01, v8;
	_ =	sdelay $0x1  }
0x1bf: {  	v8 =	vsel vm0, v8, v13  }
0x1c0: {  	v8 =	vmul.f32 $1.442695020e+00, v8;
	_ =	sdelay $0x1  }
0x1c1: {  	(erf) = vpow2.f32 v8;
	_ =	sdelay $0x8  }
0x1c2: {  	v8 =	vpop (erf)  }
0x1c3: {  	v7 =	vmul.f32 v8, v7;
	_ =	sdelay $0x1  }
0x1c4: {  	[tilespmem:v11+s7+$0x0] =	vst.idx.msk $0xffff, v7  }
0x1c5: {  	v8 =	vld.idx.msk [tilespmem:v3+s29+$0x0], $0xffff;
	_ =	sdelay $0x5  }
0x1c6: {  	v6 =	vmul.f32 v8, v6;
	_ =	sdelay $0x1  }
0x1c7: {  	[tilespmem:v3+s7+$0x0] =	vst.idx.msk $0xffff, v6  }
0x1c8: {  	v3 =	vld.idx.msk [tilespmem:v4+s29+$0x0], $0xffff;
	_ =	sdelay $0x5  }
0x1c9: {  	v3 =	vmul.f32 v3, v10;
	_ =	sdelay $0x1  }
0x1ca: {  	[tilespmem:v4+s7+$0x0] =	vst.idx.msk $0xffff, v3  }
0x1cb: {  	v3 =	vld.idx.msk [tilespmem:v9+s29+$0x0], $0xffff;
	_ =	sdelay $0x5  }
0x1cc: {  	v3 =	vmul.f32 v3, v12;
	_ =	sdelay $0x1  }
0x1cd: {  	[tilespmem:v9+s7+$0x0] =	vst.idx.msk $0xffff, v3  }
.Ltmp4:
0x1ce: {  	v4 =	vld.idx.msk [tilespmem:v5+s29+$0x0], $0xffff;
	(pc) =	sbr.rel @p0 .LBB2_11-.Ltmp4, $4  }
0x1cf: {  	_ = 	snop  }
0x1d0: {  	v3 =	vmov s16  }
0x1d1: {  	v3 =	vshll.u32 v3, $0x4  }
0x1d2: {  	v3 =	vor.u32 v2, v3  }
0x1d3: {  	_ = 	snop  }
0x1d4: {  	v6 =	vor.u32 $0x4, v3  }
0x1d5: {  	v4 =	vmul.f32 v4, v7;
	_ =	sdelay $0x1  }
0x1d6: {  	[tilespmem:v5+s7+$0x0] =	vst.idx.msk $0xffff, v4  }
0x1d7: {  	v4 =	vld.idx.msk [tilespmem:v3+s31+$0x0], $0xffff  }
0x1d8: {  	v5 =	vld.idx.msk [tilespmem:v6+s29+$0x0], $0xffff;
	_ =	sdelay $0x4  }
0x1d9: {  	v4 =	vadd.f32 v4, v5;
	_ =	sdelay $0x1  }
0x1da: {  	v5 =	vmul.f32 $2.000000030e-01, v4  }
0x1db: {  	vm0 =	vge.f32 v4, $0.0e+00  }
0x1dc: {  	v4 =	vsel vm0, v4, v5  }
0x1dd: {  	v4 =	vmul.f32 $1.442695020e+00, v4;
	_ =	sdelay $0x1  }
0x1de: {  	(erf) = vpow2.f32 v4;
	_ =	sdelay $0x3  }
0x1df: {  	s9 =	sadd.s32 $0x10, s9  }
0x1e0: {  	v57 =	vld [tilespmem:s9+$0x0];
	_ =	sdelay $0x2  }
0x1e1: {  	v58 =	vor.u32 $0x5, v3  }
0x1e2: {  	v59 =	vor.u32 $0x1, v3;
	v8 =	vpop (erf)  }
0x1e3: {  	v8 =	vmul.f32 v8, v57;
	_ =	sdelay $0x1  }
0x1e4: {  	[tilespmem:v6+s7+$0x0] =	vst.idx.msk $0xffff, v8  }
0x1e5: {  	v6 =	vld.idx.msk [tilespmem:v58+s29+$0x0], $0xffff  }
0x1e6: {  	v9 =	vld.idx.msk [tilespmem:v59+s31+$0x0], $0xffff;
	_ =	sdelay $0x4  }
0x1e7: {  	v6 =	vadd.f32 v9, v6;
	_ =	sdelay $0x1  }
0x1e8: {  	v9 =	vmul.f32 $2.000000030e-01, v6  }
0x1e9: {  	vm13 =	vge.f32 v6, $0.0e+00  }
0x1ea: {  	v6 =	vsel vm13, v6, v9  }
0x1eb: {  	v6 =	vmul.f32 $1.442695020e+00, v6;
	_ =	sdelay $0x1  }
0x1ec: {  	(erf) = vpow2.f32 v6;
	_ =	sdelay $0x7  }
0x1ed: {  	v60 =	vor.u32 $0x6, v3  }
0x1ee: {  	v61 =	vor.u32 $0x2, v3;
	v10 =	vpop (erf)  }
0x1ef: {  	v10 =	vmul.f32 v10, v57;
	_ =	sdelay $0x1  }
0x1f0: {  	[tilespmem:v58+s7+$0x0] =	vst.idx.msk $0xffff, v10  }
0x1f1: {  	v5 =	vld.idx.msk [tilespmem:v60+s29+$0x0], $0xffff  }
0x1f2: {  	v11 =	vld.idx.msk [tilespmem:v61+s31+$0x0], $0xffff;
	_ =	sdelay $0x4  }
0x1f3: {  	v5 =	vadd.f32 v11, v5;
	_ =	sdelay $0x1  }
0x1f4: {  	v11 =	vmul.f32 $2.000000030e-01, v5  }
0x1f5: {  	vm14 =	vge.f32 v5, $0.0e+00  }
0x1f6: {  	v5 =	vsel vm14, v5, v11  }
0x1f7: {  	v5 =	vmul.f32 $1.442695020e+00, v5;
	_ =	sdelay $0x1  }
0x1f8: {  	(erf) = vpow2.f32 v5;
	_ =	sdelay $0x7  }
0x1f9: {  	v62 =	vor.u32 $0x7, v3  }
0x1fa: {  	v63 =	vor.u32 $0x3, v3;
	v12 =	vpop (erf)  }
0x1fb: {  	v12 =	vmul.f32 v12, v57;
	_ =	sdelay $0x1  }
0x1fc: {  	[tilespmem:v60+s7+$0x0] =	vst.idx.msk $0xffff, v12  }
0x1fd: {  	v6 =	vld.idx.msk [tilespmem:v62+s29+$0x0], $0xffff  }
0x1fe: {  	v13 =	vld.idx.msk [tilespmem:v63+s31+$0x0], $0xffff;
	_ =	sdelay $0x4  }
0x1ff: {  	v6 =	vadd.f32 v13, v6;
	_ =	sdelay $0x1  }
0x200: {  	v13 =	vmul.f32 $2.000000030e-01, v6  }
0x201: {  	vm15 =	vge.f32 v6, $0.0e+00  }
0x202: {  	v6 =	vsel vm15, v6, v13  }
0x203: {  	v6 =	vmul.f32 $1.442695020e+00, v6;
	_ =	sdelay $0x1  }
0x204: {  	(erf) = vpow2.f32 v6;
	_ =	sdelay $0x8  }
0x205: {  	v6 =	vpop (erf)  }
0x206: {  	v4 =	vmul.f32 v6, v57;
	_ =	sdelay $0x1  }
0x207: {  	[tilespmem:v62+s7+$0x0] =	vst.idx.msk $0xffff, v4  }
0x208: {  	v5 =	vld.idx.msk [tilespmem:v3+s29+$0x0], $0xffff;
	_ =	sdelay $0x4  }
0x209: {  	v5 =	vmul.f32 v5, v8;
	_ =	sdelay $0x1  }
0x20a: {  	[tilespmem:v3+s7+$0x0] =	vst.idx.msk $0xffff, v5  }
0x20b: {  	v3 =	vld.idx.msk [tilespmem:v59+s29+$0x0], $0xffff;
	_ =	sdelay $0x4  }
0x20c: {  	v3 =	vmul.f32 v3, v10;
	_ =	sdelay $0x1  }
0x20d: {  	[tilespmem:v59+s7+$0x0] =	vst.idx.msk $0xffff, v3  }
0x20e: {  	v3 =	vld.idx.msk [tilespmem:v61+s29+$0x0], $0xffff;
	_ =	sdelay $0x4  }
0x20f: {  	v3 =	vmul.f32 v3, v12;
	_ =	sdelay $0x1  }
0x210: {  	[tilespmem:v61+s7+$0x0] =	vst.idx.msk $0xffff, v3  }
0x211: {  	v3 =	vld.idx.msk [tilespmem:v63+s29+$0x0], $0xffff;
	_ =	sdelay $0x1  }
0x212: {  	s8 =	sadd.s32 $0x1, s8  }
0x213: {  	p0 =	sne.s32 s8, $0x60  }
.Ltmp5:
0x214: {  	_ = 	snop;
	(pc) =	sbr.rel @p0 .LBB2_6-.Ltmp5, $3  }
0x215: {  	v3 =	vmul.f32 v3, v4;
	_ =	sdelay $0x1  }
0x216: {  	[tilespmem:v63+s7+$0x0] =	vst.idx.msk $0xffff, v3  }
0x217: {  	[spmem:s2] =	stream.indirect.scatter.add.f32 [tilespmem:s7], [sflag:$0x6], $0x10, s10, s20, $0xb8;
	[tilespmem:$0x3300] =	vst v63  }
0x218: {  	_ =	swait.ge [sflag:s11], $0x400  }
0x219: {  	[sflag:s11] =	ssyncset.done $0x0  }
0x21a: {  	s8 =	simm.s32 $0x6;
	[sflag:s11] =	ssyncadd.s32 $0xFFFFFC00  }
0x21b: {  	_ =	swait.ge [sflag:s8], $0x400  }
0x21c: {  	[sflag:s8] =	ssyncset.done $0x0  }
0x21d: {  	[sflag:s8] =	ssyncadd.s32 $0xFFFFFC00  }
0x21e: {  	[bflag:$0x0] =	sbarrier.arrive $0xFFFF  }
0x21f: {  	s9 =	rddreg [dreg:$0x5]  }
0x220: {  	s16 =	rddreg [dreg:$0x8]  }
0x221: {  	s15 =	simm.s32 $0x7;
	s14 =	rddreg [dreg:$0xa]  }
0x222: {  	[hbm:s16], [sflag:s9] =	dma.local [spmem:s14], $0x300  }
0x223: {  	_ =	swait.ge [sflag:s15], $0x300  }
0x224: {  	s3 =	sadd.s32 $0x1, s3;
	s17 =	rddreg [dreg:$0x9]  }
0x225: {  	p0 =	sne.s32 s3, s17  }
.Ltmp6:
0x226: {  	_ = 	snop;
	(pc) =	sbr.rel @p0 .LBB2_1-.Ltmp6, $3  }
0x227: {  	_ =	sdelay $0x1  }
0x228: {  	[sflag:s15] =	ssyncset.done $0x0  }
0x229: {  	[sflag:s15] =	ssyncadd.s32 $0xFFFFFD00  }
0x22a: {  	_ =	sfence.sel $0x180000  }
0x22b: {  	[bflag:$0x0] =	sbarrier.arrive $0xFFFF  }
0x22c: {  	_ =	strace $0x9000004A  }
0x22d: {  	s0 =	stileid.u32;
	[bflag:$0x2] =	sbarrier.arrive $0xFFFF  }
0x22e: {  	p0 =	sne.s32 s0, $0x0;
	s0 =	rddreg [dreg:$0x2]  }
0x22f: {  	s0 =	sadd.s32 @!p0 $0x100000, s0  }
0x230: {  	[sflag:s0] =	ssyncadd.tile.s32 @!p0 $0x1;
	_ =	shalt  }
.Lfunc_end2:
_tile_overlayer_lowered:
.L_overlay_start_2:
0x231: {  	(tag) =	ssettag $0x2  }
0x232: {  	s0 =	rddreg [dreg:$0x0];
	s2 =	stileid.u32  }
0x233: {  	s1 =	rddreg [dreg:$0x1];
	p0 =	sne.s32 s2, $0x0  }
0x234: {  	s3 =	rddreg [dreg:$0x2];
	[bflag:$0x3] =	sbarrier.arrive $0xFFFF;
	s2 =	simm.s32 @!p0 $0x1C07  }
0x235: {  	[timem:s3], [sflag:s2] =	dma.local @!p0 [hbm:s0], s1  }
0x236: {  	s0 =	simm.s32 @!p0 $0x7  }
0x237: {  	_ =	swait.ge @!p0 [sflag:s0], s1  }
0x238: {  	s1 =	ssub.s32 @!p0 $0x0, s1;
	[sflag:s0] =	ssyncset.done @!p0 $0x0  }
0x239: {  	[sflag:s0] =	ssyncadd.s32 @!p0 s1  }
0x23a: {  	[bflag:$0x3] =	sbarrier.arrive $0xFFFF  }
0x23b: {  	_ =	shalt  }

// kernel: kernel.8.cloned.1.call-start
scs
__scs_entry_jumppad:
0x0: {  	(pc) =	sbr.rel $0x88, $3  }
0x1: {  	(tag) =	ssettag $0x0;
	lr =	simm.s32 $0x1  }
0x2: {  	[smem:$0x3F91] =	sst lr;
	_ =	strace $0xD0000000  }
0x3: {  	_ = 	snop  }
0x4: {  	_ = 	snop  }
0x5: {  	_ = 	snop  }
0x6: {  	_ = 	snop  }
0x7: {  	_ = 	snop  }
__scs_overlays_trampoline_lowered:
0x8: {  	[smem:$0x3FA0] =	sst s0  }
0x9: {  	[smem:$0x3FA1] =	sst s1  }
0xa: {  	[smem:$0x3FA2] =	sst s2  }
0xb: {  	[smem:$0x3FA3] =	sst s3  }
0xc: {  	[smem:$0x3FA4] =	sst s4  }
0xd: {  	[smem:$0x3FA5] =	sst s5  }
0xe: {  	[smem:$0x3FA6] =	sst s6  }
0xf: {  	[smem:$0x3FA7] =	sst s7  }
0x10: {  	[smem:$0x3FA8] =	sst s8  }
0x11: {  	[smem:$0x3FA9] =	sst s9;
	s0 =	simm.s32 @!p0 $0x0  }
0x12: {  	s1 =	sld [smem:$0x3F8F];
	s0 =	simm.s32 @p0 $0x1  }
0x13: {  	[smem:$0x3FAA] =	sst s0;
	s0 =	simm.s32 @!p1 $0x0  }
0x14: {  	s2 =	sld [smem:$0x3F8E];
	s0 =	simm.s32 @p1 $0x1  }
0x15: {  	[smem:$0x3FAB] =	sst s0;
	s0 =	simm.s32 @!p2 $0x0  }
0x16: {  	s3 =	sld [smem:$0x3FDB];
	s0 =	simm.s32 @p2 $0x1  }
0x17: {  	s4 =	simm.s32 $0x1BF5;
	[smem:$0x3FAD] =	sst s0  }
0x18: {  	s0 =	sld [smem:$0x3F90];
	_ =	swait.ge [sflag:s4], $0x0  }
0x19: {  	s7 =	sld [smem:$0x3F91]  }
0x1a: {  	s8 =	sadd.s32 $0xFFFFE003, lr  }
0x1b: {  	s9 =	sadd.s32 $0xFFFFFEF7, lr;
	s5 =	simm.s32 $0xFFFFFFFF;
	p2 =	slt.u32 s8, $0xFFFFF086  }
0x1c: {  	p1 =	slt.u32 s9, $0xF7A;
	s5 =	simm.s32 @!p2 $0x0  }
0x1d: {  	s5 =	simm.s32 @p1 $0x1;
	p0 =	seq.s32 s7, s2  }
0x1e: {  	s7 =	smul.u32 @!p0 $0xF7A, s2;
	p2 =	seq.s32 @!p0 s5, $0x0  }
0x1f: {  	s9 =	smul.u32 $0xF7A, s1;
	s8 =	simm.s32 @!p0 $0x1BF5;
	p2 =	por !p2, p0  }
0x20: {  	[sflag:s8] =	ssyncset.s32 @!p0 $0xFFFFF086;
	s6 =	sadd.s32 @!p0 s3, s7;
	s7 =	simm.s32 @!p0 $0x108  }
0x21: {  	s3 =	sadd.s32 s3, s9;
	s6 =	sadd.s32 @!p0 $0x88, s6;
	s7 =	simm.s32 @p2 $0x1082  }
0x22: {  	[simem:s7], [sflag:s8] =	dma.local @!p0 [hbm:s6], $0xF7A  }
0x23: {  	s9 =	sor.u32 $0xD0000000, s2;
	s6 =	simm.s32 $0x108;
	_ =	swait.ge @!p0 [sflag:s8], $0x0  }
0x24: {  	s3 =	sadd.s32 $0x88, s3;
	s6 =	simm.s32 @!p1 $0x1082;
	[sflag:s4] =	ssyncset.s32 $0xFFFFF086  }
0x25: {  	[simem:s6], [sflag:s4] =	dma.local [hbm:s3], $0xF7A  }
0x26: {  	[smem:$0x3F91] =	sst s1;
	(tag) =	ssettag s2;
	_ =	strace s9  }
0x27: {  	s1 =	sld [smem:$0x3FA1]  }
0x28: {  	s2 =	sld [smem:$0x3FA2]  }
0x29: {  	s4 =	sld [smem:$0x3FA4]  }
0x2a: {  	p0 =	seq.s32 s5, $0x0;
	s5 =	sld [smem:$0x3FA5]  }
0x2b: {  	s6 =	sld [smem:$0x3FA6]  }
0x2c: {  	s7 =	sld [smem:$0x3FA7]  }
0x2d: {  	s3 =	simm.s32 $0x108;
	s8 =	sld [smem:$0x3FA8]  }
0x2e: {  	s3 =	simm.s32 @!p0 $0x1082;
	s9 =	sld [smem:$0x3FA9]  }
0x2f: {  	lr =	sadd.s32 s0, s3;
	s0 =	sld [smem:$0x3FA0]  }
0x30: {  	s3 =	sld [smem:$0x3FA3]  }
0x31: {  	[smem:$0x3FAC] =	sst s10  }
0x32: {  	s10 =	sld [smem:$0x3FAA];
	_ =	sdelay $0x3  }
0x33: {  	p0 =	seq.s32 s10, $0x1;
	s10 =	sld [smem:$0x3FAC];
	_ =	sdelay $0x3  }
0x34: {  	[smem:$0x3FAC] =	sst s10  }
0x35: {  	s10 =	sld [smem:$0x3FAB];
	_ =	sdelay $0x3  }
0x36: {  	p1 =	seq.s32 s10, $0x1;
	s10 =	sld [smem:$0x3FAC];
	_ =	sdelay $0x3  }
0x37: {  	[smem:$0x3FAC] =	sst s10  }
0x38: {  	s10 =	sld [smem:$0x3FAD]  }
0x39: {  	_ = 	snop;
	(pc) =	sbr.ind lr, $3  }
0x3a: {  	_ = 	snop  }
0x3b: {  	_ = 	snop  }
0x3c: {  	p2 =	seq.s32 s10, $0x1;
	s10 =	sld [smem:$0x3FAC]  }
0x3d: {  	_ =	shalt  }
0x3e: {  	_ =	shalt  }
0x3f: {  	_ =	shalt  }
0x40: {  	_ =	shalt  }
0x41: {  	_ =	shalt  }
0x42: {  	_ =	shalt  }
0x43: {  	_ =	shalt  }
0x44: {  	_ =	shalt  }
0x45: {  	_ =	shalt  }
0x46: {  	_ =	shalt  }
0x47: {  	_ =	shalt  }
0x48: {  	_ =	shalt  }
0x49: {  	_ =	shalt  }
0x4a: {  	_ =	shalt  }
0x4b: {  	_ =	shalt  }
0x4c: {  	_ =	shalt  }
0x4d: {  	_ =	shalt  }
0x4e: {  	_ =	shalt  }
0x4f: {  	_ =	shalt  }
0x50: {  	_ =	shalt  }
0x51: {  	_ =	shalt  }
0x52: {  	_ =	shalt  }
0x53: {  	_ =	shalt  }
0x54: {  	_ =	shalt  }
0x55: {  	_ =	shalt  }
0x56: {  	_ =	shalt  }
0x57: {  	_ =	shalt  }
0x58: {  	_ =	shalt  }
0x59: {  	_ =	shalt  }
0x5a: {  	_ =	shalt  }
0x5b: {  	_ =	shalt  }
0x5c: {  	_ =	shalt  }
0x5d: {  	_ =	shalt  }
0x5e: {  	_ =	shalt  }
0x5f: {  	_ =	shalt  }
0x60: {  	_ =	shalt  }
0x61: {  	_ =	shalt  }
0x62: {  	_ =	shalt  }
0x63: {  	_ =	shalt  }
0x64: {  	_ =	shalt  }
0x65: {  	_ =	shalt  }
0x66: {  	_ =	shalt  }
0x67: {  	_ =	shalt  }
0x68: {  	_ =	shalt  }
0x69: {  	_ =	shalt  }
0x6a: {  	_ =	shalt  }
0x6b: {  	_ =	shalt  }
0x6c: {  	_ =	shalt  }
0x6d: {  	_ =	shalt  }
0x6e: {  	_ =	shalt  }
0x6f: {  	_ =	shalt  }
0x70: {  	_ =	shalt  }
0x71: {  	_ =	shalt  }
0x72: {  	_ =	shalt  }
0x73: {  	_ =	shalt  }
0x74: {  	_ =	shalt  }
0x75: {  	_ =	shalt  }
0x76: {  	_ =	shalt  }
0x77: {  	_ =	shalt  }
0x78: {  	_ =	shalt  }
0x79: {  	_ =	shalt  }
0x7a: {  	_ =	shalt  }
0x7b: {  	_ =	shalt  }
0x7c: {  	_ =	shalt  }
0x7d: {  	_ =	shalt  }
0x7e: {  	_ =	shalt  }
0x7f: {  	_ =	shalt  }
0x80: {  	_ =	shalt  }
0x81: {  	_ =	shalt  }
0x82: {  	_ =	shalt  }
0x83: {  	_ =	shalt  }
0x84: {  	_ =	shalt  }
0x85: {  	_ =	shalt  }
0x86: {  	_ =	shalt  }
0x87: {  	_ =	shalt  }
.Lfunc_end0:
.L_simem_size_0:
called_computation_lowered:
.L_overlay_start_0:
0x88: {  	s2 =	sld [smem:$0x3FD9]  }
0x89: {  	s3 =	sld [smem:$0x3FFE];
	_ =	sdelay $0x1  }
0x8a: {  	s1 =	srdreg.scid  }
0x8b: {  	s0 =	sand.u32 $0x1, s1  }
0x8c: {  	s16 =	sshll.u32 s0, $0xA;
	s2 =	sadd.s32 s3, s2  }
0x8d: {  	s2 =	sadd.s32 s2, s16  }
0x8e: {  	[smem:$0x3FB8] =	sst s2  }
0x8f: {  	_ = 	snop  }
0x90: {  	(tm) =	ssettm $0x1  }
0x91: {  	s17 =	sld [smem:$0x3FFB];
	_ =	sdelay $0x3  }
0x92: {  	_ =	strace s17  }
0x93: {  	s2 =	sld [smem:$0x3FFC];
	_ =	sdelay $0x3  }
0x94: {  	_ =	strace s2  }
0x95: {  	s2 =	sld [smem:$0x3FFD];
	_ =	sdelay $0x3  }
0x96: {  	_ =	strace s2  }
0x97: {  	_ =	strace $0x8FFFFFFF  }
0x98: {  	s18 =	sld [smem:$0x3FDB];
	_ =	sdelay $0x1  }
0x99: {  	s19 =	simm.s32 $_scs_section_size  }
0x9a: {  	s4 =	simm.s32 $_size__tile_overlayer_lowered;
	s5 =	simm.s32 $_tile_overlayer_lowered  }
0x9b: {  	s22 =	simm.s32 $0x1BFF;
	s21 =	sshll.u32 s5, $0x1;
	s2 =	sadd.s32 s19, s18  }
0x9c: {  	s6 =	simm.s32 $0x0;
	s20 =	sshll.u32 s4, $0x1;
	s4 =	sadd.s32 s21, s2  }
0x9d: {  	[timem:s6], [sflag:s22] =	dma.local [hbm:s4], s20  }
0x9e: {  	_ =	swait.ge [sflag:s22], s20  }
0x9f: {  	s3 =	ssub.s32 $0x0, s20;
	[sflag:s22] =	ssyncset.done $0x0  }
0xa0: {  	[sflag:s22] =	ssyncadd.s32 s3;
	_ =	sdelay $0x1  }
0xa1: {  	s23 =	simm.s32 $0x1B8B  }
0xa2: {  	_ =	swait.ge [sflag:s23], $0x1  }
0xa3: {  	[sflag:s23] =	ssyncset.done $0x0  }
0xa4: {  	s25 =	simm.s32 $0x1B8E;
	s24 =	sld [smem:$0x3FFE];
	[sflag:s23] =	ssyncadd.s32 $0xFFFFFFFF  }
0xa5: {  	s26 =	simm.s32 $execute0_lowered;
	[smem:$0x3FD2] =	sst s25  }
0xa6: {  	s4 =	sshll.u32 s26, $0x1;
	_ =	strace $0x80000046;
	[dreg:$0x1] =	wrdreg $0xFFFFFFFF  }
0xa7: {  	s28 =	simm.s32 $_size_execute0_lowered;
	s2 =	sadd.s32 s2, s4;
	[dreg:$0x0] =	wrdreg $0x0  }
0xa8: {  	s4 =	sshll.u32 s28, $0x1;
	[dreg:$0x2] =	wrdreg s2  }
0xa9: {  	[dreg:$0x3] =	wrdreg s4  }
0xaa: {  	[dreg:$0x4] =	wrdreg $0xC0  }
0xab: {  	_ =	task [dreg:s6], $0x5FFFF  }
0xac: {  	[dreg:$0x1] =	wrdreg $0xFFFFFFFF  }
0xad: {  	[dreg:$0x0] =	wrdreg $0x60  }
0xae: {  	[dreg:$0x2] =	wrdreg s24  }
0xaf: {  	[dreg:$0x3] =	wrdreg $0x0  }
0xb0: {  	[dreg:$0x4] =	wrdreg $0x9  }
0xb1: {  	_ =	task.clear_ibuf [dreg:s6], $0x5FFFF;
	_ =	strace $0x90000046  }
0xb2: {  	s29 =	simm.s32 $0x9;
	_ =	strace $0x80000048  }
0xb3: {  	_ =	swait.ge [sflag:s29], $0x1  }
0xb4: {  	[sflag:s29] =	ssyncadd.s32 $0xFFFFFFFF  }
0xb5: {  	_ =	strace $0x90000048  }
0xb6: {  	_ =	sfence  }
0xb7: {  	s30 =	sld [smem:$0x0];
	_ =	sdelay $0x2  }
0xb8: {  	s31 =	sshll.u32 s1, $0xD;
	s1 =	sshrl.u32 s1, $0x2  }
0xb9: {  	s3 =	sand.u32 $0x4000, s31;
	s1 =	sadd.s32 s1, s30  }
0xba: {  	s0 =	sor.u32 s3, s0;
	s1 =	sshll.u32 s1, $0x11  }
0xbb: {  	s0 =	sor.u32 s1, s0  }
0xbc: {  	s0 =	sadd.s32 $0x8F2B, s0  }
0xbd: {  	[sflag:s0] =	ssyncadd.remote.s32 $0x1  }
0xbe: {  	_ =	sfence.sel $0xFFFF  }
0xbf: {  	[dreg:$0x0] =	wrdreg $0xFFFFFFFF;
	(pc) =	sbr.abs _section_cstart, $3  }
0xc0: {  	[dreg:$0x1] =	wrdreg $0xFFFFFFFF  }
0xc1: {  	_ =	task.clear_ibuf [dreg:s6], $0x2FFFF;
	_ =	strace $0x9FFFFFFF  }
0xc2: {  	(tm) =	ssettm $0x7FFFFFFF  }
0xc3: {  	_ =	shalt  }
tec
execute0_lowered:
.L_overlay_start_1:
0x0: {  	(tag) =	ssettag $0x1  }
0x1: {  	s0 =	srdreg.scid;
	s1 =	rddreg [dreg:$0x0]  }
0x2: {  	s11 =	stileid.u32;
	s2 =	rddreg [dreg:$0x1];
	s3 =	simm.s32 $0x0  }
0x3: {  	s17 =	simm.s32 $0x7;
	s19 =	simm.s32 $0x1;
	s20 =	simm.s32 $0x40  }
0x4: {  	s21 =	simm.s32 $0x15100;
	s22 =	simm.s32 $0x15300;
	s28 =	simm.s32 $0x15140  }
0x5: {  	s29 =	simm.s32 $0x16F00;
	s30 =	simm.s32 $0x15240;
	s4 =	smul.u32 $0x300, s11  }
0x6: {  	s31 =	simm.s32 $0x18F00;
	s18 =	simm.s32 $0x4;
	s9 =	smul.u32 $0x54000, s11  }
0x7: {  	s0 =	sand.u32 $0x1, s0;
	[smem:$0x7FF] =	sst s3;
	s10 =	smul.u32 $0x1800, s11  }
0x8: {  	s5 =	sadd.s32 $0xA00, s1;
	s26 =	sshll.u32 s11, $0x6;
	s11 =	smul.u32 $0x180, s11  }
0x9: {  	s6 =	sadd.s32 $0xCA00, s1;
	s8 =	smul.u32 $0x3000, s0;
	s0 =	ssub.s32 $0x2, s0  }
0xa: {  	_ =	strace $0x80000047;
	s23 =	sshrl.u32 s0, $0x1;
	s9 =	sshrl.u32 s9, $0x2  }
0xb: {  	s10 =	sadd.s32 s6, s10;
	s13 =	sor.u32 $0x4, s11;
	s4 =	sadd.s32 s4, s8  }
0xc: {  	s0 =	ssub.s32 s0, s23;
	s24 =	sadd.s32 s9, s2;
	s9 =	sor.u32 $0x1C07, s26  }
0xd: {  	s12 =	sadd.s32 $0x10, s10;
	[dreg:$0x4] =	wrdreg s10;
	s10 =	sadd.s32 $0x20, s10  }
0xe: {  	s23 =	simm.s32 $0x15200;
	s26 =	simm.s32 $0x2;
	[dreg:$0x6] =	wrdreg s12  }
0xf: {  	s7 =	smul.u32 $0xE, s4;
	s4 =	sadd.s32 $0x60A00, s1;
	[dreg:$0x7] =	wrdreg s10  }
0x10: {  	s12 =	sor.u32 $0x3, s11;
	s0 =	smax.u32 s0, $0x1;
	s14 =	sshrl.u32 s24, $0x3  }
0x11: {  	s24 =	simm.s32 $0x18B00;
	s10 =	simm.s32 $0x151C0;
	[dreg:$0x5] =	wrdreg s9  }
0x12: {  	s11 =	simm.s32 $0x5;
	[dreg:$0x9] =	wrdreg s0;
	s1 =	sadd.s32 s7, s1  }
0x13: {  	s0 =	simm.s32 $0x19300;
	[dreg:$0xa] =	wrdreg s14;
	s25 =	sadd.s32 $0xB4A00, s1  }
0x14: {  	s7 =	simm.s32 $0x1AF00;
	s1 =	sadd.s32 $0x108A00, s1;
	[dreg:$0x3] =	wrdreg s25  }
0x15: {  	v1 =	vimm.f32 $0.0e+00;
	v2 =	vlaneseq.u32;
	v0 =	vmov s8;
	[dreg:$0x8] =	wrdreg s1;
	s1 =	simm.s32 $0x3;
	s25 =	simm.s32 $0x15180  }
.LBB2_1:
0x16: {  	s8 =	rddreg [dreg:$0x3]  }
0x17: {  	[spmem:s14], [sflag:s9] =	dma.local [hbm:s8], $0x2A00  }
0x18: {  	_ =	swait.ge [sflag:s17], $0x2A00  }
0x19: {  	[sflag:s17] =	ssyncset.done $0x0  }
0x1a: {  	s8 =	simm.s32 $0x0;
	s9 =	simm.s32 $0x1C0;
	[sflag:s17] =	ssyncadd.s32 $0xFFFFD600  }
.LBB2_2:
0x1b: {  	p0 =	sne.s32 s9, $0x6E40;
	[tilespmem:s8+$0x19360] =	vst v1  }
0x1c: {  	[tilespmem:s8+$0x19300] =	vst v1  }
.Ltmp0:
0x1d: {  	[tilespmem:s8+$0x19310] =	vst v1;
	(pc) =	sbr.rel @p0 .LBB2_2-.Ltmp0, $4  }
0x1e: {  	[tilespmem:s8+$0x19320] =	vst v1  }
0x1f: {  	[tilespmem:s8+$0x19330] =	vst v1  }
0x20: {  	[tilespmem:s8+$0x19340] =	vst v1  }
0x21: {  	[tilespmem:s8+$0x19350] =	vst v1;
	s8 =	sshra.s32 s9, $0x2;
	s9 =	sadd.s32 $0x1C0, s9  }
0x22: {  	[tilespmem:s8+$0x19360] =	vst v1  }
0x23: {  	[tilespmem:s8+$0x19300] =	vst v1  }
0x24: {  	[tilespmem:s8+$0x19310] =	vst v1  }
0x25: {  	[tilespmem:s8+$0x19320] =	vst v1  }
0x26: {  	[tilespmem:s8+$0x19330] =	vst v1  }
0x27: {  	[tilespmem:s8+$0x19340] =	vst v1  }
0x28: {  	[tilespmem:s8+$0x19350] =	vst v1;
	s8 =	simm.s32 $0x0;
	s9 =	simm.s32 $0x1C0  }
.LBB2_4:
0x29: {  	p0 =	sne.s32 s9, $0x6E40;
	[tilespmem:s8+$0x1AF60] =	vst v1  }
0x2a: {  	[tilespmem:s8+$0x1AF00] =	vst v1  }
.Ltmp1:
0x2b: {  	[tilespmem:s8+$0x1AF10] =	vst v1;
	(pc) =	sbr.rel @p0 .LBB2_4-.Ltmp1, $4  }
0x2c: {  	[tilespmem:s8+$0x1AF20] =	vst v1  }
0x2d: {  	[tilespmem:s8+$0x1AF30] =	vst v1  }
0x2e: {  	[tilespmem:s8+$0x1AF40] =	vst v1  }
0x2f: {  	[tilespmem:s8+$0x1AF50] =	vst v1;
	s8 =	sshra.s32 s9, $0x2;
	s9 =	sadd.s32 $0x1C0, s9  }
0x30: {  	[tilespmem:s8+$0x1AF60] =	vst v1  }
0x31: {  	[tilespmem:s8+$0x1AF00] =	vst v1  }
0x32: {  	[tilespmem:s8+$0x1AF10] =	vst v1  }
0x33: {  	[tilespmem:s8+$0x1AF20] =	vst v1  }
0x34: {  	[tilespmem:s8+$0x1AF30] =	vst v1  }
0x35: {  	[tilespmem:s8+$0x1AF40] =	vst v1  }
0x36: {  	[tilespmem:s8+$0x1AF50] =	vst v1  }
0x37: {  	[bflag:$0x0] =	sbarrier.arrive $0xFFFF  }
0x38: {  	s15 =	simm.s32 $0x0;
	s9 =	simm.s32 $0x15000;
	s14 =	rddreg [dreg:$0x4]  }
0x39: {  	[tilespmem:s9], [sflag:$0x1] =	stream.linear.gather [hbm4b:s14+s15], $0x80, $0x38;
	[tilespmem:$0x1CB00] =	vst v63  }
0x3a: {  	_ =	swait.ge [sflag:s19], $0x80  }
0x3b: {  	[sflag:s19] =	ssyncset.done $0x0  }
0x3c: {  	[sflag:s19] =	ssyncadd.s32 $0xFFFFFF80  }
0x3d: {  	v3 =	vld [tilespmem:$0x15000]  }
0x3e: {  	v4 =	vld [tilespmem:$0x15010]  }
0x3f: {  	v5 =	vld [tilespmem:$0x15020]  }
0x40: {  	v6 =	vld [tilespmem:$0x15040]  }
0x41: {  	v7 =	vld [tilespmem:$0x15030]  }
0x42: {  	v56 =	vld [tilespmem:$0x15060]  }
0x43: {  	v59 =	vld [tilespmem:$0x15070];
	[tilespmem:$0x15100] =	vst v3  }
0x44: {  	[tilespmem:$0x15110] =	vst v4  }
0x45: {  	v3 =	vld [tilespmem:$0x15050];
	[tilespmem:$0x15120] =	vst v5  }
0x46: {  	[tilespmem:$0x15130] =	vst v7  }
0x47: {  	v55 =	vsub.s32 v6, v0;
	[tilespmem:$0x15200] =	vst v6  }
0x48: {  	[tilespmem:$0x15220] =	vst v56;
	v62 =	vsub.s32 v59, v0;
	vm0 =	vlt.u32 v55, $0x3000  }
0x49: {  	[tilespmem:$0x15230] =	vst v59;
	vm14 =	vlt.u32 v62, $0x3000;
	v57 =	vsel vm0, $0x3F800000, v1  }
0x4a: {  	v63 =	vsel vm14, $0x3F800000, v1;
	[tilespmem:$0x15280] =	vst v57;
	v58 =	vsub.s32 v3, v0  }
0x4b: {  	[tilespmem:$0x152B0] =	vst v63;
	vm10 =	vlt.u32 v58, $0x3000;
	vm11 =	vgt.s32 v58, $0x0  }
0x4c: {  	v60 =	vsub.s32 v56, v0;
	[tilespmem:$0x15210] =	vst v3;
	v3 =	vsel vm10, $0x3F800000, v1;
	v6 =	vnsel vm11, $0x0, v58  }
0x4d: {  	vm12 =	vlt.u32 v60, $0x3000;
	vm13 =	vgt.s32 v60, $0x0;
	[tilespmem:$0x15290] =	vst v3;
	v3 =	vmin.u32 v6, $0x2FFF  }
0x4e: {  	vm1 =	vgt.s32 v55, $0x0;
	v61 =	vnsel vm13, $0x0, v60;
	[tilespmem:$0x15190] =	vst v3;
	v3 =	vsel vm12, $0x3F800000, v1  }
0x4f: {  	vm15 =	vgt.s32 v62, $0x0;
	v4 =	vnsel vm1, $0x0, v55;
	[tilespmem:$0x152A0] =	vst v3;
	v3 =	vmin.u32 v61, $0x2FFF  }
0x50: {  	v4 =	vmin.u32 v4, $0x2FFF;
	[tilespmem:$0x151A0] =	vst v3;
	v3 =	vnsel vm15, $0x0, v62  }
0x51: {  	[tilespmem:$0x15180] =	vst v4;
	v3 =	vmin.u32 v3, $0x2FFF  }
0x52: {  	[tilespmem:$0x151B0] =	vst v3  }
0x53: {  	[tilespmem:s22], [sflag:$0x3] =	stream.indirect.gather [hbm4b:s4+s20], $0x70, s21, s20, $0xb8;
	[tilespmem:$0x1CB00] =	vst v63  }
0x54: {  	_ = 	snop  }
0x55: {  	[tilespmem:s24], [sflag:$0x3] =	stream.indirect.gather [hbm4b:s5+s20], $0x10, s23, s20, $0xb8;
	[tilespmem:$0x1CB00] =	vst v63  }
0x56: {  	s14 =	simm.s32 $0x15080;
	s16 =	rddreg [dreg:$0x6]  }
0x57: {  	[tilespmem:s14], [sflag:$0x2] =	stream.linear.gather [hbm4b:s16+s15], $0x80, $0x38;
	[tilespmem:$0x1CB00] =	vst v63  }
0x58: {  	s16 =	rddreg [dreg:$0x7]  }
0x59: {  	[tilespmem:s9], [sflag:$0x1] =	stream.linear.gather [hbm4b:s16+s15], $0x80, $0x38;
	[tilespmem:$0x1CB00] =	vst v63  }
.LBB2_6:
0x5a: {  	_ =	swait.ge [sflag:s26], $0x80  }
0x5b: {  	p0 =	seq.s32 s15, $0x0;
	[sflag:s26] =	ssyncset.done $0x0  }
0x5c: {  	s8 =	simm.s32 @!p0 $0x6;
	[sflag:s26] =	ssyncadd.s32 $0xFFFFFF80  }
0x5d: {  	_ =	swait.ge @!p0 [sflag:s8], $0x1C00  }
0x5e: {  	[sflag:s8] =	ssyncset.done @!p0 $0x0  }
0x5f: {  	[sflag:s8] =	ssyncadd.s32 @!p0 $0xFFFFE400  }
0x60: {  	v3 =	vld [tilespmem:$0x15080]  }
0x61: {  	v4 =	vld [tilespmem:$0x15090]  }
0x62: {  	v5 =	vld [tilespmem:$0x150A0]  }
0x63: {  	v6 =	vld [tilespmem:$0x150C0]  }
0x64: {  	v7 =	vld [tilespmem:$0x150B0]  }
0x65: {  	v56 =	vld [tilespmem:$0x150E0]  }
0x66: {  	v59 =	vld [tilespmem:$0x150F0];
	[tilespmem:$0x15140] =	vst v3  }
0x67: {  	[tilespmem:$0x15150] =	vst v4  }
0x68: {  	v3 =	vld [tilespmem:$0x150D0];
	[tilespmem:$0x15160] =	vst v5  }
0x69: {  	[tilespmem:$0x15170] =	vst v7  }
0x6a: {  	v55 =	vsub.s32 v6, v0;
	[tilespmem:$0x15240] =	vst v6  }
0x6b: {  	[tilespmem:$0x15260] =	vst v56;
	v62 =	vsub.s32 v59, v0;
	vm0 =	vlt.u32 v55, $0x3000  }
0x6c: {  	[tilespmem:$0x15270] =	vst v59;
	vm14 =	vlt.u32 v62, $0x3000;
	v57 =	vsel vm0, $0x3F800000, v1  }
0x6d: {  	v63 =	vsel vm14, $0x3F800000, v1;
	[tilespmem:$0x152C0] =	vst v57;
	v58 =	vsub.s32 v3, v0  }
0x6e: {  	[tilespmem:$0x152F0] =	vst v63;
	vm10 =	vlt.u32 v58, $0x3000;
	vm11 =	vgt.s32 v58, $0x0  }
0x6f: {  	v60 =	vsub.s32 v56, v0;
	[tilespmem:$0x15250] =	vst v3;
	v3 =	vsel vm10, $0x3F800000, v1;
	v6 =	vnsel vm11, $0x0, v58  }
0x70: {  	vm12 =	vlt.u32 v60, $0x3000;
	vm13 =	vgt.s32 v60, $0x0;
	[tilespmem:$0x152D0] =	vst v3;
	v3 =	vmin.u32 v6, $0x2FFF  }
0x71: {  	vm1 =	vgt.s32 v55, $0x0;
	v61 =	vnsel vm13, $0x0, v60;
	[tilespmem:$0x151D0] =	vst v3;
	v3 =	vsel vm12, $0x3F800000, v1  }
0x72: {  	vm15 =	vgt.s32 v62, $0x0;
	v4 =	vnsel vm1, $0x0, v55;
	[tilespmem:$0x152E0] =	vst v3;
	v3 =	vmin.u32 v61, $0x2FFF  }
0x73: {  	v4 =	vmin.u32 v4, $0x2FFF;
	[tilespmem:$0x151E0] =	vst v3;
	v3 =	vnsel vm15, $0x0, v62  }
0x74: {  	s8 =	sshll.u32 s15, $0x1;
	p0 =	seq.s32 s15, $0xBF;
	[tilespmem:$0x151C0] =	vst v4;
	v3 =	vmin.u32 v3, $0x2FFF  }
0x75: {  	s9 =	sadd.s32 @!p0 s8, s12;
	[tilespmem:$0x151F0] =	vst v3  }
0x76: {  	[tilespmem:s29], [sflag:$0x4] =	stream.indirect.gather [hbm4b:s4+s20], $0x70, s28, s20, $0xb8;
	[tilespmem:$0x1CB00] =	vst v63  }
0x77: {  	s9 =	sshll.u32 @!p0 s9, $0x4  }
0x78: {  	[tilespmem:s31], [sflag:$0x4] =	stream.indirect.gather [hbm4b:s5+s20], $0x10, s30, s20, $0xb8;
	[tilespmem:$0x1CB00] =	vst v63  }
0x79: {  	s14 =	simm.s32 @!p0 $0x0;
	s16 =	simm.s32 @!p0 $0x15080;
	s9 =	sadd.s32 @!p0 s6, s9  }
0x7a: {  	[tilespmem:s16], [sflag:$0x2] =	stream.linear.gather @!p0 [hbm4b:s9+s14], $0x80, $0x38;
	[tilespmem:$0x1CB00] =	vst v63  }
0x7b: {  	_ =	swait.ge [sflag:s1], $0x1C00  }
0x7c: {  	[sflag:s1] =	ssyncset.done $0x0  }
0x7d: {  	[sflag:s1] =	ssyncadd.s32 $0xFFFFE400  }
0x7e: {  	_ =	swait.ge [sflag:s1], $0x400  }
0x7f: {  	[sflag:s1] =	ssyncset.done $0x0  }
0x80: {  	s14 =	simm.s32 $0x15280;
	s9 =	simm.s32 $0x0;
	[sflag:s1] =	ssyncadd.s32 $0xFFFFFC00  }
.LBB2_7:
0x81: {  	v4 =	vor.u32 s9, v2  }
0x82: {  	v3 =	vmul.u32 $0x70, v4  }
0x83: {  	v4 =	vshll.u32 v4, $0x4  }
0x84: {  	v5 =	vadd.s32 $0x68, v3;
	_ =	sdelay $0x3  }
0x85: {  	v7 =	vld.idx.msk [tilespmem:v4+s24+$0x0], $0xffff  }
0x86: {  	v6 =	vld.idx.msk [tilespmem:v5+s22+$0x0], $0xffff;
	_ =	sdelay $0x4  }
0x87: {  	v6 =	vadd.f32 v7, v6;
	_ =	sdelay $0x1  }
0x88: {  	v7 =	vmul.f32 $2.000000030e-01, v6  }
0x89: {  	vm0 =	vge.f32 v6, $0.0e+00  }
0x8a: {  	v6 =	vsel vm0, v6, v7  }
0x8b: {  	v6 =	vmul.f32 $1.442695020e+00, v6;
	_ =	sdelay $0x1  }
0x8c: {  	(erf) = vpow2.f32 v6;
	_ =	sdelay $0x4  }
0x8d: {  	v8 =	vld [tilespmem:s14+$0x0];
	_ =	sdelay $0x2  }
0x8e: {  	v9 =	vadd.s32 $0x69, v3  }
0x8f: {  	v10 =	vor.u32 $0x1, v4;
	v6 =	vpop (erf)  }
0x90: {  	v60 =	vmul.f32 v6, v8;
	_ =	sdelay $0x1  }
0x91: {  	[tilespmem:v5+s0+$0x0] =	vst.idx.msk $0xffff, v60  }
0x92: {  	v5 =	vld.idx.msk [tilespmem:v9+s22+$0x0], $0xffff  }
0x93: {  	v61 =	vld.idx.msk [tilespmem:v10+s24+$0x0], $0xffff;
	_ =	sdelay $0x4  }
0x94: {  	v5 =	vadd.f32 v61, v5;
	_ =	sdelay $0x1  }
0x95: {  	v6 =	vmul.f32 $2.000000030e-01, v5  }
0x96: {  	vm13 =	vge.f32 v5, $0.0e+00  }
0x97: {  	v5 =	vsel vm13, v5, v6  }
0x98: {  	v5 =	vmul.f32 $1.442695020e+00, v5;
	_ =	sdelay $0x1  }
0x99: {  	(erf) = vpow2.f32 v5;
	_ =	sdelay $0x7  }
0x9a: {  	v62 =	vadd.s32 $0x6A, v3  }
0x9b: {  	v11 =	vor.u32 $0x2, v4;
	v5 =	vpop (erf)  }
0x9c: {  	v6 =	vmul.f32 v5, v8;
	_ =	sdelay $0x1  }
0x9d: {  	[tilespmem:v9+s0+$0x0] =	vst.idx.msk $0xffff, v6  }
0x9e: {  	v63 =	vld.idx.msk [tilespmem:v62+s22+$0x0], $0xffff  }
0x9f: {  	v9 =	vld.idx.msk [tilespmem:v11+s24+$0x0], $0xffff;
	_ =	sdelay $0x4  }
0xa0: {  	v5 =	vadd.f32 v9, v63;
	_ =	sdelay $0x1  }
0xa1: {  	v9 =	vmul.f32 $2.000000030e-01, v5  }
0xa2: {  	vm14 =	vge.f32 v5, $0.0e+00  }
0xa3: {  	v5 =	vsel vm14, v5, v9  }
0xa4: {  	v5 =	vmul.f32 $1.442695020e+00, v5;
	_ =	sdelay $0x1  }
0xa5: {  	(erf) = vpow2.f32 v5;
	_ =	sdelay $0x7  }
0xa6: {  	v12 =	vadd.s32 $0x6B, v3  }
0xa7: {  	v4 =	vor.u32 $0x3, v4;
	v5 =	vpop (erf)  }
0xa8: {  	v5 =	vmul.f32 v5, v8;
	_ =	sdelay $0x1  }
0xa9: {  	[tilespmem:v62+s0+$0x0] =	vst.idx.msk $0xffff, v5  }
0xaa: {  	v10 =	vld.idx.msk [tilespmem:v12+s22+$0x0], $0xffff  }
0xab: {  	v4 =	vld.idx.msk [tilespmem:v4+s24+$0x0], $0xffff;
	_ =	sdelay $0x4  }
0xac: {  	v4 =	vadd.f32 v4, v10;
	_ =	sdelay $0x1  }
0xad: {  	v10 =	vmul.f32 $2.000000030e-01, v4  }
0xae: {  	vm15 =	vge.f32 v4, $0.0e+00  }
0xaf: {  	v4 =	vsel vm15, v4, v10  }
0xb0: {  	v4 =	vmul.f32 $1.442695020e+00, v4;
	_ =	sdelay $0x1  }
0xb1: {  	(erf) = vpow2.f32 v4;
	_ =	sdelay $0x8  }
0xb2: {  	v4 =	vpop (erf)  }
0xb3: {  	v4 =	vmul.f32 v4, v8;
	_ =	sdelay $0x1  }
0xb4: {  	[tilespmem:v12+s0+$0x0] =	vst.idx.msk $0xffff, v4  }
0xb5: {  	v13 =	vld.idx.msk [tilespmem:v3+s22+$0x0], $0xffff;
	_ =	sdelay $0x2  }
0xb6: {  	v14 =	vor.u32 $0x1, v3;
	_ =	sdelay $0x1  }
0xb7: {  	v8 =	vmul.f32 v13, v60;
	_ =	sdelay $0x1  }
0xb8: {  	[tilespmem:v3+s0+$0x0] =	vst.idx.msk $0xffff, v8  }
0xb9: {  	v8 =	vld.idx.msk [tilespmem:v14+s22+$0x0], $0xffff;
	_ =	sdelay $0x2  }
0xba: {  	v15 =	vor.u32 $0x2, v3;
	_ =	sdelay $0x1  }
0xbb: {  	v8 =	vmul.f32 v8, v60;
	_ =	sdelay $0x1  }
0xbc: {  	[tilespmem:v14+s0+$0x0] =	vst.idx.msk $0xffff, v8  }
0xbd: {  	v8 =	vld.idx.msk [tilespmem:v15+s22+$0x0], $0xffff;
	_ =	sdelay $0x2  }
0xbe: {  	v16 =	vor.u32 $0x3, v3;
	_ =	sdelay $0x1  }
0xbf: {  	v8 =	vmul.f32 v8, v60;
	_ =	sdelay $0x1  }
0xc0: {  	[tilespmem:v15+s0+$0x0] =	vst.idx.msk $0xffff, v8  }
0xc1: {  	v8 =	vld.idx.msk [tilespmem:v16+s22+$0x0], $0xffff;
	_ =	sdelay $0x2  }
0xc2: {  	v17 =	vor.u32 $0x4, v3;
	_ =	sdelay $0x1  }
0xc3: {  	v8 =	vmul.f32 v8, v60;
	_ =	sdelay $0x1  }
0xc4: {  	[tilespmem:v16+s0+$0x0] =	vst.idx.msk $0xffff, v8  }
0xc5: {  	v8 =	vld.idx.msk [tilespmem:v17+s22+$0x0], $0xffff;
	_ =	sdelay $0x2  }
0xc6: {  	v18 =	vor.u32 $0x5, v3;
	_ =	sdelay $0x1  }
0xc7: {  	v8 =	vmul.f32 v8, v60;
	_ =	sdelay $0x1  }
0xc8: {  	[tilespmem:v17+s0+$0x0] =	vst.idx.msk $0xffff, v8  }
0xc9: {  	v8 =	vld.idx.msk [tilespmem:v18+s22+$0x0], $0xffff;
	_ =	sdelay $0x2  }
0xca: {  	v19 =	vor.u32 $0x6, v3;
	_ =	sdelay $0x1  }
0xcb: {  	v8 =	vmul.f32 v8, v60;
	_ =	sdelay $0x1  }
0xcc: {  	[tilespmem:v18+s0+$0x0] =	vst.idx.msk $0xffff, v8  }
0xcd: {  	v8 =	vld.idx.msk [tilespmem:v19+s22+$0x0], $0xffff;
	_ =	sdelay $0x2  }
0xce: {  	v20 =	vor.u32 $0x7, v3;
	_ =	sdelay $0x1  }
0xcf: {  	v8 =	vmul.f32 v8, v60;
	_ =	sdelay $0x1  }
0xd0: {  	[tilespmem:v19+s0+$0x0] =	vst.idx.msk $0xffff, v8  }
0xd1: {  	v8 =	vld.idx.msk [tilespmem:v20+s22+$0x0], $0xffff;
	_ =	sdelay $0x2  }
0xd2: {  	v21 =	vor.u32 $0x8, v3;
	_ =	sdelay $0x1  }
0xd3: {  	v8 =	vmul.f32 v8, v60;
	_ =	sdelay $0x1  }
0xd4: {  	[tilespmem:v20+s0+$0x0] =	vst.idx.msk $0xffff, v8  }
0xd5: {  	v8 =	vld.idx.msk [tilespmem:v21+s22+$0x0], $0xffff;
	_ =	sdelay $0x2  }
0xd6: {  	v22 =	vor.u32 $0x9, v3;
	_ =	sdelay $0x1  }
0xd7: {  	v8 =	vmul.f32 v8, v60;
	_ =	sdelay $0x1  }
0xd8: {  	[tilespmem:v21+s0+$0x0] =	vst.idx.msk $0xffff, v8  }
0xd9: {  	v8 =	vld.idx.msk [tilespmem:v22+s22+$0x0], $0xffff;
	_ =	sdelay $0x2  }
0xda: {  	v23 =	vor.u32 $0xA, v3;
	_ =	sdelay $0x1  }
0xdb: {  	v8 =	vmul.f32 v8, v60;
	_ =	sdelay $0x1  }
0xdc: {  	[tilespmem:v22+s0+$0x0] =	vst.idx.msk $0xffff, v8  }
0xdd: {  	v8 =	vld.idx.msk [tilespmem:v23+s22+$0x0], $0xffff;
	_ =	sdelay $0x2  }
0xde: {  	v24 =	vor.u32 $0xB, v3;
	_ =	sdelay $0x1  }
0xdf: {  	v8 =	vmul.f32 v8, v60;
	_ =	sdelay $0x1  }
0xe0: {  	[tilespmem:v23+s0+$0x0] =	vst.idx.msk $0xffff, v8  }
0xe1: {  	v8 =	vld.idx.msk [tilespmem:v24+s22+$0x0], $0xffff;
	_ =	sdelay $0x2  }
0xe2: {  	v25 =	vor.u32 $0xC, v3;
	_ =	sdelay $0x1  }
0xe3: {  	v8 =	vmul.f32 v8, v60;
	_ =	sdelay $0x1  }
0xe4: {  	[tilespmem:v24+s0+$0x0] =	vst.idx.msk $0xffff, v8  }
0xe5: {  	v8 =	vld.idx.msk [tilespmem:v25+s22+$0x0], $0xffff;
	_ =	sdelay $0x2  }
0xe6: {  	v26 =	vor.u32 $0xD, v3;
	_ =	sdelay $0x1  }
0xe7: {  	v8 =	vmul.f32 v8, v60;
	_ =	sdelay $0x1  }
0xe8: {  	[tilespmem:v25+s0+$0x0] =	vst.idx.msk $0xffff, v8  }
0xe9: {  	v8 =	vld.idx.msk [tilespmem:v26+s22+$0x0], $0xffff;
	_ =	sdelay $0x2  }
0xea: {  	v27 =	vor.u32 $0xE, v3;
	_ =	sdelay $0x1  }
0xeb: {  	v8 =	vmul.f32 v8, v60;
	_ =	sdelay $0x1  }
0xec: {  	[tilespmem:v26+s0+$0x0] =	vst.idx.msk $0xffff, v8  }
0xed: {  	v8 =	vld.idx.msk [tilespmem:v27+s22+$0x0], $0xffff;
	_ =	sdelay $0x2  }
0xee: {  	v28 =	vor.u32 $0xF, v3;
	_ =	sdelay $0x1  }
0xef: {  	v8 =	vmul.f32 v8, v60;
	_ =	sdelay $0x1  }
0xf0: {  	[tilespmem:v27+s0+$0x0] =	vst.idx.msk $0xffff, v8  }
0xf1: {  	v8 =	vld.idx.msk [tilespmem:v28+s22+$0x0], $0xffff;
	_ =	sdelay $0x2  }
0xf2: {  	v29 =	vadd.s32 $0x10, v3;
	_ =	sdelay $0x1  }
0xf3: {  	v8 =	vmul.f32 v8, v60;
	_ =	sdelay $0x1  }
0xf4: {  	[tilespmem:v28+s0+$0x0] =	vst.idx.msk $0xffff, v8  }
0xf5: {  	v8 =	vld.idx.msk [tilespmem:v29+s22+$0x0], $0xffff;
	_ =	sdelay $0x2  }
0xf6: {  	v30 =	vadd.s32 $0x11, v3;
	_ =	sdelay $0x1  }
0xf7: {  	v8 =	vmul.f32 v8, v60;
	_ =	sdelay $0x1  }
0xf8: {  	[tilespmem:v29+s0+$0x0] =	vst.idx.msk $0xffff, v8  }
0xf9: {  	v8 =	vld.idx.msk [tilespmem:v30+s22+$0x0], $0xffff;
	_ =	sdelay $0x2  }
0xfa: {  	v31 =	vadd.s32 $0x12, v3;
	_ =	sdelay $0x1  }
0xfb: {  	v8 =	vmul.f32 v8, v60;
	_ =	sdelay $0x1  }
0xfc: {  	[tilespmem:v30+s0+$0x0] =	vst.idx.msk $0xffff, v8  }
0xfd: {  	v8 =	vld.idx.msk [tilespmem:v31+s22+$0x0], $0xffff;
	_ =	sdelay $0x2  }
0xfe: {  	v32 =	vadd.s32 $0x13, v3;
	_ =	sdelay $0x1  }
0xff: {  	v8 =	vmul.f32 v8, v60;
	_ =	sdelay $0x1  }
0x100: {  	[tilespmem:v31+s0+$0x0] =	vst.idx.msk $0xffff, v8  }
0x101: {  	v8 =	vld.idx.msk [tilespmem:v32+s22+$0x0], $0xffff;
	_ =	sdelay $0x2  }
0x102: {  	v33 =	vadd.s32 $0x14, v3;
	_ =	sdelay $0x1  }
0x103: {  	v8 =	vmul.f32 v8, v60;
	_ =	sdelay $0x1  }
0x104: {  	[tilespmem:v32+s0+$0x0] =	vst.idx.msk $0xffff, v8  }
0x105: {  	v8 =	vld.idx.msk [tilespmem:v33+s22+$0x0], $0xffff;
	_ =	sdelay $0x2  }
0x106: {  	v34 =	vadd.s32 $0x15, v3;
	_ =	sdelay $0x1  }
0x107: {  	v8 =	vmul.f32 v8, v60;
	_ =	sdelay $0x1  }
0x108: {  	[tilespmem:v33+s0+$0x0] =	vst.idx.msk $0xffff, v8  }
0x109: {  	v8 =	vld.idx.msk [tilespmem:v34+s22+$0x0], $0xffff;
	_ =	sdelay $0x2  }
0x10a: {  	v35 =	vadd.s32 $0x16, v3;
	_ =	sdelay $0x1  }
0x10b: {  	v8 =	vmul.f32 v8, v60;
	_ =	sdelay $0x1  }
0x10c: {  	[tilespmem:v34+s0+$0x0] =	vst.idx.msk $0xffff, v8  }
0x10d: {  	v8 =	vld.idx.msk [tilespmem:v35+s22+$0x0], $0xffff;
	_ =	sdelay $0x2  }
0x10e: {  	v36 =	vadd.s32 $0x17, v3;
	_ =	sdelay $0x1  }
0x10f: {  	v8 =	vmul.f32 v8, v60;
	_ =	sdelay $0x1  }
0x110: {  	[tilespmem:v35+s0+$0x0] =	vst.idx.msk $0xffff, v8  }
0x111: {  	v8 =	vld.idx.msk [tilespmem:v36+s22+$0x0], $0xffff;
	_ =	sdelay $0x2  }
0x112: {  	v37 =	vadd.s32 $0x18, v3;
	_ =	sdelay $0x1  }
0x113: {  	v8 =	vmul.f32 v8, v60;
	_ =	sdelay $0x1  }
0x114: {  	[tilespmem:v36+s0+$0x0] =	vst.idx.msk $0xffff, v8  }
0x115: {  	v8 =	vld.idx.msk [tilespmem:v37+s22+$0x0], $0xffff;
	_ =	sdelay $0x2  }
0x116: {  	v38 =	vadd.s32 $0x19, v3;
	_ =	sdelay $0x1  }
0x117: {  	v8 =	vmul.f32 v8, v60;
	_ =	sdelay $0x1  }
0x118: {  	[tilespmem:v37+s0+$0x0] =	vst.idx.msk $0xffff, v8  }
0x119: {  	v8 =	vld.idx.msk [tilespmem:v38+s22+$0x0], $0xffff;
	_ =	sdelay $0x2  }
0x11a: {  	v39 =	vadd.s32 $0x1A, v3;
	_ =	sdelay $0x1  }
0x11b: {  	v7 =	vmul.f32 v8, v60;
	_ =	sdelay $0x1  }
0x11c: {  	[tilespmem:v38+s0+$0x0] =	vst.idx.msk $0xffff, v7  }
0x11d: {  	v7 =	vld.idx.msk [tilespmem:v39+s22+$0x0], $0xffff;
	_ =	sdelay $0x2  }
0x11e: {  	v40 =	vadd.s32 $0x1B, v3;
	_ =	sdelay $0x1  }
0x11f: {  	v7 =	vmul.f32 v7, v6;
	_ =	sdelay $0x1  }
0x120: {  	[tilespmem:v39+s0+$0x0] =	vst.idx.msk $0xffff, v7  }
0x121: {  	v7 =	vld.idx.msk [tilespmem:v40+s22+$0x0], $0xffff;
	_ =	sdelay $0x2  }
0x122: {  	v41 =	vadd.s32 $0x1C, v3;
	_ =	sdelay $0x1  }
0x123: {  	v7 =	vmul.f32 v7, v6;
	_ =	sdelay $0x1  }
0x124: {  	[tilespmem:v40+s0+$0x0] =	vst.idx.msk $0xffff, v7  }
0x125: {  	v7 =	vld.idx.msk [tilespmem:v41+s22+$0x0], $0xffff;
	_ =	sdelay $0x2  }
0x126: {  	v42 =	vadd.s32 $0x1D, v3;
	_ =	sdelay $0x1  }
0x127: {  	v7 =	vmul.f32 v7, v6;
	_ =	sdelay $0x1  }
0x128: {  	[tilespmem:v41+s0+$0x0] =	vst.idx.msk $0xffff, v7  }
0x129: {  	v7 =	vld.idx.msk [tilespmem:v42+s22+$0x0], $0xffff;
	_ =	sdelay $0x2  }
0x12a: {  	v43 =	vadd.s32 $0x1E, v3;
	_ =	sdelay $0x1  }
0x12b: {  	v7 =	vmul.f32 v7, v6;
	_ =	sdelay $0x1  }
0x12c: {  	[tilespmem:v42+s0+$0x0] =	vst.idx.msk $0xffff, v7  }
0x12d: {  	v7 =	vld.idx.msk [tilespmem:v43+s22+$0x0], $0xffff;
	_ =	sdelay $0x2  }
0x12e: {  	v44 =	vadd.s32 $0x1F, v3;
	_ =	sdelay $0x1  }
0x12f: {  	v7 =	vmul.f32 v7, v6;
	_ =	sdelay $0x1  }
0x130: {  	[tilespmem:v43+s0+$0x0] =	vst.idx.msk $0xffff, v7  }
0x131: {  	v7 =	vld.idx.msk [tilespmem:v44+s22+$0x0], $0xffff;
	_ =	sdelay $0x2  }
0x132: {  	v45 =	vadd.s32 $0x20, v3;
	_ =	sdelay $0x1  }
0x133: {  	v7 =	vmul.f32 v7, v6;
	_ =	sdelay $0x1  }
0x134: {  	[tilespmem:v44+s0+$0x0] =	vst.idx.msk $0xffff, v7  }
0x135: {  	v7 =	vld.idx.msk [tilespmem:v45+s22+$0x0], $0xffff;
	_ =	sdelay $0x2  }
0x136: {  	v46 =	vadd.s32 $0x21, v3;
	_ =	sdelay $0x1  }
0x137: {  	v7 =	vmul.f32 v7, v6;
	_ =	sdelay $0x1  }
0x138: {  	[tilespmem:v45+s0+$0x0] =	vst.idx.msk $0xffff, v7  }
0x139: {  	v7 =	vld.idx.msk [tilespmem:v46+s22+$0x0], $0xffff;
	_ =	sdelay $0x2  }
0x13a: {  	v47 =	vadd.s32 $0x22, v3;
	_ =	sdelay $0x1  }
0x13b: {  	v7 =	vmul.f32 v7, v6;
	_ =	sdelay $0x1  }
0x13c: {  	[tilespmem:v46+s0+$0x0] =	vst.idx.msk $0xffff, v7  }
0x13d: {  	v7 =	vld.idx.msk [tilespmem:v47+s22+$0x0], $0xffff;
	_ =	sdelay $0x2  }
0x13e: {  	v48 =	vadd.s32 $0x23, v3;
	_ =	sdelay $0x1  }
0x13f: {  	v7 =	vmul.f32 v7, v6;
	_ =	sdelay $0x1  }
0x140: {  	[tilespmem:v47+s0+$0x0] =	vst.idx.msk $0xffff, v7  }
0x141: {  	v7 =	vld.idx.msk [tilespmem:v48+s22+$0x0], $0xffff;
	_ =	sdelay $0x2  }
0x142: {  	v49 =	vadd.s32 $0x24, v3;
	_ =	sdelay $0x1  }
0x143: {  	v7 =	vmul.f32 v7, v6;
	_ =	sdelay $0x1  }
0x144: {  	[tilespmem:v48+s0+$0x0] =	vst.idx.msk $0xffff, v7  }
0x145: {  	v7 =	vld.idx.msk [tilespmem:v49+s22+$0x0], $0xffff;
	_ =	sdelay $0x2  }
0x146: {  	v50 =	vadd.s32 $0x25, v3;
	_ =	sdelay $0x1  }
0x147: {  	v7 =	vmul.f32 v7, v6;
	_ =	sdelay $0x1  }
0x148: {  	[tilespmem:v49+s0+$0x0] =	vst.idx.msk $0xffff, v7  }
0x149: {  	v7 =	vld.idx.msk [tilespmem:v50+s22+$0x0], $0xffff;
	_ =	sdelay $0x2  }
0x14a: {  	v51 =	vadd.s32 $0x26, v3;
	_ =	sdelay $0x1  }
0x14b: {  	v7 =	vmul.f32 v7, v6;
	_ =	sdelay $0x1  }
0x14c: {  	[tilespmem:v50+s0+$0x0] =	vst.idx.msk $0xffff, v7  }
0x14d: {  	v7 =	vld.idx.msk [tilespmem:v51+s22+$0x0], $0xffff;
	_ =	sdelay $0x2  }
0x14e: {  	v52 =	vadd.s32 $0x27, v3;
	_ =	sdelay $0x1  }
0x14f: {  	v7 =	vmul.f32 v7, v6;
	_ =	sdelay $0x1  }
0x150: {  	[tilespmem:v51+s0+$0x0] =	vst.idx.msk $0xffff, v7  }
0x151: {  	v7 =	vld.idx.msk [tilespmem:v52+s22+$0x0], $0xffff;
	_ =	sdelay $0x2  }
0x152: {  	v53 =	vadd.s32 $0x28, v3;
	_ =	sdelay $0x1  }
0x153: {  	v7 =	vmul.f32 v7, v6;
	_ =	sdelay $0x1  }
0x154: {  	[tilespmem:v52+s0+$0x0] =	vst.idx.msk $0xffff, v7  }
0x155: {  	v7 =	vld.idx.msk [tilespmem:v53+s22+$0x0], $0xffff;
	_ =	sdelay $0x2  }
0x156: {  	v54 =	vadd.s32 $0x29, v3;
	_ =	sdelay $0x1  }
0x157: {  	v7 =	vmul.f32 v7, v6;
	_ =	sdelay $0x1  }
0x158: {  	[tilespmem:v53+s0+$0x0] =	vst.idx.msk $0xffff, v7  }
0x159: {  	v7 =	vld.idx.msk [tilespmem:v54+s22+$0x0], $0xffff;
	_ =	sdelay $0x2  }
0x15a: {  	v55 =	vadd.s32 $0x2A, v3;
	_ =	sdelay $0x1  }
0x15b: {  	v7 =	vmul.f32 v7, v6;
	_ =	sdelay $0x1  }
0x15c: {  	[tilespmem:v54+s0+$0x0] =	vst.idx.msk $0xffff, v7  }
0x15d: {  	v7 =	vld.idx.msk [tilespmem:v55+s22+$0x0], $0xffff;
	_ =	sdelay $0x2  }
0x15e: {  	v56 =	vadd.s32 $0x2B, v3;
	_ =	sdelay $0x1  }
0x15f: {  	v7 =	vmul.f32 v7, v6;
	_ =	sdelay $0x1  }
0x160: {  	[tilespmem:v55+s0+$0x0] =	vst.idx.msk $0xffff, v7  }
0x161: {  	v7 =	vld.idx.msk [tilespmem:v56+s22+$0x0], $0xffff;
	_ =	sdelay $0x2  }
0x162: {  	v57 =	vadd.s32 $0x2C, v3;
	_ =	sdelay $0x1  }
0x163: {  	v7 =	vmul.f32 v7, v6;
	_ =	sdelay $0x1  }
0x164: {  	[tilespmem:v56+s0+$0x0] =	vst.idx.msk $0xffff, v7  }
0x165: {  	v7 =	vld.idx.msk [tilespmem:v57+s22+$0x0], $0xffff;
	_ =	sdelay $0x2  }
0x166: {  	v58 =	vadd.s32 $0x2D, v3;
	_ =	sdelay $0x1  }
0x167: {  	v7 =	vmul.f32 v7, v6;
	_ =	sdelay $0x1  }
0x168: {  	[tilespmem:v57+s0+$0x0] =	vst.idx.msk $0xffff, v7  }
0x169: {  	v7 =	vld.idx.msk [tilespmem:v58+s22+$0x0], $0xffff;
	_ =	sdelay $0x2  }
0x16a: {  	v59 =	vadd.s32 $0x2E, v3;
	_ =	sdelay $0x1  }
0x16b: {  	v7 =	vmul.f32 v7, v6;
	_ =	sdelay $0x1  }
0x16c: {  	[tilespmem:v58+s0+$0x0] =	vst.idx.msk $0xffff, v7  }
0x16d: {  	v7 =	vld.idx.msk [tilespmem:v59+s22+$0x0], $0xffff;
	_ =	sdelay $0x2  }
0x16e: {  	v60 =	vadd.s32 $0x2F, v3;
	_ =	sdelay $0x1  }
0x16f: {  	v7 =	vmul.f32 v7, v6;
	_ =	sdelay $0x1  }
0x170: {  	[tilespmem:v59+s0+$0x0] =	vst.idx.msk $0xffff, v7  }
0x171: {  	v7 =	vld.idx.msk [tilespmem:v60+s22+$0x0], $0xffff;
	_ =	sdelay $0x2  }
0x172: {  	v61 =	vadd.s32 $0x30, v3;
	_ =	sdelay $0x1  }
0x173: {  	v7 =	vmul.f32 v7, v6;
	_ =	sdelay $0x1  }
0x174: {  	[tilespmem:v60+s0+$0x0] =	vst.idx.msk $0xffff, v7  }
0x175: {  	v7 =	vld.idx.msk [tilespmem:v61+s22+$0x0], $0xffff;
	_ =	sdelay $0x2  }
0x176: {  	v62 =	vadd.s32 $0x31, v3;
	_ =	sdelay $0x1  }
0x177: {  	v7 =	vmul.f32 v7, v6;
	_ =	sdelay $0x1  }
0x178: {  	[tilespmem:v61+s0+$0x0] =	vst.idx.msk $0xffff, v7  }
0x179: {  	v7 =	vld.idx.msk [tilespmem:v62+s22+$0x0], $0xffff;
	_ =	sdelay $0x2  }
0x17a: {  	v63 =	vadd.s32 $0x32, v3;
	_ =	sdelay $0x1  }
0x17b: {  	v7 =	vmul.f32 v7, v6;
	_ =	sdelay $0x1  }
0x17c: {  	[tilespmem:v62+s0+$0x0] =	vst.idx.msk $0xffff, v7  }
0x17d: {  	v7 =	vld.idx.msk [tilespmem:v63+s22+$0x0], $0xffff;
	_ =	sdelay $0x2  }
0x17e: {  	v12 =	vadd.s32 $0x33, v3;
	_ =	sdelay $0x1  }
0x17f: {  	v7 =	vmul.f32 v7, v6;
	_ =	sdelay $0x1  }
0x180: {  	[tilespmem:v63+s0+$0x0] =	vst.idx.msk $0xffff, v7  }
0x181: {  	v7 =	vld.idx.msk [tilespmem:v12+s22+$0x0], $0xffff;
	_ =	sdelay $0x2  }
0x182: {  	v13 =	vadd.s32 $0x34, v3;
	_ =	sdelay $0x1  }
0x183: {  	v6 =	vmul.f32 v7, v6;
	_ =	sdelay $0x1  }
0x184: {  	[tilespmem:v12+s0+$0x0] =	vst.idx.msk $0xffff, v6  }
0x185: {  	v6 =	vld.idx.msk [tilespmem:v13+s22+$0x0], $0xffff;
	_ =	sdelay $0x2  }
0x186: {  	v14 =	vadd.s32 $0x35, v3;
	_ =	sdelay $0x1  }
0x187: {  	v6 =	vmul.f32 v6, v5;
	_ =	sdelay $0x1  }
0x188: {  	[tilespmem:v13+s0+$0x0] =	vst.idx.msk $0xffff, v6  }
0x189: {  	v6 =	vld.idx.msk [tilespmem:v14+s22+$0x0], $0xffff;
	_ =	sdelay $0x2  }
0x18a: {  	v15 =	vadd.s32 $0x36, v3;
	_ =	sdelay $0x1  }
0x18b: {  	v6 =	vmul.f32 v6, v5;
	_ =	sdelay $0x1  }
0x18c: {  	[tilespmem:v14+s0+$0x0] =	vst.idx.msk $0xffff, v6  }
0x18d: {  	v6 =	vld.idx.msk [tilespmem:v15+s22+$0x0], $0xffff;
	_ =	sdelay $0x2  }
0x18e: {  	v16 =	vadd.s32 $0x37, v3;
	_ =	sdelay $0x1  }
0x18f: {  	v6 =	vmul.f32 v6, v5;
	_ =	sdelay $0x1  }
0x190: {  	[tilespmem:v15+s0+$0x0] =	vst.idx.msk $0xffff, v6  }
0x191: {  	v6 =	vld.idx.msk [tilespmem:v16+s22+$0x0], $0xffff;
	_ =	sdelay $0x2  }
0x192: {  	v17 =	vadd.s32 $0x38, v3;
	_ =	sdelay $0x1  }
0x193: {  	v6 =	vmul.f32 v6, v5;
	_ =	sdelay $0x1  }
0x194: {  	[tilespmem:v16+s0+$0x0] =	vst.idx.msk $0xffff, v6  }
0x195: {  	v6 =	vld.idx.msk [tilespmem:v17+s22+$0x0], $0xffff;
	_ =	sdelay $0x2  }
0x196: {  	v18 =	vadd.s32 $0x39, v3;
	_ =	sdelay $0x1  }
0x197: {  	v6 =	vmul.f32 v6, v5;
	_ =	sdelay $0x1  }
0x198: {  	[tilespmem:v17+s0+$0x0] =	vst.idx.msk $0xffff, v6  }
0x199: {  	v6 =	vld.idx.msk [tilespmem:v18+s22+$0x0], $0xffff;
	_ =	sdelay $0x2  }
0x19a: {  	v19 =	vadd.s32 $0x3A, v3;
	_ =	sdelay $0x1  }
0x19b: {  	v6 =	vmul.f32 v6, v5;
	_ =	sdelay $0x1  }
0x19c: {  	[tilespmem:v18+s0+$0x0] =	vst.idx.msk $0xffff, v6  }
0x19d: {  	v6 =	vld.idx.msk [tilespmem:v19+s22+$0x0], $0xffff;
	_ =	sdelay $0x2  }
0x19e: {  	v20 =	vadd.s32 $0x3B, v3;
	_ =	sdelay $0x1  }
0x19f: {  	v6 =	vmul.f32 v6, v5;
	_ =	sdelay $0x1  }
0x1a0: {  	[tilespmem:v19+s0+$0x0] =	vst.idx.msk $0xffff, v6  }
0x1a1: {  	v6 =	vld.idx.msk [tilespmem:v20+s22+$0x0], $0xffff;
	_ =	sdelay $0x2  }
0x1a2: {  	v21 =	vadd.s32 $0x3C, v3;
	_ =	sdelay $0x1  }
0x1a3: {  	v6 =	vmul.f32 v6, v5;
	_ =	sdelay $0x1  }
0x1a4: {  	[tilespmem:v20+s0+$0x0] =	vst.idx.msk $0xffff, v6  }
0x1a5: {  	v6 =	vld.idx.msk [tilespmem:v21+s22+$0x0], $0xffff;
	_ =	sdelay $0x2  }
0x1a6: {  	v22 =	vadd.s32 $0x3D, v3;
	_ =	sdelay $0x1  }
0x1a7: {  	v6 =	vmul.f32 v6, v5;
	_ =	sdelay $0x1  }
0x1a8: {  	[tilespmem:v21+s0+$0x0] =	vst.idx.msk $0xffff, v6  }
0x1a9: {  	v6 =	vld.idx.msk [tilespmem:v22+s22+$0x0], $0xffff;
	_ =	sdelay $0x2  }
0x1aa: {  	v23 =	vadd.s32 $0x3E, v3;
	_ =	sdelay $0x1  }
0x1ab: {  	v6 =	vmul.f32 v6, v5;
	_ =	sdelay $0x1  }
0x1ac: {  	[tilespmem:v22+s0+$0x0] =	vst.idx.msk $0xffff, v6  }
0x1ad: {  	v6 =	vld.idx.msk [tilespmem:v23+s22+$0x0], $0xffff;
	_ =	sdelay $0x2  }
0x1ae: {  	v24 =	vadd.s32 $0x3F, v3;
	_ =	sdelay $0x1  }
0x1af: {  	v6 =	vmul.f32 v6, v5;
	_ =	sdelay $0x1  }
0x1b0: {  	[tilespmem:v23+s0+$0x0] =	vst.idx.msk $0xffff, v6  }
0x1b1: {  	v6 =	vld.idx.msk [tilespmem:v24+s22+$0x0], $0xffff;
	_ =	sdelay $0x2  }
0x1b2: {  	v25 =	vadd.s32 $0x40, v3;
	_ =	sdelay $0x1  }
0x1b3: {  	v6 =	vmul.f32 v6, v5;
	_ =	sdelay $0x1  }
0x1b4: {  	[tilespmem:v24+s0+$0x0] =	vst.idx.msk $0xffff, v6  }
0x1b5: {  	v6 =	vld.idx.msk [tilespmem:v25+s22+$0x0], $0xffff;
	_ =	sdelay $0x2  }
0x1b6: {  	v26 =	vadd.s32 $0x41, v3;
	_ =	sdelay $0x1  }
0x1b7: {  	v6 =	vmul.f32 v6, v5;
	_ =	sdelay $0x1  }
0x1b8: {  	[tilespmem:v25+s0+$0x0] =	vst.idx.msk $0xffff, v6  }
0x1b9: {  	v6 =	vld.idx.msk [tilespmem:v26+s22+$0x0], $0xffff;
	_ =	sdelay $0x2  }
0x1ba: {  	v27 =	vadd.s32 $0x42, v3;
	_ =	sdelay $0x1  }
0x1bb: {  	v6 =	vmul.f32 v6, v5;
	_ =	sdelay $0x1  }
0x1bc: {  	[tilespmem:v26+s0+$0x0] =	vst.idx.msk $0xffff, v6  }
0x1bd: {  	v6 =	vld.idx.msk [tilespmem:v27+s22+$0x0], $0xffff;
	_ =	sdelay $0x2  }
0x1be: {  	v28 =	vadd.s32 $0x43, v3;
	_ =	sdelay $0x1  }
0x1bf: {  	v6 =	vmul.f32 v6, v5;
	_ =	sdelay $0x1  }
0x1c0: {  	[tilespmem:v27+s0+$0x0] =	vst.idx.msk $0xffff, v6  }
0x1c1: {  	v6 =	vld.idx.msk [tilespmem:v28+s22+$0x0], $0xffff;
	_ =	sdelay $0x2  }
0x1c2: {  	v29 =	vadd.s32 $0x44, v3;
	_ =	sdelay $0x1  }
0x1c3: {  	v6 =	vmul.f32 v6, v5;
	_ =	sdelay $0x1  }
0x1c4: {  	[tilespmem:v28+s0+$0x0] =	vst.idx.msk $0xffff, v6  }
0x1c5: {  	v6 =	vld.idx.msk [tilespmem:v29+s22+$0x0], $0xffff;
	_ =	sdelay $0x2  }
0x1c6: {  	v30 =	vadd.s32 $0x45, v3;
	_ =	sdelay $0x1  }
0x1c7: {  	v6 =	vmul.f32 v6, v5;
	_ =	sdelay $0x1  }
0x1c8: {  	[tilespmem:v29+s0+$0x0] =	vst.idx.msk $0xffff, v6  }
0x1c9: {  	v6 =	vld.idx.msk [tilespmem:v30+s22+$0x0], $0xffff;
	_ =	sdelay $0x2  }
0x1ca: {  	v31 =	vadd.s32 $0x46, v3;
	_ =	sdelay $0x1  }
0x1cb: {  	v6 =	vmul.f32 v6, v5;
	_ =	sdelay $0x1  }
0x1cc: {  	[tilespmem:v30+s0+$0x0] =	vst.idx.msk $0xffff, v6  }
0x1cd: {  	v6 =	vld.idx.msk [tilespmem:v31+s22+$0x0], $0xffff;
	_ =	sdelay $0x2  }
0x1ce: {  	v32 =	vadd.s32 $0x47, v3;
	_ =	sdelay $0x1  }
0x1cf: {  	v6 =	vmul.f32 v6, v5;
	_ =	sdelay $0x1  }
0x1d0: {  	[tilespmem:v31+s0+$0x0] =	vst.idx.msk $0xffff, v6  }
0x1d1: {  	v6 =	vld.idx.msk [tilespmem:v32+s22+$0x0], $0xffff;
	_ =	sdelay $0x2  }
0x1d2: {  	v33 =	vadd.s32 $0x48, v3;
	_ =	sdelay $0x1  }
0x1d3: {  	v6 =	vmul.f32 v6, v5;
	_ =	sdelay $0x1  }
0x1d4: {  	[tilespmem:v32+s0+$0x0] =	vst.idx.msk $0xffff, v6  }
0x1d5: {  	v6 =	vld.idx.msk [tilespmem:v33+s22+$0x0], $0xffff;
	_ =	sdelay $0x2  }
0x1d6: {  	v34 =	vadd.s32 $0x49, v3;
	_ =	sdelay $0x1  }
0x1d7: {  	v6 =	vmul.f32 v6, v5;
	_ =	sdelay $0x1  }
0x1d8: {  	[tilespmem:v33+s0+$0x0] =	vst.idx.msk $0xffff, v6  }
0x1d9: {  	v6 =	vld.idx.msk [tilespmem:v34+s22+$0x0], $0xffff;
	_ =	sdelay $0x2  }
0x1da: {  	v35 =	vadd.s32 $0x4A, v3;
	_ =	sdelay $0x1  }
0x1db: {  	v6 =	vmul.f32 v6, v5;
	_ =	sdelay $0x1  }
0x1dc: {  	[tilespmem:v34+s0+$0x0] =	vst.idx.msk $0xffff, v6  }
0x1dd: {  	v6 =	vld.idx.msk [tilespmem:v35+s22+$0x0], $0xffff;
	_ =	sdelay $0x2  }
0x1de: {  	v36 =	vadd.s32 $0x4B, v3;
	_ =	sdelay $0x1  }
0x1df: {  	v6 =	vmul.f32 v6, v5;
	_ =	sdelay $0x1  }
0x1e0: {  	[tilespmem:v35+s0+$0x0] =	vst.idx.msk $0xffff, v6  }
0x1e1: {  	v6 =	vld.idx.msk [tilespmem:v36+s22+$0x0], $0xffff;
	_ =	sdelay $0x2  }
0x1e2: {  	v37 =	vadd.s32 $0x4C, v3;
	_ =	sdelay $0x1  }
0x1e3: {  	v6 =	vmul.f32 v6, v5;
	_ =	sdelay $0x1  }
0x1e4: {  	[tilespmem:v36+s0+$0x0] =	vst.idx.msk $0xffff, v6  }
0x1e5: {  	v6 =	vld.idx.msk [tilespmem:v37+s22+$0x0], $0xffff;
	_ =	sdelay $0x2  }
0x1e6: {  	v38 =	vadd.s32 $0x4D, v3;
	_ =	sdelay $0x1  }
0x1e7: {  	v6 =	vmul.f32 v6, v5;
	_ =	sdelay $0x1  }
0x1e8: {  	[tilespmem:v37+s0+$0x0] =	vst.idx.msk $0xffff, v6  }
0x1e9: {  	v6 =	vld.idx.msk [tilespmem:v38+s22+$0x0], $0xffff;
	_ =	sdelay $0x2  }
0x1ea: {  	v39 =	vadd.s32 $0x4E, v3;
	_ =	sdelay $0x1  }
0x1eb: {  	v5 =	vmul.f32 v6, v5;
	_ =	sdelay $0x1  }
0x1ec: {  	[tilespmem:v38+s0+$0x0] =	vst.idx.msk $0xffff, v5  }
0x1ed: {  	v5 =	vld.idx.msk [tilespmem:v39+s22+$0x0], $0xffff;
	_ =	sdelay $0x2  }
0x1ee: {  	v40 =	vadd.s32 $0x4F, v3;
	_ =	sdelay $0x1  }
0x1ef: {  	v5 =	vmul.f32 v5, v4;
	_ =	sdelay $0x1  }
0x1f0: {  	[tilespmem:v39+s0+$0x0] =	vst.idx.msk $0xffff, v5  }
0x1f1: {  	v5 =	vld.idx.msk [tilespmem:v40+s22+$0x0], $0xffff;
	_ =	sdelay $0x2  }
0x1f2: {  	v41 =	vadd.s32 $0x50, v3;
	_ =	sdelay $0x1  }
0x1f3: {  	v5 =	vmul.f32 v5, v4;
	_ =	sdelay $0x1  }
0x1f4: {  	[tilespmem:v40+s0+$0x0] =	vst.idx.msk $0xffff, v5  }
0x1f5: {  	v5 =	vld.idx.msk [tilespmem:v41+s22+$0x0], $0xffff;
	_ =	sdelay $0x2  }
0x1f6: {  	v42 =	vadd.s32 $0x51, v3;
	_ =	sdelay $0x1  }
0x1f7: {  	v5 =	vmul.f32 v5, v4;
	_ =	sdelay $0x1  }
0x1f8: {  	[tilespmem:v41+s0+$0x0] =	vst.idx.msk $0xffff, v5  }
0x1f9: {  	v5 =	vld.idx.msk [tilespmem:v42+s22+$0x0], $0xffff;
	_ =	sdelay $0x2  }
0x1fa: {  	v43 =	vadd.s32 $0x52, v3;
	_ =	sdelay $0x1  }
0x1fb: {  	v5 =	vmul.f32 v5, v4;
	_ =	sdelay $0x1  }
0x1fc: {  	[tilespmem:v42+s0+$0x0] =	vst.idx.msk $0xffff, v5  }
0x1fd: {  	v5 =	vld.idx.msk [tilespmem:v43+s22+$0x0], $0xffff;
	_ =	sdelay $0x2  }
0x1fe: {  	v44 =	vadd.s32 $0x53, v3;
	_ =	sdelay $0x1  }
0x1ff: {  	v5 =	vmul.f32 v5, v4;
	_ =	sdelay $0x1  }
0x200: {  	[tilespmem:v43+s0+$0x0] =	vst.idx.msk $0xffff, v5  }
0x201: {  	v5 =	vld.idx.msk [tilespmem:v44+s22+$0x0], $0xffff;
	_ =	sdelay $0x2  }
0x202: {  	v45 =	vadd.s32 $0x54, v3;
	_ =	sdelay $0x1  }
0x203: {  	v5 =	vmul.f32 v5, v4;
	_ =	sdelay $0x1  }
0x204: {  	[tilespmem:v44+s0+$0x0] =	vst.idx.msk $0xffff, v5  }
0x205: {  	v5 =	vld.idx.msk [tilespmem:v45+s22+$0x0], $0xffff;
	_ =	sdelay $0x2  }
0x206: {  	v46 =	vadd.s32 $0x55, v3;
	_ =	sdelay $0x1  }
0x207: {  	v5 =	vmul.f32 v5, v4;
	_ =	sdelay $0x1  }
0x208: {  	[tilespmem:v45+s0+$0x0] =	vst.idx.msk $0xffff, v5  }
0x209: {  	v5 =	vld.idx.msk [tilespmem:v46+s22+$0x0], $0xffff;
	_ =	sdelay $0x2  }
0x20a: {  	v47 =	vadd.s32 $0x56, v3;
	_ =	sdelay $0x1  }
0x20b: {  	v5 =	vmul.f32 v5, v4;
	_ =	sdelay $0x1  }
0x20c: {  	[tilespmem:v46+s0+$0x0] =	vst.idx.msk $0xffff, v5  }
0x20d: {  	v5 =	vld.idx.msk [tilespmem:v47+s22+$0x0], $0xffff;
	_ =	sdelay $0x2  }
0x20e: {  	v48 =	vadd.s32 $0x57, v3;
	_ =	sdelay $0x1  }
0x20f: {  	v5 =	vmul.f32 v5, v4;
	_ =	sdelay $0x1  }
0x210: {  	[tilespmem:v47+s0+$0x0] =	vst.idx.msk $0xffff, v5  }
0x211: {  	v5 =	vld.idx.msk [tilespmem:v48+s22+$0x0], $0xffff;
	_ =	sdelay $0x2  }
0x212: {  	v49 =	vadd.s32 $0x58, v3;
	_ =	sdelay $0x1  }
0x213: {  	v5 =	vmul.f32 v5, v4;
	_ =	sdelay $0x1  }
0x214: {  	[tilespmem:v48+s0+$0x0] =	vst.idx.msk $0xffff, v5  }
0x215: {  	v5 =	vld.idx.msk [tilespmem:v49+s22+$0x0], $0xffff;
	_ =	sdelay $0x2  }
0x216: {  	v50 =	vadd.s32 $0x59, v3;
	_ =	sdelay $0x1  }
0x217: {  	v5 =	vmul.f32 v5, v4;
	_ =	sdelay $0x1  }
0x218: {  	[tilespmem:v49+s0+$0x0] =	vst.idx.msk $0xffff, v5  }
0x219: {  	v5 =	vld.idx.msk [tilespmem:v50+s22+$0x0], $0xffff;
	_ =	sdelay $0x2  }
0x21a: {  	v51 =	vadd.s32 $0x5A, v3;
	_ =	sdelay $0x1  }
0x21b: {  	v5 =	vmul.f32 v5, v4;
	_ =	sdelay $0x1  }
0x21c: {  	[tilespmem:v50+s0+$0x0] =	vst.idx.msk $0xffff, v5  }
0x21d: {  	v5 =	vld.idx.msk [tilespmem:v51+s22+$0x0], $0xffff;
	_ =	sdelay $0x2  }
0x21e: {  	v52 =	vadd.s32 $0x5B, v3;
	_ =	sdelay $0x1  }
0x21f: {  	v5 =	vmul.f32 v5, v4;
	_ =	sdelay $0x1  }
0x220: {  	[tilespmem:v51+s0+$0x0] =	vst.idx.msk $0xffff, v5  }
0x221: {  	v5 =	vld.idx.msk [tilespmem:v52+s22+$0x0], $0xffff;
	_ =	sdelay $0x2  }
0x222: {  	v53 =	vadd.s32 $0x5C, v3;
	_ =	sdelay $0x1  }
0x223: {  	v5 =	vmul.f32 v5, v4;
	_ =	sdelay $0x1  }
0x224: {  	[tilespmem:v52+s0+$0x0] =	vst.idx.msk $0xffff, v5  }
0x225: {  	v5 =	vld.idx.msk [tilespmem:v53+s22+$0x0], $0xffff;
	_ =	sdelay $0x2  }
0x226: {  	v54 =	vadd.s32 $0x5D, v3;
	_ =	sdelay $0x1  }
0x227: {  	v5 =	vmul.f32 v5, v4;
	_ =	sdelay $0x1  }
0x228: {  	[tilespmem:v53+s0+$0x0] =	vst.idx.msk $0xffff, v5  }
0x229: {  	v5 =	vld.idx.msk [tilespmem:v54+s22+$0x0], $0xffff;
	_ =	sdelay $0x2  }
0x22a: {  	v55 =	vadd.s32 $0x5E, v3;
	_ =	sdelay $0x1  }
0x22b: {  	v5 =	vmul.f32 v5, v4;
	_ =	sdelay $0x1  }
0x22c: {  	[tilespmem:v54+s0+$0x0] =	vst.idx.msk $0xffff, v5  }
0x22d: {  	v5 =	vld.idx.msk [tilespmem:v55+s22+$0x0], $0xffff;
	_ =	sdelay $0x2  }
0x22e: {  	v56 =	vadd.s32 $0x5F, v3;
	_ =	sdelay $0x1  }
0x22f: {  	v5 =	vmul.f32 v5, v4;
	_ =	sdelay $0x1  }
0x230: {  	[tilespmem:v55+s0+$0x0] =	vst.idx.msk $0xffff, v5  }
0x231: {  	v5 =	vld.idx.msk [tilespmem:v56+s22+$0x0], $0xffff;
	_ =	sdelay $0x2  }
0x232: {  	v57 =	vadd.s32 $0x60, v3;
	_ =	sdelay $0x1  }
0x233: {  	v5 =	vmul.f32 v5, v4;
	_ =	sdelay $0x1  }
0x234: {  	[tilespmem:v56+s0+$0x0] =	vst.idx.msk $0xffff, v5  }
0x235: {  	v5 =	vld.idx.msk [tilespmem:v57+s22+$0x0], $0xffff;
	_ =	sdelay $0x2  }
0x236: {  	v58 =	vadd.s32 $0x61, v3;
	_ =	sdelay $0x1  }
0x237: {  	v5 =	vmul.f32 v5, v4;
	_ =	sdelay $0x1  }
0x238: {  	[tilespmem:v57+s0+$0x0] =	vst.idx.msk $0xffff, v5  }
0x239: {  	v5 =	vld.idx.msk [tilespmem:v58+s22+$0x0], $0xffff;
	_ =	sdelay $0x2  }
0x23a: {  	v59 =	vadd.s32 $0x62, v3;
	_ =	sdelay $0x1  }
0x23b: {  	v5 =	vmul.f32 v5, v4;
	_ =	sdelay $0x1  }
0x23c: {  	[tilespmem:v58+s0+$0x0] =	vst.idx.msk $0xffff, v5  }
0x23d: {  	v5 =	vld.idx.msk [tilespmem:v59+s22+$0x0], $0xffff;
	_ =	sdelay $0x2  }
0x23e: {  	v60 =	vadd.s32 $0x63, v3;
	_ =	sdelay $0x1  }
0x23f: {  	v5 =	vmul.f32 v5, v4;
	_ =	sdelay $0x1  }
0x240: {  	[tilespmem:v59+s0+$0x0] =	vst.idx.msk $0xffff, v5  }
0x241: {  	v5 =	vld.idx.msk [tilespmem:v60+s22+$0x0], $0xffff;
	_ =	sdelay $0x2  }
0x242: {  	v61 =	vadd.s32 $0x64, v3;
	_ =	sdelay $0x1  }
0x243: {  	v5 =	vmul.f32 v5, v4;
	_ =	sdelay $0x1  }
0x244: {  	[tilespmem:v60+s0+$0x0] =	vst.idx.msk $0xffff, v5  }
0x245: {  	v5 =	vld.idx.msk [tilespmem:v61+s22+$0x0], $0xffff;
	_ =	sdelay $0x2  }
0x246: {  	v62 =	vadd.s32 $0x65, v3;
	_ =	sdelay $0x1  }
0x247: {  	v5 =	vmul.f32 v5, v4;
	_ =	sdelay $0x1  }
0x248: {  	[tilespmem:v61+s0+$0x0] =	vst.idx.msk $0xffff, v5  }
0x249: {  	v5 =	vld.idx.msk [tilespmem:v62+s22+$0x0], $0xffff;
	_ =	sdelay $0x2  }
0x24a: {  	v63 =	vadd.s32 $0x66, v3;
	_ =	sdelay $0x1  }
0x24b: {  	v5 =	vmul.f32 v5, v4;
	_ =	sdelay $0x1  }
0x24c: {  	[tilespmem:v62+s0+$0x0] =	vst.idx.msk $0xffff, v5  }
0x24d: {  	v5 =	vld.idx.msk [tilespmem:v63+s22+$0x0], $0xffff;
	_ =	sdelay $0x2  }
0x24e: {  	v3 =	vadd.s32 $0x67, v3;
	_ =	sdelay $0x1  }
0x24f: {  	v5 =	vmul.f32 v5, v4;
	_ =	sdelay $0x1  }
0x250: {  	[tilespmem:v63+s0+$0x0] =	vst.idx.msk $0xffff, v5  }
0x251: {  	v5 =	vld.idx.msk [tilespmem:v3+s22+$0x0], $0xffff;
	_ =	sdelay $0x1  }
0x252: {  	p1 =	sne.s32 s9, $0x30  }
.Ltmp2:
0x253: {  	_ = 	snop;
	(pc) =	sbr.rel @p1 .LBB2_7-.Ltmp2, $3  }
0x254: {  	_ = 	snop  }
0x255: {  	v4 =	vmul.f32 v5, v4;
	_ =	sdelay $0x1  }
0x256: {  	s14 =	sadd.s32 $0x10, s14;
	s9 =	sadd.s32 $0x10, s9;
	[tilespmem:v3+s0+$0x0] =	vst.idx.msk $0xffff, v4  }
.Ltmp3:
0x257: {  	(pc) =	sbr.rel @p0 .LBB2_10-.Ltmp3, $2  }
0x258: {  	_ =	sdelay $0x2  }
0x259: {  	[spmem:s2] =	stream.indirect.scatter.add.f32 [tilespmem:s0], [sflag:$0x5], $0x70, s25, s20, $0xb8;
	[tilespmem:$0x1CB00] =	vst v63  }
0x25a: {  	_ =	swait.ge [sflag:s19], $0x80  }
0x25b: {  	[sflag:s19] =	ssyncset.done $0x0  }
0x25c: {  	[sflag:s19] =	ssyncadd.s32 $0xFFFFFF80  }
0x25d: {  	_ =	swait.ge [sflag:s11], $0x1C00  }
0x25e: {  	[sflag:s11] =	ssyncset.done $0x0  }
0x25f: {  	[sflag:s11] =	ssyncadd.s32 $0xFFFFE400  }
0x260: {  	v3 =	vld [tilespmem:$0x15000]  }
0x261: {  	v4 =	vld [tilespmem:$0x15010]  }
0x262: {  	v5 =	vld [tilespmem:$0x15020]  }
0x263: {  	v6 =	vld [tilespmem:$0x15040]  }
0x264: {  	v7 =	vld [tilespmem:$0x15030]  }
0x265: {  	v56 =	vld [tilespmem:$0x15060]  }
0x266: {  	v59 =	vld [tilespmem:$0x15070];
	[tilespmem:$0x15100] =	vst v3  }
0x267: {  	[tilespmem:$0x15110] =	vst v4  }
0x268: {  	v3 =	vld [tilespmem:$0x15050];
	[tilespmem:$0x15120] =	vst v5  }
0x269: {  	[tilespmem:$0x15130] =	vst v7  }
0x26a: {  	v55 =	vsub.s32 v6, v0;
	[tilespmem:$0x15200] =	vst v6  }
0x26b: {  	[tilespmem:$0x15220] =	vst v56;
	v62 =	vsub.s32 v59, v0;
	vm0 =	vlt.u32 v55, $0x3000  }
0x26c: {  	[tilespmem:$0x15230] =	vst v59;
	vm14 =	vlt.u32 v62, $0x3000;
	v57 =	vsel vm0, $0x3F800000, v1  }
0x26d: {  	v63 =	vsel vm14, $0x3F800000, v1;
	[tilespmem:$0x15280] =	vst v57;
	v58 =	vsub.s32 v3, v0  }
0x26e: {  	[tilespmem:$0x152B0] =	vst v63;
	vm10 =	vlt.u32 v58, $0x3000;
	vm11 =	vgt.s32 v58, $0x0  }
0x26f: {  	v60 =	vsub.s32 v56, v0;
	[tilespmem:$0x15210] =	vst v3;
	v3 =	vsel vm10, $0x3F800000, v1;
	v6 =	vnsel vm11, $0x0, v58  }
0x270: {  	vm12 =	vlt.u32 v60, $0x3000;
	vm13 =	vgt.s32 v60, $0x0;
	[tilespmem:$0x15290] =	vst v3;
	v3 =	vmin.u32 v6, $0x2FFF  }
0x271: {  	vm1 =	vgt.s32 v55, $0x0;
	v61 =	vnsel vm13, $0x0, v60;
	[tilespmem:$0x15190] =	vst v3;
	v3 =	vsel vm12, $0x3F800000, v1  }
0x272: {  	vm15 =	vgt.s32 v62, $0x0;
	v4 =	vnsel vm1, $0x0, v55;
	[tilespmem:$0x152A0] =	vst v3;
	v3 =	vmin.u32 v61, $0x2FFF  }
0x273: {  	v4 =	vmin.u32 v4, $0x2FFF;
	[tilespmem:$0x151A0] =	vst v3;
	v3 =	vnsel vm15, $0x0, v62  }
0x274: {  	p0 =	sgt.u32 s15, $0xBD;
	[tilespmem:$0x15180] =	vst v4;
	v3 =	vmin.u32 v3, $0x2FFF  }
0x275: {  	s8 =	sadd.s32 @!p0 s8, s13;
	[tilespmem:$0x151B0] =	vst v3  }
0x276: {  	[tilespmem:s22], [sflag:$0x3] =	stream.indirect.gather [hbm4b:s4+s20], $0x70, s21, s20, $0xb8;
	[tilespmem:$0x1CB00] =	vst v63  }
0x277: {  	s8 =	sshll.u32 @!p0 s8, $0x4  }
0x278: {  	[tilespmem:s24], [sflag:$0x3] =	stream.indirect.gather [hbm4b:s5+s20], $0x10, s23, s20, $0xb8;
	[tilespmem:$0x1CB00] =	vst v63  }
0x279: {  	s9 =	simm.s32 @!p0 $0x0;
	s14 =	simm.s32 @!p0 $0x15000;
	s8 =	sadd.s32 @!p0 s6, s8  }
0x27a: {  	[tilespmem:s14], [sflag:$0x1] =	stream.linear.gather @!p0 [hbm4b:s8+s9], $0x80, $0x38;
	[tilespmem:$0x1CB00] =	vst v63  }
.LBB2_10:
0x27b: {  	_ =	swait.ge [sflag:s18], $0x1C00  }
0x27c: {  	[sflag:s18] =	ssyncset.done $0x0  }
0x27d: {  	[sflag:s18] =	ssyncadd.s32 $0xFFFFE400  }
0x27e: {  	_ =	swait.ge [sflag:s18], $0x400  }
0x27f: {  	[sflag:s18] =	ssyncset.done $0x0  }
0x280: {  	s8 =	simm.s32 $0x0;
	s9 =	simm.s32 $0x152C0;
	[sflag:s18] =	ssyncadd.s32 $0xFFFFFC00  }
.LBB2_11:
0x281: {  	v4 =	vor.u32 s8, v2  }
0x282: {  	v3 =	vmul.u32 $0x70, v4  }
0x283: {  	v4 =	vshll.u32 v4, $0x4  }
0x284: {  	v5 =	vadd.s32 $0x68, v3;
	_ =	sdelay $0x3  }
0x285: {  	v7 =	vld.idx.msk [tilespmem:v4+s31+$0x0], $0xffff  }
0x286: {  	v6 =	vld.idx.msk [tilespmem:v5+s29+$0x0], $0xffff;
	_ =	sdelay $0x4  }
0x287: {  	v6 =	vadd.f32 v7, v6;
	_ =	sdelay $0x1  }
0x288: {  	v7 =	vmul.f32 $2.000000030e-01, v6  }
0x289: {  	vm0 =	vge.f32 v6, $0.0e+00  }
0x28a: {  	v6 =	vsel vm0, v6, v7  }
0x28b: {  	v6 =	vmul.f32 $1.442695020e+00, v6;
	_ =	sdelay $0x1  }
0x28c: {  	(erf) = vpow2.f32 v6;
	_ =	sdelay $0x4  }
0x28d: {  	v8 =	vld [tilespmem:s9+$0x0];
	_ =	sdelay $0x2  }
0x28e: {  	v9 =	vadd.s32 $0x69, v3  }
0x28f: {  	v10 =	vor.u32 $0x1, v4;
	v6 =	vpop (erf)  }
0x290: {  	v60 =	vmul.f32 v6, v8;
	_ =	sdelay $0x1  }
0x291: {  	[tilespmem:v5+s7+$0x0] =	vst.idx.msk $0xffff, v60  }
0x292: {  	v5 =	vld.idx.msk [tilespmem:v9+s29+$0x0], $0xffff  }
0x293: {  	v61 =	vld.idx.msk [tilespmem:v10+s31+$0x0], $0xffff;
	_ =	sdelay $0x4  }
0x294: {  	v5 =	vadd.f32 v61, v5;
	_ =	sdelay $0x1  }
0x295: {  	v6 =	vmul.f32 $2.000000030e-01, v5  }
0x296: {  	vm13 =	vge.f32 v5, $0.0e+00  }
0x297: {  	v5 =	vsel vm13, v5, v6  }
0x298: {  	v5 =	vmul.f32 $1.442695020e+00, v5;
	_ =	sdelay $0x1  }
0x299: {  	(erf) = vpow2.f32 v5;
	_ =	sdelay $0x7  }
0x29a: {  	v62 =	vadd.s32 $0x6A, v3  }
0x29b: {  	v11 =	vor.u32 $0x2, v4;
	v5 =	vpop (erf)  }
0x29c: {  	v6 =	vmul.f32 v5, v8;
	_ =	sdelay $0x1  }
0x29d: {  	[tilespmem:v9+s7+$0x0] =	vst.idx.msk $0xffff, v6  }
0x29e: {  	v63 =	vld.idx.msk [tilespmem:v62+s29+$0x0], $0xffff  }
0x29f: {  	v9 =	vld.idx.msk [tilespmem:v11+s31+$0x0], $0xffff;
	_ =	sdelay $0x4  }
0x2a0: {  	v5 =	vadd.f32 v9, v63;
	_ =	sdelay $0x1  }
0x2a1: {  	v9 =	vmul.f32 $2.000000030e-01, v5  }
0x2a2: {  	vm14 =	vge.f32 v5, $0.0e+00  }
0x2a3: {  	v5 =	vsel vm14, v5, v9  }
0x2a4: {  	v5 =	vmul.f32 $1.442695020e+00, v5;
	_ =	sdelay $0x1  }
0x2a5: {  	(erf) = vpow2.f32 v5;
	_ =	sdelay $0x7  }
0x2a6: {  	v12 =	vadd.s32 $0x6B, v3  }
0x2a7: {  	v4 =	vor.u32 $0x3, v4;
	v5 =	vpop (erf)  }
0x2a8: {  	v5 =	vmul.f32 v5, v8;
	_ =	sdelay $0x1  }
0x2a9: {  	[tilespmem:v62+s7+$0x0] =	vst.idx.msk $0xffff, v5  }
0x2aa: {  	v10 =	vld.idx.msk [tilespmem:v12+s29+$0x0], $0xffff  }
0x2ab: {  	v4 =	vld.idx.msk [tilespmem:v4+s31+$0x0], $0xffff;
	_ =	sdelay $0x4  }
0x2ac: {  	v4 =	vadd.f32 v4, v10;
	_ =	sdelay $0x1  }
0x2ad: {  	v10 =	vmul.f32 $2.000000030e-01, v4  }
0x2ae: {  	vm15 =	vge.f32 v4, $0.0e+00  }
0x2af: {  	v4 =	vsel vm15, v4, v10  }
0x2b0: {  	v4 =	vmul.f32 $1.442695020e+00, v4;
	_ =	sdelay $0x1  }
0x2b1: {  	(erf) = vpow2.f32 v4;
	_ =	sdelay $0x8  }
0x2b2: {  	v4 =	vpop (erf)  }
0x2b3: {  	v4 =	vmul.f32 v4, v8;
	_ =	sdelay $0x1  }
0x2b4: {  	[tilespmem:v12+s7+$0x0] =	vst.idx.msk $0xffff, v4  }
0x2b5: {  	v13 =	vld.idx.msk [tilespmem:v3+s29+$0x0], $0xffff;
	_ =	sdelay $0x2  }
0x2b6: {  	v14 =	vor.u32 $0x1, v3;
	_ =	sdelay $0x1  }
0x2b7: {  	v8 =	vmul.f32 v13, v60;
	_ =	sdelay $0x1  }
0x2b8: {  	[tilespmem:v3+s7+$0x0] =	vst.idx.msk $0xffff, v8  }
0x2b9: {  	v8 =	vld.idx.msk [tilespmem:v14+s29+$0x0], $0xffff;
	_ =	sdelay $0x2  }
0x2ba: {  	v15 =	vor.u32 $0x2, v3;
	_ =	sdelay $0x1  }
0x2bb: {  	v8 =	vmul.f32 v8, v60;
	_ =	sdelay $0x1  }
0x2bc: {  	[tilespmem:v14+s7+$0x0] =	vst.idx.msk $0xffff, v8  }
0x2bd: {  	v8 =	vld.idx.msk [tilespmem:v15+s29+$0x0], $0xffff;
	_ =	sdelay $0x2  }
0x2be: {  	v16 =	vor.u32 $0x3, v3;
	_ =	sdelay $0x1  }
0x2bf: {  	v8 =	vmul.f32 v8, v60;
	_ =	sdelay $0x1  }
0x2c0: {  	[tilespmem:v15+s7+$0x0] =	vst.idx.msk $0xffff, v8  }
0x2c1: {  	v8 =	vld.idx.msk [tilespmem:v16+s29+$0x0], $0xffff;
	_ =	sdelay $0x2  }
0x2c2: {  	v17 =	vor.u32 $0x4, v3;
	_ =	sdelay $0x1  }
0x2c3: {  	v8 =	vmul.f32 v8, v60;
	_ =	sdelay $0x1  }
0x2c4: {  	[tilespmem:v16+s7+$0x0] =	vst.idx.msk $0xffff, v8  }
0x2c5: {  	v8 =	vld.idx.msk [tilespmem:v17+s29+$0x0], $0xffff;
	_ =	sdelay $0x2  }
0x2c6: {  	v18 =	vor.u32 $0x5, v3;
	_ =	sdelay $0x1  }
0x2c7: {  	v8 =	vmul.f32 v8, v60;
	_ =	sdelay $0x1  }
0x2c8: {  	[tilespmem:v17+s7+$0x0] =	vst.idx.msk $0xffff, v8  }
0x2c9: {  	v8 =	vld.idx.msk [tilespmem:v18+s29+$0x0], $0xffff;
	_ =	sdelay $0x2  }
0x2ca: {  	v19 =	vor.u32 $0x6, v3;
	_ =	sdelay $0x1  }
0x2cb: {  	v8 =	vmul.f32 v8, v60;
	_ =	sdelay $0x1  }
0x2cc: {  	[tilespmem:v18+s7+$0x0] =	vst.idx.msk $0xffff, v8  }
0x2cd: {  	v8 =	vld.idx.msk [tilespmem:v19+s29+$0x0], $0xffff;
	_ =	sdelay $0x2  }
0x2ce: {  	v20 =	vor.u32 $0x7, v3;
	_ =	sdelay $0x1  }
0x2cf: {  	v8 =	vmul.f32 v8, v60;
	_ =	sdelay $0x1  }
0x2d0: {  	[tilespmem:v19+s7+$0x0] =	vst.idx.msk $0xffff, v8  }
0x2d1: {  	v8 =	vld.idx.msk [tilespmem:v20+s29+$0x0], $0xffff;
	_ =	sdelay $0x2  }
0x2d2: {  	v21 =	vor.u32 $0x8, v3;
	_ =	sdelay $0x1  }
0x2d3: {  	v8 =	vmul.f32 v8, v60;
	_ =	sdelay $0x1  }
0x2d4: {  	[tilespmem:v20+s7+$0x0] =	vst.idx.msk $0xffff, v8  }
0x2d5: {  	v8 =	vld.idx.msk [tilespmem:v21+s29+$0x0], $0xffff;
	_ =	sdelay $0x2  }
0x2d6: {  	v22 =	vor.u32 $0x9, v3;
	_ =	sdelay $0x1  }
0x2d7: {  	v8 =	vmul.f32 v8, v60;
	_ =	sdelay $0x1  }
0x2d8: {  	[tilespmem:v21+s7+$0x0] =	vst.idx.msk $0xffff, v8  }
0x2d9: {  	v8 =	vld.idx.msk [tilespmem:v22+s29+$0x0], $0xffff;
	_ =	sdelay $0x2  }
0x2da: {  	v23 =	vor.u32 $0xA, v3;
	_ =	sdelay $0x1  }
0x2db: {  	v8 =	vmul.f32 v8, v60;
	_ =	sdelay $0x1  }
0x2dc: {  	[tilespmem:v22+s7+$0x0] =	vst.idx.msk $0xffff, v8  }
0x2dd: {  	v8 =	vld.idx.msk [tilespmem:v23+s29+$0x0], $0xffff;
	_ =	sdelay $0x2  }
0x2de: {  	v24 =	vor.u32 $0xB, v3;
	_ =	sdelay $0x1  }
0x2df: {  	v8 =	vmul.f32 v8, v60;
	_ =	sdelay $0x1  }
0x2e0: {  	[tilespmem:v23+s7+$0x0] =	vst.idx.msk $0xffff, v8  }
0x2e1: {  	v8 =	vld.idx.msk [tilespmem:v24+s29+$0x0], $0xffff;
	_ =	sdelay $0x2  }
0x2e2: {  	v25 =	vor.u32 $0xC, v3;
	_ =	sdelay $0x1  }
0x2e3: {  	v8 =	vmul.f32 v8, v60;
	_ =	sdelay $0x1  }
0x2e4: {  	[tilespmem:v24+s7+$0x0] =	vst.idx.msk $0xffff, v8  }
0x2e5: {  	v8 =	vld.idx.msk [tilespmem:v25+s29+$0x0], $0xffff;
	_ =	sdelay $0x2  }
0x2e6: {  	v26 =	vor.u32 $0xD, v3;
	_ =	sdelay $0x1  }
0x2e7: {  	v8 =	vmul.f32 v8, v60;
	_ =	sdelay $0x1  }
0x2e8: {  	[tilespmem:v25+s7+$0x0] =	vst.idx.msk $0xffff, v8  }
0x2e9: {  	v8 =	vld.idx.msk [tilespmem:v26+s29+$0x0], $0xffff;
	_ =	sdelay $0x2  }
0x2ea: {  	v27 =	vor.u32 $0xE, v3;
	_ =	sdelay $0x1  }
0x2eb: {  	v8 =	vmul.f32 v8, v60;
	_ =	sdelay $0x1  }
0x2ec: {  	[tilespmem:v26+s7+$0x0] =	vst.idx.msk $0xffff, v8  }
0x2ed: {  	v8 =	vld.idx.msk [tilespmem:v27+s29+$0x0], $0xffff;
	_ =	sdelay $0x2  }
0x2ee: {  	v28 =	vor.u32 $0xF, v3;
	_ =	sdelay $0x1  }
0x2ef: {  	v8 =	vmul.f32 v8, v60;
	_ =	sdelay $0x1  }
0x2f0: {  	[tilespmem:v27+s7+$0x0] =	vst.idx.msk $0xffff, v8  }
0x2f1: {  	v8 =	vld.idx.msk [tilespmem:v28+s29+$0x0], $0xffff;
	_ =	sdelay $0x2  }
0x2f2: {  	v29 =	vadd.s32 $0x10, v3;
	_ =	sdelay $0x1  }
0x2f3: {  	v8 =	vmul.f32 v8, v60;
	_ =	sdelay $0x1  }
0x2f4: {  	[tilespmem:v28+s7+$0x0] =	vst.idx.msk $0xffff, v8  }
0x2f5: {  	v8 =	vld.idx.msk [tilespmem:v29+s29+$0x0], $0xffff;
	_ =	sdelay $0x2  }
0x2f6: {  	v30 =	vadd.s32 $0x11, v3;
	_ =	sdelay $0x1  }
0x2f7: {  	v8 =	vmul.f32 v8, v60;
	_ =	sdelay $0x1  }
0x2f8: {  	[tilespmem:v29+s7+$0x0] =	vst.idx.msk $0xffff, v8  }
0x2f9: {  	v8 =	vld.idx.msk [tilespmem:v30+s29+$0x0], $0xffff;
	_ =	sdelay $0x2  }
0x2fa: {  	v31 =	vadd.s32 $0x12, v3;
	_ =	sdelay $0x1  }
0x2fb: {  	v8 =	vmul.f32 v8, v60;
	_ =	sdelay $0x1  }
0x2fc: {  	[tilespmem:v30+s7+$0x0] =	vst.idx.msk $0xffff, v8  }
0x2fd: {  	v8 =	vld.idx.msk [tilespmem:v31+s29+$0x0], $0xffff;
	_ =	sdelay $0x2  }
0x2fe: {  	v32 =	vadd.s32 $0x13, v3;
	_ =	sdelay $0x1  }
0x2ff: {  	v8 =	vmul.f32 v8, v60;
	_ =	sdelay $0x1  }
0x300: {  	[tilespmem:v31+s7+$0x0] =	vst.idx.msk $0xffff, v8  }
0x301: {  	v8 =	vld.idx.msk [tilespmem:v32+s29+$0x0], $0xffff;
	_ =	sdelay $0x2  }
0x302: {  	v33 =	vadd.s32 $0x14, v3;
	_ =	sdelay $0x1  }
0x303: {  	v8 =	vmul.f32 v8, v60;
	_ =	sdelay $0x1  }
0x304: {  	[tilespmem:v32+s7+$0x0] =	vst.idx.msk $0xffff, v8  }
0x305: {  	v8 =	vld.idx.msk [tilespmem:v33+s29+$0x0], $0xffff;
	_ =	sdelay $0x2  }
0x306: {  	v34 =	vadd.s32 $0x15, v3;
	_ =	sdelay $0x1  }
0x307: {  	v8 =	vmul.f32 v8, v60;
	_ =	sdelay $0x1  }
0x308: {  	[tilespmem:v33+s7+$0x0] =	vst.idx.msk $0xffff, v8  }
0x309: {  	v8 =	vld.idx.msk [tilespmem:v34+s29+$0x0], $0xffff;
	_ =	sdelay $0x2  }
0x30a: {  	v35 =	vadd.s32 $0x16, v3;
	_ =	sdelay $0x1  }
0x30b: {  	v8 =	vmul.f32 v8, v60;
	_ =	sdelay $0x1  }
0x30c: {  	[tilespmem:v34+s7+$0x0] =	vst.idx.msk $0xffff, v8  }
0x30d: {  	v8 =	vld.idx.msk [tilespmem:v35+s29+$0x0], $0xffff;
	_ =	sdelay $0x2  }
0x30e: {  	v36 =	vadd.s32 $0x17, v3;
	_ =	sdelay $0x1  }
0x30f: {  	v8 =	vmul.f32 v8, v60;
	_ =	sdelay $0x1  }
0x310: {  	[tilespmem:v35+s7+$0x0] =	vst.idx.msk $0xffff, v8  }
0x311: {  	v8 =	vld.idx.msk [tilespmem:v36+s29+$0x0], $0xffff;
	_ =	sdelay $0x2  }
0x312: {  	v37 =	vadd.s32 $0x18, v3;
	_ =	sdelay $0x1  }
0x313: {  	v8 =	vmul.f32 v8, v60;
	_ =	sdelay $0x1  }
0x314: {  	[tilespmem:v36+s7+$0x0] =	vst.idx.msk $0xffff, v8  }
0x315: {  	v8 =	vld.idx.msk [tilespmem:v37+s29+$0x0], $0xffff;
	_ =	sdelay $0x2  }
0x316: {  	v38 =	vadd.s32 $0x19, v3;
	_ =	sdelay $0x1  }
0x317: {  	v8 =	vmul.f32 v8, v60;
	_ =	sdelay $0x1  }
0x318: {  	[tilespmem:v37+s7+$0x0] =	vst.idx.msk $0xffff, v8  }
0x319: {  	v8 =	vld.idx.msk [tilespmem:v38+s29+$0x0], $0xffff;
	_ =	sdelay $0x2  }
0x31a: {  	v39 =	vadd.s32 $0x1A, v3;
	_ =	sdelay $0x1  }
0x31b: {  	v7 =	vmul.f32 v8, v60;
	_ =	sdelay $0x1  }
0x31c: {  	[tilespmem:v38+s7+$0x0] =	vst.idx.msk $0xffff, v7  }
0x31d: {  	v7 =	vld.idx.msk [tilespmem:v39+s29+$0x0], $0xffff;
	_ =	sdelay $0x2  }
0x31e: {  	v40 =	vadd.s32 $0x1B, v3;
	_ =	sdelay $0x1  }
0x31f: {  	v7 =	vmul.f32 v7, v6;
	_ =	sdelay $0x1  }
0x320: {  	[tilespmem:v39+s7+$0x0] =	vst.idx.msk $0xffff, v7  }
0x321: {  	v7 =	vld.idx.msk [tilespmem:v40+s29+$0x0], $0xffff;
	_ =	sdelay $0x2  }
0x322: {  	v41 =	vadd.s32 $0x1C, v3;
	_ =	sdelay $0x1  }
0x323: {  	v7 =	vmul.f32 v7, v6;
	_ =	sdelay $0x1  }
0x324: {  	[tilespmem:v40+s7+$0x0] =	vst.idx.msk $0xffff, v7  }
0x325: {  	v7 =	vld.idx.msk [tilespmem:v41+s29+$0x0], $0xffff;
	_ =	sdelay $0x2  }
0x326: {  	v42 =	vadd.s32 $0x1D, v3;
	_ =	sdelay $0x1  }
0x327: {  	v7 =	vmul.f32 v7, v6;
	_ =	sdelay $0x1  }
0x328: {  	[tilespmem:v41+s7+$0x0] =	vst.idx.msk $0xffff, v7  }
0x329: {  	v7 =	vld.idx.msk [tilespmem:v42+s29+$0x0], $0xffff;
	_ =	sdelay $0x2  }
0x32a: {  	v43 =	vadd.s32 $0x1E, v3;
	_ =	sdelay $0x1  }
0x32b: {  	v7 =	vmul.f32 v7, v6;
	_ =	sdelay $0x1  }
0x32c: {  	[tilespmem:v42+s7+$0x0] =	vst.idx.msk $0xffff, v7  }
0x32d: {  	v7 =	vld.idx.msk [tilespmem:v43+s29+$0x0], $0xffff;
	_ =	sdelay $0x2  }
0x32e: {  	v44 =	vadd.s32 $0x1F, v3;
	_ =	sdelay $0x1  }
0x32f: {  	v7 =	vmul.f32 v7, v6;
	_ =	sdelay $0x1  }
0x330: {  	[tilespmem:v43+s7+$0x0] =	vst.idx.msk $0xffff, v7  }
0x331: {  	v7 =	vld.idx.msk [tilespmem:v44+s29+$0x0], $0xffff;
	_ =	sdelay $0x2  }
0x332: {  	v45 =	vadd.s32 $0x20, v3;
	_ =	sdelay $0x1  }
0x333: {  	v7 =	vmul.f32 v7, v6;
	_ =	sdelay $0x1  }
0x334: {  	[tilespmem:v44+s7+$0x0] =	vst.idx.msk $0xffff, v7  }
0x335: {  	v7 =	vld.idx.msk [tilespmem:v45+s29+$0x0], $0xffff;
	_ =	sdelay $0x2  }
0x336: {  	v46 =	vadd.s32 $0x21, v3;
	_ =	sdelay $0x1  }
0x337: {  	v7 =	vmul.f32 v7, v6;
	_ =	sdelay $0x1  }
0x338: {  	[tilespmem:v45+s7+$0x0] =	vst.idx.msk $0xffff, v7  }
0x339: {  	v7 =	vld.idx.msk [tilespmem:v46+s29+$0x0], $0xffff;
	_ =	sdelay $0x2  }
0x33a: {  	v47 =	vadd.s32 $0x22, v3;
	_ =	sdelay $0x1  }
0x33b: {  	v7 =	vmul.f32 v7, v6;
	_ =	sdelay $0x1  }
0x33c: {  	[tilespmem:v46+s7+$0x0] =	vst.idx.msk $0xffff, v7  }
0x33d: {  	v7 =	vld.idx.msk [tilespmem:v47+s29+$0x0], $0xffff;
	_ =	sdelay $0x2  }
0x33e: {  	v48 =	vadd.s32 $0x23, v3;
	_ =	sdelay $0x1  }
0x33f: {  	v7 =	vmul.f32 v7, v6;
	_ =	sdelay $0x1  }
0x340: {  	[tilespmem:v47+s7+$0x0] =	vst.idx.msk $0xffff, v7  }
0x341: {  	v7 =	vld.idx.msk [tilespmem:v48+s29+$0x0], $0xffff;
	_ =	sdelay $0x2  }
0x342: {  	v49 =	vadd.s32 $0x24, v3;
	_ =	sdelay $0x1  }
0x343: {  	v7 =	vmul.f32 v7, v6;
	_ =	sdelay $0x1  }
0x344: {  	[tilespmem:v48+s7+$0x0] =	vst.idx.msk $0xffff, v7  }
0x345: {  	v7 =	vld.idx.msk [tilespmem:v49+s29+$0x0], $0xffff;
	_ =	sdelay $0x2  }
0x346: {  	v50 =	vadd.s32 $0x25, v3;
	_ =	sdelay $0x1  }
0x347: {  	v7 =	vmul.f32 v7, v6;
	_ =	sdelay $0x1  }
0x348: {  	[tilespmem:v49+s7+$0x0] =	vst.idx.msk $0xffff, v7  }
0x349: {  	v7 =	vld.idx.msk [tilespmem:v50+s29+$0x0], $0xffff;
	_ =	sdelay $0x2  }
0x34a: {  	v51 =	vadd.s32 $0x26, v3;
	_ =	sdelay $0x1  }
0x34b: {  	v7 =	vmul.f32 v7, v6;
	_ =	sdelay $0x1  }
0x34c: {  	[tilespmem:v50+s7+$0x0] =	vst.idx.msk $0xffff, v7  }
0x34d: {  	v7 =	vld.idx.msk [tilespmem:v51+s29+$0x0], $0xffff;
	_ =	sdelay $0x2  }
0x34e: {  	v52 =	vadd.s32 $0x27, v3;
	_ =	sdelay $0x1  }
0x34f: {  	v7 =	vmul.f32 v7, v6;
	_ =	sdelay $0x1  }
0x350: {  	[tilespmem:v51+s7+$0x0] =	vst.idx.msk $0xffff, v7  }
0x351: {  	v7 =	vld.idx.msk [tilespmem:v52+s29+$0x0], $0xffff;
	_ =	sdelay $0x2  }
0x352: {  	v53 =	vadd.s32 $0x28, v3;
	_ =	sdelay $0x1  }
0x353: {  	v7 =	vmul.f32 v7, v6;
	_ =	sdelay $0x1  }
0x354: {  	[tilespmem:v52+s7+$0x0] =	vst.idx.msk $0xffff, v7  }
0x355: {  	v7 =	vld.idx.msk [tilespmem:v53+s29+$0x0], $0xffff;
	_ =	sdelay $0x2  }
0x356: {  	v54 =	vadd.s32 $0x29, v3;
	_ =	sdelay $0x1  }
0x357: {  	v7 =	vmul.f32 v7, v6;
	_ =	sdelay $0x1  }
0x358: {  	[tilespmem:v53+s7+$0x0] =	vst.idx.msk $0xffff, v7  }
0x359: {  	v7 =	vld.idx.msk [tilespmem:v54+s29+$0x0], $0xffff;
	_ =	sdelay $0x2  }
0x35a: {  	v55 =	vadd.s32 $0x2A, v3;
	_ =	sdelay $0x1  }
0x35b: {  	v7 =	vmul.f32 v7, v6;
	_ =	sdelay $0x1  }
0x35c: {  	[tilespmem:v54+s7+$0x0] =	vst.idx.msk $0xffff, v7  }
0x35d: {  	v7 =	vld.idx.msk [tilespmem:v55+s29+$0x0], $0xffff;
	_ =	sdelay $0x2  }
0x35e: {  	v56 =	vadd.s32 $0x2B, v3;
	_ =	sdelay $0x1  }
0x35f: {  	v7 =	vmul.f32 v7, v6;
	_ =	sdelay $0x1  }
0x360: {  	[tilespmem:v55+s7+$0x0] =	vst.idx.msk $0xffff, v7  }
0x361: {  	v7 =	vld.idx.msk [tilespmem:v56+s29+$0x0], $0xffff;
	_ =	sdelay $0x2  }
0x362: {  	v57 =	vadd.s32 $0x2C, v3;
	_ =	sdelay $0x1  }
0x363: {  	v7 =	vmul.f32 v7, v6;
	_ =	sdelay $0x1  }
0x364: {  	[tilespmem:v56+s7+$0x0] =	vst.idx.msk $0xffff, v7  }
0x365: {  	v7 =	vld.idx.msk [tilespmem:v57+s29+$0x0], $0xffff;
	_ =	sdelay $0x2  }
0x366: {  	v58 =	vadd.s32 $0x2D, v3;
	_ =	sdelay $0x1  }
0x367: {  	v7 =	vmul.f32 v7, v6;
	_ =	sdelay $0x1  }
0x368: {  	[tilespmem:v57+s7+$0x0] =	vst.idx.msk $0xffff, v7  }
0x369: {  	v7 =	vld.idx.msk [tilespmem:v58+s29+$0x0], $0xffff;
	_ =	sdelay $0x2  }
0x36a: {  	v59 =	vadd.s32 $0x2E, v3;
	_ =	sdelay $0x1  }
0x36b: {  	v7 =	vmul.f32 v7, v6;
	_ =	sdelay $0x1  }
0x36c: {  	[tilespmem:v58+s7+$0x0] =	vst.idx.msk $0xffff, v7  }
0x36d: {  	v7 =	vld.idx.msk [tilespmem:v59+s29+$0x0], $0xffff;
	_ =	sdelay $0x2  }
0x36e: {  	v60 =	vadd.s32 $0x2F, v3;
	_ =	sdelay $0x1  }
0x36f: {  	v7 =	vmul.f32 v7, v6;
	_ =	sdelay $0x1  }
0x370: {  	[tilespmem:v59+s7+$0x0] =	vst.idx.msk $0xffff, v7  }
0x371: {  	v7 =	vld.idx.msk [tilespmem:v60+s29+$0x0], $0xffff;
	_ =	sdelay $0x2  }
0x372: {  	v61 =	vadd.s32 $0x30, v3;
	_ =	sdelay $0x1  }
0x373: {  	v7 =	vmul.f32 v7, v6;
	_ =	sdelay $0x1  }
0x374: {  	[tilespmem:v60+s7+$0x0] =	vst.idx.msk $0xffff, v7  }
0x375: {  	v7 =	vld.idx.msk [tilespmem:v61+s29+$0x0], $0xffff;
	_ =	sdelay $0x2  }
0x376: {  	v62 =	vadd.s32 $0x31, v3;
	_ =	sdelay $0x1  }
0x377: {  	v7 =	vmul.f32 v7, v6;
	_ =	sdelay $0x1  }
0x378: {  	[tilespmem:v61+s7+$0x0] =	vst.idx.msk $0xffff, v7  }
0x379: {  	v7 =	vld.idx.msk [tilespmem:v62+s29+$0x0], $0xffff;
	_ =	sdelay $0x2  }
0x37a: {  	v63 =	vadd.s32 $0x32, v3;
	_ =	sdelay $0x1  }
0x37b: {  	v7 =	vmul.f32 v7, v6;
	_ =	sdelay $0x1  }
0x37c: {  	[tilespmem:v62+s7+$0x0] =	vst.idx.msk $0xffff, v7  }
0x37d: {  	v7 =	vld.idx.msk [tilespmem:v63+s29+$0x0], $0xffff;
	_ =	sdelay $0x2  }
0x37e: {  	v12 =	vadd.s32 $0x33, v3;
	_ =	sdelay $0x1  }
0x37f: {  	v7 =	vmul.f32 v7, v6;
	_ =	sdelay $0x1  }
0x380: {  	[tilespmem:v63+s7+$0x0] =	vst.idx.msk $0xffff, v7  }
0x381: {  	v7 =	vld.idx.msk [tilespmem:v12+s29+$0x0], $0xffff;
	_ =	sdelay $0x2  }
0x382: {  	v13 =	vadd.s32 $0x34, v3;
	_ =	sdelay $0x1  }
0x383: {  	v6 =	vmul.f32 v7, v6;
	_ =	sdelay $0x1  }
0x384: {  	[tilespmem:v12+s7+$0x0] =	vst.idx.msk $0xffff, v6  }
0x385: {  	v6 =	vld.idx.msk [tilespmem:v13+s29+$0x0], $0xffff;
	_ =	sdelay $0x2  }
0x386: {  	v14 =	vadd.s32 $0x35, v3;
	_ =	sdelay $0x1  }
0x387: {  	v6 =	vmul.f32 v6, v5;
	_ =	sdelay $0x1  }
0x388: {  	[tilespmem:v13+s7+$0x0] =	vst.idx.msk $0xffff, v6  }
0x389: {  	v6 =	vld.idx.msk [tilespmem:v14+s29+$0x0], $0xffff;
	_ =	sdelay $0x2  }
0x38a: {  	v15 =	vadd.s32 $0x36, v3;
	_ =	sdelay $0x1  }
0x38b: {  	v6 =	vmul.f32 v6, v5;
	_ =	sdelay $0x1  }
0x38c: {  	[tilespmem:v14+s7+$0x0] =	vst.idx.msk $0xffff, v6  }
0x38d: {  	v6 =	vld.idx.msk [tilespmem:v15+s29+$0x0], $0xffff;
	_ =	sdelay $0x2  }
0x38e: {  	v16 =	vadd.s32 $0x37, v3;
	_ =	sdelay $0x1  }
0x38f: {  	v6 =	vmul.f32 v6, v5;
	_ =	sdelay $0x1  }
0x390: {  	[tilespmem:v15+s7+$0x0] =	vst.idx.msk $0xffff, v6  }
0x391: {  	v6 =	vld.idx.msk [tilespmem:v16+s29+$0x0], $0xffff;
	_ =	sdelay $0x2  }
0x392: {  	v17 =	vadd.s32 $0x38, v3;
	_ =	sdelay $0x1  }
0x393: {  	v6 =	vmul.f32 v6, v5;
	_ =	sdelay $0x1  }
0x394: {  	[tilespmem:v16+s7+$0x0] =	vst.idx.msk $0xffff, v6  }
0x395: {  	v6 =	vld.idx.msk [tilespmem:v17+s29+$0x0], $0xffff;
	_ =	sdelay $0x2  }
0x396: {  	v18 =	vadd.s32 $0x39, v3;
	_ =	sdelay $0x1  }
0x397: {  	v6 =	vmul.f32 v6, v5;
	_ =	sdelay $0x1  }
0x398: {  	[tilespmem:v17+s7+$0x0] =	vst.idx.msk $0xffff, v6  }
0x399: {  	v6 =	vld.idx.msk [tilespmem:v18+s29+$0x0], $0xffff;
	_ =	sdelay $0x2  }
0x39a: {  	v19 =	vadd.s32 $0x3A, v3;
	_ =	sdelay $0x1  }
0x39b: {  	v6 =	vmul.f32 v6, v5;
	_ =	sdelay $0x1  }
0x39c: {  	[tilespmem:v18+s7+$0x0] =	vst.idx.msk $0xffff, v6  }
0x39d: {  	v6 =	vld.idx.msk [tilespmem:v19+s29+$0x0], $0xffff;
	_ =	sdelay $0x2  }
0x39e: {  	v20 =	vadd.s32 $0x3B, v3;
	_ =	sdelay $0x1  }
0x39f: {  	v6 =	vmul.f32 v6, v5;
	_ =	sdelay $0x1  }
0x3a0: {  	[tilespmem:v19+s7+$0x0] =	vst.idx.msk $0xffff, v6  }
0x3a1: {  	v6 =	vld.idx.msk [tilespmem:v20+s29+$0x0], $0xffff;
	_ =	sdelay $0x2  }
0x3a2: {  	v21 =	vadd.s32 $0x3C, v3;
	_ =	sdelay $0x1  }
0x3a3: {  	v6 =	vmul.f32 v6, v5;
	_ =	sdelay $0x1  }
0x3a4: {  	[tilespmem:v20+s7+$0x0] =	vst.idx.msk $0xffff, v6  }
0x3a5: {  	v6 =	vld.idx.msk [tilespmem:v21+s29+$0x0], $0xffff;
	_ =	sdelay $0x2  }
0x3a6: {  	v22 =	vadd.s32 $0x3D, v3;
	_ =	sdelay $0x1  }
0x3a7: {  	v6 =	vmul.f32 v6, v5;
	_ =	sdelay $0x1  }
0x3a8: {  	[tilespmem:v21+s7+$0x0] =	vst.idx.msk $0xffff, v6  }
0x3a9: {  	v6 =	vld.idx.msk [tilespmem:v22+s29+$0x0], $0xffff;
	_ =	sdelay $0x2  }
0x3aa: {  	v23 =	vadd.s32 $0x3E, v3;
	_ =	sdelay $0x1  }
0x3ab: {  	v6 =	vmul.f32 v6, v5;
	_ =	sdelay $0x1  }
0x3ac: {  	[tilespmem:v22+s7+$0x0] =	vst.idx.msk $0xffff, v6  }
0x3ad: {  	v6 =	vld.idx.msk [tilespmem:v23+s29+$0x0], $0xffff;
	_ =	sdelay $0x2  }
0x3ae: {  	v24 =	vadd.s32 $0x3F, v3;
	_ =	sdelay $0x1  }
0x3af: {  	v6 =	vmul.f32 v6, v5;
	_ =	sdelay $0x1  }
0x3b0: {  	[tilespmem:v23+s7+$0x0] =	vst.idx.msk $0xffff, v6  }
0x3b1: {  	v6 =	vld.idx.msk [tilespmem:v24+s29+$0x0], $0xffff;
	_ =	sdelay $0x2  }
0x3b2: {  	v25 =	vadd.s32 $0x40, v3;
	_ =	sdelay $0x1  }
0x3b3: {  	v6 =	vmul.f32 v6, v5;
	_ =	sdelay $0x1  }
0x3b4: {  	[tilespmem:v24+s7+$0x0] =	vst.idx.msk $0xffff, v6  }
0x3b5: {  	v6 =	vld.idx.msk [tilespmem:v25+s29+$0x0], $0xffff;
	_ =	sdelay $0x2  }
0x3b6: {  	v26 =	vadd.s32 $0x41, v3;
	_ =	sdelay $0x1  }
0x3b7: {  	v6 =	vmul.f32 v6, v5;
	_ =	sdelay $0x1  }
0x3b8: {  	[tilespmem:v25+s7+$0x0] =	vst.idx.msk $0xffff, v6  }
0x3b9: {  	v6 =	vld.idx.msk [tilespmem:v26+s29+$0x0], $0xffff;
	_ =	sdelay $0x2  }
0x3ba: {  	v27 =	vadd.s32 $0x42, v3;
	_ =	sdelay $0x1  }
0x3bb: {  	v6 =	vmul.f32 v6, v5;
	_ =	sdelay $0x1  }
0x3bc: {  	[tilespmem:v26+s7+$0x0] =	vst.idx.msk $0xffff, v6  }
0x3bd: {  	v6 =	vld.idx.msk [tilespmem:v27+s29+$0x0], $0xffff;
	_ =	sdelay $0x2  }
0x3be: {  	v28 =	vadd.s32 $0x43, v3;
	_ =	sdelay $0x1  }
0x3bf: {  	v6 =	vmul.f32 v6, v5;
	_ =	sdelay $0x1  }
0x3c0: {  	[tilespmem:v27+s7+$0x0] =	vst.idx.msk $0xffff, v6  }
0x3c1: {  	v6 =	vld.idx.msk [tilespmem:v28+s29+$0x0], $0xffff;
	_ =	sdelay $0x2  }
0x3c2: {  	v29 =	vadd.s32 $0x44, v3;
	_ =	sdelay $0x1  }
0x3c3: {  	v6 =	vmul.f32 v6, v5;
	_ =	sdelay $0x1  }
0x3c4: {  	[tilespmem:v28+s7+$0x0] =	vst.idx.msk $0xffff, v6  }
0x3c5: {  	v6 =	vld.idx.msk [tilespmem:v29+s29+$0x0], $0xffff;
	_ =	sdelay $0x2  }
0x3c6: {  	v30 =	vadd.s32 $0x45, v3;
	_ =	sdelay $0x1  }
0x3c7: {  	v6 =	vmul.f32 v6, v5;
	_ =	sdelay $0x1  }
0x3c8: {  	[tilespmem:v29+s7+$0x0] =	vst.idx.msk $0xffff, v6  }
0x3c9: {  	v6 =	vld.idx.msk [tilespmem:v30+s29+$0x0], $0xffff;
	_ =	sdelay $0x2  }
0x3ca: {  	v31 =	vadd.s32 $0x46, v3;
	_ =	sdelay $0x1  }
0x3cb: {  	v6 =	vmul.f32 v6, v5;
	_ =	sdelay $0x1  }
0x3cc: {  	[tilespmem:v30+s7+$0x0] =	vst.idx.msk $0xffff, v6  }
0x3cd: {  	v6 =	vld.idx.msk [tilespmem:v31+s29+$0x0], $0xffff;
	_ =	sdelay $0x2  }
0x3ce: {  	v32 =	vadd.s32 $0x47, v3;
	_ =	sdelay $0x1  }
0x3cf: {  	v6 =	vmul.f32 v6, v5;
	_ =	sdelay $0x1  }
0x3d0: {  	[tilespmem:v31+s7+$0x0] =	vst.idx.msk $0xffff, v6  }
0x3d1: {  	v6 =	vld.idx.msk [tilespmem:v32+s29+$0x0], $0xffff;
	_ =	sdelay $0x2  }
0x3d2: {  	v33 =	vadd.s32 $0x48, v3;
	_ =	sdelay $0x1  }
0x3d3: {  	v6 =	vmul.f32 v6, v5;
	_ =	sdelay $0x1  }
0x3d4: {  	[tilespmem:v32+s7+$0x0] =	vst.idx.msk $0xffff, v6  }
0x3d5: {  	v6 =	vld.idx.msk [tilespmem:v33+s29+$0x0], $0xffff;
	_ =	sdelay $0x2  }
0x3d6: {  	v34 =	vadd.s32 $0x49, v3;
	_ =	sdelay $0x1  }
0x3d7: {  	v6 =	vmul.f32 v6, v5;
	_ =	sdelay $0x1  }
0x3d8: {  	[tilespmem:v33+s7+$0x0] =	vst.idx.msk $0xffff, v6  }
0x3d9: {  	v6 =	vld.idx.msk [tilespmem:v34+s29+$0x0], $0xffff;
	_ =	sdelay $0x2  }
0x3da: {  	v35 =	vadd.s32 $0x4A, v3;
	_ =	sdelay $0x1  }
0x3db: {  	v6 =	vmul.f32 v6, v5;
	_ =	sdelay $0x1  }
0x3dc: {  	[tilespmem:v34+s7+$0x0] =	vst.idx.msk $0xffff, v6  }
0x3dd: {  	v6 =	vld.idx.msk [tilespmem:v35+s29+$0x0], $0xffff;
	_ =	sdelay $0x2  }
0x3de: {  	v36 =	vadd.s32 $0x4B, v3;
	_ =	sdelay $0x1  }
0x3df: {  	v6 =	vmul.f32 v6, v5;
	_ =	sdelay $0x1  }
0x3e0: {  	[tilespmem:v35+s7+$0x0] =	vst.idx.msk $0xffff, v6  }
0x3e1: {  	v6 =	vld.idx.msk [tilespmem:v36+s29+$0x0], $0xffff;
	_ =	sdelay $0x2  }
0x3e2: {  	v37 =	vadd.s32 $0x4C, v3;
	_ =	sdelay $0x1  }
0x3e3: {  	v6 =	vmul.f32 v6, v5;
	_ =	sdelay $0x1  }
0x3e4: {  	[tilespmem:v36+s7+$0x0] =	vst.idx.msk $0xffff, v6  }
0x3e5: {  	v6 =	vld.idx.msk [tilespmem:v37+s29+$0x0], $0xffff;
	_ =	sdelay $0x2  }
0x3e6: {  	v38 =	vadd.s32 $0x4D, v3;
	_ =	sdelay $0x1  }
0x3e7: {  	v6 =	vmul.f32 v6, v5;
	_ =	sdelay $0x1  }
0x3e8: {  	[tilespmem:v37+s7+$0x0] =	vst.idx.msk $0xffff, v6  }
0x3e9: {  	v6 =	vld.idx.msk [tilespmem:v38+s29+$0x0], $0xffff;
	_ =	sdelay $0x2  }
0x3ea: {  	v39 =	vadd.s32 $0x4E, v3;
	_ =	sdelay $0x1  }
0x3eb: {  	v5 =	vmul.f32 v6, v5;
	_ =	sdelay $0x1  }
0x3ec: {  	[tilespmem:v38+s7+$0x0] =	vst.idx.msk $0xffff, v5  }
0x3ed: {  	v5 =	vld.idx.msk [tilespmem:v39+s29+$0x0], $0xffff;
	_ =	sdelay $0x2  }
0x3ee: {  	v40 =	vadd.s32 $0x4F, v3;
	_ =	sdelay $0x1  }
0x3ef: {  	v5 =	vmul.f32 v5, v4;
	_ =	sdelay $0x1  }
0x3f0: {  	[tilespmem:v39+s7+$0x0] =	vst.idx.msk $0xffff, v5  }
0x3f1: {  	v5 =	vld.idx.msk [tilespmem:v40+s29+$0x0], $0xffff;
	_ =	sdelay $0x2  }
0x3f2: {  	v41 =	vadd.s32 $0x50, v3;
	_ =	sdelay $0x1  }
0x3f3: {  	v5 =	vmul.f32 v5, v4;
	_ =	sdelay $0x1  }
0x3f4: {  	[tilespmem:v40+s7+$0x0] =	vst.idx.msk $0xffff, v5  }
0x3f5: {  	v5 =	vld.idx.msk [tilespmem:v41+s29+$0x0], $0xffff;
	_ =	sdelay $0x2  }
0x3f6: {  	v42 =	vadd.s32 $0x51, v3;
	_ =	sdelay $0x1  }
0x3f7: {  	v5 =	vmul.f32 v5, v4;
	_ =	sdelay $0x1  }
0x3f8: {  	[tilespmem:v41+s7+$0x0] =	vst.idx.msk $0xffff, v5  }
0x3f9: {  	v5 =	vld.idx.msk [tilespmem:v42+s29+$0x0], $0xffff;
	_ =	sdelay $0x2  }
0x3fa: {  	v43 =	vadd.s32 $0x52, v3;
	_ =	sdelay $0x1  }
0x3fb: {  	v5 =	vmul.f32 v5, v4;
	_ =	sdelay $0x1  }
0x3fc: {  	[tilespmem:v42+s7+$0x0] =	vst.idx.msk $0xffff, v5  }
0x3fd: {  	v5 =	vld.idx.msk [tilespmem:v43+s29+$0x0], $0xffff;
	_ =	sdelay $0x2  }
0x3fe: {  	v44 =	vadd.s32 $0x53, v3;
	_ =	sdelay $0x1  }
0x3ff: {  	v5 =	vmul.f32 v5, v4;
	_ =	sdelay $0x1  }
0x400: {  	[tilespmem:v43+s7+$0x0] =	vst.idx.msk $0xffff, v5  }
0x401: {  	v5 =	vld.idx.msk [tilespmem:v44+s29+$0x0], $0xffff;
	_ =	sdelay $0x2  }
0x402: {  	v45 =	vadd.s32 $0x54, v3;
	_ =	sdelay $0x1  }
0x403: {  	v5 =	vmul.f32 v5, v4;
	_ =	sdelay $0x1  }
0x404: {  	[tilespmem:v44+s7+$0x0] =	vst.idx.msk $0xffff, v5  }
0x405: {  	v5 =	vld.idx.msk [tilespmem:v45+s29+$0x0], $0xffff;
	_ =	sdelay $0x2  }
0x406: {  	v46 =	vadd.s32 $0x55, v3;
	_ =	sdelay $0x1  }
0x407: {  	v5 =	vmul.f32 v5, v4;
	_ =	sdelay $0x1  }
0x408: {  	[tilespmem:v45+s7+$0x0] =	vst.idx.msk $0xffff, v5  }
0x409: {  	v5 =	vld.idx.msk [tilespmem:v46+s29+$0x0], $0xffff;
	_ =	sdelay $0x2  }
0x40a: {  	v47 =	vadd.s32 $0x56, v3;
	_ =	sdelay $0x1  }
0x40b: {  	v5 =	vmul.f32 v5, v4;
	_ =	sdelay $0x1  }
0x40c: {  	[tilespmem:v46+s7+$0x0] =	vst.idx.msk $0xffff, v5  }
0x40d: {  	v5 =	vld.idx.msk [tilespmem:v47+s29+$0x0], $0xffff;
	_ =	sdelay $0x2  }
0x40e: {  	v48 =	vadd.s32 $0x57, v3;
	_ =	sdelay $0x1  }
0x40f: {  	v5 =	vmul.f32 v5, v4;
	_ =	sdelay $0x1  }
0x410: {  	[tilespmem:v47+s7+$0x0] =	vst.idx.msk $0xffff, v5  }
0x411: {  	v5 =	vld.idx.msk [tilespmem:v48+s29+$0x0], $0xffff;
	_ =	sdelay $0x2  }
0x412: {  	v49 =	vadd.s32 $0x58, v3;
	_ =	sdelay $0x1  }
0x413: {  	v5 =	vmul.f32 v5, v4;
	_ =	sdelay $0x1  }
0x414: {  	[tilespmem:v48+s7+$0x0] =	vst.idx.msk $0xffff, v5  }
0x415: {  	v5 =	vld.idx.msk [tilespmem:v49+s29+$0x0], $0xffff;
	_ =	sdelay $0x2  }
0x416: {  	v50 =	vadd.s32 $0x59, v3;
	_ =	sdelay $0x1  }
0x417: {  	v5 =	vmul.f32 v5, v4;
	_ =	sdelay $0x1  }
0x418: {  	[tilespmem:v49+s7+$0x0] =	vst.idx.msk $0xffff, v5  }
0x419: {  	v5 =	vld.idx.msk [tilespmem:v50+s29+$0x0], $0xffff;
	_ =	sdelay $0x2  }
0x41a: {  	v51 =	vadd.s32 $0x5A, v3;
	_ =	sdelay $0x1  }
0x41b: {  	v5 =	vmul.f32 v5, v4;
	_ =	sdelay $0x1  }
0x41c: {  	[tilespmem:v50+s7+$0x0] =	vst.idx.msk $0xffff, v5  }
0x41d: {  	v5 =	vld.idx.msk [tilespmem:v51+s29+$0x0], $0xffff;
	_ =	sdelay $0x2  }
0x41e: {  	v52 =	vadd.s32 $0x5B, v3;
	_ =	sdelay $0x1  }
0x41f: {  	v5 =	vmul.f32 v5, v4;
	_ =	sdelay $0x1  }
0x420: {  	[tilespmem:v51+s7+$0x0] =	vst.idx.msk $0xffff, v5  }
0x421: {  	v5 =	vld.idx.msk [tilespmem:v52+s29+$0x0], $0xffff;
	_ =	sdelay $0x2  }
0x422: {  	v53 =	vadd.s32 $0x5C, v3;
	_ =	sdelay $0x1  }
0x423: {  	v5 =	vmul.f32 v5, v4;
	_ =	sdelay $0x1  }
0x424: {  	[tilespmem:v52+s7+$0x0] =	vst.idx.msk $0xffff, v5  }
0x425: {  	v5 =	vld.idx.msk [tilespmem:v53+s29+$0x0], $0xffff;
	_ =	sdelay $0x2  }
0x426: {  	v54 =	vadd.s32 $0x5D, v3;
	_ =	sdelay $0x1  }
0x427: {  	v5 =	vmul.f32 v5, v4;
	_ =	sdelay $0x1  }
0x428: {  	[tilespmem:v53+s7+$0x0] =	vst.idx.msk $0xffff, v5  }
0x429: {  	v5 =	vld.idx.msk [tilespmem:v54+s29+$0x0], $0xffff;
	_ =	sdelay $0x2  }
0x42a: {  	v55 =	vadd.s32 $0x5E, v3;
	_ =	sdelay $0x1  }
0x42b: {  	v5 =	vmul.f32 v5, v4;
	_ =	sdelay $0x1  }
0x42c: {  	[tilespmem:v54+s7+$0x0] =	vst.idx.msk $0xffff, v5  }
0x42d: {  	v5 =	vld.idx.msk [tilespmem:v55+s29+$0x0], $0xffff;
	_ =	sdelay $0x2  }
0x42e: {  	v56 =	vadd.s32 $0x5F, v3;
	_ =	sdelay $0x1  }
0x42f: {  	v5 =	vmul.f32 v5, v4;
	_ =	sdelay $0x1  }
0x430: {  	[tilespmem:v55+s7+$0x0] =	vst.idx.msk $0xffff, v5  }
0x431: {  	v5 =	vld.idx.msk [tilespmem:v56+s29+$0x0], $0xffff;
	_ =	sdelay $0x2  }
0x432: {  	v57 =	vadd.s32 $0x60, v3;
	_ =	sdelay $0x1  }
0x433: {  	v5 =	vmul.f32 v5, v4;
	_ =	sdelay $0x1  }
0x434: {  	[tilespmem:v56+s7+$0x0] =	vst.idx.msk $0xffff, v5  }
0x435: {  	v5 =	vld.idx.msk [tilespmem:v57+s29+$0x0], $0xffff;
	_ =	sdelay $0x2  }
0x436: {  	v58 =	vadd.s32 $0x61, v3;
	_ =	sdelay $0x1  }
0x437: {  	v5 =	vmul.f32 v5, v4;
	_ =	sdelay $0x1  }
0x438: {  	[tilespmem:v57+s7+$0x0] =	vst.idx.msk $0xffff, v5  }
0x439: {  	v5 =	vld.idx.msk [tilespmem:v58+s29+$0x0], $0xffff;
	_ =	sdelay $0x2  }
0x43a: {  	v59 =	vadd.s32 $0x62, v3;
	_ =	sdelay $0x1  }
0x43b: {  	v5 =	vmul.f32 v5, v4;
	_ =	sdelay $0x1  }
0x43c: {  	[tilespmem:v58+s7+$0x0] =	vst.idx.msk $0xffff, v5  }
0x43d: {  	v5 =	vld.idx.msk [tilespmem:v59+s29+$0x0], $0xffff;
	_ =	sdelay $0x2  }
0x43e: {  	v60 =	vadd.s32 $0x63, v3;
	_ =	sdelay $0x1  }
0x43f: {  	v5 =	vmul.f32 v5, v4;
	_ =	sdelay $0x1  }
0x440: {  	[tilespmem:v59+s7+$0x0] =	vst.idx.msk $0xffff, v5  }
0x441: {  	v5 =	vld.idx.msk [tilespmem:v60+s29+$0x0], $0xffff;
	_ =	sdelay $0x2  }
0x442: {  	v61 =	vadd.s32 $0x64, v3;
	_ =	sdelay $0x1  }
0x443: {  	v5 =	vmul.f32 v5, v4;
	_ =	sdelay $0x1  }
0x444: {  	[tilespmem:v60+s7+$0x0] =	vst.idx.msk $0xffff, v5  }
0x445: {  	v5 =	vld.idx.msk [tilespmem:v61+s29+$0x0], $0xffff;
	_ =	sdelay $0x2  }
0x446: {  	v62 =	vadd.s32 $0x65, v3;
	_ =	sdelay $0x1  }
0x447: {  	v5 =	vmul.f32 v5, v4;
	_ =	sdelay $0x1  }
0x448: {  	[tilespmem:v61+s7+$0x0] =	vst.idx.msk $0xffff, v5  }
0x449: {  	v5 =	vld.idx.msk [tilespmem:v62+s29+$0x0], $0xffff;
	_ =	sdelay $0x2  }
0x44a: {  	v63 =	vadd.s32 $0x66, v3;
	_ =	sdelay $0x1  }
0x44b: {  	v5 =	vmul.f32 v5, v4;
	_ =	sdelay $0x1  }
0x44c: {  	[tilespmem:v62+s7+$0x0] =	vst.idx.msk $0xffff, v5  }
0x44d: {  	v5 =	vld.idx.msk [tilespmem:v63+s29+$0x0], $0xffff;
	_ =	sdelay $0x2  }
0x44e: {  	v3 =	vadd.s32 $0x67, v3;
	_ =	sdelay $0x1  }
0x44f: {  	v5 =	vmul.f32 v5, v4;
	_ =	sdelay $0x1  }
0x450: {  	[tilespmem:v63+s7+$0x0] =	vst.idx.msk $0xffff, v5  }
0x451: {  	v5 =	vld.idx.msk [tilespmem:v3+s29+$0x0], $0xffff;
	_ =	sdelay $0x1  }
0x452: {  	p0 =	sne.s32 s8, $0x30  }
.Ltmp4:
0x453: {  	_ = 	snop;
	(pc) =	sbr.rel @p0 .LBB2_11-.Ltmp4, $3  }
0x454: {  	_ = 	snop  }
0x455: {  	v4 =	vmul.f32 v5, v4;
	_ =	sdelay $0x1  }
0x456: {  	s9 =	sadd.s32 $0x10, s9;
	s8 =	sadd.s32 $0x10, s8;
	[tilespmem:v3+s7+$0x0] =	vst.idx.msk $0xffff, v4  }
0x457: {  	s15 =	sadd.s32 $0x1, s15  }
0x458: {  	p0 =	sne.s32 s15, $0xC0  }
.Ltmp5:
0x459: {  	_ = 	snop;
	(pc) =	sbr.rel @p0 .LBB2_6-.Ltmp5, $2  }
0x45a: {  	_ =	sdelay $0x2  }
0x45b: {  	[spmem:s2] =	stream.indirect.scatter.add.f32 [tilespmem:s7], [sflag:$0x6], $0x70, s10, s20, $0xb8;
	[tilespmem:$0x1CB00] =	vst v63  }
0x45c: {  	_ =	swait.ge [sflag:s11], $0x1C00  }
0x45d: {  	[sflag:s11] =	ssyncset.done $0x0  }
0x45e: {  	s8 =	simm.s32 $0x6;
	[sflag:s11] =	ssyncadd.s32 $0xFFFFE400  }
0x45f: {  	_ =	swait.ge [sflag:s8], $0x1C00  }
0x460: {  	[sflag:s8] =	ssyncset.done $0x0  }
0x461: {  	[sflag:s8] =	ssyncadd.s32 $0xFFFFE400  }
0x462: {  	[bflag:$0x0] =	sbarrier.arrive $0xFFFF  }
0x463: {  	s9 =	rddreg [dreg:$0x5]  }
0x464: {  	s15 =	rddreg [dreg:$0x8]  }
0x465: {  	s14 =	rddreg [dreg:$0xa]  }
0x466: {  	[hbm:s15], [sflag:s9] =	dma.local [spmem:s14], $0x2A00  }
0x467: {  	_ =	swait.ge [sflag:s17], $0x2A00  }
0x468: {  	s3 =	sadd.s32 $0x1, s3;
	s16 =	rddreg [dreg:$0x9]  }
0x469: {  	p0 =	sne.s32 s3, s16  }
.Ltmp6:
0x46a: {  	_ = 	snop;
	(pc) =	sbr.rel @p0 .LBB2_1-.Ltmp6, $3  }
0x46b: {  	_ =	sdelay $0x1  }
0x46c: {  	[sflag:s17] =	ssyncset.done $0x0  }
0x46d: {  	[sflag:s17] =	ssyncadd.s32 $0xFFFFD600  }
0x46e: {  	_ =	sfence.sel $0x180000  }
0x46f: {  	[bflag:$0x0] =	sbarrier.arrive $0xFFFF  }
0x470: {  	_ =	strace $0x90000047  }
0x471: {  	s0 =	stileid.u32;
	[bflag:$0x2] =	sbarrier.arrive $0xFFFF  }
0x472: {  	p0 =	sne.s32 s0, $0x0;
	s0 =	rddreg [dreg:$0x2]  }
0x473: {  	s0 =	sadd.s32 @!p0 $0x100000, s0  }
0x474: {  	[sflag:s0] =	ssyncadd.tile.s32 @!p0 $0x1;
	_ =	shalt  }
.Lfunc_end2:
_tile_overlayer_lowered:
.L_overlay_start_2:
0x475: {  	(tag) =	ssettag $0x2  }
0x476: {  	s0 =	rddreg [dreg:$0x0];
	s2 =	stileid.u32  }
0x477: {  	s1 =	rddreg [dreg:$0x1];
	p0 =	sne.s32 s2, $0x0  }
0x478: {  	s3 =	rddreg [dreg:$0x2];
	[bflag:$0x3] =	sbarrier.arrive $0xFFFF;
	s2 =	simm.s32 @!p0 $0x1C07  }
0x479: {  	[timem:s3], [sflag:s2] =	dma.local @!p0 [hbm:s0], s1  }
0x47a: {  	s0 =	simm.s32 @!p0 $0x7  }
0x47b: {  	_ =	swait.ge @!p0 [sflag:s0], s1  }
0x47c: {  	s1 =	ssub.s32 @!p0 $0x0, s1;
	[sflag:s0] =	ssyncset.done @!p0 $0x0  }
0x47d: {  	[sflag:s0] =	ssyncadd.s32 @!p0 s1  }
0x47e: {  	[bflag:$0x3] =	sbarrier.arrive $0xFFFF  }
0x47f: {  	_ =	shalt  }

</sc_bundles>
